<compile_context>
chip_gen: v7x
topology: tpu7x:2x2x1
jax: 0.10.2.dev20260603
libtpu: 0.0.44.dev20260713+nightly
codegen_flags: <defaults>
</compile_context>

<pallas_src>
import functools

import jax
import jax.numpy as jnp
from jax import lax
from jax.experimental import pallas as pl
from jax.experimental.pallas import tpu as pltpu
from jax.experimental.pallas import tpu_sc as plsc

EMB = 64
SEQ = 200
BATCH = 16384
LANES = 16
FCH = 8
NIDX = FCH * SEQ
G0 = 104
G1 = SEQ - G0
NC = 2
NS = 16
NW = NC * NS
ROWS_PER_W = BATCH // NW
NCHUNKS = ROWS_PER_W // FCH
NFULL = SEQ // LANES
TAIL_OFF = SEQ - LANES
BB = 64


def _row_count(story_v, sr):
    lane = lax.iota(jnp.int32, 16)
    cnt = lane * 0
    for j in range(NFULL):
        m = story_v[sr, pl.ds(j * LANES, LANES)] != 0
        cnt = cnt + plsc.all_reduce_population_count(m)
    m = story_v[sr, pl.ds(TAIL_OFF, LANES)] != 0
    cnt = cnt + plsc.all_reduce_population_count(
        jnp.logical_and(m, lane >= 8))
    return cnt[0]


def _positions_row(story_v, idx_v, sr, r):
    lane = lax.iota(jnp.int32, 16)
    low8 = lane < 8
    carry = lane * 0
    carry183 = lane * 0
    for j in range(NFULL):
        tok = story_v[sr, pl.ds(j * LANES, LANES)]
        m = tok != 0
        ones = jnp.where(m, 1, 0).astype(jnp.int32)
        csum = plsc.cumsum(ones)
        idx_v[pl.ds(r * SEQ + j * LANES, LANES)] = jnp.where(m, csum + carry, 0)
        if j == NFULL - 1:
            carry183 = carry + plsc.all_reduce_population_count(
                jnp.logical_and(m, low8))
        carry = carry + plsc.all_reduce_population_count(m)
    tok = story_v[sr, pl.ds(TAIL_OFF, LANES)]
    m = tok != 0
    ones = jnp.where(m, 1, 0).astype(jnp.int32)
    csum = plsc.cumsum(ones)
    idx_v[pl.ds(r * SEQ + TAIL_OFF, LANES)] = jnp.where(m, csum + carry183, 0)


def _bcast_body(tab_ref, out_ref):
    out_ref[...] = jnp.broadcast_to(
        tab_ref[...][None], (BB, SEQ, EMB)
    ).reshape(BB * SEQ, EMB)


def _broadcast_table(tab):
    return pl.pallas_call(
        _bcast_body,
        grid=(BATCH // BB,),
        in_specs=[pl.BlockSpec((SEQ, EMB), lambda i: (0, 0))],
        out_specs=pl.BlockSpec((BB * SEQ, EMB), lambda i: (i, 0)),
        out_shape=jax.ShapeDtypeStruct((BATCH * SEQ, EMB), jnp.float32),
    )(tab)


def _fix_pad_rows(story2, table, out_flat):
    mesh = plsc.VectorSubcoreMesh(core_axis_name="c", subcore_axis_name="s")

    def stateful(refs):
        story_ref, table_ref, out_ref = refs

        @pl.core_map(
            mesh,
            compiler_params=pltpu.CompilerParams(
                needs_layout_passes=False, use_tc_tiling_on_sc=False
            ),
            scratch_shapes=[
                pltpu.VMEM((FCH, SEQ), jnp.int32),
                pltpu.VMEM((NIDX,), jnp.int32),
                pltpu.VMEM((NIDX, EMB), jnp.float32),
                pltpu.SemaphoreType.DMA,
                pltpu.SemaphoreType.DMA,
            ],
        )
        def _sc_kernel(story_v, idx_v, rows_v, sem_g, sem_o):
            wid = lax.axis_index("s") * NC + lax.axis_index("c")
            base_row = wid * ROWS_PER_W

            def chunk_body(c, _):
                row0 = base_row + c * FCH
                pltpu.sync_copy(story_ref.at[pl.ds(row0, FCH)], story_v)

                conds = []
                for r in range(FCH):
                    cond = _row_count(story_v, r) != SEQ
                    conds.append(cond)

                    @pl.when(cond)
                    def _compute():
                        _positions_row(story_v, idx_v, r, r)

                gathers = []
                for r in range(FCH):
                    @pl.when(conds[r])
                    def _fire():
                        gathers.append((conds[r], pltpu.async_copy(
                            table_ref.at[idx_v.at[pl.ds(r * SEQ, G0)]],
                            rows_v.at[pl.ds(r * SEQ, G0)],
                            sem_g,
                        )))
                        gathers.append((conds[r], pltpu.async_copy(
                            table_ref.at[idx_v.at[pl.ds(r * SEQ + G0, G1)]],
                            rows_v.at[pl.ds(r * SEQ + G0, G1)],
                            sem_g,
                        )))
                for cond, cp in gathers:
                    @pl.when(cond)
                    def _wait_g():
                        cp.wait()

                outs = []
                for r in range(FCH):
                    cp = pltpu.make_async_copy(
                        rows_v.at[pl.ds(r * SEQ, SEQ)],
                        out_ref.at[pl.ds((row0 + r) * SEQ, SEQ)],
                        sem_o,
                    )
                    outs.append((conds[r], cp))

                    @pl.when(conds[r])
                    def _out():
                        cp.start()
                for cond, cp in outs:
                    @pl.when(cond)
                    def _wait_o():
                        cp.wait()
                return ()

            lax.fori_loop(0, NCHUNKS, chunk_body, ())

    _, _, fixed = pl.run_state(stateful)((story2, table, out_flat))
    return fixed


@jax.jit
def _encode(story2, table):
    out_flat = _broadcast_table(lax.slice(table, (1, 0), (SEQ + 1, EMB)))
    fixed = _fix_pad_rows(story2, table, out_flat)
    return fixed.reshape(BATCH, SEQ, EMB)


def kernel(story, table):
    return _encode(story[:, :, 0], table)

# --- scband reference (transcript-rebuilt; emitter-appended) ---
"""Pipeline reference for scband-positional-encoder-14929306321429 (READ-ONLY COPY).

The authoritative reference and input builder live on the scoring server;
editing this copy changes nothing except your own understanding.
"""

import jax, jax.numpy as jnp
import numpy as np

EMB_DIM = 64
MAX_LEN = 200
PAD_ID = 0
BATCH = 16384
SEQ = 200


def _pos_table(n_position, emb_dim):
    position_enc = np.array([[pos / np.power(10000, 2 * (j // 2) / emb_dim) for j in range(emb_dim)] if pos != 0 else np.zeros(emb_dim) for pos in range(n_position)])
    position_enc[1:, 0::2] = np.sin(position_enc[1:, 0::2])
    position_enc[1:, 1::2] = np.cos(position_enc[1:, 1::2])
    return jnp.asarray(position_enc, dtype=jnp.float32)


def setup_inputs(seed: int = 0):
    key = jax.random.key(seed)
    story = jax.random.randint(key, (BATCH, SEQ, 1), 0, 1000, dtype=jnp.int32)
    table = _pos_table(MAX_LEN + 1, EMB_DIM)
    return {"story": story, "table": table}


def reference(story, table):
    # get_absolute_pos
    padding_mask = story[:, :, 0] == PAD_ID
    positions = jnp.cumsum((~padding_mask).astype(jnp.int32), axis=-1)
    positions = jnp.where(padding_mask, 0, positions)
    # embedding lookup (padding_idx=0 row is all zeros by construction)
    word_pos_encoded = jnp.take(table, positions, axis=0)
    return word_pos_encoded

if __name__ == "__main__":
    import jax
    _d = setup_inputs()
    print(jax.jit(kernel)(*tuple(_d.values())))

</pallas_src>

<mosaic_0001>
#map = affine_map<(d0, d1) -> (0, 0)>
module attributes {stable_mosaic.version = 14 : i64} {
  func.func @_sc_kernel(%arg0: i32, %arg1: i32, %arg2: memref<16384x200xi32, #tpu.memory_space<hbm>>, %arg3: memref<201x64xf32, #tpu.memory_space<hbm>>, %arg4: memref<3276800x64xf32, #tpu.memory_space<hbm>>, %arg5: memref<3276800x64xf32, #tpu.memory_space<hbm>>, %arg6: memref<8x200xi32, #tpu.memory_space<vmem>>, %arg7: memref<1600xi32, #tpu.memory_space<vmem>>, %arg8: memref<1600x64xf32, #tpu.memory_space<vmem>>, %arg9: memref<!tpu.dma_semaphore, #tpu.memory_space<semaphore_mem>>, %arg10: memref<!tpu.dma_semaphore, #tpu.memory_space<semaphore_mem>>) attributes {dimension_semantics = [#tpu.dimension_semantics<core_parallel>, #tpu.dimension_semantics<subcore_parallel>], iteration_bounds = array<i64: 2, 16>, scalar_prefetch = 0 : i64, scratch_operands = 5 : i64, tpu.core_type = #tpu.core_type<sc_vector_subcore>, window_params = [{transform_indices = #map}, {transform_indices = #map}, {transform_indices = #map}, {transform_indices = #map}]} {
    %mul3A = arith.constant 2 : i32
    %mul3A_0 = arith.muli %arg1, %mul3A : i32
    %add3A = arith.addi %mul3A_0, %arg0 : i32
    %mul3A_1 = arith.constant 512 : i32
    %mul3A_2 = arith.muli %add3A, %mul3A_1 : i32
    %scan3A = arith.constant 0 : i32
    %scan3A_3 = arith.constant 64 : i32
    %scan3A_4 = arith.addi %scan3A, %scan3A_3 : i32
    %scan3A_5 = arith.constant 1 : i32
    scf.for %scan3A_7 = %scan3A to %scan3A_4 step %scan3A_5  : i32 {
      %mul3A_8 = arith.constant 8 : i32
      %mul3A_9 = arith.muli %scan3A_7, %mul3A_8 : i32
      %add3A_10 = arith.addi %mul3A_2, %mul3A_9 : i32
      "tpu.region"() ({
        %run_scoped3A = tpu.sem_alloc : memref<!tpu.dma_semaphore, #tpu.memory_space<semaphore_mem>>
        %dma_start3A = arith.constant 0 : i32
        %dma_start3A_1209 = tpu.memref_slice %arg2[%add3A_10, %dma_start3A] : memref<16384x200xi32, #tpu.memory_space<hbm>> -> memref<8x200xi32, #tpu.memory_space<hbm>>
        %dma_start3A_1210 = arith.constant 0 : i32
        %dma_start3A_1211 = tpu.memref_slice %arg2[%add3A_10, %dma_start3A_1210] : memref<16384x200xi32, #tpu.memory_space<hbm>> -> memref<8x200xi32, #tpu.memory_space<hbm>>
        tpu.enqueue_dma source(%dma_start3A_1211 : memref<8x200xi32, #tpu.memory_space<hbm>>) target(%arg6 : memref<8x200xi32, #tpu.memory_space<vmem>>) target_semaphore(%run_scoped3A : memref<!tpu.dma_semaphore, #tpu.memory_space<semaphore_mem>>)
        %dma_wait3A = arith.constant 0 : i32
        %dma_wait3A_1212 = tpu.memref_slice %arg2[%add3A_10, %dma_wait3A] : memref<16384x200xi32, #tpu.memory_space<hbm>> -> memref<8x200xi32, #tpu.memory_space<hbm>>
        %dma_wait3A_1213 = arith.constant 0 : i32
        %dma_wait3A_1214 = tpu.memref_slice %arg2[%add3A_10, %dma_wait3A_1213] : memref<16384x200xi32, #tpu.memory_space<hbm>> -> memref<8x200xi32, #tpu.memory_space<hbm>>
        tpu.wait_dma2 semaphore(%run_scoped3A : memref<!tpu.dma_semaphore, #tpu.memory_space<semaphore_mem>>) src(%dma_wait3A_1214 : memref<8x200xi32, #tpu.memory_space<hbm>>) dst(%arg6 : memref<8x200xi32, #tpu.memory_space<vmem>>)
        tpu.yield
      }) : () -> ()
      %iota3A = tpu.iota {dimensions = array<i32: 0>} : vector<16xi32>
      %mul3A_11 = arith.constant 0 : i32
      %mul3A_12 = vector.broadcast %mul3A_11 : i32 to vector<16xi32>
      %mul3A_13 = arith.muli %iota3A, %mul3A_12 : vector<16xi32>
      %get3A = arith.constant 0 : i32
      %get3A_14 = arith.index_cast %get3A : i32 to index
      %get3A_15 = arith.constant 0 : index
      %get3A_16 = tpu.vector_load %arg6[%get3A_14, %get3A_15] {strides = array<i32>} : memref<8x200xi32, #tpu.memory_space<vmem>>, vector<16xi32>,
      %ne3A = arith.constant 0 : i32
      %ne3A_17 = vector.broadcast %ne3A : i32 to vector<16xi32>
      %ne3A_18 = arith.cmpi ne, %get3A_16, %ne3A_17 : vector<16xi32>
      %all_reduce_population_count3A = tpu.all_reduce %ne3A_18 {dim = 0 : i64, kind = #tpu.reduction_kind<sum>} : vector<16xi1> -> vector<16xi32>
      %add3A_19 = arith.addi %mul3A_13, %all_reduce_population_count3A : vector<16xi32>
      %get3A_20 = arith.constant 0 : i32
      %get3A_21 = arith.index_cast %get3A_20 : i32 to index
      %get3A_22 = arith.constant 16 : index
      %get3A_23 = tpu.vector_load %arg6[%get3A_21, %get3A_22] {strides = array<i32>} : memref<8x200xi32, #tpu.memory_space<vmem>>, vector<16xi32>,
      %ne3A_24 = arith.constant 0 : i32
      %ne3A_25 = vector.broadcast %ne3A_24 : i32 to vector<16xi32>
      %ne3A_26 = arith.cmpi ne, %get3A_23, %ne3A_25 : vector<16xi32>
      %all_reduce_population_count3A_27 = tpu.all_reduce %ne3A_26 {dim = 0 : i64, kind = #tpu.reduction_kind<sum>} : vector<16xi1> -> vector<16xi32>
      %add3A_28 = arith.addi %add3A_19, %all_reduce_population_count3A_27 : vector<16xi32>
      %get3A_29 = arith.constant 0 : i32
      %get3A_30 = arith.index_cast %get3A_29 : i32 to index
      %get3A_31 = arith.constant 32 : index
      %get3A_32 = tpu.vector_load %arg6[%get3A_30, %get3A_31] {strides = array<i32>} : memref<8x200xi32, #tpu.memory_space<vmem>>, vector<16xi32>,
      %ne3A_33 = arith.constant 0 : i32
      %ne3A_34 = vector.broadcast %ne3A_33 : i32 to vector<16xi32>
      %ne3A_35 = arith.cmpi ne, %get3A_32, %ne3A_34 : vector<16xi32>
      %all_reduce_population_count3A_36 = tpu.all_reduce %ne3A_35 {dim = 0 : i64, kind = #tpu.reduction_kind<sum>} : vector<16xi1> -> vector<16xi32>
      %add3A_37 = arith.addi %add3A_28, %all_reduce_population_count3A_36 : vector<16xi32>
      %get3A_38 = arith.constant 0 : i32
      %get3A_39 = arith.index_cast %get3A_38 : i32 to index
      %get3A_40 = arith.constant 48 : index
      %get3A_41 = tpu.vector_load %arg6[%get3A_39, %get3A_40] {strides = array<i32>} : memref<8x200xi32, #tpu.memory_space<vmem>>, vector<16xi32>,
      %ne3A_42 = arith.constant 0 : i32
      %ne3A_43 = vector.broadcast %ne3A_42 : i32 to vector<16xi32>
      %ne3A_44 = arith.cmpi ne, %get3A_41, %ne3A_43 : vector<16xi32>
      %all_reduce_population_count3A_45 = tpu.all_reduce %ne3A_44 {dim = 0 : i64, kind = #tpu.reduction_kind<sum>} : vector<16xi1> -> vector<16xi32>
      %add3A_46 = arith.addi %add3A_37, %all_reduce_population_count3A_45 : vector<16xi32>
      %get3A_47 = arith.constant 0 : i32
      %get3A_48 = arith.index_cast %get3A_47 : i32 to index
      %get3A_49 = arith.constant 64 : index
      %get3A_50 = tpu.vector_load %arg6[%get3A_48, %get3A_49] {strides = array<i32>} : memref<8x200xi32, #tpu.memory_space<vmem>>, vector<16xi32>,
      %ne3A_51 = arith.constant 0 : i32
      %ne3A_52 = vector.broadcast %ne3A_51 : i32 to vector<16xi32>
      %ne3A_53 = arith.cmpi ne, %get3A_50, %ne3A_52 : vector<16xi32>
      %all_reduce_population_count3A_54 = tpu.all_reduce %ne3A_53 {dim = 0 : i64, kind = #tpu.reduction_kind<sum>} : vector<16xi1> -> vector<16xi32>
      %add3A_55 = arith.addi %add3A_46, %all_reduce_population_count3A_54 : vector<16xi32>
      %get3A_56 = arith.constant 0 : i32
      %get3A_57 = arith.index_cast %get3A_56 : i32 to index
      %get3A_58 = arith.constant 80 : index
      %get3A_59 = tpu.vector_load %arg6[%get3A_57, %get3A_58] {strides = array<i32>} : memref<8x200xi32, #tpu.memory_space<vmem>>, vector<16xi32>,
      %ne3A_60 = arith.constant 0 : i32
      %ne3A_61 = vector.broadcast %ne3A_60 : i32 to vector<16xi32>
      %ne3A_62 = arith.cmpi ne, %get3A_59, %ne3A_61 : vector<16xi32>
      %all_reduce_population_count3A_63 = tpu.all_reduce %ne3A_62 {dim = 0 : i64, kind = #tpu.reduction_kind<sum>} : vector<16xi1> -> vector<16xi32>
      %add3A_64 = arith.addi %add3A_55, %all_reduce_population_count3A_63 : vector<16xi32>
      %get3A_65 = arith.constant 0 : i32
      %get3A_66 = arith.index_cast %get3A_65 : i32 to index
      %get3A_67 = arith.constant 96 : index
      %get3A_68 = tpu.vector_load %arg6[%get3A_66, %get3A_67] {strides = array<i32>} : memref<8x200xi32, #tpu.memory_space<vmem>>, vector<16xi32>,
      %ne3A_69 = arith.constant 0 : i32
      %ne3A_70 = vector.broadcast %ne3A_69 : i32 to vector<16xi32>
      %ne3A_71 = arith.cmpi ne, %get3A_68, %ne3A_70 : vector<16xi32>
      %all_reduce_population_count3A_72 = tpu.all_reduce %ne3A_71 {dim = 0 : i64, kind = #tpu.reduction_kind<sum>} : vector<16xi1> -> vector<16xi32>
      %add3A_73 = arith.addi %add3A_64, %all_reduce_population_count3A_72 : vector<16xi32>
      %get3A_74 = arith.constant 0 : i32
      %get3A_75 = arith.index_cast %get3A_74 : i32 to index
      %get3A_76 = arith.constant 112 : index
      %get3A_77 = tpu.vector_load %arg6[%get3A_75, %get3A_76] {strides = array<i32>} : memref<8x200xi32, #tpu.memory_space<vmem>>, vector<16xi32>,
      %ne3A_78 = arith.constant 0 : i32
      %ne3A_79 = vector.broadcast %ne3A_78 : i32 to vector<16xi32>
      %ne3A_80 = arith.cmpi ne, %get3A_77, %ne3A_79 : vector<16xi32>
      %all_reduce_population_count3A_81 = tpu.all_reduce %ne3A_80 {dim = 0 : i64, kind = #tpu.reduction_kind<sum>} : vector<16xi1> -> vector<16xi32>
      %add3A_82 = arith.addi %add3A_73, %all_reduce_population_count3A_81 : vector<16xi32>
      %get3A_83 = arith.constant 0 : i32
      %get3A_84 = arith.index_cast %get3A_83 : i32 to index
      %get3A_85 = arith.constant 128 : index
      %get3A_86 = tpu.vector_load %arg6[%get3A_84, %get3A_85] {strides = array<i32>} : memref<8x200xi32, #tpu.memory_space<vmem>>, vector<16xi32>,
      %ne3A_87 = arith.constant 0 : i32
      %ne3A_88 = vector.broadcast %ne3A_87 : i32 to vector<16xi32>
      %ne3A_89 = arith.cmpi ne, %get3A_86, %ne3A_88 : vector<16xi32>
      %all_reduce_population_count3A_90 = tpu.all_reduce %ne3A_89 {dim = 0 : i64, kind = #tpu.reduction_kind<sum>} : vector<16xi1> -> vector<16xi32>
      %add3A_91 = arith.addi %add3A_82, %all_reduce_population_count3A_90 : vector<16xi32>
      %get3A_92 = arith.constant 0 : i32
      %get3A_93 = arith.index_cast %get3A_92 : i32 to index
      %get3A_94 = arith.constant 144 : index
      %get3A_95 = tpu.vector_load %arg6[%get3A_93, %get3A_94] {strides = array<i32>} : memref<8x200xi32, #tpu.memory_space<vmem>>, vector<16xi32>,
      %ne3A_96 = arith.constant 0 : i32
      %ne3A_97 = vector.broadcast %ne3A_96 : i32 to vector<16xi32>
      %ne3A_98 = arith.cmpi ne, %get3A_95, %ne3A_97 : vector<16xi32>
      %all_reduce_population_count3A_99 = tpu.all_reduce %ne3A_98 {dim = 0 : i64, kind = #tpu.reduction_kind<sum>} : vector<16xi1> -> vector<16xi32>
      %add3A_100 = arith.addi %add3A_91, %all_reduce_population_count3A_99 : vector<16xi32>
      %get3A_101 = arith.constant 0 : i32
      %get3A_102 = arith.index_cast %get3A_101 : i32 to index
      %get3A_103 = arith.constant 160 : index
      %get3A_104 = tpu.vector_load %arg6[%get3A_102, %get3A_103] {strides = array<i32>} : memref<8x200xi32, #tpu.memory_space<vmem>>, vector<16xi32>,
      %ne3A_105 = arith.constant 0 : i32
      %ne3A_106 = vector.broadcast %ne3A_105 : i32 to vector<16xi32>
      %ne3A_107 = arith.cmpi ne, %get3A_104, %ne3A_106 : vector<16xi32>
      %all_reduce_population_count3A_108 = tpu.all_reduce %ne3A_107 {dim = 0 : i64, kind = #tpu.reduction_kind<sum>} : vector<16xi1> -> vector<16xi32>
      %add3A_109 = arith.addi %add3A_100, %all_reduce_population_count3A_108 : vector<16xi32>
      %get3A_110 = arith.constant 0 : i32
      %get3A_111 = arith.index_cast %get3A_110 : i32 to index
      %get3A_112 = arith.constant 176 : index
      %get3A_113 = tpu.vector_load %arg6[%get3A_111, %get3A_112] {strides = array<i32>} : memref<8x200xi32, #tpu.memory_space<vmem>>, vector<16xi32>,
      %ne3A_114 = arith.constant 0 : i32
      %ne3A_115 = vector.broadcast %ne3A_114 : i32 to vector<16xi32>
      %ne3A_116 = arith.cmpi ne, %get3A_113, %ne3A_115 : vector<16xi32>
      %all_reduce_population_count3A_117 = tpu.all_reduce %ne3A_116 {dim = 0 : i64, kind = #tpu.reduction_kind<sum>} : vector<16xi1> -> vector<16xi32>
      %add3A_118 = arith.addi %add3A_109, %all_reduce_population_count3A_117 : vector<16xi32>
      %get3A_119 = arith.constant 0 : i32
      %get3A_120 = arith.index_cast %get3A_119 : i32 to index
      %get3A_121 = arith.constant 184 : index
      %get3A_122 = tpu.vector_load %arg6[%get3A_120, %get3A_121] {strides = array<i32>} : memref<8x200xi32, #tpu.memory_space<vmem>>, vector<16xi32>,
      %ne3A_123 = arith.constant 0 : i32
      %ne3A_124 = vector.broadcast %ne3A_123 : i32 to vector<16xi32>
      %ne3A_125 = arith.cmpi ne, %get3A_122, %ne3A_124 : vector<16xi32>
      %ge3A = arith.constant 8 : i32
      %ge3A_126 = vector.broadcast %ge3A : i32 to vector<16xi32>
      %ge3A_127 = arith.cmpi sge, %iota3A, %ge3A_126 : vector<16xi32>
      %and3A = arith.andi %ne3A_125, %ge3A_127 : vector<16xi1>
      %all_reduce_population_count3A_128 = tpu.all_reduce %and3A {dim = 0 : i64, kind = #tpu.reduction_kind<sum>} : vector<16xi1> -> vector<16xi32>
      %add3A_129 = arith.addi %add3A_118, %all_reduce_population_count3A_128 : vector<16xi32>
      %slice3A = vector.extract_strided_slice %add3A_129 {offsets = [0], sizes = [1], strides = [1]} : vector<16xi32> to vector<1xi32>
      %squeeze3A = vector.extract %slice3A[0] : i32 from vector<1xi32>
      %ne3A_130 = arith.constant 200 : i32
      %ne3A_131 = arith.cmpi ne, %squeeze3A, %ne3A_130 : i32
      %convert_element_type3A = arith.extui %ne3A_131 : i1 to i32
      %cond3A = arith.constant 0 : i32
      %cond3A_132 = arith.cmpi ne, %convert_element_type3A, %cond3A : i32
      scf.if %cond3A_132 {
        %iota3A_1209 = tpu.iota {dimensions = array<i32: 0>} : vector<16xi32>
        %lt3A = arith.constant 8 : i32
        %lt3A_1210 = vector.broadcast %lt3A : i32 to vector<16xi32>
        %lt3A_1211 = arith.cmpi slt, %iota3A_1209, %lt3A_1210 : vector<16xi32>
        %mul3A_1212 = arith.constant 0 : i32
        %mul3A_1213 = vector.broadcast %mul3A_1212 : i32 to vector<16xi32>
        %mul3A_1214 = arith.muli %iota3A_1209, %mul3A_1213 : vector<16xi32>
        %mul3A_1215 = arith.constant 0 : i32
        %mul3A_1216 = vector.broadcast %mul3A_1215 : i32 to vector<16xi32>
        %mul3A_1217 = arith.muli %iota3A_1209, %mul3A_1216 : vector<16xi32>
        %get3A_1218 = arith.constant 0 : i32
        %get3A_1219 = arith.index_cast %get3A_1218 : i32 to index
        %get3A_1220 = arith.constant 0 : index
        %get3A_1221 = tpu.vector_load %arg6[%get3A_1219, %get3A_1220] {strides = array<i32>} : memref<8x200xi32, #tpu.memory_space<vmem>>, vector<16xi32>,
        %ne3A_1222 = arith.constant 0 : i32
        %ne3A_1223 = vector.broadcast %ne3A_1222 : i32 to vector<16xi32>
        %ne3A_1224 = arith.cmpi ne, %get3A_1221, %ne3A_1223 : vector<16xi32>
        %jit3A = arith.constant 1 : i32
        %jit3A_1225 = arith.constant 0 : i32
        %broadcast_in_dim3A = vector.broadcast %jit3A : i32 to vector<16xi32>
        %broadcast_in_dim3A_1226 = vector.broadcast %jit3A_1225 : i32 to vector<16xi32>
        %select_n3A = arith.select %ne3A_1224, %broadcast_in_dim3A, %broadcast_in_dim3A_1226 : vector<16xi1>, vector<16xi32>
        %broadcast_in_dim3A_1227 = arith.constant true
        %broadcast_in_dim3A_1228 = vector.broadcast %broadcast_in_dim3A_1227 : i1 to vector<16xi1>
        %masked_cumsum3A = tpu.scan <sum>, %select_n3A masked %broadcast_in_dim3A_1228 : vector<16xi32>, vector<16xi1> -> vector<16xi32>
        %add3A_1229 = arith.addi %masked_cumsum3A, %mul3A_1214 : vector<16xi32>
        %jit3A_1230 = arith.constant 0 : i32
        %broadcast_in_dim3A_1231 = vector.broadcast %jit3A_1230 : i32 to vector<16xi32>
        %select_n3A_1232 = arith.select %ne3A_1224, %add3A_1229, %broadcast_in_dim3A_1231 : vector<16xi1>, vector<16xi32>
        %swap3A = arith.constant 0 : index
        %swap3A_1233 = tpu.vector_load %arg7[%swap3A] {strides = array<i32>} : memref<1600xi32, #tpu.memory_space<vmem>>, vector<16xi32>,
        tpu.vector_store %arg7[%swap3A], %select_n3A_1232 {strides = array<i32>} : memref<1600xi32, #tpu.memory_space<vmem>>, vector<16xi32>,
        %all_reduce_population_count3A_1234 = tpu.all_reduce %ne3A_1224 {dim = 0 : i64, kind = #tpu.reduction_kind<sum>} : vector<16xi1> -> vector<16xi32>
        %add3A_1235 = arith.addi %mul3A_1214, %all_reduce_population_count3A_1234 : vector<16xi32>
        %get3A_1236 = arith.constant 0 : i32
        %get3A_1237 = arith.index_cast %get3A_1236 : i32 to index
        %get3A_1238 = arith.constant 16 : index
        %get3A_1239 = tpu.vector_load %arg6[%get3A_1237, %get3A_1238] {strides = array<i32>} : memref<8x200xi32, #tpu.memory_space<vmem>>, vector<16xi32>,
        %ne3A_1240 = arith.constant 0 : i32
        %ne3A_1241 = vector.broadcast %ne3A_1240 : i32 to vector<16xi32>
        %ne3A_1242 = arith.cmpi ne, %get3A_1239, %ne3A_1241 : vector<16xi32>
        %jit3A_1243 = arith.constant 1 : i32
        %jit3A_1244 = arith.constant 0 : i32
        %broadcast_in_dim3A_1245 = vector.broadcast %jit3A_1243 : i32 to vector<16xi32>
        %broadcast_in_dim3A_1246 = vector.broadcast %jit3A_1244 : i32 to vector<16xi32>
        %select_n3A_1247 = arith.select %ne3A_1242, %broadcast_in_dim3A_1245, %broadcast_in_dim3A_1246 : vector<16xi1>, vector<16xi32>
        %broadcast_in_dim3A_1248 = arith.constant true
        %broadcast_in_dim3A_1249 = vector.broadcast %broadcast_in_dim3A_1248 : i1 to vector<16xi1>
        %masked_cumsum3A_1250 = tpu.scan <sum>, %select_n3A_1247 masked %broadcast_in_dim3A_1249 : vector<16xi32>, vector<16xi1> -> vector<16xi32>
        %add3A_1251 = arith.addi %masked_cumsum3A_1250, %add3A_1235 : vector<16xi32>
        %jit3A_1252 = arith.constant 0 : i32
        %broadcast_in_dim3A_1253 = vector.broadcast %jit3A_1252 : i32 to vector<16xi32>
        %select_n3A_1254 = arith.select %ne3A_1242, %add3A_1251, %broadcast_in_dim3A_1253 : vector<16xi1>, vector<16xi32>
        %swap3A_1255 = arith.constant 16 : index
        %swap3A_1256 = tpu.vector_load %arg7[%swap3A_1255] {strides = array<i32>} : memref<1600xi32, #tpu.memory_space<vmem>>, vector<16xi32>,
        tpu.vector_store %arg7[%swap3A_1255], %select_n3A_1254 {strides = array<i32>} : memref<1600xi32, #tpu.memory_space<vmem>>, vector<16xi32>,
        %all_reduce_population_count3A_1257 = tpu.all_reduce %ne3A_1242 {dim = 0 : i64, kind = #tpu.reduction_kind<sum>} : vector<16xi1> -> vector<16xi32>
        %add3A_1258 = arith.addi %add3A_1235, %all_reduce_population_count3A_1257 : vector<16xi32>
        %get3A_1259 = arith.constant 0 : i32
        %get3A_1260 = arith.index_cast %get3A_1259 : i32 to index
        %get3A_1261 = arith.constant 32 : index
        %get3A_1262 = tpu.vector_load %arg6[%get3A_1260, %get3A_1261] {strides = array<i32>} : memref<8x200xi32, #tpu.memory_space<vmem>>, vector<16xi32>,
        %ne3A_1263 = arith.constant 0 : i32
        %ne3A_1264 = vector.broadcast %ne3A_1263 : i32 to vector<16xi32>
        %ne3A_1265 = arith.cmpi ne, %get3A_1262, %ne3A_1264 : vector<16xi32>
        %jit3A_1266 = arith.constant 1 : i32
        %jit3A_1267 = arith.constant 0 : i32
        %broadcast_in_dim3A_1268 = vector.broadcast %jit3A_1266 : i32 to vector<16xi32>
        %broadcast_in_dim3A_1269 = vector.broadcast %jit3A_1267 : i32 to vector<16xi32>
        %select_n3A_1270 = arith.select %ne3A_1265, %broadcast_in_dim3A_1268, %broadcast_in_dim3A_1269 : vector<16xi1>, vector<16xi32>
        %broadcast_in_dim3A_1271 = arith.constant true
        %broadcast_in_dim3A_1272 = vector.broadcast %broadcast_in_dim3A_1271 : i1 to vector<16xi1>
        %masked_cumsum3A_1273 = tpu.scan <sum>, %select_n3A_1270 masked %broadcast_in_dim3A_1272 : vector<16xi32>, vector<16xi1> -> vector<16xi32>
        %add3A_1274 = arith.addi %masked_cumsum3A_1273, %add3A_1258 : vector<16xi32>
        %jit3A_1275 = arith.constant 0 : i32
        %broadcast_in_dim3A_1276 = vector.broadcast %jit3A_1275 : i32 to vector<16xi32>
        %select_n3A_1277 = arith.select %ne3A_1265, %add3A_1274, %broadcast_in_dim3A_1276 : vector<16xi1>, vector<16xi32>
        %swap3A_1278 = arith.constant 32 : index
        %swap3A_1279 = tpu.vector_load %arg7[%swap3A_1278] {strides = array<i32>} : memref<1600xi32, #tpu.memory_space<vmem>>, vector<16xi32>,
        tpu.vector_store %arg7[%swap3A_1278], %select_n3A_1277 {strides = array<i32>} : memref<1600xi32, #tpu.memory_space<vmem>>, vector<16xi32>,
        %all_reduce_population_count3A_1280 = tpu.all_reduce %ne3A_1265 {dim = 0 : i64, kind = #tpu.reduction_kind<sum>} : vector<16xi1> -> vector<16xi32>
        %add3A_1281 = arith.addi %add3A_1258, %all_reduce_population_count3A_1280 : vector<16xi32>
        %get3A_1282 = arith.constant 0 : i32
        %get3A_1283 = arith.index_cast %get3A_1282 : i32 to index
        %get3A_1284 = arith.constant 48 : index
        %get3A_1285 = tpu.vector_load %arg6[%get3A_1283, %get3A_1284] {strides = array<i32>} : memref<8x200xi32, #tpu.memory_space<vmem>>, vector<16xi32>,
        %ne3A_1286 = arith.constant 0 : i32
        %ne3A_1287 = vector.broadcast %ne3A_1286 : i32 to vector<16xi32>
        %ne3A_1288 = arith.cmpi ne, %get3A_1285, %ne3A_1287 : vector<16xi32>
        %jit3A_1289 = arith.constant 1 : i32
        %jit3A_1290 = arith.constant 0 : i32
        %broadcast_in_dim3A_1291 = vector.broadcast %jit3A_1289 : i32 to vector<16xi32>
        %broadcast_in_dim3A_1292 = vector.broadcast %jit3A_1290 : i32 to vector<16xi32>
        %select_n3A_1293 = arith.select %ne3A_1288, %broadcast_in_dim3A_1291, %broadcast_in_dim3A_1292 : vector<16xi1>, vector<16xi32>
        %broadcast_in_dim3A_1294 = arith.constant true
        %broadcast_in_dim3A_1295 = vector.broadcast %broadcast_in_dim3A_1294 : i1 to vector<16xi1>
        %masked_cumsum3A_1296 = tpu.scan <sum>, %select_n3A_1293 masked %broadcast_in_dim3A_1295 : vector<16xi32>, vector<16xi1> -> vector<16xi32>
        %add3A_1297 = arith.addi %masked_cumsum3A_1296, %add3A_1281 : vector<16xi32>
        %jit3A_1298 = arith.constant 0 : i32
        %broadcast_in_dim3A_1299 = vector.broadcast %jit3A_1298 : i32 to vector<16xi32>
        %select_n3A_1300 = arith.select %ne3A_1288, %add3A_1297, %broadcast_in_dim3A_1299 : vector<16xi1>, vector<16xi32>
        %swap3A_1301 = arith.constant 48 : index
        %swap3A_1302 = tpu.vector_load %arg7[%swap3A_1301] {strides = array<i32>} : memref<1600xi32, #tpu.memory_space<vmem>>, vector<16xi32>,
        tpu.vector_store %arg7[%swap3A_1301], %select_n3A_1300 {strides = array<i32>} : memref<1600xi32, #tpu.memory_space<vmem>>, vector<16xi32>,
        %all_reduce_population_count3A_1303 = tpu.all_reduce %ne3A_1288 {dim = 0 : i64, kind = #tpu.reduction_kind<sum>} : vector<16xi1> -> vector<16xi32>
        %add3A_1304 = arith.addi %add3A_1281, %all_reduce_population_count3A_1303 : vector<16xi32>
        %get3A_1305 = arith.constant 0 : i32
        %get3A_1306 = arith.index_cast %get3A_1305 : i32 to index
        %get3A_1307 = arith.constant 64 : index
        %get3A_1308 = tpu.vector_load %arg6[%get3A_1306, %get3A_1307] {strides = array<i32>} : memref<8x200xi32, #tpu.memory_space<vmem>>, vector<16xi32>,
        %ne3A_1309 = arith.constant 0 : i32
        %ne3A_1310 = vector.broadcast %ne3A_1309 : i32 to vector<16xi32>
        %ne3A_1311 = arith.cmpi ne, %get3A_1308, %ne3A_1310 : vector<16xi32>
        %jit3A_1312 = arith.constant 1 : i32
        %jit3A_1313 = arith.constant 0 : i32
        %broadcast_in_dim3A_1314 = vector.broadcast %jit3A_1312 : i32 to vector<16xi32>
        %broadcast_in_dim3A_1315 = vector.broadcast %jit3A_1313 : i32 to vector<16xi32>
        %select_n3A_1316 = arith.select %ne3A_1311, %broadcast_in_dim3A_1314, %broadcast_in_dim3A_1315 : vector<16xi1>, vector<16xi32>
        %broadcast_in_dim3A_1317 = arith.constant true
        %broadcast_in_dim3A_1318 = vector.broadcast %broadcast_in_dim3A_1317 : i1 to vector<16xi1>
        %masked_cumsum3A_1319 = tpu.scan <sum>, %select_n3A_1316 masked %broadcast_in_dim3A_1318 : vector<16xi32>, vector<16xi1> -> vector<16xi32>
        %add3A_1320 = arith.addi %masked_cumsum3A_1319, %add3A_1304 : vector<16xi32>
        %jit3A_1321 = arith.constant 0 : i32
        %broadcast_in_dim3A_1322 = vector.broadcast %jit3A_1321 : i32 to vector<16xi32>
        %select_n3A_1323 = arith.select %ne3A_1311, %add3A_1320, %broadcast_in_dim3A_1322 : vector<16xi1>, vector<16xi32>
        %swap3A_1324 = arith.constant 64 : index
        %swap3A_1325 = tpu.vector_load %arg7[%swap3A_1324] {strides = array<i32>} : memref<1600xi32, #tpu.memory_space<vmem>>, vector<16xi32>,
        tpu.vector_store %arg7[%swap3A_1324], %select_n3A_1323 {strides = array<i32>} : memref<1600xi32, #tpu.memory_space<vmem>>, vector<16xi32>,
        %all_reduce_population_count3A_1326 = tpu.all_reduce %ne3A_1311 {dim = 0 : i64, kind = #tpu.reduction_kind<sum>} : vector<16xi1> -> vector<16xi32>
        %add3A_1327 = arith.addi %add3A_1304, %all_reduce_population_count3A_1326 : vector<16xi32>
        %get3A_1328 = arith.constant 0 : i32
        %get3A_1329 = arith.index_cast %get3A_1328 : i32 to index
        %get3A_1330 = arith.constant 80 : index
        %get3A_1331 = tpu.vector_load %arg6[%get3A_1329, %get3A_1330] {strides = array<i32>} : memref<8x200xi32, #tpu.memory_space<vmem>>, vector<16xi32>,
        %ne3A_1332 = arith.constant 0 : i32
        %ne3A_1333 = vector.broadcast %ne3A_1332 : i32 to vector<16xi32>
        %ne3A_1334 = arith.cmpi ne, %get3A_1331, %ne3A_1333 : vector<16xi32>
        %jit3A_1335 = arith.constant 1 : i32
        %jit3A_1336 = arith.constant 0 : i32
        %broadcast_in_dim3A_1337 = vector.broadcast %jit3A_1335 : i32 to vector<16xi32>
        %broadcast_in_dim3A_1338 = vector.broadcast %jit3A_1336 : i32 to vector<16xi32>
        %select_n3A_1339 = arith.select %ne3A_1334, %broadcast_in_dim3A_1337, %broadcast_in_dim3A_1338 : vector<16xi1>, vector<16xi32>
        %broadcast_in_dim3A_1340 = arith.constant true
        %broadcast_in_dim3A_1341 = vector.broadcast %broadcast_in_dim3A_1340 : i1 to vector<16xi1>
        %masked_cumsum3A_1342 = tpu.scan <sum>, %select_n3A_1339 masked %broadcast_in_dim3A_1341 : vector<16xi32>, vector<16xi1> -> vector<16xi32>
        %add3A_1343 = arith.addi %masked_cumsum3A_1342, %add3A_1327 : vector<16xi32>
        %jit3A_1344 = arith.constant 0 : i32
        %broadcast_in_dim3A_1345 = vector.broadcast %jit3A_1344 : i32 to vector<16xi32>
        %select_n3A_1346 = arith.select %ne3A_1334, %add3A_1343, %broadcast_in_dim3A_1345 : vector<16xi1>, vector<16xi32>
        %swap3A_1347 = arith.constant 80 : index
        %swap3A_1348 = tpu.vector_load %arg7[%swap3A_1347] {strides = array<i32>} : memref<1600xi32, #tpu.memory_space<vmem>>, vector<16xi32>,
        tpu.vector_store %arg7[%swap3A_1347], %select_n3A_1346 {strides = array<i32>} : memref<1600xi32, #tpu.memory_space<vmem>>, vector<16xi32>,
        %all_reduce_population_count3A_1349 = tpu.all_reduce %ne3A_1334 {dim = 0 : i64, kind = #tpu.reduction_kind<sum>} : vector<16xi1> -> vector<16xi32>
        %add3A_1350 = arith.addi %add3A_1327, %all_reduce_population_count3A_1349 : vector<16xi32>
        %get3A_1351 = arith.constant 0 : i32
        %get3A_1352 = arith.index_cast %get3A_1351 : i32 to index
        %get3A_1353 = arith.constant 96 : index
        %get3A_1354 = tpu.vector_load %arg6[%get3A_1352, %get3A_1353] {strides = array<i32>} : memref<8x200xi32, #tpu.memory_space<vmem>>, vector<16xi32>,
        %ne3A_1355 = arith.constant 0 : i32
        %ne3A_1356 = vector.broadcast %ne3A_1355 : i32 to vector<16xi32>
        %ne3A_1357 = arith.cmpi ne, %get3A_1354, %ne3A_1356 : vector<16xi32>
        %jit3A_1358 = arith.constant 1 : i32
        %jit3A_1359 = arith.constant 0 : i32
        %broadcast_in_dim3A_1360 = vector.broadcast %jit3A_1358 : i32 to vector<16xi32>
        %broadcast_in_dim3A_1361 = vector.broadcast %jit3A_1359 : i32 to vector<16xi32>
        %select_n3A_1362 = arith.select %ne3A_1357, %broadcast_in_dim3A_1360, %broadcast_in_dim3A_1361 : vector<16xi1>, vector<16xi32>
        %broadcast_in_dim3A_1363 = arith.constant true
        %broadcast_in_dim3A_1364 = vector.broadcast %broadcast_in_dim3A_1363 : i1 to vector<16xi1>
        %masked_cumsum3A_1365 = tpu.scan <sum>, %select_n3A_1362 masked %broadcast_in_dim3A_1364 : vector<16xi32>, vector<16xi1> -> vector<16xi32>
        %add3A_1366 = arith.addi %masked_cumsum3A_1365, %add3A_1350 : vector<16xi32>
        %jit3A_1367 = arith.constant 0 : i32
        %broadcast_in_dim3A_1368 = vector.broadcast %jit3A_1367 : i32 to vector<16xi32>
        %select_n3A_1369 = arith.select %ne3A_1357, %add3A_1366, %broadcast_in_dim3A_1368 : vector<16xi1>, vector<16xi32>
        %swap3A_1370 = arith.constant 96 : index
        %swap3A_1371 = tpu.vector_load %arg7[%swap3A_1370] {strides = array<i32>} : memref<1600xi32, #tpu.memory_space<vmem>>, vector<16xi32>,
        tpu.vector_store %arg7[%swap3A_1370], %select_n3A_1369 {strides = array<i32>} : memref<1600xi32, #tpu.memory_space<vmem>>, vector<16xi32>,
        %all_reduce_population_count3A_1372 = tpu.all_reduce %ne3A_1357 {dim = 0 : i64, kind = #tpu.reduction_kind<sum>} : vector<16xi1> -> vector<16xi32>
        %add3A_1373 = arith.addi %add3A_1350, %all_reduce_population_count3A_1372 : vector<16xi32>
        %get3A_1374 = arith.constant 0 : i32
        %get3A_1375 = arith.index_cast %get3A_1374 : i32 to index
        %get3A_1376 = arith.constant 112 : index
        %get3A_1377 = tpu.vector_load %arg6[%get3A_1375, %get3A_1376] {strides = array<i32>} : memref<8x200xi32, #tpu.memory_space<vmem>>, vector<16xi32>,
        %ne3A_1378 = arith.constant 0 : i32
        %ne3A_1379 = vector.broadcast %ne3A_1378 : i32 to vector<16xi32>
        %ne3A_1380 = arith.cmpi ne, %get3A_1377, %ne3A_1379 : vector<16xi32>
        %jit3A_1381 = arith.constant 1 : i32
        %jit3A_1382 = arith.constant 0 : i32
        %broadcast_in_dim3A_1383 = vector.broadcast %jit3A_1381 : i32 to vector<16xi32>
        %broadcast_in_dim3A_1384 = vector.broadcast %jit3A_1382 : i32 to vector<16xi32>
        %select_n3A_1385 = arith.select %ne3A_1380, %broadcast_in_dim3A_1383, %broadcast_in_dim3A_1384 : vector<16xi1>, vector<16xi32>
        %broadcast_in_dim3A_1386 = arith.constant true
        %broadcast_in_dim3A_1387 = vector.broadcast %broadcast_in_dim3A_1386 : i1 to vector<16xi1>
        %masked_cumsum3A_1388 = tpu.scan <sum>, %select_n3A_1385 masked %broadcast_in_dim3A_1387 : vector<16xi32>, vector<16xi1> -> vector<16xi32>
        %add3A_1389 = arith.addi %masked_cumsum3A_1388, %add3A_1373 : vector<16xi32>
        %jit3A_1390 = arith.constant 0 : i32
        %broadcast_in_dim3A_1391 = vector.broadcast %jit3A_1390 : i32 to vector<16xi32>
        %select_n3A_1392 = arith.select %ne3A_1380, %add3A_1389, %broadcast_in_dim3A_1391 : vector<16xi1>, vector<16xi32>
        %swap3A_1393 = arith.constant 112 : index
        %swap3A_1394 = tpu.vector_load %arg7[%swap3A_1393] {strides = array<i32>} : memref<1600xi32, #tpu.memory_space<vmem>>, vector<16xi32>,
        tpu.vector_store %arg7[%swap3A_1393], %select_n3A_1392 {strides = array<i32>} : memref<1600xi32, #tpu.memory_space<vmem>>, vector<16xi32>,
        %all_reduce_population_count3A_1395 = tpu.all_reduce %ne3A_1380 {dim = 0 : i64, kind = #tpu.reduction_kind<sum>} : vector<16xi1> -> vector<16xi32>
        %add3A_1396 = arith.addi %add3A_1373, %all_reduce_population_count3A_1395 : vector<16xi32>
        %get3A_1397 = arith.constant 0 : i32
        %get3A_1398 = arith.index_cast %get3A_1397 : i32 to index
        %get3A_1399 = arith.constant 128 : index
        %get3A_1400 = tpu.vector_load %arg6[%get3A_1398, %get3A_1399] {strides = array<i32>} : memref<8x200xi32, #tpu.memory_space<vmem>>, vector<16xi32>,
        %ne3A_1401 = arith.constant 0 : i32
        %ne3A_1402 = vector.broadcast %ne3A_1401 : i32 to vector<16xi32>
        %ne3A_1403 = arith.cmpi ne, %get3A_1400, %ne3A_1402 : vector<16xi32>
        %jit3A_1404 = arith.constant 1 : i32
        %jit3A_1405 = arith.constant 0 : i32
        %broadcast_in_dim3A_1406 = vector.broadcast %jit3A_1404 : i32 to vector<16xi32>
        %broadcast_in_dim3A_1407 = vector.broadcast %jit3A_1405 : i32 to vector<16xi32>
        %select_n3A_1408 = arith.select %ne3A_1403, %broadcast_in_dim3A_1406, %broadcast_in_dim3A_1407 : vector<16xi1>, vector<16xi32>
        %broadcast_in_dim3A_1409 = arith.constant true
        %broadcast_in_dim3A_1410 = vector.broadcast %broadcast_in_dim3A_1409 : i1 to vector<16xi1>
        %masked_cumsum3A_1411 = tpu.scan <sum>, %select_n3A_1408 masked %broadcast_in_dim3A_1410 : vector<16xi32>, vector<16xi1> -> vector<16xi32>
        %add3A_1412 = arith.addi %masked_cumsum3A_1411, %add3A_1396 : vector<16xi32>
        %jit3A_1413 = arith.constant 0 : i32
        %broadcast_in_dim3A_1414 = vector.broadcast %jit3A_1413 : i32 to vector<16xi32>
        %select_n3A_1415 = arith.select %ne3A_1403, %add3A_1412, %broadcast_in_dim3A_1414 : vector<16xi1>, vector<16xi32>
        %swap3A_1416 = arith.constant 128 : index
        %swap3A_1417 = tpu.vector_load %arg7[%swap3A_1416] {strides = array<i32>} : memref<1600xi32, #tpu.memory_space<vmem>>, vector<16xi32>,
        tpu.vector_store %arg7[%swap3A_1416], %select_n3A_1415 {strides = array<i32>} : memref<1600xi32, #tpu.memory_space<vmem>>, vector<16xi32>,
        %all_reduce_population_count3A_1418 = tpu.all_reduce %ne3A_1403 {dim = 0 : i64, kind = #tpu.reduction_kind<sum>} : vector<16xi1> -> vector<16xi32>
        %add3A_1419 = arith.addi %add3A_1396, %all_reduce_population_count3A_1418 : vector<16xi32>
        %get3A_1420 = arith.constant 0 : i32
        %get3A_1421 = arith.index_cast %get3A_1420 : i32 to index
        %get3A_1422 = arith.constant 144 : index
        %get3A_1423 = tpu.vector_load %arg6[%get3A_1421, %get3A_1422] {strides = array<i32>} : memref<8x200xi32, #tpu.memory_space<vmem>>, vector<16xi32>,
        %ne3A_1424 = arith.constant 0 : i32
        %ne3A_1425 = vector.broadcast %ne3A_1424 : i32 to vector<16xi32>
        %ne3A_1426 = arith.cmpi ne, %get3A_1423, %ne3A_1425 : vector<16xi32>
        %jit3A_1427 = arith.constant 1 : i32
        %jit3A_1428 = arith.constant 0 : i32
        %broadcast_in_dim3A_1429 = vector.broadcast %jit3A_1427 : i32 to vector<16xi32>
        %broadcast_in_dim3A_1430 = vector.broadcast %jit3A_1428 : i32 to vector<16xi32>
        %select_n3A_1431 = arith.select %ne3A_1426, %broadcast_in_dim3A_1429, %broadcast_in_dim3A_1430 : vector<16xi1>, vector<16xi32>
        %broadcast_in_dim3A_1432 = arith.constant true
        %broadcast_in_dim3A_1433 = vector.broadcast %broadcast_in_dim3A_1432 : i1 to vector<16xi1>
        %masked_cumsum3A_1434 = tpu.scan <sum>, %select_n3A_1431 masked %broadcast_in_dim3A_1433 : vector<16xi32>, vector<16xi1> -> vector<16xi32>
        %add3A_1435 = arith.addi %masked_cumsum3A_1434, %add3A_1419 : vector<16xi32>
        %jit3A_1436 = arith.constant 0 : i32
        %broadcast_in_dim3A_1437 = vector.broadcast %jit3A_1436 : i32 to vector<16xi32>
        %select_n3A_1438 = arith.select %ne3A_1426, %add3A_1435, %broadcast_in_dim3A_1437 : vector<16xi1>, vector<16xi32>
        %swap3A_1439 = arith.constant 144 : index
        %swap3A_1440 = tpu.vector_load %arg7[%swap3A_1439] {strides = array<i32>} : memref<1600xi32, #tpu.memory_space<vmem>>, vector<16xi32>,
        tpu.vector_store %arg7[%swap3A_1439], %select_n3A_1438 {strides = array<i32>} : memref<1600xi32, #tpu.memory_space<vmem>>, vector<16xi32>,
        %all_reduce_population_count3A_1441 = tpu.all_reduce %ne3A_1426 {dim = 0 : i64, kind = #tpu.reduction_kind<sum>} : vector<16xi1> -> vector<16xi32>
        %add3A_1442 = arith.addi %add3A_1419, %all_reduce_population_count3A_1441 : vector<16xi32>
        %get3A_1443 = arith.constant 0 : i32
        %get3A_1444 = arith.index_cast %get3A_1443 : i32 to index
        %get3A_1445 = arith.constant 160 : index
        %get3A_1446 = tpu.vector_load %arg6[%get3A_1444, %get3A_1445] {strides = array<i32>} : memref<8x200xi32, #tpu.memory_space<vmem>>, vector<16xi32>,
        %ne3A_1447 = arith.constant 0 : i32
        %ne3A_1448 = vector.broadcast %ne3A_1447 : i32 to vector<16xi32>
        %ne3A_1449 = arith.cmpi ne, %get3A_1446, %ne3A_1448 : vector<16xi32>
        %jit3A_1450 = arith.constant 1 : i32
        %jit3A_1451 = arith.constant 0 : i32
        %broadcast_in_dim3A_1452 = vector.broadcast %jit3A_1450 : i32 to vector<16xi32>
        %broadcast_in_dim3A_1453 = vector.broadcast %jit3A_1451 : i32 to vector<16xi32>
        %select_n3A_1454 = arith.select %ne3A_1449, %broadcast_in_dim3A_1452, %broadcast_in_dim3A_1453 : vector<16xi1>, vector<16xi32>
        %broadcast_in_dim3A_1455 = arith.constant true
        %broadcast_in_dim3A_1456 = vector.broadcast %broadcast_in_dim3A_1455 : i1 to vector<16xi1>
        %masked_cumsum3A_1457 = tpu.scan <sum>, %select_n3A_1454 masked %broadcast_in_dim3A_1456 : vector<16xi32>, vector<16xi1> -> vector<16xi32>
        %add3A_1458 = arith.addi %masked_cumsum3A_1457, %add3A_1442 : vector<16xi32>
        %jit3A_1459 = arith.constant 0 : i32
        %broadcast_in_dim3A_1460 = vector.broadcast %jit3A_1459 : i32 to vector<16xi32>
        %select_n3A_1461 = arith.select %ne3A_1449, %add3A_1458, %broadcast_in_dim3A_1460 : vector<16xi1>, vector<16xi32>
        %swap3A_1462 = arith.constant 160 : index
        %swap3A_1463 = tpu.vector_load %arg7[%swap3A_1462] {strides = array<i32>} : memref<1600xi32, #tpu.memory_space<vmem>>, vector<16xi32>,
        tpu.vector_store %arg7[%swap3A_1462], %select_n3A_1461 {strides = array<i32>} : memref<1600xi32, #tpu.memory_space<vmem>>, vector<16xi32>,
        %all_reduce_population_count3A_1464 = tpu.all_reduce %ne3A_1449 {dim = 0 : i64, kind = #tpu.reduction_kind<sum>} : vector<16xi1> -> vector<16xi32>
        %add3A_1465 = arith.addi %add3A_1442, %all_reduce_population_count3A_1464 : vector<16xi32>
        %get3A_1466 = arith.constant 0 : i32
        %get3A_1467 = arith.index_cast %get3A_1466 : i32 to index
        %get3A_1468 = arith.constant 176 : index
        %get3A_1469 = tpu.vector_load %arg6[%get3A_1467, %get3A_1468] {strides = array<i32>} : memref<8x200xi32, #tpu.memory_space<vmem>>, vector<16xi32>,
        %ne3A_1470 = arith.constant 0 : i32
        %ne3A_1471 = vector.broadcast %ne3A_1470 : i32 to vector<16xi32>
        %ne3A_1472 = arith.cmpi ne, %get3A_1469, %ne3A_1471 : vector<16xi32>
        %jit3A_1473 = arith.constant 1 : i32
        %jit3A_1474 = arith.constant 0 : i32
        %broadcast_in_dim3A_1475 = vector.broadcast %jit3A_1473 : i32 to vector<16xi32>
        %broadcast_in_dim3A_1476 = vector.broadcast %jit3A_1474 : i32 to vector<16xi32>
        %select_n3A_1477 = arith.select %ne3A_1472, %broadcast_in_dim3A_1475, %broadcast_in_dim3A_1476 : vector<16xi1>, vector<16xi32>
        %broadcast_in_dim3A_1478 = arith.constant true
        %broadcast_in_dim3A_1479 = vector.broadcast %broadcast_in_dim3A_1478 : i1 to vector<16xi1>
        %masked_cumsum3A_1480 = tpu.scan <sum>, %select_n3A_1477 masked %broadcast_in_dim3A_1479 : vector<16xi32>, vector<16xi1> -> vector<16xi32>
        %add3A_1481 = arith.addi %masked_cumsum3A_1480, %add3A_1465 : vector<16xi32>
        %jit3A_1482 = arith.constant 0 : i32
        %broadcast_in_dim3A_1483 = vector.broadcast %jit3A_1482 : i32 to vector<16xi32>
        %select_n3A_1484 = arith.select %ne3A_1472, %add3A_1481, %broadcast_in_dim3A_1483 : vector<16xi1>, vector<16xi32>
        %swap3A_1485 = arith.constant 176 : index
        %swap3A_1486 = tpu.vector_load %arg7[%swap3A_1485] {strides = array<i32>} : memref<1600xi32, #tpu.memory_space<vmem>>, vector<16xi32>,
        tpu.vector_store %arg7[%swap3A_1485], %select_n3A_1484 {strides = array<i32>} : memref<1600xi32, #tpu.memory_space<vmem>>, vector<16xi32>,
        %and3A_1487 = arith.andi %ne3A_1472, %lt3A_1211 : vector<16xi1>
        %all_reduce_population_count3A_1488 = tpu.all_reduce %and3A_1487 {dim = 0 : i64, kind = #tpu.reduction_kind<sum>} : vector<16xi1> -> vector<16xi32>
        %add3A_1489 = arith.addi %add3A_1465, %all_reduce_population_count3A_1488 : vector<16xi32>
        %all_reduce_population_count3A_1490 = tpu.all_reduce %ne3A_1472 {dim = 0 : i64, kind = #tpu.reduction_kind<sum>} : vector<16xi1> -> vector<16xi32>
        %add3A_1491 = arith.addi %add3A_1465, %all_reduce_population_count3A_1490 : vector<16xi32>
        %get3A_1492 = arith.constant 0 : i32
        %get3A_1493 = arith.index_cast %get3A_1492 : i32 to index
        %get3A_1494 = arith.constant 184 : index
        %get3A_1495 = tpu.vector_load %arg6[%get3A_1493, %get3A_1494] {strides = array<i32>} : memref<8x200xi32, #tpu.memory_space<vmem>>, vector<16xi32>,
        %ne3A_1496 = arith.constant 0 : i32
        %ne3A_1497 = vector.broadcast %ne3A_1496 : i32 to vector<16xi32>
        %ne3A_1498 = arith.cmpi ne, %get3A_1495, %ne3A_1497 : vector<16xi32>
        %jit3A_1499 = arith.constant 1 : i32
        %jit3A_1500 = arith.constant 0 : i32
        %broadcast_in_dim3A_1501 = vector.broadcast %jit3A_1499 : i32 to vector<16xi32>
        %broadcast_in_dim3A_1502 = vector.broadcast %jit3A_1500 : i32 to vector<16xi32>
        %select_n3A_1503 = arith.select %ne3A_1498, %broadcast_in_dim3A_1501, %broadcast_in_dim3A_1502 : vector<16xi1>, vector<16xi32>
        %broadcast_in_dim3A_1504 = arith.constant true
        %broadcast_in_dim3A_1505 = vector.broadcast %broadcast_in_dim3A_1504 : i1 to vector<16xi1>
        %masked_cumsum3A_1506 = tpu.scan <sum>, %select_n3A_1503 masked %broadcast_in_dim3A_1505 : vector<16xi32>, vector<16xi1> -> vector<16xi32>
        %add3A_1507 = arith.addi %masked_cumsum3A_1506, %add3A_1489 : vector<16xi32>
        %jit3A_1508 = arith.constant 0 : i32
        %broadcast_in_dim3A_1509 = vector.broadcast %jit3A_1508 : i32 to vector<16xi32>
        %select_n3A_1510 = arith.select %ne3A_1498, %add3A_1507, %broadcast_in_dim3A_1509 : vector<16xi1>, vector<16xi32>
        %swap3A_1511 = arith.constant 184 : index
        %swap3A_1512 = tpu.vector_load %arg7[%swap3A_1511] {strides = array<i32>} : memref<1600xi32, #tpu.memory_space<vmem>>, vector<16xi32>,
        tpu.vector_store %arg7[%swap3A_1511], %select_n3A_1510 {strides = array<i32>} : memref<1600xi32, #tpu.memory_space<vmem>>, vector<16xi32>,
      } else {
      }
      %iota3A_133 = tpu.iota {dimensions = array<i32: 0>} : vector<16xi32>
      %mul3A_134 = arith.constant 0 : i32
      %mul3A_135 = vector.broadcast %mul3A_134 : i32 to vector<16xi32>
      %mul3A_136 = arith.muli %iota3A_133, %mul3A_135 : vector<16xi32>
      %get3A_137 = arith.constant 1 : i32
      %get3A_138 = arith.index_cast %get3A_137 : i32 to index
      %get3A_139 = arith.constant 0 : index
      %get3A_140 = tpu.vector_load %arg6[%get3A_138, %get3A_139] {strides = array<i32>} : memref<8x200xi32, #tpu.memory_space<vmem>>, vector<16xi32>,
      %ne3A_141 = arith.constant 0 : i32
      %ne3A_142 = vector.broadcast %ne3A_141 : i32 to vector<16xi32>
      %ne3A_143 = arith.cmpi ne, %get3A_140, %ne3A_142 : vector<16xi32>
      %all_reduce_population_count3A_144 = tpu.all_reduce %ne3A_143 {dim = 0 : i64, kind = #tpu.reduction_kind<sum>} : vector<16xi1> -> vector<16xi32>
      %add3A_145 = arith.addi %mul3A_136, %all_reduce_population_count3A_144 : vector<16xi32>
      %get3A_146 = arith.constant 1 : i32
      %get3A_147 = arith.index_cast %get3A_146 : i32 to index
      %get3A_148 = arith.constant 16 : index
      %get3A_149 = tpu.vector_load %arg6[%get3A_147, %get3A_148] {strides = array<i32>} : memref<8x200xi32, #tpu.memory_space<vmem>>, vector<16xi32>,
      %ne3A_150 = arith.constant 0 : i32
      %ne3A_151 = vector.broadcast %ne3A_150 : i32 to vector<16xi32>
      %ne3A_152 = arith.cmpi ne, %get3A_149, %ne3A_151 : vector<16xi32>
      %all_reduce_population_count3A_153 = tpu.all_reduce %ne3A_152 {dim = 0 : i64, kind = #tpu.reduction_kind<sum>} : vector<16xi1> -> vector<16xi32>
      %add3A_154 = arith.addi %add3A_145, %all_reduce_population_count3A_153 : vector<16xi32>
      %get3A_155 = arith.constant 1 : i32
      %get3A_156 = arith.index_cast %get3A_155 : i32 to index
      %get3A_157 = arith.constant 32 : index
      %get3A_158 = tpu.vector_load %arg6[%get3A_156, %get3A_157] {strides = array<i32>} : memref<8x200xi32, #tpu.memory_space<vmem>>, vector<16xi32>,
      %ne3A_159 = arith.constant 0 : i32
      %ne3A_160 = vector.broadcast %ne3A_159 : i32 to vector<16xi32>
      %ne3A_161 = arith.cmpi ne, %get3A_158, %ne3A_160 : vector<16xi32>
      %all_reduce_population_count3A_162 = tpu.all_reduce %ne3A_161 {dim = 0 : i64, kind = #tpu.reduction_kind<sum>} : vector<16xi1> -> vector<16xi32>
      %add3A_163 = arith.addi %add3A_154, %all_reduce_population_count3A_162 : vector<16xi32>
      %get3A_164 = arith.constant 1 : i32
      %get3A_165 = arith.index_cast %get3A_164 : i32 to index
      %get3A_166 = arith.constant 48 : index
      %get3A_167 = tpu.vector_load %arg6[%get3A_165, %get3A_166] {strides = array<i32>} : memref<8x200xi32, #tpu.memory_space<vmem>>, vector<16xi32>,
      %ne3A_168 = arith.constant 0 : i32
      %ne3A_169 = vector.broadcast %ne3A_168 : i32 to vector<16xi32>
      %ne3A_170 = arith.cmpi ne, %get3A_167, %ne3A_169 : vector<16xi32>
      %all_reduce_population_count3A_171 = tpu.all_reduce %ne3A_170 {dim = 0 : i64, kind = #tpu.reduction_kind<sum>} : vector<16xi1> -> vector<16xi32>
      %add3A_172 = arith.addi %add3A_163, %all_reduce_population_count3A_171 : vector<16xi32>
      %get3A_173 = arith.constant 1 : i32
      %get3A_174 = arith.index_cast %get3A_173 : i32 to index
      %get3A_175 = arith.constant 64 : index
      %get3A_176 = tpu.vector_load %arg6[%get3A_174, %get3A_175] {strides = array<i32>} : memref<8x200xi32, #tpu.memory_space<vmem>>, vector<16xi32>,
      %ne3A_177 = arith.constant 0 : i32
      %ne3A_178 = vector.broadcast %ne3A_177 : i32 to vector<16xi32>
      %ne3A_179 = arith.cmpi ne, %get3A_176, %ne3A_178 : vector<16xi32>
      %all_reduce_population_count3A_180 = tpu.all_reduce %ne3A_179 {dim = 0 : i64, kind = #tpu.reduction_kind<sum>} : vector<16xi1> -> vector<16xi32>
      %add3A_181 = arith.addi %add3A_172, %all_reduce_population_count3A_180 : vector<16xi32>
      %get3A_182 = arith.constant 1 : i32
      %get3A_183 = arith.index_cast %get3A_182 : i32 to index
      %get3A_184 = arith.constant 80 : index
      %get3A_185 = tpu.vector_load %arg6[%get3A_183, %get3A_184] {strides = array<i32>} : memref<8x200xi32, #tpu.memory_space<vmem>>, vector<16xi32>,
      %ne3A_186 = arith.constant 0 : i32
      %ne3A_187 = vector.broadcast %ne3A_186 : i32 to vector<16xi32>
      %ne3A_188 = arith.cmpi ne, %get3A_185, %ne3A_187 : vector<16xi32>
      %all_reduce_population_count3A_189 = tpu.all_reduce %ne3A_188 {dim = 0 : i64, kind = #tpu.reduction_kind<sum>} : vector<16xi1> -> vector<16xi32>
      %add3A_190 = arith.addi %add3A_181, %all_reduce_population_count3A_189 : vector<16xi32>
      %get3A_191 = arith.constant 1 : i32
      %get3A_192 = arith.index_cast %get3A_191 : i32 to index
      %get3A_193 = arith.constant 96 : index
      %get3A_194 = tpu.vector_load %arg6[%get3A_192, %get3A_193] {strides = array<i32>} : memref<8x200xi32, #tpu.memory_space<vmem>>, vector<16xi32>,
      %ne3A_195 = arith.constant 0 : i32
      %ne3A_196 = vector.broadcast %ne3A_195 : i32 to vector<16xi32>
      %ne3A_197 = arith.cmpi ne, %get3A_194, %ne3A_196 : vector<16xi32>
      %all_reduce_population_count3A_198 = tpu.all_reduce %ne3A_197 {dim = 0 : i64, kind = #tpu.reduction_kind<sum>} : vector<16xi1> -> vector<16xi32>
      %add3A_199 = arith.addi %add3A_190, %all_reduce_population_count3A_198 : vector<16xi32>
      %get3A_200 = arith.constant 1 : i32
      %get3A_201 = arith.index_cast %get3A_200 : i32 to index
      %get3A_202 = arith.constant 112 : index
      %get3A_203 = tpu.vector_load %arg6[%get3A_201, %get3A_202] {strides = array<i32>} : memref<8x200xi32, #tpu.memory_space<vmem>>, vector<16xi32>,
      %ne3A_204 = arith.constant 0 : i32
      %ne3A_205 = vector.broadcast %ne3A_204 : i32 to vector<16xi32>
      %ne3A_206 = arith.cmpi ne, %get3A_203, %ne3A_205 : vector<16xi32>
      %all_reduce_population_count3A_207 = tpu.all_reduce %ne3A_206 {dim = 0 : i64, kind = #tpu.reduction_kind<sum>} : vector<16xi1> -> vector<16xi32>
      %add3A_208 = arith.addi %add3A_199, %all_reduce_population_count3A_207 : vector<16xi32>
      %get3A_209 = arith.constant 1 : i32
      %get3A_210 = arith.index_cast %get3A_209 : i32 to index
      %get3A_211 = arith.constant 128 : index
      %get3A_212 = tpu.vector_load %arg6[%get3A_210, %get3A_211] {strides = array<i32>} : memref<8x200xi32, #tpu.memory_space<vmem>>, vector<16xi32>,
      %ne3A_213 = arith.constant 0 : i32
      %ne3A_214 = vector.broadcast %ne3A_213 : i32 to vector<16xi32>
      %ne3A_215 = arith.cmpi ne, %get3A_212, %ne3A_214 : vector<16xi32>
      %all_reduce_population_count3A_216 = tpu.all_reduce %ne3A_215 {dim = 0 : i64, kind = #tpu.reduction_kind<sum>} : vector<16xi1> -> vector<16xi32>
      %add3A_217 = arith.addi %add3A_208, %all_reduce_population_count3A_216 : vector<16xi32>
      %get3A_218 = arith.constant 1 : i32
      %get3A_219 = arith.index_cast %get3A_218 : i32 to index
      %get3A_220 = arith.constant 144 : index
      %get3A_221 = tpu.vector_load %arg6[%get3A_219, %get3A_220] {strides = array<i32>} : memref<8x200xi32, #tpu.memory_space<vmem>>, vector<16xi32>,
      %ne3A_222 = arith.constant 0 : i32
      %ne3A_223 = vector.broadcast %ne3A_222 : i32 to vector<16xi32>
      %ne3A_224 = arith.cmpi ne, %get3A_221, %ne3A_223 : vector<16xi32>
      %all_reduce_population_count3A_225 = tpu.all_reduce %ne3A_224 {dim = 0 : i64, kind = #tpu.reduction_kind<sum>} : vector<16xi1> -> vector<16xi32>
      %add3A_226 = arith.addi %add3A_217, %all_reduce_population_count3A_225 : vector<16xi32>
      %get3A_227 = arith.constant 1 : i32
      %get3A_228 = arith.index_cast %get3A_227 : i32 to index
      %get3A_229 = arith.constant 160 : index
      %get3A_230 = tpu.vector_load %arg6[%get3A_228, %get3A_229] {strides = array<i32>} : memref<8x200xi32, #tpu.memory_space<vmem>>, vector<16xi32>,
      %ne3A_231 = arith.constant 0 : i32
      %ne3A_232 = vector.broadcast %ne3A_231 : i32 to vector<16xi32>
      %ne3A_233 = arith.cmpi ne, %get3A_230, %ne3A_232 : vector<16xi32>
      %all_reduce_population_count3A_234 = tpu.all_reduce %ne3A_233 {dim = 0 : i64, kind = #tpu.reduction_kind<sum>} : vector<16xi1> -> vector<16xi32>
      %add3A_235 = arith.addi %add3A_226, %all_reduce_population_count3A_234 : vector<16xi32>
      %get3A_236 = arith.constant 1 : i32
      %get3A_237 = arith.index_cast %get3A_236 : i32 to index
      %get3A_238 = arith.constant 176 : index
      %get3A_239 = tpu.vector_load %arg6[%get3A_237, %get3A_238] {strides = array<i32>} : memref<8x200xi32, #tpu.memory_space<vmem>>, vector<16xi32>,
      %ne3A_240 = arith.constant 0 : i32
      %ne3A_241 = vector.broadcast %ne3A_240 : i32 to vector<16xi32>
      %ne3A_242 = arith.cmpi ne, %get3A_239, %ne3A_241 : vector<16xi32>
      %all_reduce_population_count3A_243 = tpu.all_reduce %ne3A_242 {dim = 0 : i64, kind = #tpu.reduction_kind<sum>} : vector<16xi1> -> vector<16xi32>
      %add3A_244 = arith.addi %add3A_235, %all_reduce_population_count3A_243 : vector<16xi32>
      %get3A_245 = arith.constant 1 : i32
      %get3A_246 = arith.index_cast %get3A_245 : i32 to index
      %get3A_247 = arith.constant 184 : index
      %get3A_248 = tpu.vector_load %arg6[%get3A_246, %get3A_247] {strides = array<i32>} : memref<8x200xi32, #tpu.memory_space<vmem>>, vector<16xi32>,
      %ne3A_249 = arith.constant 0 : i32
      %ne3A_250 = vector.broadcast %ne3A_249 : i32 to vector<16xi32>
      %ne3A_251 = arith.cmpi ne, %get3A_248, %ne3A_250 : vector<16xi32>
      %ge3A_252 = arith.constant 8 : i32
      %ge3A_253 = vector.broadcast %ge3A_252 : i32 to vector<16xi32>
      %ge3A_254 = arith.cmpi sge, %iota3A_133, %ge3A_253 : vector<16xi32>
      %and3A_255 = arith.andi %ne3A_251, %ge3A_254 : vector<16xi1>
      %all_reduce_population_count3A_256 = tpu.all_reduce %and3A_255 {dim = 0 : i64, kind = #tpu.reduction_kind<sum>} : vector<16xi1> -> vector<16xi32>
      %add3A_257 = arith.addi %add3A_244, %all_reduce_population_count3A_256 : vector<16xi32>
      %slice3A_258 = vector.extract_strided_slice %add3A_257 {offsets = [0], sizes = [1], strides = [1]} : vector<16xi32> to vector<1xi32>
      %squeeze3A_259 = vector.extract %slice3A_258[0] : i32 from vector<1xi32>
      %ne3A_260 = arith.constant 200 : i32
      %ne3A_261 = arith.cmpi ne, %squeeze3A_259, %ne3A_260 : i32
      %convert_element_type3A_262 = arith.extui %ne3A_261 : i1 to i32
      %cond3A_263 = arith.constant 0 : i32
      %cond3A_264 = arith.cmpi ne, %convert_element_type3A_262, %cond3A_263 : i32
      scf.if %cond3A_264 {
        %iota3A_1209 = tpu.iota {dimensions = array<i32: 0>} : vector<16xi32>
        %lt3A = arith.constant 8 : i32
        %lt3A_1210 = vector.broadcast %lt3A : i32 to vector<16xi32>
        %lt3A_1211 = arith.cmpi slt, %iota3A_1209, %lt3A_1210 : vector<16xi32>
        %mul3A_1212 = arith.constant 0 : i32
        %mul3A_1213 = vector.broadcast %mul3A_1212 : i32 to vector<16xi32>
        %mul3A_1214 = arith.muli %iota3A_1209, %mul3A_1213 : vector<16xi32>
        %mul3A_1215 = arith.constant 0 : i32
        %mul3A_1216 = vector.broadcast %mul3A_1215 : i32 to vector<16xi32>
        %mul3A_1217 = arith.muli %iota3A_1209, %mul3A_1216 : vector<16xi32>
        %get3A_1218 = arith.constant 1 : i32
        %get3A_1219 = arith.index_cast %get3A_1218 : i32 to index
        %get3A_1220 = arith.constant 0 : index
        %get3A_1221 = tpu.vector_load %arg6[%get3A_1219, %get3A_1220] {strides = array<i32>} : memref<8x200xi32, #tpu.memory_space<vmem>>, vector<16xi32>,
        %ne3A_1222 = arith.constant 0 : i32
        %ne3A_1223 = vector.broadcast %ne3A_1222 : i32 to vector<16xi32>
        %ne3A_1224 = arith.cmpi ne, %get3A_1221, %ne3A_1223 : vector<16xi32>
        %jit3A = arith.constant 1 : i32
        %jit3A_1225 = arith.constant 0 : i32
        %broadcast_in_dim3A = vector.broadcast %jit3A : i32 to vector<16xi32>
        %broadcast_in_dim3A_1226 = vector.broadcast %jit3A_1225 : i32 to vector<16xi32>
        %select_n3A = arith.select %ne3A_1224, %broadcast_in_dim3A, %broadcast_in_dim3A_1226 : vector<16xi1>, vector<16xi32>
        %broadcast_in_dim3A_1227 = arith.constant true
        %broadcast_in_dim3A_1228 = vector.broadcast %broadcast_in_dim3A_1227 : i1 to vector<16xi1>
        %masked_cumsum3A = tpu.scan <sum>, %select_n3A masked %broadcast_in_dim3A_1228 : vector<16xi32>, vector<16xi1> -> vector<16xi32>
        %add3A_1229 = arith.addi %masked_cumsum3A, %mul3A_1214 : vector<16xi32>
        %jit3A_1230 = arith.constant 0 : i32
        %broadcast_in_dim3A_1231 = vector.broadcast %jit3A_1230 : i32 to vector<16xi32>
        %select_n3A_1232 = arith.select %ne3A_1224, %add3A_1229, %broadcast_in_dim3A_1231 : vector<16xi1>, vector<16xi32>
        %swap3A = arith.constant 200 : index
        %swap3A_1233 = tpu.vector_load %arg7[%swap3A] {strides = array<i32>} : memref<1600xi32, #tpu.memory_space<vmem>>, vector<16xi32>,
        tpu.vector_store %arg7[%swap3A], %select_n3A_1232 {strides = array<i32>} : memref<1600xi32, #tpu.memory_space<vmem>>, vector<16xi32>,
        %all_reduce_population_count3A_1234 = tpu.all_reduce %ne3A_1224 {dim = 0 : i64, kind = #tpu.reduction_kind<sum>} : vector<16xi1> -> vector<16xi32>
        %add3A_1235 = arith.addi %mul3A_1214, %all_reduce_population_count3A_1234 : vector<16xi32>
        %get3A_1236 = arith.constant 1 : i32
        %get3A_1237 = arith.index_cast %get3A_1236 : i32 to index
        %get3A_1238 = arith.constant 16 : index
        %get3A_1239 = tpu.vector_load %arg6[%get3A_1237, %get3A_1238] {strides = array<i32>} : memref<8x200xi32, #tpu.memory_space<vmem>>, vector<16xi32>,
        %ne3A_1240 = arith.constant 0 : i32
        %ne3A_1241 = vector.broadcast %ne3A_1240 : i32 to vector<16xi32>
        %ne3A_1242 = arith.cmpi ne, %get3A_1239, %ne3A_1241 : vector<16xi32>
        %jit3A_1243 = arith.constant 1 : i32
        %jit3A_1244 = arith.constant 0 : i32
        %broadcast_in_dim3A_1245 = vector.broadcast %jit3A_1243 : i32 to vector<16xi32>
        %broadcast_in_dim3A_1246 = vector.broadcast %jit3A_1244 : i32 to vector<16xi32>
        %select_n3A_1247 = arith.select %ne3A_1242, %broadcast_in_dim3A_1245, %broadcast_in_dim3A_1246 : vector<16xi1>, vector<16xi32>
        %broadcast_in_dim3A_1248 = arith.constant true
        %broadcast_in_dim3A_1249 = vector.broadcast %broadcast_in_dim3A_1248 : i1 to vector<16xi1>
        %masked_cumsum3A_1250 = tpu.scan <sum>, %select_n3A_1247 masked %broadcast_in_dim3A_1249 : vector<16xi32>, vector<16xi1> -> vector<16xi32>
        %add3A_1251 = arith.addi %masked_cumsum3A_1250, %add3A_1235 : vector<16xi32>
        %jit3A_1252 = arith.constant 0 : i32
        %broadcast_in_dim3A_1253 = vector.broadcast %jit3A_1252 : i32 to vector<16xi32>
        %select_n3A_1254 = arith.select %ne3A_1242, %add3A_1251, %broadcast_in_dim3A_1253 : vector<16xi1>, vector<16xi32>
        %swap3A_1255 = arith.constant 216 : index
        %swap3A_1256 = tpu.vector_load %arg7[%swap3A_1255] {strides = array<i32>} : memref<1600xi32, #tpu.memory_space<vmem>>, vector<16xi32>,
        tpu.vector_store %arg7[%swap3A_1255], %select_n3A_1254 {strides = array<i32>} : memref<1600xi32, #tpu.memory_space<vmem>>, vector<16xi32>,
        %all_reduce_population_count3A_1257 = tpu.all_reduce %ne3A_1242 {dim = 0 : i64, kind = #tpu.reduction_kind<sum>} : vector<16xi1> -> vector<16xi32>
        %add3A_1258 = arith.addi %add3A_1235, %all_reduce_population_count3A_1257 : vector<16xi32>
        %get3A_1259 = arith.constant 1 : i32
        %get3A_1260 = arith.index_cast %get3A_1259 : i32 to index
        %get3A_1261 = arith.constant 32 : index
        %get3A_1262 = tpu.vector_load %arg6[%get3A_1260, %get3A_1261] {strides = array<i32>} : memref<8x200xi32, #tpu.memory_space<vmem>>, vector<16xi32>,
        %ne3A_1263 = arith.constant 0 : i32
        %ne3A_1264 = vector.broadcast %ne3A_1263 : i32 to vector<16xi32>
        %ne3A_1265 = arith.cmpi ne, %get3A_1262, %ne3A_1264 : vector<16xi32>
        %jit3A_1266 = arith.constant 1 : i32
        %jit3A_1267 = arith.constant 0 : i32
        %broadcast_in_dim3A_1268 = vector.broadcast %jit3A_1266 : i32 to vector<16xi32>
        %broadcast_in_dim3A_1269 = vector.broadcast %jit3A_1267 : i32 to vector<16xi32>
        %select_n3A_1270 = arith.select %ne3A_1265, %broadcast_in_dim3A_1268, %broadcast_in_dim3A_1269 : vector<16xi1>, vector<16xi32>
        %broadcast_in_dim3A_1271 = arith.constant true
        %broadcast_in_dim3A_1272 = vector.broadcast %broadcast_in_dim3A_1271 : i1 to vector<16xi1>
        %masked_cumsum3A_1273 = tpu.scan <sum>, %select_n3A_1270 masked %broadcast_in_dim3A_1272 : vector<16xi32>, vector<16xi1> -> vector<16xi32>
        %add3A_1274 = arith.addi %masked_cumsum3A_1273, %add3A_1258 : vector<16xi32>
        %jit3A_1275 = arith.constant 0 : i32
        %broadcast_in_dim3A_1276 = vector.broadcast %jit3A_1275 : i32 to vector<16xi32>
        %select_n3A_1277 = arith.select %ne3A_1265, %add3A_1274, %broadcast_in_dim3A_1276 : vector<16xi1>, vector<16xi32>
        %swap3A_1278 = arith.constant 232 : index
        %swap3A_1279 = tpu.vector_load %arg7[%swap3A_1278] {strides = array<i32>} : memref<1600xi32, #tpu.memory_space<vmem>>, vector<16xi32>,
        tpu.vector_store %arg7[%swap3A_1278], %select_n3A_1277 {strides = array<i32>} : memref<1600xi32, #tpu.memory_space<vmem>>, vector<16xi32>,
        %all_reduce_population_count3A_1280 = tpu.all_reduce %ne3A_1265 {dim = 0 : i64, kind = #tpu.reduction_kind<sum>} : vector<16xi1> -> vector<16xi32>
        %add3A_1281 = arith.addi %add3A_1258, %all_reduce_population_count3A_1280 : vector<16xi32>
        %get3A_1282 = arith.constant 1 : i32
        %get3A_1283 = arith.index_cast %get3A_1282 : i32 to index
        %get3A_1284 = arith.constant 48 : index
        %get3A_1285 = tpu.vector_load %arg6[%get3A_1283, %get3A_1284] {strides = array<i32>} : memref<8x200xi32, #tpu.memory_space<vmem>>, vector<16xi32>,
        %ne3A_1286 = arith.constant 0 : i32
        %ne3A_1287 = vector.broadcast %ne3A_1286 : i32 to vector<16xi32>
        %ne3A_1288 = arith.cmpi ne, %get3A_1285, %ne3A_1287 : vector<16xi32>
        %jit3A_1289 = arith.constant 1 : i32
        %jit3A_1290 = arith.constant 0 : i32
        %broadcast_in_dim3A_1291 = vector.broadcast %jit3A_1289 : i32 to vector<16xi32>
        %broadcast_in_dim3A_1292 = vector.broadcast %jit3A_1290 : i32 to vector<16xi32>
        %select_n3A_1293 = arith.select %ne3A_1288, %broadcast_in_dim3A_1291, %broadcast_in_dim3A_1292 : vector<16xi1>, vector<16xi32>
        %broadcast_in_dim3A_1294 = arith.constant true
        %broadcast_in_dim3A_1295 = vector.broadcast %broadcast_in_dim3A_1294 : i1 to vector<16xi1>
        %masked_cumsum3A_1296 = tpu.scan <sum>, %select_n3A_1293 masked %broadcast_in_dim3A_1295 : vector<16xi32>, vector<16xi1> -> vector<16xi32>
        %add3A_1297 = arith.addi %masked_cumsum3A_1296, %add3A_1281 : vector<16xi32>
        %jit3A_1298 = arith.constant 0 : i32
        %broadcast_in_dim3A_1299 = vector.broadcast %jit3A_1298 : i32 to vector<16xi32>
        %select_n3A_1300 = arith.select %ne3A_1288, %add3A_1297, %broadcast_in_dim3A_1299 : vector<16xi1>, vector<16xi32>
        %swap3A_1301 = arith.constant 248 : index
        %swap3A_1302 = tpu.vector_load %arg7[%swap3A_1301] {strides = array<i32>} : memref<1600xi32, #tpu.memory_space<vmem>>, vector<16xi32>,
        tpu.vector_store %arg7[%swap3A_1301], %select_n3A_1300 {strides = array<i32>} : memref<1600xi32, #tpu.memory_space<vmem>>, vector<16xi32>,
        %all_reduce_population_count3A_1303 = tpu.all_reduce %ne3A_1288 {dim = 0 : i64, kind = #tpu.reduction_kind<sum>} : vector<16xi1> -> vector<16xi32>
        %add3A_1304 = arith.addi %add3A_1281, %all_reduce_population_count3A_1303 : vector<16xi32>
        %get3A_1305 = arith.constant 1 : i32
        %get3A_1306 = arith.index_cast %get3A_1305 : i32 to index
        %get3A_1307 = arith.constant 64 : index
        %get3A_1308 = tpu.vector_load %arg6[%get3A_1306, %get3A_1307] {strides = array<i32>} : memref<8x200xi32, #tpu.memory_space<vmem>>, vector<16xi32>,
        %ne3A_1309 = arith.constant 0 : i32
        %ne3A_1310 = vector.broadcast %ne3A_1309 : i32 to vector<16xi32>
        %ne3A_1311 = arith.cmpi ne, %get3A_1308, %ne3A_1310 : vector<16xi32>
        %jit3A_1312 = arith.constant 1 : i32
        %jit3A_1313 = arith.constant 0 : i32
        %broadcast_in_dim3A_1314 = vector.broadcast %jit3A_1312 : i32 to vector<16xi32>
        %broadcast_in_dim3A_1315 = vector.broadcast %jit3A_1313 : i32 to vector<16xi32>
        %select_n3A_1316 = arith.select %ne3A_1311, %broadcast_in_dim3A_1314, %broadcast_in_dim3A_1315 : vector<16xi1>, vector<16xi32>
        %broadcast_in_dim3A_1317 = arith.constant true
        %broadcast_in_dim3A_1318 = vector.broadcast %broadcast_in_dim3A_1317 : i1 to vector<16xi1>
        %masked_cumsum3A_1319 = tpu.scan <sum>, %select_n3A_1316 masked %broadcast_in_dim3A_1318 : vector<16xi32>, vector<16xi1> -> vector<16xi32>
        %add3A_1320 = arith.addi %masked_cumsum3A_1319, %add3A_1304 : vector<16xi32>
        %jit3A_1321 = arith.constant 0 : i32
        %broadcast_in_dim3A_1322 = vector.broadcast %jit3A_1321 : i32 to vector<16xi32>
        %select_n3A_1323 = arith.select %ne3A_1311, %add3A_1320, %broadcast_in_dim3A_1322 : vector<16xi1>, vector<16xi32>
        %swap3A_1324 = arith.constant 264 : index
        %swap3A_1325 = tpu.vector_load %arg7[%swap3A_1324] {strides = array<i32>} : memref<1600xi32, #tpu.memory_space<vmem>>, vector<16xi32>,
        tpu.vector_store %arg7[%swap3A_1324], %select_n3A_1323 {strides = array<i32>} : memref<1600xi32, #tpu.memory_space<vmem>>, vector<16xi32>,
        %all_reduce_population_count3A_1326 = tpu.all_reduce %ne3A_1311 {dim = 0 : i64, kind = #tpu.reduction_kind<sum>} : vector<16xi1> -> vector<16xi32>
        %add3A_1327 = arith.addi %add3A_1304, %all_reduce_population_count3A_1326 : vector<16xi32>
        %get3A_1328 = arith.constant 1 : i32
        %get3A_1329 = arith.index_cast %get3A_1328 : i32 to index
        %get3A_1330 = arith.constant 80 : index
        %get3A_1331 = tpu.vector_load %arg6[%get3A_1329, %get3A_1330] {strides = array<i32>} : memref<8x200xi32, #tpu.memory_space<vmem>>, vector<16xi32>,
        %ne3A_1332 = arith.constant 0 : i32
        %ne3A_1333 = vector.broadcast %ne3A_1332 : i32 to vector<16xi32>
        %ne3A_1334 = arith.cmpi ne, %get3A_1331, %ne3A_1333 : vector<16xi32>
        %jit3A_1335 = arith.constant 1 : i32
        %jit3A_1336 = arith.constant 0 : i32
        %broadcast_in_dim3A_1337 = vector.broadcast %jit3A_1335 : i32 to vector<16xi32>
        %broadcast_in_dim3A_1338 = vector.broadcast %jit3A_1336 : i32 to vector<16xi32>
        %select_n3A_1339 = arith.select %ne3A_1334, %broadcast_in_dim3A_1337, %broadcast_in_dim3A_1338 : vector<16xi1>, vector<16xi32>
        %broadcast_in_dim3A_1340 = arith.constant true
        %broadcast_in_dim3A_1341 = vector.broadcast %broadcast_in_dim3A_1340 : i1 to vector<16xi1>
        %masked_cumsum3A_1342 = tpu.scan <sum>, %select_n3A_1339 masked %broadcast_in_dim3A_1341 : vector<16xi32>, vector<16xi1> -> vector<16xi32>
        %add3A_1343 = arith.addi %masked_cumsum3A_1342, %add3A_1327 : vector<16xi32>
        %jit3A_1344 = arith.constant 0 : i32
        %broadcast_in_dim3A_1345 = vector.broadcast %jit3A_1344 : i32 to vector<16xi32>
        %select_n3A_1346 = arith.select %ne3A_1334, %add3A_1343, %broadcast_in_dim3A_1345 : vector<16xi1>, vector<16xi32>
        %swap3A_1347 = arith.constant 280 : index
        %swap3A_1348 = tpu.vector_load %arg7[%swap3A_1347] {strides = array<i32>} : memref<1600xi32, #tpu.memory_space<vmem>>, vector<16xi32>,
        tpu.vector_store %arg7[%swap3A_1347], %select_n3A_1346 {strides = array<i32>} : memref<1600xi32, #tpu.memory_space<vmem>>, vector<16xi32>,
        %all_reduce_population_count3A_1349 = tpu.all_reduce %ne3A_1334 {dim = 0 : i64, kind = #tpu.reduction_kind<sum>} : vector<16xi1> -> vector<16xi32>
        %add3A_1350 = arith.addi %add3A_1327, %all_reduce_population_count3A_1349 : vector<16xi32>
        %get3A_1351 = arith.constant 1 : i32
        %get3A_1352 = arith.index_cast %get3A_1351 : i32 to index
        %get3A_1353 = arith.constant 96 : index
        %get3A_1354 = tpu.vector_load %arg6[%get3A_1352, %get3A_1353] {strides = array<i32>} : memref<8x200xi32, #tpu.memory_space<vmem>>, vector<16xi32>,
        %ne3A_1355 = arith.constant 0 : i32
        %ne3A_1356 = vector.broadcast %ne3A_1355 : i32 to vector<16xi32>
        %ne3A_1357 = arith.cmpi ne, %get3A_1354, %ne3A_1356 : vector<16xi32>
        %jit3A_1358 = arith.constant 1 : i32
        %jit3A_1359 = arith.constant 0 : i32
        %broadcast_in_dim3A_1360 = vector.broadcast %jit3A_1358 : i32 to vector<16xi32>
        %broadcast_in_dim3A_1361 = vector.broadcast %jit3A_1359 : i32 to vector<16xi32>
        %select_n3A_1362 = arith.select %ne3A_1357, %broadcast_in_dim3A_1360, %broadcast_in_dim3A_1361 : vector<16xi1>, vector<16xi32>
        %broadcast_in_dim3A_1363 = arith.constant true
        %broadcast_in_dim3A_1364 = vector.broadcast %broadcast_in_dim3A_1363 : i1 to vector<16xi1>
        %masked_cumsum3A_1365 = tpu.scan <sum>, %select_n3A_1362 masked %broadcast_in_dim3A_1364 : vector<16xi32>, vector<16xi1> -> vector<16xi32>
        %add3A_1366 = arith.addi %masked_cumsum3A_1365, %add3A_1350 : vector<16xi32>
        %jit3A_1367 = arith.constant 0 : i32
        %broadcast_in_dim3A_1368 = vector.broadcast %jit3A_1367 : i32 to vector<16xi32>
        %select_n3A_1369 = arith.select %ne3A_1357, %add3A_1366, %broadcast_in_dim3A_1368 : vector<16xi1>, vector<16xi32>
        %swap3A_1370 = arith.constant 296 : index
        %swap3A_1371 = tpu.vector_load %arg7[%swap3A_1370] {strides = array<i32>} : memref<1600xi32, #tpu.memory_space<vmem>>, vector<16xi32>,
        tpu.vector_store %arg7[%swap3A_1370], %select_n3A_1369 {strides = array<i32>} : memref<1600xi32, #tpu.memory_space<vmem>>, vector<16xi32>,
        %all_reduce_population_count3A_1372 = tpu.all_reduce %ne3A_1357 {dim = 0 : i64, kind = #tpu.reduction_kind<sum>} : vector<16xi1> -> vector<16xi32>
        %add3A_1373 = arith.addi %add3A_1350, %all_reduce_population_count3A_1372 : vector<16xi32>
        %get3A_1374 = arith.constant 1 : i32
        %get3A_1375 = arith.index_cast %get3A_1374 : i32 to index
        %get3A_1376 = arith.constant 112 : index
        %get3A_1377 = tpu.vector_load %arg6[%get3A_1375, %get3A_1376] {strides = array<i32>} : memref<8x200xi32, #tpu.memory_space<vmem>>, vector<16xi32>,
        %ne3A_1378 = arith.constant 0 : i32
        %ne3A_1379 = vector.broadcast %ne3A_1378 : i32 to vector<16xi32>
        %ne3A_1380 = arith.cmpi ne, %get3A_1377, %ne3A_1379 : vector<16xi32>
        %jit3A_1381 = arith.constant 1 : i32
        %jit3A_1382 = arith.constant 0 : i32
        %broadcast_in_dim3A_1383 = vector.broadcast %jit3A_1381 : i32 to vector<16xi32>
        %broadcast_in_dim3A_1384 = vector.broadcast %jit3A_1382 : i32 to vector<16xi32>
        %select_n3A_1385 = arith.select %ne3A_1380, %broadcast_in_dim3A_1383, %broadcast_in_dim3A_1384 : vector<16xi1>, vector<16xi32>
        %broadcast_in_dim3A_1386 = arith.constant true
        %broadcast_in_dim3A_1387 = vector.broadcast %broadcast_in_dim3A_1386 : i1 to vector<16xi1>
        %masked_cumsum3A_1388 = tpu.scan <sum>, %select_n3A_1385 masked %broadcast_in_dim3A_1387 : vector<16xi32>, vector<16xi1> -> vector<16xi32>
        %add3A_1389 = arith.addi %masked_cumsum3A_1388, %add3A_1373 : vector<16xi32>
        %jit3A_1390 = arith.constant 0 : i32
        %broadcast_in_dim3A_1391 = vector.broadcast %jit3A_1390 : i32 to vector<16xi32>
        %select_n3A_1392 = arith.select %ne3A_1380, %add3A_1389, %broadcast_in_dim3A_1391 : vector<16xi1>, vector<16xi32>
        %swap3A_1393 = arith.constant 312 : index
        %swap3A_1394 = tpu.vector_load %arg7[%swap3A_1393] {strides = array<i32>} : memref<1600xi32, #tpu.memory_space<vmem>>, vector<16xi32>,
        tpu.vector_store %arg7[%swap3A_1393], %select_n3A_1392 {strides = array<i32>} : memref<1600xi32, #tpu.memory_space<vmem>>, vector<16xi32>,
        %all_reduce_population_count3A_1395 = tpu.all_reduce %ne3A_1380 {dim = 0 : i64, kind = #tpu.reduction_kind<sum>} : vector<16xi1> -> vector<16xi32>
        %add3A_1396 = arith.addi %add3A_1373, %all_reduce_population_count3A_1395 : vector<16xi32>
        %get3A_1397 = arith.constant 1 : i32
        %get3A_1398 = arith.index_cast %get3A_1397 : i32 to index
        %get3A_1399 = arith.constant 128 : index
        %get3A_1400 = tpu.vector_load %arg6[%get3A_1398, %get3A_1399] {strides = array<i32>} : memref<8x200xi32, #tpu.memory_space<vmem>>, vector<16xi32>,
        %ne3A_1401 = arith.constant 0 : i32
        %ne3A_1402 = vector.broadcast %ne3A_1401 : i32 to vector<16xi32>
        %ne3A_1403 = arith.cmpi ne, %get3A_1400, %ne3A_1402 : vector<16xi32>
        %jit3A_1404 = arith.constant 1 : i32
        %jit3A_1405 = arith.constant 0 : i32
        %broadcast_in_dim3A_1406 = vector.broadcast %jit3A_1404 : i32 to vector<16xi32>
        %broadcast_in_dim3A_1407 = vector.broadcast %jit3A_1405 : i32 to vector<16xi32>
        %select_n3A_1408 = arith.select %ne3A_1403, %broadcast_in_dim3A_1406, %broadcast_in_dim3A_1407 : vector<16xi1>, vector<16xi32>
        %broadcast_in_dim3A_1409 = arith.constant true
        %broadcast_in_dim3A_1410 = vector.broadcast %broadcast_in_dim3A_1409 : i1 to vector<16xi1>
        %masked_cumsum3A_1411 = tpu.scan <sum>, %select_n3A_1408 masked %broadcast_in_dim3A_1410 : vector<16xi32>, vector<16xi1> -> vector<16xi32>
        %add3A_1412 = arith.addi %masked_cumsum3A_1411, %add3A_1396 : vector<16xi32>
        %jit3A_1413 = arith.constant 0 : i32
        %broadcast_in_dim3A_1414 = vector.broadcast %jit3A_1413 : i32 to vector<16xi32>
        %select_n3A_1415 = arith.select %ne3A_1403, %add3A_1412, %broadcast_in_dim3A_1414 : vector<16xi1>, vector<16xi32>
        %swap3A_1416 = arith.constant 328 : index
        %swap3A_1417 = tpu.vector_load %arg7[%swap3A_1416] {strides = array<i32>} : memref<1600xi32, #tpu.memory_space<vmem>>, vector<16xi32>,
        tpu.vector_store %arg7[%swap3A_1416], %select_n3A_1415 {strides = array<i32>} : memref<1600xi32, #tpu.memory_space<vmem>>, vector<16xi32>,
        %all_reduce_population_count3A_1418 = tpu.all_reduce %ne3A_1403 {dim = 0 : i64, kind = #tpu.reduction_kind<sum>} : vector<16xi1> -> vector<16xi32>
        %add3A_1419 = arith.addi %add3A_1396, %all_reduce_population_count3A_1418 : vector<16xi32>
        %get3A_1420 = arith.constant 1 : i32
        %get3A_1421 = arith.index_cast %get3A_1420 : i32 to index
        %get3A_1422 = arith.constant 144 : index
        %get3A_1423 = tpu.vector_load %arg6[%get3A_1421, %get3A_1422] {strides = array<i32>} : memref<8x200xi32, #tpu.memory_space<vmem>>, vector<16xi32>,
        %ne3A_1424 = arith.constant 0 : i32
        %ne3A_1425 = vector.broadcast %ne3A_1424 : i32 to vector<16xi32>
        %ne3A_1426 = arith.cmpi ne, %get3A_1423, %ne3A_1425 : vector<16xi32>
        %jit3A_1427 = arith.constant 1 : i32
        %jit3A_1428 = arith.constant 0 : i32
        %broadcast_in_dim3A_1429 = vector.broadcast %jit3A_1427 : i32 to vector<16xi32>
        %broadcast_in_dim3A_1430 = vector.broadcast %jit3A_1428 : i32 to vector<16xi32>
        %select_n3A_1431 = arith.select %ne3A_1426, %broadcast_in_dim3A_1429, %broadcast_in_dim3A_1430 : vector<16xi1>, vector<16xi32>
        %broadcast_in_dim3A_1432 = arith.constant true
        %broadcast_in_dim3A_1433 = vector.broadcast %broadcast_in_dim3A_1432 : i1 to vector<16xi1>
        %masked_cumsum3A_1434 = tpu.scan <sum>, %select_n3A_1431 masked %broadcast_in_dim3A_1433 : vector<16xi32>, vector<16xi1> -> vector<16xi32>
        %add3A_1435 = arith.addi %masked_cumsum3A_1434, %add3A_1419 : vector<16xi32>
        %jit3A_1436 = arith.constant 0 : i32
        %broadcast_in_dim3A_1437 = vector.broadcast %jit3A_1436 : i32 to vector<16xi32>
        %select_n3A_1438 = arith.select %ne3A_1426, %add3A_1435, %broadcast_in_dim3A_1437 : vector<16xi1>, vector<16xi32>
        %swap3A_1439 = arith.constant 344 : index
        %swap3A_1440 = tpu.vector_load %arg7[%swap3A_1439] {strides = array<i32>} : memref<1600xi32, #tpu.memory_space<vmem>>, vector<16xi32>,
        tpu.vector_store %arg7[%swap3A_1439], %select_n3A_1438 {strides = array<i32>} : memref<1600xi32, #tpu.memory_space<vmem>>, vector<16xi32>,
        %all_reduce_population_count3A_1441 = tpu.all_reduce %ne3A_1426 {dim = 0 : i64, kind = #tpu.reduction_kind<sum>} : vector<16xi1> -> vector<16xi32>
        %add3A_1442 = arith.addi %add3A_1419, %all_reduce_population_count3A_1441 : vector<16xi32>
        %get3A_1443 = arith.constant 1 : i32
        %get3A_1444 = arith.index_cast %get3A_1443 : i32 to index
        %get3A_1445 = arith.constant 160 : index
        %get3A_1446 = tpu.vector_load %arg6[%get3A_1444, %get3A_1445] {strides = array<i32>} : memref<8x200xi32, #tpu.memory_space<vmem>>, vector<16xi32>,
        %ne3A_1447 = arith.constant 0 : i32
        %ne3A_1448 = vector.broadcast %ne3A_1447 : i32 to vector<16xi32>
        %ne3A_1449 = arith.cmpi ne, %get3A_1446, %ne3A_1448 : vector<16xi32>
        %jit3A_1450 = arith.constant 1 : i32
        %jit3A_1451 = arith.constant 0 : i32
        %broadcast_in_dim3A_1452 = vector.broadcast %jit3A_1450 : i32 to vector<16xi32>
        %broadcast_in_dim3A_1453 = vector.broadcast %jit3A_1451 : i32 to vector<16xi32>
        %select_n3A_1454 = arith.select %ne3A_1449, %broadcast_in_dim3A_1452, %broadcast_in_dim3A_1453 : vector<16xi1>, vector<16xi32>
        %broadcast_in_dim3A_1455 = arith.constant true
        %broadcast_in_dim3A_1456 = vector.broadcast %broadcast_in_dim3A_1455 : i1 to vector<16xi1>
        %masked_cumsum3A_1457 = tpu.scan <sum>, %select_n3A_1454 masked %broadcast_in_dim3A_1456 : vector<16xi32>, vector<16xi1> -> vector<16xi32>
        %add3A_1458 = arith.addi %masked_cumsum3A_1457, %add3A_1442 : vector<16xi32>
        %jit3A_1459 = arith.constant 0 : i32
        %broadcast_in_dim3A_1460 = vector.broadcast %jit3A_1459 : i32 to vector<16xi32>
        %select_n3A_1461 = arith.select %ne3A_1449, %add3A_1458, %broadcast_in_dim3A_1460 : vector<16xi1>, vector<16xi32>
        %swap3A_1462 = arith.constant 360 : index
        %swap3A_1463 = tpu.vector_load %arg7[%swap3A_1462] {strides = array<i32>} : memref<1600xi32, #tpu.memory_space<vmem>>, vector<16xi32>,
        tpu.vector_store %arg7[%swap3A_1462], %select_n3A_1461 {strides = array<i32>} : memref<1600xi32, #tpu.memory_space<vmem>>, vector<16xi32>,
        %all_reduce_population_count3A_1464 = tpu.all_reduce %ne3A_1449 {dim = 0 : i64, kind = #tpu.reduction_kind<sum>} : vector<16xi1> -> vector<16xi32>
        %add3A_1465 = arith.addi %add3A_1442, %all_reduce_population_count3A_1464 : vector<16xi32>
        %get3A_1466 = arith.constant 1 : i32
        %get3A_1467 = arith.index_cast %get3A_1466 : i32 to index
        %get3A_1468 = arith.constant 176 : index
        %get3A_1469 = tpu.vector_load %arg6[%get3A_1467, %get3A_1468] {strides = array<i32>} : memref<8x200xi32, #tpu.memory_space<vmem>>, vector<16xi32>,
        %ne3A_1470 = arith.constant 0 : i32
        %ne3A_1471 = vector.broadcast %ne3A_1470 : i32 to vector<16xi32>
        %ne3A_1472 = arith.cmpi ne, %get3A_1469, %ne3A_1471 : vector<16xi32>
        %jit3A_1473 = arith.constant 1 : i32
        %jit3A_1474 = arith.constant 0 : i32
        %broadcast_in_dim3A_1475 = vector.broadcast %jit3A_1473 : i32 to vector<16xi32>
        %broadcast_in_dim3A_1476 = vector.broadcast %jit3A_1474 : i32 to vector<16xi32>
        %select_n3A_1477 = arith.select %ne3A_1472, %broadcast_in_dim3A_1475, %broadcast_in_dim3A_1476 : vector<16xi1>, vector<16xi32>
        %broadcast_in_dim3A_1478 = arith.constant true
        %broadcast_in_dim3A_1479 = vector.broadcast %broadcast_in_dim3A_1478 : i1 to vector<16xi1>
        %masked_cumsum3A_1480 = tpu.scan <sum>, %select_n3A_1477 masked %broadcast_in_dim3A_1479 : vector<16xi32>, vector<16xi1> -> vector<16xi32>
        %add3A_1481 = arith.addi %masked_cumsum3A_1480, %add3A_1465 : vector<16xi32>
        %jit3A_1482 = arith.constant 0 : i32
        %broadcast_in_dim3A_1483 = vector.broadcast %jit3A_1482 : i32 to vector<16xi32>
        %select_n3A_1484 = arith.select %ne3A_1472, %add3A_1481, %broadcast_in_dim3A_1483 : vector<16xi1>, vector<16xi32>
        %swap3A_1485 = arith.constant 376 : index
        %swap3A_1486 = tpu.vector_load %arg7[%swap3A_1485] {strides = array<i32>} : memref<1600xi32, #tpu.memory_space<vmem>>, vector<16xi32>,
        tpu.vector_store %arg7[%swap3A_1485], %select_n3A_1484 {strides = array<i32>} : memref<1600xi32, #tpu.memory_space<vmem>>, vector<16xi32>,
        %and3A_1487 = arith.andi %ne3A_1472, %lt3A_1211 : vector<16xi1>
        %all_reduce_population_count3A_1488 = tpu.all_reduce %and3A_1487 {dim = 0 : i64, kind = #tpu.reduction_kind<sum>} : vector<16xi1> -> vector<16xi32>
        %add3A_1489 = arith.addi %add3A_1465, %all_reduce_population_count3A_1488 : vector<16xi32>
        %all_reduce_population_count3A_1490 = tpu.all_reduce %ne3A_1472 {dim = 0 : i64, kind = #tpu.reduction_kind<sum>} : vector<16xi1> -> vector<16xi32>
        %add3A_1491 = arith.addi %add3A_1465, %all_reduce_population_count3A_1490 : vector<16xi32>
        %get3A_1492 = arith.constant 1 : i32
        %get3A_1493 = arith.index_cast %get3A_1492 : i32 to index
        %get3A_1494 = arith.constant 184 : index
        %get3A_1495 = tpu.vector_load %arg6[%get3A_1493, %get3A_1494] {strides = array<i32>} : memref<8x200xi32, #tpu.memory_space<vmem>>, vector<16xi32>,
        %ne3A_1496 = arith.constant 0 : i32
        %ne3A_1497 = vector.broadcast %ne3A_1496 : i32 to vector<16xi32>
        %ne3A_1498 = arith.cmpi ne, %get3A_1495, %ne3A_1497 : vector<16xi32>
        %jit3A_1499 = arith.constant 1 : i32
        %jit3A_1500 = arith.constant 0 : i32
        %broadcast_in_dim3A_1501 = vector.broadcast %jit3A_1499 : i32 to vector<16xi32>
        %broadcast_in_dim3A_1502 = vector.broadcast %jit3A_1500 : i32 to vector<16xi32>
        %select_n3A_1503 = arith.select %ne3A_1498, %broadcast_in_dim3A_1501, %broadcast_in_dim3A_1502 : vector<16xi1>, vector<16xi32>
        %broadcast_in_dim3A_1504 = arith.constant true
        %broadcast_in_dim3A_1505 = vector.broadcast %broadcast_in_dim3A_1504 : i1 to vector<16xi1>
        %masked_cumsum3A_1506 = tpu.scan <sum>, %select_n3A_1503 masked %broadcast_in_dim3A_1505 : vector<16xi32>, vector<16xi1> -> vector<16xi32>
        %add3A_1507 = arith.addi %masked_cumsum3A_1506, %add3A_1489 : vector<16xi32>
        %jit3A_1508 = arith.constant 0 : i32
        %broadcast_in_dim3A_1509 = vector.broadcast %jit3A_1508 : i32 to vector<16xi32>
        %select_n3A_1510 = arith.select %ne3A_1498, %add3A_1507, %broadcast_in_dim3A_1509 : vector<16xi1>, vector<16xi32>
        %swap3A_1511 = arith.constant 384 : index
        %swap3A_1512 = tpu.vector_load %arg7[%swap3A_1511] {strides = array<i32>} : memref<1600xi32, #tpu.memory_space<vmem>>, vector<16xi32>,
        tpu.vector_store %arg7[%swap3A_1511], %select_n3A_1510 {strides = array<i32>} : memref<1600xi32, #tpu.memory_space<vmem>>, vector<16xi32>,
      } else {
      }
      %iota3A_265 = tpu.iota {dimensions = array<i32: 0>} : vector<16xi32>
      %mul3A_266 = arith.constant 0 : i32
      %mul3A_267 = vector.broadcast %mul3A_266 : i32 to vector<16xi32>
      %mul3A_268 = arith.muli %iota3A_265, %mul3A_267 : vector<16xi32>
      %get3A_269 = arith.constant 2 : i32
      %get3A_270 = arith.index_cast %get3A_269 : i32 to index
      %get3A_271 = arith.constant 0 : index
      %get3A_272 = tpu.vector_load %arg6[%get3A_270, %get3A_271] {strides = array<i32>} : memref<8x200xi32, #tpu.memory_space<vmem>>, vector<16xi32>,
      %ne3A_273 = arith.constant 0 : i32
      %ne3A_274 = vector.broadcast %ne3A_273 : i32 to vector<16xi32>
      %ne3A_275 = arith.cmpi ne, %get3A_272, %ne3A_274 : vector<16xi32>
      %all_reduce_population_count3A_276 = tpu.all_reduce %ne3A_275 {dim = 0 : i64, kind = #tpu.reduction_kind<sum>} : vector<16xi1> -> vector<16xi32>
      %add3A_277 = arith.addi %mul3A_268, %all_reduce_population_count3A_276 : vector<16xi32>
      %get3A_278 = arith.constant 2 : i32
      %get3A_279 = arith.index_cast %get3A_278 : i32 to index
      %get3A_280 = arith.constant 16 : index
      %get3A_281 = tpu.vector_load %arg6[%get3A_279, %get3A_280] {strides = array<i32>} : memref<8x200xi32, #tpu.memory_space<vmem>>, vector<16xi32>,
      %ne3A_282 = arith.constant 0 : i32
      %ne3A_283 = vector.broadcast %ne3A_282 : i32 to vector<16xi32>
      %ne3A_284 = arith.cmpi ne, %get3A_281, %ne3A_283 : vector<16xi32>
      %all_reduce_population_count3A_285 = tpu.all_reduce %ne3A_284 {dim = 0 : i64, kind = #tpu.reduction_kind<sum>} : vector<16xi1> -> vector<16xi32>
      %add3A_286 = arith.addi %add3A_277, %all_reduce_population_count3A_285 : vector<16xi32>
      %get3A_287 = arith.constant 2 : i32
      %get3A_288 = arith.index_cast %get3A_287 : i32 to index
      %get3A_289 = arith.constant 32 : index
      %get3A_290 = tpu.vector_load %arg6[%get3A_288, %get3A_289] {strides = array<i32>} : memref<8x200xi32, #tpu.memory_space<vmem>>, vector<16xi32>,
      %ne3A_291 = arith.constant 0 : i32
      %ne3A_292 = vector.broadcast %ne3A_291 : i32 to vector<16xi32>
      %ne3A_293 = arith.cmpi ne, %get3A_290, %ne3A_292 : vector<16xi32>
      %all_reduce_population_count3A_294 = tpu.all_reduce %ne3A_293 {dim = 0 : i64, kind = #tpu.reduction_kind<sum>} : vector<16xi1> -> vector<16xi32>
      %add3A_295 = arith.addi %add3A_286, %all_reduce_population_count3A_294 : vector<16xi32>
      %get3A_296 = arith.constant 2 : i32
      %get3A_297 = arith.index_cast %get3A_296 : i32 to index
      %get3A_298 = arith.constant 48 : index
      %get3A_299 = tpu.vector_load %arg6[%get3A_297, %get3A_298] {strides = array<i32>} : memref<8x200xi32, #tpu.memory_space<vmem>>, vector<16xi32>,
      %ne3A_300 = arith.constant 0 : i32
      %ne3A_301 = vector.broadcast %ne3A_300 : i32 to vector<16xi32>
      %ne3A_302 = arith.cmpi ne, %get3A_299, %ne3A_301 : vector<16xi32>
      %all_reduce_population_count3A_303 = tpu.all_reduce %ne3A_302 {dim = 0 : i64, kind = #tpu.reduction_kind<sum>} : vector<16xi1> -> vector<16xi32>
      %add3A_304 = arith.addi %add3A_295, %all_reduce_population_count3A_303 : vector<16xi32>
      %get3A_305 = arith.constant 2 : i32
      %get3A_306 = arith.index_cast %get3A_305 : i32 to index
      %get3A_307 = arith.constant 64 : index
      %get3A_308 = tpu.vector_load %arg6[%get3A_306, %get3A_307] {strides = array<i32>} : memref<8x200xi32, #tpu.memory_space<vmem>>, vector<16xi32>,
      %ne3A_309 = arith.constant 0 : i32
      %ne3A_310 = vector.broadcast %ne3A_309 : i32 to vector<16xi32>
      %ne3A_311 = arith.cmpi ne, %get3A_308, %ne3A_310 : vector<16xi32>
      %all_reduce_population_count3A_312 = tpu.all_reduce %ne3A_311 {dim = 0 : i64, kind = #tpu.reduction_kind<sum>} : vector<16xi1> -> vector<16xi32>
      %add3A_313 = arith.addi %add3A_304, %all_reduce_population_count3A_312 : vector<16xi32>
      %get3A_314 = arith.constant 2 : i32
      %get3A_315 = arith.index_cast %get3A_314 : i32 to index
      %get3A_316 = arith.constant 80 : index
      %get3A_317 = tpu.vector_load %arg6[%get3A_315, %get3A_316] {strides = array<i32>} : memref<8x200xi32, #tpu.memory_space<vmem>>, vector<16xi32>,
      %ne3A_318 = arith.constant 0 : i32
      %ne3A_319 = vector.broadcast %ne3A_318 : i32 to vector<16xi32>
      %ne3A_320 = arith.cmpi ne, %get3A_317, %ne3A_319 : vector<16xi32>
      %all_reduce_population_count3A_321 = tpu.all_reduce %ne3A_320 {dim = 0 : i64, kind = #tpu.reduction_kind<sum>} : vector<16xi1> -> vector<16xi32>
      %add3A_322 = arith.addi %add3A_313, %all_reduce_population_count3A_321 : vector<16xi32>
      %get3A_323 = arith.constant 2 : i32
      %get3A_324 = arith.index_cast %get3A_323 : i32 to index
      %get3A_325 = arith.constant 96 : index
      %get3A_326 = tpu.vector_load %arg6[%get3A_324, %get3A_325] {strides = array<i32>} : memref<8x200xi32, #tpu.memory_space<vmem>>, vector<16xi32>,
      %ne3A_327 = arith.constant 0 : i32
      %ne3A_328 = vector.broadcast %ne3A_327 : i32 to vector<16xi32>
      %ne3A_329 = arith.cmpi ne, %get3A_326, %ne3A_328 : vector<16xi32>
      %all_reduce_population_count3A_330 = tpu.all_reduce %ne3A_329 {dim = 0 : i64, kind = #tpu.reduction_kind<sum>} : vector<16xi1> -> vector<16xi32>
      %add3A_331 = arith.addi %add3A_322, %all_reduce_population_count3A_330 : vector<16xi32>
      %get3A_332 = arith.constant 2 : i32
      %get3A_333 = arith.index_cast %get3A_332 : i32 to index
      %get3A_334 = arith.constant 112 : index
      %get3A_335 = tpu.vector_load %arg6[%get3A_333, %get3A_334] {strides = array<i32>} : memref<8x200xi32, #tpu.memory_space<vmem>>, vector<16xi32>,
      %ne3A_336 = arith.constant 0 : i32
      %ne3A_337 = vector.broadcast %ne3A_336 : i32 to vector<16xi32>
      %ne3A_338 = arith.cmpi ne, %get3A_335, %ne3A_337 : vector<16xi32>
      %all_reduce_population_count3A_339 = tpu.all_reduce %ne3A_338 {dim = 0 : i64, kind = #tpu.reduction_kind<sum>} : vector<16xi1> -> vector<16xi32>
      %add3A_340 = arith.addi %add3A_331, %all_reduce_population_count3A_339 : vector<16xi32>
      %get3A_341 = arith.constant 2 : i32
      %get3A_342 = arith.index_cast %get3A_341 : i32 to index
      %get3A_343 = arith.constant 128 : index
      %get3A_344 = tpu.vector_load %arg6[%get3A_342, %get3A_343] {strides = array<i32>} : memref<8x200xi32, #tpu.memory_space<vmem>>, vector<16xi32>,
      %ne3A_345 = arith.constant 0 : i32
      %ne3A_346 = vector.broadcast %ne3A_345 : i32 to vector<16xi32>
      %ne3A_347 = arith.cmpi ne, %get3A_344, %ne3A_346 : vector<16xi32>
      %all_reduce_population_count3A_348 = tpu.all_reduce %ne3A_347 {dim = 0 : i64, kind = #tpu.reduction_kind<sum>} : vector<16xi1> -> vector<16xi32>
      %add3A_349 = arith.addi %add3A_340, %all_reduce_population_count3A_348 : vector<16xi32>
      %get3A_350 = arith.constant 2 : i32
      %get3A_351 = arith.index_cast %get3A_350 : i32 to index
      %get3A_352 = arith.constant 144 : index
      %get3A_353 = tpu.vector_load %arg6[%get3A_351, %get3A_352] {strides = array<i32>} : memref<8x200xi32, #tpu.memory_space<vmem>>, vector<16xi32>,
      %ne3A_354 = arith.constant 0 : i32
      %ne3A_355 = vector.broadcast %ne3A_354 : i32 to vector<16xi32>
      %ne3A_356 = arith.cmpi ne, %get3A_353, %ne3A_355 : vector<16xi32>
      %all_reduce_population_count3A_357 = tpu.all_reduce %ne3A_356 {dim = 0 : i64, kind = #tpu.reduction_kind<sum>} : vector<16xi1> -> vector<16xi32>
      %add3A_358 = arith.addi %add3A_349, %all_reduce_population_count3A_357 : vector<16xi32>
      %get3A_359 = arith.constant 2 : i32
      %get3A_360 = arith.index_cast %get3A_359 : i32 to index
      %get3A_361 = arith.constant 160 : index
      %get3A_362 = tpu.vector_load %arg6[%get3A_360, %get3A_361] {strides = array<i32>} : memref<8x200xi32, #tpu.memory_space<vmem>>, vector<16xi32>,
      %ne3A_363 = arith.constant 0 : i32
      %ne3A_364 = vector.broadcast %ne3A_363 : i32 to vector<16xi32>
      %ne3A_365 = arith.cmpi ne, %get3A_362, %ne3A_364 : vector<16xi32>
      %all_reduce_population_count3A_366 = tpu.all_reduce %ne3A_365 {dim = 0 : i64, kind = #tpu.reduction_kind<sum>} : vector<16xi1> -> vector<16xi32>
      %add3A_367 = arith.addi %add3A_358, %all_reduce_population_count3A_366 : vector<16xi32>
      %get3A_368 = arith.constant 2 : i32
      %get3A_369 = arith.index_cast %get3A_368 : i32 to index
      %get3A_370 = arith.constant 176 : index
      %get3A_371 = tpu.vector_load %arg6[%get3A_369, %get3A_370] {strides = array<i32>} : memref<8x200xi32, #tpu.memory_space<vmem>>, vector<16xi32>,
      %ne3A_372 = arith.constant 0 : i32
      %ne3A_373 = vector.broadcast %ne3A_372 : i32 to vector<16xi32>
      %ne3A_374 = arith.cmpi ne, %get3A_371, %ne3A_373 : vector<16xi32>
      %all_reduce_population_count3A_375 = tpu.all_reduce %ne3A_374 {dim = 0 : i64, kind = #tpu.reduction_kind<sum>} : vector<16xi1> -> vector<16xi32>
      %add3A_376 = arith.addi %add3A_367, %all_reduce_population_count3A_375 : vector<16xi32>
      %get3A_377 = arith.constant 2 : i32
      %get3A_378 = arith.index_cast %get3A_377 : i32 to index
      %get3A_379 = arith.constant 184 : index
      %get3A_380 = tpu.vector_load %arg6[%get3A_378, %get3A_379] {strides = array<i32>} : memref<8x200xi32, #tpu.memory_space<vmem>>, vector<16xi32>,
      %ne3A_381 = arith.constant 0 : i32
      %ne3A_382 = vector.broadcast %ne3A_381 : i32 to vector<16xi32>
      %ne3A_383 = arith.cmpi ne, %get3A_380, %ne3A_382 : vector<16xi32>
      %ge3A_384 = arith.constant 8 : i32
      %ge3A_385 = vector.broadcast %ge3A_384 : i32 to vector<16xi32>
      %ge3A_386 = arith.cmpi sge, %iota3A_265, %ge3A_385 : vector<16xi32>
      %and3A_387 = arith.andi %ne3A_383, %ge3A_386 : vector<16xi1>
      %all_reduce_population_count3A_388 = tpu.all_reduce %and3A_387 {dim = 0 : i64, kind = #tpu.reduction_kind<sum>} : vector<16xi1> -> vector<16xi32>
      %add3A_389 = arith.addi %add3A_376, %all_reduce_population_count3A_388 : vector<16xi32>
      %slice3A_390 = vector.extract_strided_slice %add3A_389 {offsets = [0], sizes = [1], strides = [1]} : vector<16xi32> to vector<1xi32>
      %squeeze3A_391 = vector.extract %slice3A_390[0] : i32 from vector<1xi32>
      %ne3A_392 = arith.constant 200 : i32
      %ne3A_393 = arith.cmpi ne, %squeeze3A_391, %ne3A_392 : i32
      %convert_element_type3A_394 = arith.extui %ne3A_393 : i1 to i32
      %cond3A_395 = arith.constant 0 : i32
      %cond3A_396 = arith.cmpi ne, %convert_element_type3A_394, %cond3A_395 : i32
      scf.if %cond3A_396 {
        %iota3A_1209 = tpu.iota {dimensions = array<i32: 0>} : vector<16xi32>
        %lt3A = arith.constant 8 : i32
        %lt3A_1210 = vector.broadcast %lt3A : i32 to vector<16xi32>
        %lt3A_1211 = arith.cmpi slt, %iota3A_1209, %lt3A_1210 : vector<16xi32>
        %mul3A_1212 = arith.constant 0 : i32
        %mul3A_1213 = vector.broadcast %mul3A_1212 : i32 to vector<16xi32>
        %mul3A_1214 = arith.muli %iota3A_1209, %mul3A_1213 : vector<16xi32>
        %mul3A_1215 = arith.constant 0 : i32
        %mul3A_1216 = vector.broadcast %mul3A_1215 : i32 to vector<16xi32>
        %mul3A_1217 = arith.muli %iota3A_1209, %mul3A_1216 : vector<16xi32>
        %get3A_1218 = arith.constant 2 : i32
        %get3A_1219 = arith.index_cast %get3A_1218 : i32 to index
        %get3A_1220 = arith.constant 0 : index
        %get3A_1221 = tpu.vector_load %arg6[%get3A_1219, %get3A_1220] {strides = array<i32>} : memref<8x200xi32, #tpu.memory_space<vmem>>, vector<16xi32>,
        %ne3A_1222 = arith.constant 0 : i32
        %ne3A_1223 = vector.broadcast %ne3A_1222 : i32 to vector<16xi32>
        %ne3A_1224 = arith.cmpi ne, %get3A_1221, %ne3A_1223 : vector<16xi32>
        %jit3A = arith.constant 1 : i32
        %jit3A_1225 = arith.constant 0 : i32
        %broadcast_in_dim3A = vector.broadcast %jit3A : i32 to vector<16xi32>
        %broadcast_in_dim3A_1226 = vector.broadcast %jit3A_1225 : i32 to vector<16xi32>
        %select_n3A = arith.select %ne3A_1224, %broadcast_in_dim3A, %broadcast_in_dim3A_1226 : vector<16xi1>, vector<16xi32>
        %broadcast_in_dim3A_1227 = arith.constant true
        %broadcast_in_dim3A_1228 = vector.broadcast %broadcast_in_dim3A_1227 : i1 to vector<16xi1>
        %masked_cumsum3A = tpu.scan <sum>, %select_n3A masked %broadcast_in_dim3A_1228 : vector<16xi32>, vector<16xi1> -> vector<16xi32>
        %add3A_1229 = arith.addi %masked_cumsum3A, %mul3A_1214 : vector<16xi32>
        %jit3A_1230 = arith.constant 0 : i32
        %broadcast_in_dim3A_1231 = vector.broadcast %jit3A_1230 : i32 to vector<16xi32>
        %select_n3A_1232 = arith.select %ne3A_1224, %add3A_1229, %broadcast_in_dim3A_1231 : vector<16xi1>, vector<16xi32>
        %swap3A = arith.constant 400 : index
        %swap3A_1233 = tpu.vector_load %arg7[%swap3A] {strides = array<i32>} : memref<1600xi32, #tpu.memory_space<vmem>>, vector<16xi32>,
        tpu.vector_store %arg7[%swap3A], %select_n3A_1232 {strides = array<i32>} : memref<1600xi32, #tpu.memory_space<vmem>>, vector<16xi32>,
        %all_reduce_population_count3A_1234 = tpu.all_reduce %ne3A_1224 {dim = 0 : i64, kind = #tpu.reduction_kind<sum>} : vector<16xi1> -> vector<16xi32>
        %add3A_1235 = arith.addi %mul3A_1214, %all_reduce_population_count3A_1234 : vector<16xi32>
        %get3A_1236 = arith.constant 2 : i32
        %get3A_1237 = arith.index_cast %get3A_1236 : i32 to index
        %get3A_1238 = arith.constant 16 : index
        %get3A_1239 = tpu.vector_load %arg6[%get3A_1237, %get3A_1238] {strides = array<i32>} : memref<8x200xi32, #tpu.memory_space<vmem>>, vector<16xi32>,
        %ne3A_1240 = arith.constant 0 : i32
        %ne3A_1241 = vector.broadcast %ne3A_1240 : i32 to vector<16xi32>
        %ne3A_1242 = arith.cmpi ne, %get3A_1239, %ne3A_1241 : vector<16xi32>
        %jit3A_1243 = arith.constant 1 : i32
        %jit3A_1244 = arith.constant 0 : i32
        %broadcast_in_dim3A_1245 = vector.broadcast %jit3A_1243 : i32 to vector<16xi32>
        %broadcast_in_dim3A_1246 = vector.broadcast %jit3A_1244 : i32 to vector<16xi32>
        %select_n3A_1247 = arith.select %ne3A_1242, %broadcast_in_dim3A_1245, %broadcast_in_dim3A_1246 : vector<16xi1>, vector<16xi32>
        %broadcast_in_dim3A_1248 = arith.constant true
        %broadcast_in_dim3A_1249 = vector.broadcast %broadcast_in_dim3A_1248 : i1 to vector<16xi1>
        %masked_cumsum3A_1250 = tpu.scan <sum>, %select_n3A_1247 masked %broadcast_in_dim3A_1249 : vector<16xi32>, vector<16xi1> -> vector<16xi32>
        %add3A_1251 = arith.addi %masked_cumsum3A_1250, %add3A_1235 : vector<16xi32>
        %jit3A_1252 = arith.constant 0 : i32
        %broadcast_in_dim3A_1253 = vector.broadcast %jit3A_1252 : i32 to vector<16xi32>
        %select_n3A_1254 = arith.select %ne3A_1242, %add3A_1251, %broadcast_in_dim3A_1253 : vector<16xi1>, vector<16xi32>
        %swap3A_1255 = arith.constant 416 : index
        %swap3A_1256 = tpu.vector_load %arg7[%swap3A_1255] {strides = array<i32>} : memref<1600xi32, #tpu.memory_space<vmem>>, vector<16xi32>,
        tpu.vector_store %arg7[%swap3A_1255], %select_n3A_1254 {strides = array<i32>} : memref<1600xi32, #tpu.memory_space<vmem>>, vector<16xi32>,
        %all_reduce_population_count3A_1257 = tpu.all_reduce %ne3A_1242 {dim = 0 : i64, kind = #tpu.reduction_kind<sum>} : vector<16xi1> -> vector<16xi32>
        %add3A_1258 = arith.addi %add3A_1235, %all_reduce_population_count3A_1257 : vector<16xi32>
        %get3A_1259 = arith.constant 2 : i32
        %get3A_1260 = arith.index_cast %get3A_1259 : i32 to index
        %get3A_1261 = arith.constant 32 : index
        %get3A_1262 = tpu.vector_load %arg6[%get3A_1260, %get3A_1261] {strides = array<i32>} : memref<8x200xi32, #tpu.memory_space<vmem>>, vector<16xi32>,
        %ne3A_1263 = arith.constant 0 : i32
        %ne3A_1264 = vector.broadcast %ne3A_1263 : i32 to vector<16xi32>
        %ne3A_1265 = arith.cmpi ne, %get3A_1262, %ne3A_1264 : vector<16xi32>
        %jit3A_1266 = arith.constant 1 : i32
        %jit3A_1267 = arith.constant 0 : i32
        %broadcast_in_dim3A_1268 = vector.broadcast %jit3A_1266 : i32 to vector<16xi32>
        %broadcast_in_dim3A_1269 = vector.broadcast %jit3A_1267 : i32 to vector<16xi32>
        %select_n3A_1270 = arith.select %ne3A_1265, %broadcast_in_dim3A_1268, %broadcast_in_dim3A_1269 : vector<16xi1>, vector<16xi32>
        %broadcast_in_dim3A_1271 = arith.constant true
        %broadcast_in_dim3A_1272 = vector.broadcast %broadcast_in_dim3A_1271 : i1 to vector<16xi1>
        %masked_cumsum3A_1273 = tpu.scan <sum>, %select_n3A_1270 masked %broadcast_in_dim3A_1272 : vector<16xi32>, vector<16xi1> -> vector<16xi32>
        %add3A_1274 = arith.addi %masked_cumsum3A_1273, %add3A_1258 : vector<16xi32>
        %jit3A_1275 = arith.constant 0 : i32
        %broadcast_in_dim3A_1276 = vector.broadcast %jit3A_1275 : i32 to vector<16xi32>
        %select_n3A_1277 = arith.select %ne3A_1265, %add3A_1274, %broadcast_in_dim3A_1276 : vector<16xi1>, vector<16xi32>
        %swap3A_1278 = arith.constant 432 : index
        %swap3A_1279 = tpu.vector_load %arg7[%swap3A_1278] {strides = array<i32>} : memref<1600xi32, #tpu.memory_space<vmem>>, vector<16xi32>,
        tpu.vector_store %arg7[%swap3A_1278], %select_n3A_1277 {strides = array<i32>} : memref<1600xi32, #tpu.memory_space<vmem>>, vector<16xi32>,
        %all_reduce_population_count3A_1280 = tpu.all_reduce %ne3A_1265 {dim = 0 : i64, kind = #tpu.reduction_kind<sum>} : vector<16xi1> -> vector<16xi32>
        %add3A_1281 = arith.addi %add3A_1258, %all_reduce_population_count3A_1280 : vector<16xi32>
        %get3A_1282 = arith.constant 2 : i32
        %get3A_1283 = arith.index_cast %get3A_1282 : i32 to index
        %get3A_1284 = arith.constant 48 : index
        %get3A_1285 = tpu.vector_load %arg6[%get3A_1283, %get3A_1284] {strides = array<i32>} : memref<8x200xi32, #tpu.memory_space<vmem>>, vector<16xi32>,
        %ne3A_1286 = arith.constant 0 : i32
        %ne3A_1287 = vector.broadcast %ne3A_1286 : i32 to vector<16xi32>
        %ne3A_1288 = arith.cmpi ne, %get3A_1285, %ne3A_1287 : vector<16xi32>
        %jit3A_1289 = arith.constant 1 : i32
        %jit3A_1290 = arith.constant 0 : i32
        %broadcast_in_dim3A_1291 = vector.broadcast %jit3A_1289 : i32 to vector<16xi32>
        %broadcast_in_dim3A_1292 = vector.broadcast %jit3A_1290 : i32 to vector<16xi32>
        %select_n3A_1293 = arith.select %ne3A_1288, %broadcast_in_dim3A_1291, %broadcast_in_dim3A_1292 : vector<16xi1>, vector<16xi32>
        %broadcast_in_dim3A_1294 = arith.constant true
        %broadcast_in_dim3A_1295 = vector.broadcast %broadcast_in_dim3A_1294 : i1 to vector<16xi1>
        %masked_cumsum3A_1296 = tpu.scan <sum>, %select_n3A_1293 masked %broadcast_in_dim3A_1295 : vector<16xi32>, vector<16xi1> -> vector<16xi32>
        %add3A_1297 = arith.addi %masked_cumsum3A_1296, %add3A_1281 : vector<16xi32>
        %jit3A_1298 = arith.constant 0 : i32
        %broadcast_in_dim3A_1299 = vector.broadcast %jit3A_1298 : i32 to vector<16xi32>
        %select_n3A_1300 = arith.select %ne3A_1288, %add3A_1297, %broadcast_in_dim3A_1299 : vector<16xi1>, vector<16xi32>
        %swap3A_1301 = arith.constant 448 : index
        %swap3A_1302 = tpu.vector_load %arg7[%swap3A_1301] {strides = array<i32>} : memref<1600xi32, #tpu.memory_space<vmem>>, vector<16xi32>,
        tpu.vector_store %arg7[%swap3A_1301], %select_n3A_1300 {strides = array<i32>} : memref<1600xi32, #tpu.memory_space<vmem>>, vector<16xi32>,
        %all_reduce_population_count3A_1303 = tpu.all_reduce %ne3A_1288 {dim = 0 : i64, kind = #tpu.reduction_kind<sum>} : vector<16xi1> -> vector<16xi32>
        %add3A_1304 = arith.addi %add3A_1281, %all_reduce_population_count3A_1303 : vector<16xi32>
        %get3A_1305 = arith.constant 2 : i32
        %get3A_1306 = arith.index_cast %get3A_1305 : i32 to index
        %get3A_1307 = arith.constant 64 : index
        %get3A_1308 = tpu.vector_load %arg6[%get3A_1306, %get3A_1307] {strides = array<i32>} : memref<8x200xi32, #tpu.memory_space<vmem>>, vector<16xi32>,
        %ne3A_1309 = arith.constant 0 : i32
        %ne3A_1310 = vector.broadcast %ne3A_1309 : i32 to vector<16xi32>
        %ne3A_1311 = arith.cmpi ne, %get3A_1308, %ne3A_1310 : vector<16xi32>
        %jit3A_1312 = arith.constant 1 : i32
        %jit3A_1313 = arith.constant 0 : i32
        %broadcast_in_dim3A_1314 = vector.broadcast %jit3A_1312 : i32 to vector<16xi32>
        %broadcast_in_dim3A_1315 = vector.broadcast %jit3A_1313 : i32 to vector<16xi32>
        %select_n3A_1316 = arith.select %ne3A_1311, %broadcast_in_dim3A_1314, %broadcast_in_dim3A_1315 : vector<16xi1>, vector<16xi32>
        %broadcast_in_dim3A_1317 = arith.constant true
        %broadcast_in_dim3A_1318 = vector.broadcast %broadcast_in_dim3A_1317 : i1 to vector<16xi1>
        %masked_cumsum3A_1319 = tpu.scan <sum>, %select_n3A_1316 masked %broadcast_in_dim3A_1318 : vector<16xi32>, vector<16xi1> -> vector<16xi32>
        %add3A_1320 = arith.addi %masked_cumsum3A_1319, %add3A_1304 : vector<16xi32>
        %jit3A_1321 = arith.constant 0 : i32
        %broadcast_in_dim3A_1322 = vector.broadcast %jit3A_1321 : i32 to vector<16xi32>
        %select_n3A_1323 = arith.select %ne3A_1311, %add3A_1320, %broadcast_in_dim3A_1322 : vector<16xi1>, vector<16xi32>
        %swap3A_1324 = arith.constant 464 : index
        %swap3A_1325 = tpu.vector_load %arg7[%swap3A_1324] {strides = array<i32>} : memref<1600xi32, #tpu.memory_space<vmem>>, vector<16xi32>,
        tpu.vector_store %arg7[%swap3A_1324], %select_n3A_1323 {strides = array<i32>} : memref<1600xi32, #tpu.memory_space<vmem>>, vector<16xi32>,
        %all_reduce_population_count3A_1326 = tpu.all_reduce %ne3A_1311 {dim = 0 : i64, kind = #tpu.reduction_kind<sum>} : vector<16xi1> -> vector<16xi32>
        %add3A_1327 = arith.addi %add3A_1304, %all_reduce_population_count3A_1326 : vector<16xi32>
        %get3A_1328 = arith.constant 2 : i32
        %get3A_1329 = arith.index_cast %get3A_1328 : i32 to index
        %get3A_1330 = arith.constant 80 : index
        %get3A_1331 = tpu.vector_load %arg6[%get3A_1329, %get3A_1330] {strides = array<i32>} : memref<8x200xi32, #tpu.memory_space<vmem>>, vector<16xi32>,
        %ne3A_1332 = arith.constant 0 : i32
        %ne3A_1333 = vector.broadcast %ne3A_1332 : i32 to vector<16xi32>
        %ne3A_1334 = arith.cmpi ne, %get3A_1331, %ne3A_1333 : vector<16xi32>
        %jit3A_1335 = arith.constant 1 : i32
        %jit3A_1336 = arith.constant 0 : i32
        %broadcast_in_dim3A_1337 = vector.broadcast %jit3A_1335 : i32 to vector<16xi32>
        %broadcast_in_dim3A_1338 = vector.broadcast %jit3A_1336 : i32 to vector<16xi32>
        %select_n3A_1339 = arith.select %ne3A_1334, %broadcast_in_dim3A_1337, %broadcast_in_dim3A_1338 : vector<16xi1>, vector<16xi32>
        %broadcast_in_dim3A_1340 = arith.constant true
        %broadcast_in_dim3A_1341 = vector.broadcast %broadcast_in_dim3A_1340 : i1 to vector<16xi1>
        %masked_cumsum3A_1342 = tpu.scan <sum>, %select_n3A_1339 masked %broadcast_in_dim3A_1341 : vector<16xi32>, vector<16xi1> -> vector<16xi32>
        %add3A_1343 = arith.addi %masked_cumsum3A_1342, %add3A_1327 : vector<16xi32>
        %jit3A_1344 = arith.constant 0 : i32
        %broadcast_in_dim3A_1345 = vector.broadcast %jit3A_1344 : i32 to vector<16xi32>
        %select_n3A_1346 = arith.select %ne3A_1334, %add3A_1343, %broadcast_in_dim3A_1345 : vector<16xi1>, vector<16xi32>
        %swap3A_1347 = arith.constant 480 : index
        %swap3A_1348 = tpu.vector_load %arg7[%swap3A_1347] {strides = array<i32>} : memref<1600xi32, #tpu.memory_space<vmem>>, vector<16xi32>,
        tpu.vector_store %arg7[%swap3A_1347], %select_n3A_1346 {strides = array<i32>} : memref<1600xi32, #tpu.memory_space<vmem>>, vector<16xi32>,
        %all_reduce_population_count3A_1349 = tpu.all_reduce %ne3A_1334 {dim = 0 : i64, kind = #tpu.reduction_kind<sum>} : vector<16xi1> -> vector<16xi32>
        %add3A_1350 = arith.addi %add3A_1327, %all_reduce_population_count3A_1349 : vector<16xi32>
        %get3A_1351 = arith.constant 2 : i32
        %get3A_1352 = arith.index_cast %get3A_1351 : i32 to index
        %get3A_1353 = arith.constant 96 : index
        %get3A_1354 = tpu.vector_load %arg6[%get3A_1352, %get3A_1353] {strides = array<i32>} : memref<8x200xi32, #tpu.memory_space<vmem>>, vector<16xi32>,
        %ne3A_1355 = arith.constant 0 : i32
        %ne3A_1356 = vector.broadcast %ne3A_1355 : i32 to vector<16xi32>
        %ne3A_1357 = arith.cmpi ne, %get3A_1354, %ne3A_1356 : vector<16xi32>
        %jit3A_1358 = arith.constant 1 : i32
        %jit3A_1359 = arith.constant 0 : i32
        %broadcast_in_dim3A_1360 = vector.broadcast %jit3A_1358 : i32 to vector<16xi32>
        %broadcast_in_dim3A_1361 = vector.broadcast %jit3A_1359 : i32 to vector<16xi32>
        %select_n3A_1362 = arith.select %ne3A_1357, %broadcast_in_dim3A_1360, %broadcast_in_dim3A_1361 : vector<16xi1>, vector<16xi32>
        %broadcast_in_dim3A_1363 = arith.constant true
        %broadcast_in_dim3A_1364 = vector.broadcast %broadcast_in_dim3A_1363 : i1 to vector<16xi1>
        %masked_cumsum3A_1365 = tpu.scan <sum>, %select_n3A_1362 masked %broadcast_in_dim3A_1364 : vector<16xi32>, vector<16xi1> -> vector<16xi32>
        %add3A_1366 = arith.addi %masked_cumsum3A_1365, %add3A_1350 : vector<16xi32>
        %jit3A_1367 = arith.constant 0 : i32
        %broadcast_in_dim3A_1368 = vector.broadcast %jit3A_1367 : i32 to vector<16xi32>
        %select_n3A_1369 = arith.select %ne3A_1357, %add3A_1366, %broadcast_in_dim3A_1368 : vector<16xi1>, vector<16xi32>
        %swap3A_1370 = arith.constant 496 : index
        %swap3A_1371 = tpu.vector_load %arg7[%swap3A_1370] {strides = array<i32>} : memref<1600xi32, #tpu.memory_space<vmem>>, vector<16xi32>,
        tpu.vector_store %arg7[%swap3A_1370], %select_n3A_1369 {strides = array<i32>} : memref<1600xi32, #tpu.memory_space<vmem>>, vector<16xi32>,
        %all_reduce_population_count3A_1372 = tpu.all_reduce %ne3A_1357 {dim = 0 : i64, kind = #tpu.reduction_kind<sum>} : vector<16xi1> -> vector<16xi32>
        %add3A_1373 = arith.addi %add3A_1350, %all_reduce_population_count3A_1372 : vector<16xi32>
        %get3A_1374 = arith.constant 2 : i32
        %get3A_1375 = arith.index_cast %get3A_1374 : i32 to index
        %get3A_1376 = arith.constant 112 : index
        %get3A_1377 = tpu.vector_load %arg6[%get3A_1375, %get3A_1376] {strides = array<i32>} : memref<8x200xi32, #tpu.memory_space<vmem>>, vector<16xi32>,
        %ne3A_1378 = arith.constant 0 : i32
        %ne3A_1379 = vector.broadcast %ne3A_1378 : i32 to vector<16xi32>
        %ne3A_1380 = arith.cmpi ne, %get3A_1377, %ne3A_1379 : vector<16xi32>
        %jit3A_1381 = arith.constant 1 : i32
        %jit3A_1382 = arith.constant 0 : i32
        %broadcast_in_dim3A_1383 = vector.broadcast %jit3A_1381 : i32 to vector<16xi32>
        %broadcast_in_dim3A_1384 = vector.broadcast %jit3A_1382 : i32 to vector<16xi32>
        %select_n3A_1385 = arith.select %ne3A_1380, %broadcast_in_dim3A_1383, %broadcast_in_dim3A_1384 : vector<16xi1>, vector<16xi32>
        %broadcast_in_dim3A_1386 = arith.constant true
        %broadcast_in_dim3A_1387 = vector.broadcast %broadcast_in_dim3A_1386 : i1 to vector<16xi1>
        %masked_cumsum3A_1388 = tpu.scan <sum>, %select_n3A_1385 masked %broadcast_in_dim3A_1387 : vector<16xi32>, vector<16xi1> -> vector<16xi32>
        %add3A_1389 = arith.addi %masked_cumsum3A_1388, %add3A_1373 : vector<16xi32>
        %jit3A_1390 = arith.constant 0 : i32
        %broadcast_in_dim3A_1391 = vector.broadcast %jit3A_1390 : i32 to vector<16xi32>
        %select_n3A_1392 = arith.select %ne3A_1380, %add3A_1389, %broadcast_in_dim3A_1391 : vector<16xi1>, vector<16xi32>
        %swap3A_1393 = arith.constant 512 : index
        %swap3A_1394 = tpu.vector_load %arg7[%swap3A_1393] {strides = array<i32>} : memref<1600xi32, #tpu.memory_space<vmem>>, vector<16xi32>,
        tpu.vector_store %arg7[%swap3A_1393], %select_n3A_1392 {strides = array<i32>} : memref<1600xi32, #tpu.memory_space<vmem>>, vector<16xi32>,
        %all_reduce_population_count3A_1395 = tpu.all_reduce %ne3A_1380 {dim = 0 : i64, kind = #tpu.reduction_kind<sum>} : vector<16xi1> -> vector<16xi32>
        %add3A_1396 = arith.addi %add3A_1373, %all_reduce_population_count3A_1395 : vector<16xi32>
        %get3A_1397 = arith.constant 2 : i32
        %get3A_1398 = arith.index_cast %get3A_1397 : i32 to index
        %get3A_1399 = arith.constant 128 : index
        %get3A_1400 = tpu.vector_load %arg6[%get3A_1398, %get3A_1399] {strides = array<i32>} : memref<8x200xi32, #tpu.memory_space<vmem>>, vector<16xi32>,
        %ne3A_1401 = arith.constant 0 : i32
        %ne3A_1402 = vector.broadcast %ne3A_1401 : i32 to vector<16xi32>
        %ne3A_1403 = arith.cmpi ne, %get3A_1400, %ne3A_1402 : vector<16xi32>
        %jit3A_1404 = arith.constant 1 : i32
        %jit3A_1405 = arith.constant 0 : i32
        %broadcast_in_dim3A_1406 = vector.broadcast %jit3A_1404 : i32 to vector<16xi32>
        %broadcast_in_dim3A_1407 = vector.broadcast %jit3A_1405 : i32 to vector<16xi32>
        %select_n3A_1408 = arith.select %ne3A_1403, %broadcast_in_dim3A_1406, %broadcast_in_dim3A_1407 : vector<16xi1>, vector<16xi32>
        %broadcast_in_dim3A_1409 = arith.constant true
        %broadcast_in_dim3A_1410 = vector.broadcast %broadcast_in_dim3A_1409 : i1 to vector<16xi1>
        %masked_cumsum3A_1411 = tpu.scan <sum>, %select_n3A_1408 masked %broadcast_in_dim3A_1410 : vector<16xi32>, vector<16xi1> -> vector<16xi32>
        %add3A_1412 = arith.addi %masked_cumsum3A_1411, %add3A_1396 : vector<16xi32>
        %jit3A_1413 = arith.constant 0 : i32
        %broadcast_in_dim3A_1414 = vector.broadcast %jit3A_1413 : i32 to vector<16xi32>
        %select_n3A_1415 = arith.select %ne3A_1403, %add3A_1412, %broadcast_in_dim3A_1414 : vector<16xi1>, vector<16xi32>
        %swap3A_1416 = arith.constant 528 : index
        %swap3A_1417 = tpu.vector_load %arg7[%swap3A_1416] {strides = array<i32>} : memref<1600xi32, #tpu.memory_space<vmem>>, vector<16xi32>,
        tpu.vector_store %arg7[%swap3A_1416], %select_n3A_1415 {strides = array<i32>} : memref<1600xi32, #tpu.memory_space<vmem>>, vector<16xi32>,
        %all_reduce_population_count3A_1418 = tpu.all_reduce %ne3A_1403 {dim = 0 : i64, kind = #tpu.reduction_kind<sum>} : vector<16xi1> -> vector<16xi32>
        %add3A_1419 = arith.addi %add3A_1396, %all_reduce_population_count3A_1418 : vector<16xi32>
        %get3A_1420 = arith.constant 2 : i32
        %get3A_1421 = arith.index_cast %get3A_1420 : i32 to index
        %get3A_1422 = arith.constant 144 : index
        %get3A_1423 = tpu.vector_load %arg6[%get3A_1421, %get3A_1422] {strides = array<i32>} : memref<8x200xi32, #tpu.memory_space<vmem>>, vector<16xi32>,
        %ne3A_1424 = arith.constant 0 : i32
        %ne3A_1425 = vector.broadcast %ne3A_1424 : i32 to vector<16xi32>
        %ne3A_1426 = arith.cmpi ne, %get3A_1423, %ne3A_1425 : vector<16xi32>
        %jit3A_1427 = arith.constant 1 : i32
        %jit3A_1428 = arith.constant 0 : i32
        %broadcast_in_dim3A_1429 = vector.broadcast %jit3A_1427 : i32 to vector<16xi32>
        %broadcast_in_dim3A_1430 = vector.broadcast %jit3A_1428 : i32 to vector<16xi32>
        %select_n3A_1431 = arith.select %ne3A_1426, %broadcast_in_dim3A_1429, %broadcast_in_dim3A_1430 : vector<16xi1>, vector<16xi32>
        %broadcast_in_dim3A_1432 = arith.constant true
        %broadcast_in_dim3A_1433 = vector.broadcast %broadcast_in_dim3A_1432 : i1 to vector<16xi1>
        %masked_cumsum3A_1434 = tpu.scan <sum>, %select_n3A_1431 masked %broadcast_in_dim3A_1433 : vector<16xi32>, vector<16xi1> -> vector<16xi32>
        %add3A_1435 = arith.addi %masked_cumsum3A_1434, %add3A_1419 : vector<16xi32>
        %jit3A_1436 = arith.constant 0 : i32
        %broadcast_in_dim3A_1437 = vector.broadcast %jit3A_1436 : i32 to vector<16xi32>
        %select_n3A_1438 = arith.select %ne3A_1426, %add3A_1435, %broadcast_in_dim3A_1437 : vector<16xi1>, vector<16xi32>
        %swap3A_1439 = arith.constant 544 : index
        %swap3A_1440 = tpu.vector_load %arg7[%swap3A_1439] {strides = array<i32>} : memref<1600xi32, #tpu.memory_space<vmem>>, vector<16xi32>,
        tpu.vector_store %arg7[%swap3A_1439], %select_n3A_1438 {strides = array<i32>} : memref<1600xi32, #tpu.memory_space<vmem>>, vector<16xi32>,
        %all_reduce_population_count3A_1441 = tpu.all_reduce %ne3A_1426 {dim = 0 : i64, kind = #tpu.reduction_kind<sum>} : vector<16xi1> -> vector<16xi32>
        %add3A_1442 = arith.addi %add3A_1419, %all_reduce_population_count3A_1441 : vector<16xi32>
        %get3A_1443 = arith.constant 2 : i32
        %get3A_1444 = arith.index_cast %get3A_1443 : i32 to index
        %get3A_1445 = arith.constant 160 : index
        %get3A_1446 = tpu.vector_load %arg6[%get3A_1444, %get3A_1445] {strides = array<i32>} : memref<8x200xi32, #tpu.memory_space<vmem>>, vector<16xi32>,
        %ne3A_1447 = arith.constant 0 : i32
        %ne3A_1448 = vector.broadcast %ne3A_1447 : i32 to vector<16xi32>
        %ne3A_1449 = arith.cmpi ne, %get3A_1446, %ne3A_1448 : vector<16xi32>
        %jit3A_1450 = arith.constant 1 : i32
        %jit3A_1451 = arith.constant 0 : i32
        %broadcast_in_dim3A_1452 = vector.broadcast %jit3A_1450 : i32 to vector<16xi32>
        %broadcast_in_dim3A_1453 = vector.broadcast %jit3A_1451 : i32 to vector<16xi32>
        %select_n3A_1454 = arith.select %ne3A_1449, %broadcast_in_dim3A_1452, %broadcast_in_dim3A_1453 : vector<16xi1>, vector<16xi32>
        %broadcast_in_dim3A_1455 = arith.constant true
        %broadcast_in_dim3A_1456 = vector.broadcast %broadcast_in_dim3A_1455 : i1 to vector<16xi1>
        %masked_cumsum3A_1457 = tpu.scan <sum>, %select_n3A_1454 masked %broadcast_in_dim3A_1456 : vector<16xi32>, vector<16xi1> -> vector<16xi32>
        %add3A_1458 = arith.addi %masked_cumsum3A_1457, %add3A_1442 : vector<16xi32>
        %jit3A_1459 = arith.constant 0 : i32
        %broadcast_in_dim3A_1460 = vector.broadcast %jit3A_1459 : i32 to vector<16xi32>
        %select_n3A_1461 = arith.select %ne3A_1449, %add3A_1458, %broadcast_in_dim3A_1460 : vector<16xi1>, vector<16xi32>
        %swap3A_1462 = arith.constant 560 : index
        %swap3A_1463 = tpu.vector_load %arg7[%swap3A_1462] {strides = array<i32>} : memref<1600xi32, #tpu.memory_space<vmem>>, vector<16xi32>,
        tpu.vector_store %arg7[%swap3A_1462], %select_n3A_1461 {strides = array<i32>} : memref<1600xi32, #tpu.memory_space<vmem>>, vector<16xi32>,
        %all_reduce_population_count3A_1464 = tpu.all_reduce %ne3A_1449 {dim = 0 : i64, kind = #tpu.reduction_kind<sum>} : vector<16xi1> -> vector<16xi32>
        %add3A_1465 = arith.addi %add3A_1442, %all_reduce_population_count3A_1464 : vector<16xi32>
        %get3A_1466 = arith.constant 2 : i32
        %get3A_1467 = arith.index_cast %get3A_1466 : i32 to index
        %get3A_1468 = arith.constant 176 : index
        %get3A_1469 = tpu.vector_load %arg6[%get3A_1467, %get3A_1468] {strides = array<i32>} : memref<8x200xi32, #tpu.memory_space<vmem>>, vector<16xi32>,
        %ne3A_1470 = arith.constant 0 : i32
        %ne3A_1471 = vector.broadcast %ne3A_1470 : i32 to vector<16xi32>
        %ne3A_1472 = arith.cmpi ne, %get3A_1469, %ne3A_1471 : vector<16xi32>
        %jit3A_1473 = arith.constant 1 : i32
        %jit3A_1474 = arith.constant 0 : i32
        %broadcast_in_dim3A_1475 = vector.broadcast %jit3A_1473 : i32 to vector<16xi32>
        %broadcast_in_dim3A_1476 = vector.broadcast %jit3A_1474 : i32 to vector<16xi32>
        %select_n3A_1477 = arith.select %ne3A_1472, %broadcast_in_dim3A_1475, %broadcast_in_dim3A_1476 : vector<16xi1>, vector<16xi32>
        %broadcast_in_dim3A_1478 = arith.constant true
        %broadcast_in_dim3A_1479 = vector.broadcast %broadcast_in_dim3A_1478 : i1 to vector<16xi1>
        %masked_cumsum3A_1480 = tpu.scan <sum>, %select_n3A_1477 masked %broadcast_in_dim3A_1479 : vector<16xi32>, vector<16xi1> -> vector<16xi32>
        %add3A_1481 = arith.addi %masked_cumsum3A_1480, %add3A_1465 : vector<16xi32>
        %jit3A_1482 = arith.constant 0 : i32
        %broadcast_in_dim3A_1483 = vector.broadcast %jit3A_1482 : i32 to vector<16xi32>
        %select_n3A_1484 = arith.select %ne3A_1472, %add3A_1481, %broadcast_in_dim3A_1483 : vector<16xi1>, vector<16xi32>
        %swap3A_1485 = arith.constant 576 : index
        %swap3A_1486 = tpu.vector_load %arg7[%swap3A_1485] {strides = array<i32>} : memref<1600xi32, #tpu.memory_space<vmem>>, vector<16xi32>,
        tpu.vector_store %arg7[%swap3A_1485], %select_n3A_1484 {strides = array<i32>} : memref<1600xi32, #tpu.memory_space<vmem>>, vector<16xi32>,
        %and3A_1487 = arith.andi %ne3A_1472, %lt3A_1211 : vector<16xi1>
        %all_reduce_population_count3A_1488 = tpu.all_reduce %and3A_1487 {dim = 0 : i64, kind = #tpu.reduction_kind<sum>} : vector<16xi1> -> vector<16xi32>
        %add3A_1489 = arith.addi %add3A_1465, %all_reduce_population_count3A_1488 : vector<16xi32>
        %all_reduce_population_count3A_1490 = tpu.all_reduce %ne3A_1472 {dim = 0 : i64, kind = #tpu.reduction_kind<sum>} : vector<16xi1> -> vector<16xi32>
        %add3A_1491 = arith.addi %add3A_1465, %all_reduce_population_count3A_1490 : vector<16xi32>
        %get3A_1492 = arith.constant 2 : i32
        %get3A_1493 = arith.index_cast %get3A_1492 : i32 to index
        %get3A_1494 = arith.constant 184 : index
        %get3A_1495 = tpu.vector_load %arg6[%get3A_1493, %get3A_1494] {strides = array<i32>} : memref<8x200xi32, #tpu.memory_space<vmem>>, vector<16xi32>,
        %ne3A_1496 = arith.constant 0 : i32
        %ne3A_1497 = vector.broadcast %ne3A_1496 : i32 to vector<16xi32>
        %ne3A_1498 = arith.cmpi ne, %get3A_1495, %ne3A_1497 : vector<16xi32>
        %jit3A_1499 = arith.constant 1 : i32
        %jit3A_1500 = arith.constant 0 : i32
        %broadcast_in_dim3A_1501 = vector.broadcast %jit3A_1499 : i32 to vector<16xi32>
        %broadcast_in_dim3A_1502 = vector.broadcast %jit3A_1500 : i32 to vector<16xi32>
        %select_n3A_1503 = arith.select %ne3A_1498, %broadcast_in_dim3A_1501, %broadcast_in_dim3A_1502 : vector<16xi1>, vector<16xi32>
        %broadcast_in_dim3A_1504 = arith.constant true
        %broadcast_in_dim3A_1505 = vector.broadcast %broadcast_in_dim3A_1504 : i1 to vector<16xi1>
        %masked_cumsum3A_1506 = tpu.scan <sum>, %select_n3A_1503 masked %broadcast_in_dim3A_1505 : vector<16xi32>, vector<16xi1> -> vector<16xi32>
        %add3A_1507 = arith.addi %masked_cumsum3A_1506, %add3A_1489 : vector<16xi32>
        %jit3A_1508 = arith.constant 0 : i32
        %broadcast_in_dim3A_1509 = vector.broadcast %jit3A_1508 : i32 to vector<16xi32>
        %select_n3A_1510 = arith.select %ne3A_1498, %add3A_1507, %broadcast_in_dim3A_1509 : vector<16xi1>, vector<16xi32>
        %swap3A_1511 = arith.constant 584 : index
        %swap3A_1512 = tpu.vector_load %arg7[%swap3A_1511] {strides = array<i32>} : memref<1600xi32, #tpu.memory_space<vmem>>, vector<16xi32>,
        tpu.vector_store %arg7[%swap3A_1511], %select_n3A_1510 {strides = array<i32>} : memref<1600xi32, #tpu.memory_space<vmem>>, vector<16xi32>,
      } else {
      }
      %iota3A_397 = tpu.iota {dimensions = array<i32: 0>} : vector<16xi32>
      %mul3A_398 = arith.constant 0 : i32
      %mul3A_399 = vector.broadcast %mul3A_398 : i32 to vector<16xi32>
      %mul3A_400 = arith.muli %iota3A_397, %mul3A_399 : vector<16xi32>
      %get3A_401 = arith.constant 3 : i32
      %get3A_402 = arith.index_cast %get3A_401 : i32 to index
      %get3A_403 = arith.constant 0 : index
      %get3A_404 = tpu.vector_load %arg6[%get3A_402, %get3A_403] {strides = array<i32>} : memref<8x200xi32, #tpu.memory_space<vmem>>, vector<16xi32>,
      %ne3A_405 = arith.constant 0 : i32
      %ne3A_406 = vector.broadcast %ne3A_405 : i32 to vector<16xi32>
      %ne3A_407 = arith.cmpi ne, %get3A_404, %ne3A_406 : vector<16xi32>
      %all_reduce_population_count3A_408 = tpu.all_reduce %ne3A_407 {dim = 0 : i64, kind = #tpu.reduction_kind<sum>} : vector<16xi1> -> vector<16xi32>
      %add3A_409 = arith.addi %mul3A_400, %all_reduce_population_count3A_408 : vector<16xi32>
      %get3A_410 = arith.constant 3 : i32
      %get3A_411 = arith.index_cast %get3A_410 : i32 to index
      %get3A_412 = arith.constant 16 : index
      %get3A_413 = tpu.vector_load %arg6[%get3A_411, %get3A_412] {strides = array<i32>} : memref<8x200xi32, #tpu.memory_space<vmem>>, vector<16xi32>,
      %ne3A_414 = arith.constant 0 : i32
      %ne3A_415 = vector.broadcast %ne3A_414 : i32 to vector<16xi32>
      %ne3A_416 = arith.cmpi ne, %get3A_413, %ne3A_415 : vector<16xi32>
      %all_reduce_population_count3A_417 = tpu.all_reduce %ne3A_416 {dim = 0 : i64, kind = #tpu.reduction_kind<sum>} : vector<16xi1> -> vector<16xi32>
      %add3A_418 = arith.addi %add3A_409, %all_reduce_population_count3A_417 : vector<16xi32>
      %get3A_419 = arith.constant 3 : i32
      %get3A_420 = arith.index_cast %get3A_419 : i32 to index
      %get3A_421 = arith.constant 32 : index
      %get3A_422 = tpu.vector_load %arg6[%get3A_420, %get3A_421] {strides = array<i32>} : memref<8x200xi32, #tpu.memory_space<vmem>>, vector<16xi32>,
      %ne3A_423 = arith.constant 0 : i32
      %ne3A_424 = vector.broadcast %ne3A_423 : i32 to vector<16xi32>
      %ne3A_425 = arith.cmpi ne, %get3A_422, %ne3A_424 : vector<16xi32>
      %all_reduce_population_count3A_426 = tpu.all_reduce %ne3A_425 {dim = 0 : i64, kind = #tpu.reduction_kind<sum>} : vector<16xi1> -> vector<16xi32>
      %add3A_427 = arith.addi %add3A_418, %all_reduce_population_count3A_426 : vector<16xi32>
      %get3A_428 = arith.constant 3 : i32
      %get3A_429 = arith.index_cast %get3A_428 : i32 to index
      %get3A_430 = arith.constant 48 : index
      %get3A_431 = tpu.vector_load %arg6[%get3A_429, %get3A_430] {strides = array<i32>} : memref<8x200xi32, #tpu.memory_space<vmem>>, vector<16xi32>,
      %ne3A_432 = arith.constant 0 : i32
      %ne3A_433 = vector.broadcast %ne3A_432 : i32 to vector<16xi32>
      %ne3A_434 = arith.cmpi ne, %get3A_431, %ne3A_433 : vector<16xi32>
      %all_reduce_population_count3A_435 = tpu.all_reduce %ne3A_434 {dim = 0 : i64, kind = #tpu.reduction_kind<sum>} : vector<16xi1> -> vector<16xi32>
      %add3A_436 = arith.addi %add3A_427, %all_reduce_population_count3A_435 : vector<16xi32>
      %get3A_437 = arith.constant 3 : i32
      %get3A_438 = arith.index_cast %get3A_437 : i32 to index
      %get3A_439 = arith.constant 64 : index
      %get3A_440 = tpu.vector_load %arg6[%get3A_438, %get3A_439] {strides = array<i32>} : memref<8x200xi32, #tpu.memory_space<vmem>>, vector<16xi32>,
      %ne3A_441 = arith.constant 0 : i32
      %ne3A_442 = vector.broadcast %ne3A_441 : i32 to vector<16xi32>
      %ne3A_443 = arith.cmpi ne, %get3A_440, %ne3A_442 : vector<16xi32>
      %all_reduce_population_count3A_444 = tpu.all_reduce %ne3A_443 {dim = 0 : i64, kind = #tpu.reduction_kind<sum>} : vector<16xi1> -> vector<16xi32>
      %add3A_445 = arith.addi %add3A_436, %all_reduce_population_count3A_444 : vector<16xi32>
      %get3A_446 = arith.constant 3 : i32
      %get3A_447 = arith.index_cast %get3A_446 : i32 to index
      %get3A_448 = arith.constant 80 : index
      %get3A_449 = tpu.vector_load %arg6[%get3A_447, %get3A_448] {strides = array<i32>} : memref<8x200xi32, #tpu.memory_space<vmem>>, vector<16xi32>,
      %ne3A_450 = arith.constant 0 : i32
      %ne3A_451 = vector.broadcast %ne3A_450 : i32 to vector<16xi32>
      %ne3A_452 = arith.cmpi ne, %get3A_449, %ne3A_451 : vector<16xi32>
      %all_reduce_population_count3A_453 = tpu.all_reduce %ne3A_452 {dim = 0 : i64, kind = #tpu.reduction_kind<sum>} : vector<16xi1> -> vector<16xi32>
      %add3A_454 = arith.addi %add3A_445, %all_reduce_population_count3A_453 : vector<16xi32>
      %get3A_455 = arith.constant 3 : i32
      %get3A_456 = arith.index_cast %get3A_455 : i32 to index
      %get3A_457 = arith.constant 96 : index
      %get3A_458 = tpu.vector_load %arg6[%get3A_456, %get3A_457] {strides = array<i32>} : memref<8x200xi32, #tpu.memory_space<vmem>>, vector<16xi32>,
      %ne3A_459 = arith.constant 0 : i32
      %ne3A_460 = vector.broadcast %ne3A_459 : i32 to vector<16xi32>
      %ne3A_461 = arith.cmpi ne, %get3A_458, %ne3A_460 : vector<16xi32>
      %all_reduce_population_count3A_462 = tpu.all_reduce %ne3A_461 {dim = 0 : i64, kind = #tpu.reduction_kind<sum>} : vector<16xi1> -> vector<16xi32>
      %add3A_463 = arith.addi %add3A_454, %all_reduce_population_count3A_462 : vector<16xi32>
      %get3A_464 = arith.constant 3 : i32
      %get3A_465 = arith.index_cast %get3A_464 : i32 to index
      %get3A_466 = arith.constant 112 : index
      %get3A_467 = tpu.vector_load %arg6[%get3A_465, %get3A_466] {strides = array<i32>} : memref<8x200xi32, #tpu.memory_space<vmem>>, vector<16xi32>,
      %ne3A_468 = arith.constant 0 : i32
      %ne3A_469 = vector.broadcast %ne3A_468 : i32 to vector<16xi32>
      %ne3A_470 = arith.cmpi ne, %get3A_467, %ne3A_469 : vector<16xi32>
      %all_reduce_population_count3A_471 = tpu.all_reduce %ne3A_470 {dim = 0 : i64, kind = #tpu.reduction_kind<sum>} : vector<16xi1> -> vector<16xi32>
      %add3A_472 = arith.addi %add3A_463, %all_reduce_population_count3A_471 : vector<16xi32>
      %get3A_473 = arith.constant 3 : i32
      %get3A_474 = arith.index_cast %get3A_473 : i32 to index
      %get3A_475 = arith.constant 128 : index
      %get3A_476 = tpu.vector_load %arg6[%get3A_474, %get3A_475] {strides = array<i32>} : memref<8x200xi32, #tpu.memory_space<vmem>>, vector<16xi32>,
      %ne3A_477 = arith.constant 0 : i32
      %ne3A_478 = vector.broadcast %ne3A_477 : i32 to vector<16xi32>
      %ne3A_479 = arith.cmpi ne, %get3A_476, %ne3A_478 : vector<16xi32>
      %all_reduce_population_count3A_480 = tpu.all_reduce %ne3A_479 {dim = 0 : i64, kind = #tpu.reduction_kind<sum>} : vector<16xi1> -> vector<16xi32>
      %add3A_481 = arith.addi %add3A_472, %all_reduce_population_count3A_480 : vector<16xi32>
      %get3A_482 = arith.constant 3 : i32
      %get3A_483 = arith.index_cast %get3A_482 : i32 to index
      %get3A_484 = arith.constant 144 : index
      %get3A_485 = tpu.vector_load %arg6[%get3A_483, %get3A_484] {strides = array<i32>} : memref<8x200xi32, #tpu.memory_space<vmem>>, vector<16xi32>,
      %ne3A_486 = arith.constant 0 : i32
      %ne3A_487 = vector.broadcast %ne3A_486 : i32 to vector<16xi32>
      %ne3A_488 = arith.cmpi ne, %get3A_485, %ne3A_487 : vector<16xi32>
      %all_reduce_population_count3A_489 = tpu.all_reduce %ne3A_488 {dim = 0 : i64, kind = #tpu.reduction_kind<sum>} : vector<16xi1> -> vector<16xi32>
      %add3A_490 = arith.addi %add3A_481, %all_reduce_population_count3A_489 : vector<16xi32>
      %get3A_491 = arith.constant 3 : i32
      %get3A_492 = arith.index_cast %get3A_491 : i32 to index
      %get3A_493 = arith.constant 160 : index
      %get3A_494 = tpu.vector_load %arg6[%get3A_492, %get3A_493] {strides = array<i32>} : memref<8x200xi32, #tpu.memory_space<vmem>>, vector<16xi32>,
      %ne3A_495 = arith.constant 0 : i32
      %ne3A_496 = vector.broadcast %ne3A_495 : i32 to vector<16xi32>
      %ne3A_497 = arith.cmpi ne, %get3A_494, %ne3A_496 : vector<16xi32>
      %all_reduce_population_count3A_498 = tpu.all_reduce %ne3A_497 {dim = 0 : i64, kind = #tpu.reduction_kind<sum>} : vector<16xi1> -> vector<16xi32>
      %add3A_499 = arith.addi %add3A_490, %all_reduce_population_count3A_498 : vector<16xi32>
      %get3A_500 = arith.constant 3 : i32
      %get3A_501 = arith.index_cast %get3A_500 : i32 to index
      %get3A_502 = arith.constant 176 : index
      %get3A_503 = tpu.vector_load %arg6[%get3A_501, %get3A_502] {strides = array<i32>} : memref<8x200xi32, #tpu.memory_space<vmem>>, vector<16xi32>,
      %ne3A_504 = arith.constant 0 : i32
      %ne3A_505 = vector.broadcast %ne3A_504 : i32 to vector<16xi32>
      %ne3A_506 = arith.cmpi ne, %get3A_503, %ne3A_505 : vector<16xi32>
      %all_reduce_population_count3A_507 = tpu.all_reduce %ne3A_506 {dim = 0 : i64, kind = #tpu.reduction_kind<sum>} : vector<16xi1> -> vector<16xi32>
      %add3A_508 = arith.addi %add3A_499, %all_reduce_population_count3A_507 : vector<16xi32>
      %get3A_509 = arith.constant 3 : i32
      %get3A_510 = arith.index_cast %get3A_509 : i32 to index
      %get3A_511 = arith.constant 184 : index
      %get3A_512 = tpu.vector_load %arg6[%get3A_510, %get3A_511] {strides = array<i32>} : memref<8x200xi32, #tpu.memory_space<vmem>>, vector<16xi32>,
      %ne3A_513 = arith.constant 0 : i32
      %ne3A_514 = vector.broadcast %ne3A_513 : i32 to vector<16xi32>
      %ne3A_515 = arith.cmpi ne, %get3A_512, %ne3A_514 : vector<16xi32>
      %ge3A_516 = arith.constant 8 : i32
      %ge3A_517 = vector.broadcast %ge3A_516 : i32 to vector<16xi32>
      %ge3A_518 = arith.cmpi sge, %iota3A_397, %ge3A_517 : vector<16xi32>
      %and3A_519 = arith.andi %ne3A_515, %ge3A_518 : vector<16xi1>
      %all_reduce_population_count3A_520 = tpu.all_reduce %and3A_519 {dim = 0 : i64, kind = #tpu.reduction_kind<sum>} : vector<16xi1> -> vector<16xi32>
      %add3A_521 = arith.addi %add3A_508, %all_reduce_population_count3A_520 : vector<16xi32>
      %slice3A_522 = vector.extract_strided_slice %add3A_521 {offsets = [0], sizes = [1], strides = [1]} : vector<16xi32> to vector<1xi32>
      %squeeze3A_523 = vector.extract %slice3A_522[0] : i32 from vector<1xi32>
      %ne3A_524 = arith.constant 200 : i32
      %ne3A_525 = arith.cmpi ne, %squeeze3A_523, %ne3A_524 : i32
      %convert_element_type3A_526 = arith.extui %ne3A_525 : i1 to i32
      %cond3A_527 = arith.constant 0 : i32
      %cond3A_528 = arith.cmpi ne, %convert_element_type3A_526, %cond3A_527 : i32
      scf.if %cond3A_528 {
        %iota3A_1209 = tpu.iota {dimensions = array<i32: 0>} : vector<16xi32>
        %lt3A = arith.constant 8 : i32
        %lt3A_1210 = vector.broadcast %lt3A : i32 to vector<16xi32>
        %lt3A_1211 = arith.cmpi slt, %iota3A_1209, %lt3A_1210 : vector<16xi32>
        %mul3A_1212 = arith.constant 0 : i32
        %mul3A_1213 = vector.broadcast %mul3A_1212 : i32 to vector<16xi32>
        %mul3A_1214 = arith.muli %iota3A_1209, %mul3A_1213 : vector<16xi32>
        %mul3A_1215 = arith.constant 0 : i32
        %mul3A_1216 = vector.broadcast %mul3A_1215 : i32 to vector<16xi32>
        %mul3A_1217 = arith.muli %iota3A_1209, %mul3A_1216 : vector<16xi32>
        %get3A_1218 = arith.constant 3 : i32
        %get3A_1219 = arith.index_cast %get3A_1218 : i32 to index
        %get3A_1220 = arith.constant 0 : index
        %get3A_1221 = tpu.vector_load %arg6[%get3A_1219, %get3A_1220] {strides = array<i32>} : memref<8x200xi32, #tpu.memory_space<vmem>>, vector<16xi32>,
        %ne3A_1222 = arith.constant 0 : i32
        %ne3A_1223 = vector.broadcast %ne3A_1222 : i32 to vector<16xi32>
        %ne3A_1224 = arith.cmpi ne, %get3A_1221, %ne3A_1223 : vector<16xi32>
        %jit3A = arith.constant 1 : i32
        %jit3A_1225 = arith.constant 0 : i32
        %broadcast_in_dim3A = vector.broadcast %jit3A : i32 to vector<16xi32>
        %broadcast_in_dim3A_1226 = vector.broadcast %jit3A_1225 : i32 to vector<16xi32>
        %select_n3A = arith.select %ne3A_1224, %broadcast_in_dim3A, %broadcast_in_dim3A_1226 : vector<16xi1>, vector<16xi32>
        %broadcast_in_dim3A_1227 = arith.constant true
        %broadcast_in_dim3A_1228 = vector.broadcast %broadcast_in_dim3A_1227 : i1 to vector<16xi1>
        %masked_cumsum3A = tpu.scan <sum>, %select_n3A masked %broadcast_in_dim3A_1228 : vector<16xi32>, vector<16xi1> -> vector<16xi32>
        %add3A_1229 = arith.addi %masked_cumsum3A, %mul3A_1214 : vector<16xi32>
        %jit3A_1230 = arith.constant 0 : i32
        %broadcast_in_dim3A_1231 = vector.broadcast %jit3A_1230 : i32 to vector<16xi32>
        %select_n3A_1232 = arith.select %ne3A_1224, %add3A_1229, %broadcast_in_dim3A_1231 : vector<16xi1>, vector<16xi32>
        %swap3A = arith.constant 600 : index
        %swap3A_1233 = tpu.vector_load %arg7[%swap3A] {strides = array<i32>} : memref<1600xi32, #tpu.memory_space<vmem>>, vector<16xi32>,
        tpu.vector_store %arg7[%swap3A], %select_n3A_1232 {strides = array<i32>} : memref<1600xi32, #tpu.memory_space<vmem>>, vector<16xi32>,
        %all_reduce_population_count3A_1234 = tpu.all_reduce %ne3A_1224 {dim = 0 : i64, kind = #tpu.reduction_kind<sum>} : vector<16xi1> -> vector<16xi32>
        %add3A_1235 = arith.addi %mul3A_1214, %all_reduce_population_count3A_1234 : vector<16xi32>
        %get3A_1236 = arith.constant 3 : i32
        %get3A_1237 = arith.index_cast %get3A_1236 : i32 to index
        %get3A_1238 = arith.constant 16 : index
        %get3A_1239 = tpu.vector_load %arg6[%get3A_1237, %get3A_1238] {strides = array<i32>} : memref<8x200xi32, #tpu.memory_space<vmem>>, vector<16xi32>,
        %ne3A_1240 = arith.constant 0 : i32
        %ne3A_1241 = vector.broadcast %ne3A_1240 : i32 to vector<16xi32>
        %ne3A_1242 = arith.cmpi ne, %get3A_1239, %ne3A_1241 : vector<16xi32>
        %jit3A_1243 = arith.constant 1 : i32
        %jit3A_1244 = arith.constant 0 : i32
        %broadcast_in_dim3A_1245 = vector.broadcast %jit3A_1243 : i32 to vector<16xi32>
        %broadcast_in_dim3A_1246 = vector.broadcast %jit3A_1244 : i32 to vector<16xi32>
        %select_n3A_1247 = arith.select %ne3A_1242, %broadcast_in_dim3A_1245, %broadcast_in_dim3A_1246 : vector<16xi1>, vector<16xi32>
        %broadcast_in_dim3A_1248 = arith.constant true
        %broadcast_in_dim3A_1249 = vector.broadcast %broadcast_in_dim3A_1248 : i1 to vector<16xi1>
        %masked_cumsum3A_1250 = tpu.scan <sum>, %select_n3A_1247 masked %broadcast_in_dim3A_1249 : vector<16xi32>, vector<16xi1> -> vector<16xi32>
        %add3A_1251 = arith.addi %masked_cumsum3A_1250, %add3A_1235 : vector<16xi32>
        %jit3A_1252 = arith.constant 0 : i32
        %broadcast_in_dim3A_1253 = vector.broadcast %jit3A_1252 : i32 to vector<16xi32>
        %select_n3A_1254 = arith.select %ne3A_1242, %add3A_1251, %broadcast_in_dim3A_1253 : vector<16xi1>, vector<16xi32>
        %swap3A_1255 = arith.constant 616 : index
        %swap3A_1256 = tpu.vector_load %arg7[%swap3A_1255] {strides = array<i32>} : memref<1600xi32, #tpu.memory_space<vmem>>, vector<16xi32>,
        tpu.vector_store %arg7[%swap3A_1255], %select_n3A_1254 {strides = array<i32>} : memref<1600xi32, #tpu.memory_space<vmem>>, vector<16xi32>,
        %all_reduce_population_count3A_1257 = tpu.all_reduce %ne3A_1242 {dim = 0 : i64, kind = #tpu.reduction_kind<sum>} : vector<16xi1> -> vector<16xi32>
        %add3A_1258 = arith.addi %add3A_1235, %all_reduce_population_count3A_1257 : vector<16xi32>
        %get3A_1259 = arith.constant 3 : i32
        %get3A_1260 = arith.index_cast %get3A_1259 : i32 to index
        %get3A_1261 = arith.constant 32 : index
        %get3A_1262 = tpu.vector_load %arg6[%get3A_1260, %get3A_1261] {strides = array<i32>} : memref<8x200xi32, #tpu.memory_space<vmem>>, vector<16xi32>,
        %ne3A_1263 = arith.constant 0 : i32
        %ne3A_1264 = vector.broadcast %ne3A_1263 : i32 to vector<16xi32>
        %ne3A_1265 = arith.cmpi ne, %get3A_1262, %ne3A_1264 : vector<16xi32>
        %jit3A_1266 = arith.constant 1 : i32
        %jit3A_1267 = arith.constant 0 : i32
        %broadcast_in_dim3A_1268 = vector.broadcast %jit3A_1266 : i32 to vector<16xi32>
        %broadcast_in_dim3A_1269 = vector.broadcast %jit3A_1267 : i32 to vector<16xi32>
        %select_n3A_1270 = arith.select %ne3A_1265, %broadcast_in_dim3A_1268, %broadcast_in_dim3A_1269 : vector<16xi1>, vector<16xi32>
        %broadcast_in_dim3A_1271 = arith.constant true
        %broadcast_in_dim3A_1272 = vector.broadcast %broadcast_in_dim3A_1271 : i1 to vector<16xi1>
        %masked_cumsum3A_1273 = tpu.scan <sum>, %select_n3A_1270 masked %broadcast_in_dim3A_1272 : vector<16xi32>, vector<16xi1> -> vector<16xi32>
        %add3A_1274 = arith.addi %masked_cumsum3A_1273, %add3A_1258 : vector<16xi32>
        %jit3A_1275 = arith.constant 0 : i32
        %broadcast_in_dim3A_1276 = vector.broadcast %jit3A_1275 : i32 to vector<16xi32>
        %select_n3A_1277 = arith.select %ne3A_1265, %add3A_1274, %broadcast_in_dim3A_1276 : vector<16xi1>, vector<16xi32>
        %swap3A_1278 = arith.constant 632 : index
        %swap3A_1279 = tpu.vector_load %arg7[%swap3A_1278] {strides = array<i32>} : memref<1600xi32, #tpu.memory_space<vmem>>, vector<16xi32>,
        tpu.vector_store %arg7[%swap3A_1278], %select_n3A_1277 {strides = array<i32>} : memref<1600xi32, #tpu.memory_space<vmem>>, vector<16xi32>,
        %all_reduce_population_count3A_1280 = tpu.all_reduce %ne3A_1265 {dim = 0 : i64, kind = #tpu.reduction_kind<sum>} : vector<16xi1> -> vector<16xi32>
        %add3A_1281 = arith.addi %add3A_1258, %all_reduce_population_count3A_1280 : vector<16xi32>
        %get3A_1282 = arith.constant 3 : i32
        %get3A_1283 = arith.index_cast %get3A_1282 : i32 to index
        %get3A_1284 = arith.constant 48 : index
        %get3A_1285 = tpu.vector_load %arg6[%get3A_1283, %get3A_1284] {strides = array<i32>} : memref<8x200xi32, #tpu.memory_space<vmem>>, vector<16xi32>,
        %ne3A_1286 = arith.constant 0 : i32
        %ne3A_1287 = vector.broadcast %ne3A_1286 : i32 to vector<16xi32>
        %ne3A_1288 = arith.cmpi ne, %get3A_1285, %ne3A_1287 : vector<16xi32>
        %jit3A_1289 = arith.constant 1 : i32
        %jit3A_1290 = arith.constant 0 : i32
        %broadcast_in_dim3A_1291 = vector.broadcast %jit3A_1289 : i32 to vector<16xi32>
        %broadcast_in_dim3A_1292 = vector.broadcast %jit3A_1290 : i32 to vector<16xi32>
        %select_n3A_1293 = arith.select %ne3A_1288, %broadcast_in_dim3A_1291, %broadcast_in_dim3A_1292 : vector<16xi1>, vector<16xi32>
        %broadcast_in_dim3A_1294 = arith.constant true
        %broadcast_in_dim3A_1295 = vector.broadcast %broadcast_in_dim3A_1294 : i1 to vector<16xi1>
        %masked_cumsum3A_1296 = tpu.scan <sum>, %select_n3A_1293 masked %broadcast_in_dim3A_1295 : vector<16xi32>, vector<16xi1> -> vector<16xi32>
        %add3A_1297 = arith.addi %masked_cumsum3A_1296, %add3A_1281 : vector<16xi32>
        %jit3A_1298 = arith.constant 0 : i32
        %broadcast_in_dim3A_1299 = vector.broadcast %jit3A_1298 : i32 to vector<16xi32>
        %select_n3A_1300 = arith.select %ne3A_1288, %add3A_1297, %broadcast_in_dim3A_1299 : vector<16xi1>, vector<16xi32>
        %swap3A_1301 = arith.constant 648 : index
        %swap3A_1302 = tpu.vector_load %arg7[%swap3A_1301] {strides = array<i32>} : memref<1600xi32, #tpu.memory_space<vmem>>, vector<16xi32>,
        tpu.vector_store %arg7[%swap3A_1301], %select_n3A_1300 {strides = array<i32>} : memref<1600xi32, #tpu.memory_space<vmem>>, vector<16xi32>,
        %all_reduce_population_count3A_1303 = tpu.all_reduce %ne3A_1288 {dim = 0 : i64, kind = #tpu.reduction_kind<sum>} : vector<16xi1> -> vector<16xi32>
        %add3A_1304 = arith.addi %add3A_1281, %all_reduce_population_count3A_1303 : vector<16xi32>
        %get3A_1305 = arith.constant 3 : i32
        %get3A_1306 = arith.index_cast %get3A_1305 : i32 to index
        %get3A_1307 = arith.constant 64 : index
        %get3A_1308 = tpu.vector_load %arg6[%get3A_1306, %get3A_1307] {strides = array<i32>} : memref<8x200xi32, #tpu.memory_space<vmem>>, vector<16xi32>,
        %ne3A_1309 = arith.constant 0 : i32
        %ne3A_1310 = vector.broadcast %ne3A_1309 : i32 to vector<16xi32>
        %ne3A_1311 = arith.cmpi ne, %get3A_1308, %ne3A_1310 : vector<16xi32>
        %jit3A_1312 = arith.constant 1 : i32
        %jit3A_1313 = arith.constant 0 : i32
        %broadcast_in_dim3A_1314 = vector.broadcast %jit3A_1312 : i32 to vector<16xi32>
        %broadcast_in_dim3A_1315 = vector.broadcast %jit3A_1313 : i32 to vector<16xi32>
        %select_n3A_1316 = arith.select %ne3A_1311, %broadcast_in_dim3A_1314, %broadcast_in_dim3A_1315 : vector<16xi1>, vector<16xi32>
        %broadcast_in_dim3A_1317 = arith.constant true
        %broadcast_in_dim3A_1318 = vector.broadcast %broadcast_in_dim3A_1317 : i1 to vector<16xi1>
        %masked_cumsum3A_1319 = tpu.scan <sum>, %select_n3A_1316 masked %broadcast_in_dim3A_1318 : vector<16xi32>, vector<16xi1> -> vector<16xi32>
        %add3A_1320 = arith.addi %masked_cumsum3A_1319, %add3A_1304 : vector<16xi32>
        %jit3A_1321 = arith.constant 0 : i32
        %broadcast_in_dim3A_1322 = vector.broadcast %jit3A_1321 : i32 to vector<16xi32>
        %select_n3A_1323 = arith.select %ne3A_1311, %add3A_1320, %broadcast_in_dim3A_1322 : vector<16xi1>, vector<16xi32>
        %swap3A_1324 = arith.constant 664 : index
        %swap3A_1325 = tpu.vector_load %arg7[%swap3A_1324] {strides = array<i32>} : memref<1600xi32, #tpu.memory_space<vmem>>, vector<16xi32>,
        tpu.vector_store %arg7[%swap3A_1324], %select_n3A_1323 {strides = array<i32>} : memref<1600xi32, #tpu.memory_space<vmem>>, vector<16xi32>,
        %all_reduce_population_count3A_1326 = tpu.all_reduce %ne3A_1311 {dim = 0 : i64, kind = #tpu.reduction_kind<sum>} : vector<16xi1> -> vector<16xi32>
        %add3A_1327 = arith.addi %add3A_1304, %all_reduce_population_count3A_1326 : vector<16xi32>
        %get3A_1328 = arith.constant 3 : i32
        %get3A_1329 = arith.index_cast %get3A_1328 : i32 to index
        %get3A_1330 = arith.constant 80 : index
        %get3A_1331 = tpu.vector_load %arg6[%get3A_1329, %get3A_1330] {strides = array<i32>} : memref<8x200xi32, #tpu.memory_space<vmem>>, vector<16xi32>,
        %ne3A_1332 = arith.constant 0 : i32
        %ne3A_1333 = vector.broadcast %ne3A_1332 : i32 to vector<16xi32>
        %ne3A_1334 = arith.cmpi ne, %get3A_1331, %ne3A_1333 : vector<16xi32>
        %jit3A_1335 = arith.constant 1 : i32
        %jit3A_1336 = arith.constant 0 : i32
        %broadcast_in_dim3A_1337 = vector.broadcast %jit3A_1335 : i32 to vector<16xi32>
        %broadcast_in_dim3A_1338 = vector.broadcast %jit3A_1336 : i32 to vector<16xi32>
        %select_n3A_1339 = arith.select %ne3A_1334, %broadcast_in_dim3A_1337, %broadcast_in_dim3A_1338 : vector<16xi1>, vector<16xi32>
        %broadcast_in_dim3A_1340 = arith.constant true
        %broadcast_in_dim3A_1341 = vector.broadcast %broadcast_in_dim3A_1340 : i1 to vector<16xi1>
        %masked_cumsum3A_1342 = tpu.scan <sum>, %select_n3A_1339 masked %broadcast_in_dim3A_1341 : vector<16xi32>, vector<16xi1> -> vector<16xi32>
        %add3A_1343 = arith.addi %masked_cumsum3A_1342, %add3A_1327 : vector<16xi32>
        %jit3A_1344 = arith.constant 0 : i32
        %broadcast_in_dim3A_1345 = vector.broadcast %jit3A_1344 : i32 to vector<16xi32>
        %select_n3A_1346 = arith.select %ne3A_1334, %add3A_1343, %broadcast_in_dim3A_1345 : vector<16xi1>, vector<16xi32>
        %swap3A_1347 = arith.constant 680 : index
        %swap3A_1348 = tpu.vector_load %arg7[%swap3A_1347] {strides = array<i32>} : memref<1600xi32, #tpu.memory_space<vmem>>, vector<16xi32>,
        tpu.vector_store %arg7[%swap3A_1347], %select_n3A_1346 {strides = array<i32>} : memref<1600xi32, #tpu.memory_space<vmem>>, vector<16xi32>,
        %all_reduce_population_count3A_1349 = tpu.all_reduce %ne3A_1334 {dim = 0 : i64, kind = #tpu.reduction_kind<sum>} : vector<16xi1> -> vector<16xi32>
        %add3A_1350 = arith.addi %add3A_1327, %all_reduce_population_count3A_1349 : vector<16xi32>
        %get3A_1351 = arith.constant 3 : i32
        %get3A_1352 = arith.index_cast %get3A_1351 : i32 to index
        %get3A_1353 = arith.constant 96 : index
        %get3A_1354 = tpu.vector_load %arg6[%get3A_1352, %get3A_1353] {strides = array<i32>} : memref<8x200xi32, #tpu.memory_space<vmem>>, vector<16xi32>,
        %ne3A_1355 = arith.constant 0 : i32
        %ne3A_1356 = vector.broadcast %ne3A_1355 : i32 to vector<16xi32>
        %ne3A_1357 = arith.cmpi ne, %get3A_1354, %ne3A_1356 : vector<16xi32>
        %jit3A_1358 = arith.constant 1 : i32
        %jit3A_1359 = arith.constant 0 : i32
        %broadcast_in_dim3A_1360 = vector.broadcast %jit3A_1358 : i32 to vector<16xi32>
        %broadcast_in_dim3A_1361 = vector.broadcast %jit3A_1359 : i32 to vector<16xi32>
        %select_n3A_1362 = arith.select %ne3A_1357, %broadcast_in_dim3A_1360, %broadcast_in_dim3A_1361 : vector<16xi1>, vector<16xi32>
        %broadcast_in_dim3A_1363 = arith.constant true
        %broadcast_in_dim3A_1364 = vector.broadcast %broadcast_in_dim3A_1363 : i1 to vector<16xi1>
        %masked_cumsum3A_1365 = tpu.scan <sum>, %select_n3A_1362 masked %broadcast_in_dim3A_1364 : vector<16xi32>, vector<16xi1> -> vector<16xi32>
        %add3A_1366 = arith.addi %masked_cumsum3A_1365, %add3A_1350 : vector<16xi32>
        %jit3A_1367 = arith.constant 0 : i32
        %broadcast_in_dim3A_1368 = vector.broadcast %jit3A_1367 : i32 to vector<16xi32>
        %select_n3A_1369 = arith.select %ne3A_1357, %add3A_1366, %broadcast_in_dim3A_1368 : vector<16xi1>, vector<16xi32>
        %swap3A_1370 = arith.constant 696 : index
        %swap3A_1371 = tpu.vector_load %arg7[%swap3A_1370] {strides = array<i32>} : memref<1600xi32, #tpu.memory_space<vmem>>, vector<16xi32>,
        tpu.vector_store %arg7[%swap3A_1370], %select_n3A_1369 {strides = array<i32>} : memref<1600xi32, #tpu.memory_space<vmem>>, vector<16xi32>,
        %all_reduce_population_count3A_1372 = tpu.all_reduce %ne3A_1357 {dim = 0 : i64, kind = #tpu.reduction_kind<sum>} : vector<16xi1> -> vector<16xi32>
        %add3A_1373 = arith.addi %add3A_1350, %all_reduce_population_count3A_1372 : vector<16xi32>
        %get3A_1374 = arith.constant 3 : i32
        %get3A_1375 = arith.index_cast %get3A_1374 : i32 to index
        %get3A_1376 = arith.constant 112 : index
        %get3A_1377 = tpu.vector_load %arg6[%get3A_1375, %get3A_1376] {strides = array<i32>} : memref<8x200xi32, #tpu.memory_space<vmem>>, vector<16xi32>,
        %ne3A_1378 = arith.constant 0 : i32
        %ne3A_1379 = vector.broadcast %ne3A_1378 : i32 to vector<16xi32>
        %ne3A_1380 = arith.cmpi ne, %get3A_1377, %ne3A_1379 : vector<16xi32>
        %jit3A_1381 = arith.constant 1 : i32
        %jit3A_1382 = arith.constant 0 : i32
        %broadcast_in_dim3A_1383 = vector.broadcast %jit3A_1381 : i32 to vector<16xi32>
        %broadcast_in_dim3A_1384 = vector.broadcast %jit3A_1382 : i32 to vector<16xi32>
        %select_n3A_1385 = arith.select %ne3A_1380, %broadcast_in_dim3A_1383, %broadcast_in_dim3A_1384 : vector<16xi1>, vector<16xi32>
        %broadcast_in_dim3A_1386 = arith.constant true
        %broadcast_in_dim3A_1387 = vector.broadcast %broadcast_in_dim3A_1386 : i1 to vector<16xi1>
        %masked_cumsum3A_1388 = tpu.scan <sum>, %select_n3A_1385 masked %broadcast_in_dim3A_1387 : vector<16xi32>, vector<16xi1> -> vector<16xi32>
        %add3A_1389 = arith.addi %masked_cumsum3A_1388, %add3A_1373 : vector<16xi32>
        %jit3A_1390 = arith.constant 0 : i32
        %broadcast_in_dim3A_1391 = vector.broadcast %jit3A_1390 : i32 to vector<16xi32>
        %select_n3A_1392 = arith.select %ne3A_1380, %add3A_1389, %broadcast_in_dim3A_1391 : vector<16xi1>, vector<16xi32>
        %swap3A_1393 = arith.constant 712 : index
        %swap3A_1394 = tpu.vector_load %arg7[%swap3A_1393] {strides = array<i32>} : memref<1600xi32, #tpu.memory_space<vmem>>, vector<16xi32>,
        tpu.vector_store %arg7[%swap3A_1393], %select_n3A_1392 {strides = array<i32>} : memref<1600xi32, #tpu.memory_space<vmem>>, vector<16xi32>,
        %all_reduce_population_count3A_1395 = tpu.all_reduce %ne3A_1380 {dim = 0 : i64, kind = #tpu.reduction_kind<sum>} : vector<16xi1> -> vector<16xi32>
        %add3A_1396 = arith.addi %add3A_1373, %all_reduce_population_count3A_1395 : vector<16xi32>
        %get3A_1397 = arith.constant 3 : i32
        %get3A_1398 = arith.index_cast %get3A_1397 : i32 to index
        %get3A_1399 = arith.constant 128 : index
        %get3A_1400 = tpu.vector_load %arg6[%get3A_1398, %get3A_1399] {strides = array<i32>} : memref<8x200xi32, #tpu.memory_space<vmem>>, vector<16xi32>,
        %ne3A_1401 = arith.constant 0 : i32
        %ne3A_1402 = vector.broadcast %ne3A_1401 : i32 to vector<16xi32>
        %ne3A_1403 = arith.cmpi ne, %get3A_1400, %ne3A_1402 : vector<16xi32>
        %jit3A_1404 = arith.constant 1 : i32
        %jit3A_1405 = arith.constant 0 : i32
        %broadcast_in_dim3A_1406 = vector.broadcast %jit3A_1404 : i32 to vector<16xi32>
        %broadcast_in_dim3A_1407 = vector.broadcast %jit3A_1405 : i32 to vector<16xi32>
        %select_n3A_1408 = arith.select %ne3A_1403, %broadcast_in_dim3A_1406, %broadcast_in_dim3A_1407 : vector<16xi1>, vector<16xi32>
        %broadcast_in_dim3A_1409 = arith.constant true
        %broadcast_in_dim3A_1410 = vector.broadcast %broadcast_in_dim3A_1409 : i1 to vector<16xi1>
        %masked_cumsum3A_1411 = tpu.scan <sum>, %select_n3A_1408 masked %broadcast_in_dim3A_1410 : vector<16xi32>, vector<16xi1> -> vector<16xi32>
        %add3A_1412 = arith.addi %masked_cumsum3A_1411, %add3A_1396 : vector<16xi32>
        %jit3A_1413 = arith.constant 0 : i32
        %broadcast_in_dim3A_1414 = vector.broadcast %jit3A_1413 : i32 to vector<16xi32>
        %select_n3A_1415 = arith.select %ne3A_1403, %add3A_1412, %broadcast_in_dim3A_1414 : vector<16xi1>, vector<16xi32>
        %swap3A_1416 = arith.constant 728 : index
        %swap3A_1417 = tpu.vector_load %arg7[%swap3A_1416] {strides = array<i32>} : memref<1600xi32, #tpu.memory_space<vmem>>, vector<16xi32>,
        tpu.vector_store %arg7[%swap3A_1416], %select_n3A_1415 {strides = array<i32>} : memref<1600xi32, #tpu.memory_space<vmem>>, vector<16xi32>,
        %all_reduce_population_count3A_1418 = tpu.all_reduce %ne3A_1403 {dim = 0 : i64, kind = #tpu.reduction_kind<sum>} : vector<16xi1> -> vector<16xi32>
        %add3A_1419 = arith.addi %add3A_1396, %all_reduce_population_count3A_1418 : vector<16xi32>
        %get3A_1420 = arith.constant 3 : i32
        %get3A_1421 = arith.index_cast %get3A_1420 : i32 to index
        %get3A_1422 = arith.constant 144 : index
        %get3A_1423 = tpu.vector_load %arg6[%get3A_1421, %get3A_1422] {strides = array<i32>} : memref<8x200xi32, #tpu.memory_space<vmem>>, vector<16xi32>,
        %ne3A_1424 = arith.constant 0 : i32
        %ne3A_1425 = vector.broadcast %ne3A_1424 : i32 to vector<16xi32>
        %ne3A_1426 = arith.cmpi ne, %get3A_1423, %ne3A_1425 : vector<16xi32>
        %jit3A_1427 = arith.constant 1 : i32
        %jit3A_1428 = arith.constant 0 : i32
        %broadcast_in_dim3A_1429 = vector.broadcast %jit3A_1427 : i32 to vector<16xi32>
        %broadcast_in_dim3A_1430 = vector.broadcast %jit3A_1428 : i32 to vector<16xi32>
        %select_n3A_1431 = arith.select %ne3A_1426, %broadcast_in_dim3A_1429, %broadcast_in_dim3A_1430 : vector<16xi1>, vector<16xi32>
        %broadcast_in_dim3A_1432 = arith.constant true
        %broadcast_in_dim3A_1433 = vector.broadcast %broadcast_in_dim3A_1432 : i1 to vector<16xi1>
        %masked_cumsum3A_1434 = tpu.scan <sum>, %select_n3A_1431 masked %broadcast_in_dim3A_1433 : vector<16xi32>, vector<16xi1> -> vector<16xi32>
        %add3A_1435 = arith.addi %masked_cumsum3A_1434, %add3A_1419 : vector<16xi32>
        %jit3A_1436 = arith.constant 0 : i32
        %broadcast_in_dim3A_1437 = vector.broadcast %jit3A_1436 : i32 to vector<16xi32>
        %select_n3A_1438 = arith.select %ne3A_1426, %add3A_1435, %broadcast_in_dim3A_1437 : vector<16xi1>, vector<16xi32>
        %swap3A_1439 = arith.constant 744 : index
        %swap3A_1440 = tpu.vector_load %arg7[%swap3A_1439] {strides = array<i32>} : memref<1600xi32, #tpu.memory_space<vmem>>, vector<16xi32>,
        tpu.vector_store %arg7[%swap3A_1439], %select_n3A_1438 {strides = array<i32>} : memref<1600xi32, #tpu.memory_space<vmem>>, vector<16xi32>,
        %all_reduce_population_count3A_1441 = tpu.all_reduce %ne3A_1426 {dim = 0 : i64, kind = #tpu.reduction_kind<sum>} : vector<16xi1> -> vector<16xi32>
        %add3A_1442 = arith.addi %add3A_1419, %all_reduce_population_count3A_1441 : vector<16xi32>
        %get3A_1443 = arith.constant 3 : i32
        %get3A_1444 = arith.index_cast %get3A_1443 : i32 to index
        %get3A_1445 = arith.constant 160 : index
        %get3A_1446 = tpu.vector_load %arg6[%get3A_1444, %get3A_1445] {strides = array<i32>} : memref<8x200xi32, #tpu.memory_space<vmem>>, vector<16xi32>,
        %ne3A_1447 = arith.constant 0 : i32
        %ne3A_1448 = vector.broadcast %ne3A_1447 : i32 to vector<16xi32>
        %ne3A_1449 = arith.cmpi ne, %get3A_1446, %ne3A_1448 : vector<16xi32>
        %jit3A_1450 = arith.constant 1 : i32
        %jit3A_1451 = arith.constant 0 : i32
        %broadcast_in_dim3A_1452 = vector.broadcast %jit3A_1450 : i32 to vector<16xi32>
        %broadcast_in_dim3A_1453 = vector.broadcast %jit3A_1451 : i32 to vector<16xi32>
        %select_n3A_1454 = arith.select %ne3A_1449, %broadcast_in_dim3A_1452, %broadcast_in_dim3A_1453 : vector<16xi1>, vector<16xi32>
        %broadcast_in_dim3A_1455 = arith.constant true
        %broadcast_in_dim3A_1456 = vector.broadcast %broadcast_in_dim3A_1455 : i1 to vector<16xi1>
        %masked_cumsum3A_1457 = tpu.scan <sum>, %select_n3A_1454 masked %broadcast_in_dim3A_1456 : vector<16xi32>, vector<16xi1> -> vector<16xi32>
        %add3A_1458 = arith.addi %masked_cumsum3A_1457, %add3A_1442 : vector<16xi32>
        %jit3A_1459 = arith.constant 0 : i32
        %broadcast_in_dim3A_1460 = vector.broadcast %jit3A_1459 : i32 to vector<16xi32>
        %select_n3A_1461 = arith.select %ne3A_1449, %add3A_1458, %broadcast_in_dim3A_1460 : vector<16xi1>, vector<16xi32>
        %swap3A_1462 = arith.constant 760 : index
        %swap3A_1463 = tpu.vector_load %arg7[%swap3A_1462] {strides = array<i32>} : memref<1600xi32, #tpu.memory_space<vmem>>, vector<16xi32>,
        tpu.vector_store %arg7[%swap3A_1462], %select_n3A_1461 {strides = array<i32>} : memref<1600xi32, #tpu.memory_space<vmem>>, vector<16xi32>,
        %all_reduce_population_count3A_1464 = tpu.all_reduce %ne3A_1449 {dim = 0 : i64, kind = #tpu.reduction_kind<sum>} : vector<16xi1> -> vector<16xi32>
        %add3A_1465 = arith.addi %add3A_1442, %all_reduce_population_count3A_1464 : vector<16xi32>
        %get3A_1466 = arith.constant 3 : i32
        %get3A_1467 = arith.index_cast %get3A_1466 : i32 to index
        %get3A_1468 = arith.constant 176 : index
        %get3A_1469 = tpu.vector_load %arg6[%get3A_1467, %get3A_1468] {strides = array<i32>} : memref<8x200xi32, #tpu.memory_space<vmem>>, vector<16xi32>,
        %ne3A_1470 = arith.constant 0 : i32
        %ne3A_1471 = vector.broadcast %ne3A_1470 : i32 to vector<16xi32>
        %ne3A_1472 = arith.cmpi ne, %get3A_1469, %ne3A_1471 : vector<16xi32>
        %jit3A_1473 = arith.constant 1 : i32
        %jit3A_1474 = arith.constant 0 : i32
        %broadcast_in_dim3A_1475 = vector.broadcast %jit3A_1473 : i32 to vector<16xi32>
        %broadcast_in_dim3A_1476 = vector.broadcast %jit3A_1474 : i32 to vector<16xi32>
        %select_n3A_1477 = arith.select %ne3A_1472, %broadcast_in_dim3A_1475, %broadcast_in_dim3A_1476 : vector<16xi1>, vector<16xi32>
        %broadcast_in_dim3A_1478 = arith.constant true
        %broadcast_in_dim3A_1479 = vector.broadcast %broadcast_in_dim3A_1478 : i1 to vector<16xi1>
        %masked_cumsum3A_1480 = tpu.scan <sum>, %select_n3A_1477 masked %broadcast_in_dim3A_1479 : vector<16xi32>, vector<16xi1> -> vector<16xi32>
        %add3A_1481 = arith.addi %masked_cumsum3A_1480, %add3A_1465 : vector<16xi32>
        %jit3A_1482 = arith.constant 0 : i32
        %broadcast_in_dim3A_1483 = vector.broadcast %jit3A_1482 : i32 to vector<16xi32>
        %select_n3A_1484 = arith.select %ne3A_1472, %add3A_1481, %broadcast_in_dim3A_1483 : vector<16xi1>, vector<16xi32>
        %swap3A_1485 = arith.constant 776 : index
        %swap3A_1486 = tpu.vector_load %arg7[%swap3A_1485] {strides = array<i32>} : memref<1600xi32, #tpu.memory_space<vmem>>, vector<16xi32>,
        tpu.vector_store %arg7[%swap3A_1485], %select_n3A_1484 {strides = array<i32>} : memref<1600xi32, #tpu.memory_space<vmem>>, vector<16xi32>,
        %and3A_1487 = arith.andi %ne3A_1472, %lt3A_1211 : vector<16xi1>
        %all_reduce_population_count3A_1488 = tpu.all_reduce %and3A_1487 {dim = 0 : i64, kind = #tpu.reduction_kind<sum>} : vector<16xi1> -> vector<16xi32>
        %add3A_1489 = arith.addi %add3A_1465, %all_reduce_population_count3A_1488 : vector<16xi32>
        %all_reduce_population_count3A_1490 = tpu.all_reduce %ne3A_1472 {dim = 0 : i64, kind = #tpu.reduction_kind<sum>} : vector<16xi1> -> vector<16xi32>
        %add3A_1491 = arith.addi %add3A_1465, %all_reduce_population_count3A_1490 : vector<16xi32>
        %get3A_1492 = arith.constant 3 : i32
        %get3A_1493 = arith.index_cast %get3A_1492 : i32 to index
        %get3A_1494 = arith.constant 184 : index
        %get3A_1495 = tpu.vector_load %arg6[%get3A_1493, %get3A_1494] {strides = array<i32>} : memref<8x200xi32, #tpu.memory_space<vmem>>, vector<16xi32>,
        %ne3A_1496 = arith.constant 0 : i32
        %ne3A_1497 = vector.broadcast %ne3A_1496 : i32 to vector<16xi32>
        %ne3A_1498 = arith.cmpi ne, %get3A_1495, %ne3A_1497 : vector<16xi32>
        %jit3A_1499 = arith.constant 1 : i32
        %jit3A_1500 = arith.constant 0 : i32
        %broadcast_in_dim3A_1501 = vector.broadcast %jit3A_1499 : i32 to vector<16xi32>
        %broadcast_in_dim3A_1502 = vector.broadcast %jit3A_1500 : i32 to vector<16xi32>
        %select_n3A_1503 = arith.select %ne3A_1498, %broadcast_in_dim3A_1501, %broadcast_in_dim3A_1502 : vector<16xi1>, vector<16xi32>
        %broadcast_in_dim3A_1504 = arith.constant true
        %broadcast_in_dim3A_1505 = vector.broadcast %broadcast_in_dim3A_1504 : i1 to vector<16xi1>
        %masked_cumsum3A_1506 = tpu.scan <sum>, %select_n3A_1503 masked %broadcast_in_dim3A_1505 : vector<16xi32>, vector<16xi1> -> vector<16xi32>
        %add3A_1507 = arith.addi %masked_cumsum3A_1506, %add3A_1489 : vector<16xi32>
        %jit3A_1508 = arith.constant 0 : i32
        %broadcast_in_dim3A_1509 = vector.broadcast %jit3A_1508 : i32 to vector<16xi32>
        %select_n3A_1510 = arith.select %ne3A_1498, %add3A_1507, %broadcast_in_dim3A_1509 : vector<16xi1>, vector<16xi32>
        %swap3A_1511 = arith.constant 784 : index
        %swap3A_1512 = tpu.vector_load %arg7[%swap3A_1511] {strides = array<i32>} : memref<1600xi32, #tpu.memory_space<vmem>>, vector<16xi32>,
        tpu.vector_store %arg7[%swap3A_1511], %select_n3A_1510 {strides = array<i32>} : memref<1600xi32, #tpu.memory_space<vmem>>, vector<16xi32>,
      } else {
      }
      %iota3A_529 = tpu.iota {dimensions = array<i32: 0>} : vector<16xi32>
      %mul3A_530 = arith.constant 0 : i32
      %mul3A_531 = vector.broadcast %mul3A_530 : i32 to vector<16xi32>
      %mul3A_532 = arith.muli %iota3A_529, %mul3A_531 : vector<16xi32>
      %get3A_533 = arith.constant 4 : i32
      %get3A_534 = arith.index_cast %get3A_533 : i32 to index
      %get3A_535 = arith.constant 0 : index
      %get3A_536 = tpu.vector_load %arg6[%get3A_534, %get3A_535] {strides = array<i32>} : memref<8x200xi32, #tpu.memory_space<vmem>>, vector<16xi32>,
      %ne3A_537 = arith.constant 0 : i32
      %ne3A_538 = vector.broadcast %ne3A_537 : i32 to vector<16xi32>
      %ne3A_539 = arith.cmpi ne, %get3A_536, %ne3A_538 : vector<16xi32>
      %all_reduce_population_count3A_540 = tpu.all_reduce %ne3A_539 {dim = 0 : i64, kind = #tpu.reduction_kind<sum>} : vector<16xi1> -> vector<16xi32>
      %add3A_541 = arith.addi %mul3A_532, %all_reduce_population_count3A_540 : vector<16xi32>
      %get3A_542 = arith.constant 4 : i32
      %get3A_543 = arith.index_cast %get3A_542 : i32 to index
      %get3A_544 = arith.constant 16 : index
      %get3A_545 = tpu.vector_load %arg6[%get3A_543, %get3A_544] {strides = array<i32>} : memref<8x200xi32, #tpu.memory_space<vmem>>, vector<16xi32>,
      %ne3A_546 = arith.constant 0 : i32
      %ne3A_547 = vector.broadcast %ne3A_546 : i32 to vector<16xi32>
      %ne3A_548 = arith.cmpi ne, %get3A_545, %ne3A_547 : vector<16xi32>
      %all_reduce_population_count3A_549 = tpu.all_reduce %ne3A_548 {dim = 0 : i64, kind = #tpu.reduction_kind<sum>} : vector<16xi1> -> vector<16xi32>
      %add3A_550 = arith.addi %add3A_541, %all_reduce_population_count3A_549 : vector<16xi32>
      %get3A_551 = arith.constant 4 : i32
      %get3A_552 = arith.index_cast %get3A_551 : i32 to index
      %get3A_553 = arith.constant 32 : index
      %get3A_554 = tpu.vector_load %arg6[%get3A_552, %get3A_553] {strides = array<i32>} : memref<8x200xi32, #tpu.memory_space<vmem>>, vector<16xi32>,
      %ne3A_555 = arith.constant 0 : i32
      %ne3A_556 = vector.broadcast %ne3A_555 : i32 to vector<16xi32>
      %ne3A_557 = arith.cmpi ne, %get3A_554, %ne3A_556 : vector<16xi32>
      %all_reduce_population_count3A_558 = tpu.all_reduce %ne3A_557 {dim = 0 : i64, kind = #tpu.reduction_kind<sum>} : vector<16xi1> -> vector<16xi32>
      %add3A_559 = arith.addi %add3A_550, %all_reduce_population_count3A_558 : vector<16xi32>
      %get3A_560 = arith.constant 4 : i32
      %get3A_561 = arith.index_cast %get3A_560 : i32 to index
      %get3A_562 = arith.constant 48 : index
      %get3A_563 = tpu.vector_load %arg6[%get3A_561, %get3A_562] {strides = array<i32>} : memref<8x200xi32, #tpu.memory_space<vmem>>, vector<16xi32>,
      %ne3A_564 = arith.constant 0 : i32
      %ne3A_565 = vector.broadcast %ne3A_564 : i32 to vector<16xi32>
      %ne3A_566 = arith.cmpi ne, %get3A_563, %ne3A_565 : vector<16xi32>
      %all_reduce_population_count3A_567 = tpu.all_reduce %ne3A_566 {dim = 0 : i64, kind = #tpu.reduction_kind<sum>} : vector<16xi1> -> vector<16xi32>
      %add3A_568 = arith.addi %add3A_559, %all_reduce_population_count3A_567 : vector<16xi32>
      %get3A_569 = arith.constant 4 : i32
      %get3A_570 = arith.index_cast %get3A_569 : i32 to index
      %get3A_571 = arith.constant 64 : index
      %get3A_572 = tpu.vector_load %arg6[%get3A_570, %get3A_571] {strides = array<i32>} : memref<8x200xi32, #tpu.memory_space<vmem>>, vector<16xi32>,
      %ne3A_573 = arith.constant 0 : i32
      %ne3A_574 = vector.broadcast %ne3A_573 : i32 to vector<16xi32>
      %ne3A_575 = arith.cmpi ne, %get3A_572, %ne3A_574 : vector<16xi32>
      %all_reduce_population_count3A_576 = tpu.all_reduce %ne3A_575 {dim = 0 : i64, kind = #tpu.reduction_kind<sum>} : vector<16xi1> -> vector<16xi32>
      %add3A_577 = arith.addi %add3A_568, %all_reduce_population_count3A_576 : vector<16xi32>
      %get3A_578 = arith.constant 4 : i32
      %get3A_579 = arith.index_cast %get3A_578 : i32 to index
      %get3A_580 = arith.constant 80 : index
      %get3A_581 = tpu.vector_load %arg6[%get3A_579, %get3A_580] {strides = array<i32>} : memref<8x200xi32, #tpu.memory_space<vmem>>, vector<16xi32>,
      %ne3A_582 = arith.constant 0 : i32
      %ne3A_583 = vector.broadcast %ne3A_582 : i32 to vector<16xi32>
      %ne3A_584 = arith.cmpi ne, %get3A_581, %ne3A_583 : vector<16xi32>
      %all_reduce_population_count3A_585 = tpu.all_reduce %ne3A_584 {dim = 0 : i64, kind = #tpu.reduction_kind<sum>} : vector<16xi1> -> vector<16xi32>
      %add3A_586 = arith.addi %add3A_577, %all_reduce_population_count3A_585 : vector<16xi32>
      %get3A_587 = arith.constant 4 : i32
      %get3A_588 = arith.index_cast %get3A_587 : i32 to index
      %get3A_589 = arith.constant 96 : index
      %get3A_590 = tpu.vector_load %arg6[%get3A_588, %get3A_589] {strides = array<i32>} : memref<8x200xi32, #tpu.memory_space<vmem>>, vector<16xi32>,
      %ne3A_591 = arith.constant 0 : i32
      %ne3A_592 = vector.broadcast %ne3A_591 : i32 to vector<16xi32>
      %ne3A_593 = arith.cmpi ne, %get3A_590, %ne3A_592 : vector<16xi32>
      %all_reduce_population_count3A_594 = tpu.all_reduce %ne3A_593 {dim = 0 : i64, kind = #tpu.reduction_kind<sum>} : vector<16xi1> -> vector<16xi32>
      %add3A_595 = arith.addi %add3A_586, %all_reduce_population_count3A_594 : vector<16xi32>
      %get3A_596 = arith.constant 4 : i32
      %get3A_597 = arith.index_cast %get3A_596 : i32 to index
      %get3A_598 = arith.constant 112 : index
      %get3A_599 = tpu.vector_load %arg6[%get3A_597, %get3A_598] {strides = array<i32>} : memref<8x200xi32, #tpu.memory_space<vmem>>, vector<16xi32>,
      %ne3A_600 = arith.constant 0 : i32
      %ne3A_601 = vector.broadcast %ne3A_600 : i32 to vector<16xi32>
      %ne3A_602 = arith.cmpi ne, %get3A_599, %ne3A_601 : vector<16xi32>
      %all_reduce_population_count3A_603 = tpu.all_reduce %ne3A_602 {dim = 0 : i64, kind = #tpu.reduction_kind<sum>} : vector<16xi1> -> vector<16xi32>
      %add3A_604 = arith.addi %add3A_595, %all_reduce_population_count3A_603 : vector<16xi32>
      %get3A_605 = arith.constant 4 : i32
      %get3A_606 = arith.index_cast %get3A_605 : i32 to index
      %get3A_607 = arith.constant 128 : index
      %get3A_608 = tpu.vector_load %arg6[%get3A_606, %get3A_607] {strides = array<i32>} : memref<8x200xi32, #tpu.memory_space<vmem>>, vector<16xi32>,
      %ne3A_609 = arith.constant 0 : i32
      %ne3A_610 = vector.broadcast %ne3A_609 : i32 to vector<16xi32>
      %ne3A_611 = arith.cmpi ne, %get3A_608, %ne3A_610 : vector<16xi32>
      %all_reduce_population_count3A_612 = tpu.all_reduce %ne3A_611 {dim = 0 : i64, kind = #tpu.reduction_kind<sum>} : vector<16xi1> -> vector<16xi32>
      %add3A_613 = arith.addi %add3A_604, %all_reduce_population_count3A_612 : vector<16xi32>
      %get3A_614 = arith.constant 4 : i32
      %get3A_615 = arith.index_cast %get3A_614 : i32 to index
      %get3A_616 = arith.constant 144 : index
      %get3A_617 = tpu.vector_load %arg6[%get3A_615, %get3A_616] {strides = array<i32>} : memref<8x200xi32, #tpu.memory_space<vmem>>, vector<16xi32>,
      %ne3A_618 = arith.constant 0 : i32
      %ne3A_619 = vector.broadcast %ne3A_618 : i32 to vector<16xi32>
      %ne3A_620 = arith.cmpi ne, %get3A_617, %ne3A_619 : vector<16xi32>
      %all_reduce_population_count3A_621 = tpu.all_reduce %ne3A_620 {dim = 0 : i64, kind = #tpu.reduction_kind<sum>} : vector<16xi1> -> vector<16xi32>
      %add3A_622 = arith.addi %add3A_613, %all_reduce_population_count3A_621 : vector<16xi32>
      %get3A_623 = arith.constant 4 : i32
      %get3A_624 = arith.index_cast %get3A_623 : i32 to index
      %get3A_625 = arith.constant 160 : index
      %get3A_626 = tpu.vector_load %arg6[%get3A_624, %get3A_625] {strides = array<i32>} : memref<8x200xi32, #tpu.memory_space<vmem>>, vector<16xi32>,
      %ne3A_627 = arith.constant 0 : i32
      %ne3A_628 = vector.broadcast %ne3A_627 : i32 to vector<16xi32>
      %ne3A_629 = arith.cmpi ne, %get3A_626, %ne3A_628 : vector<16xi32>
      %all_reduce_population_count3A_630 = tpu.all_reduce %ne3A_629 {dim = 0 : i64, kind = #tpu.reduction_kind<sum>} : vector<16xi1> -> vector<16xi32>
      %add3A_631 = arith.addi %add3A_622, %all_reduce_population_count3A_630 : vector<16xi32>
      %get3A_632 = arith.constant 4 : i32
      %get3A_633 = arith.index_cast %get3A_632 : i32 to index
      %get3A_634 = arith.constant 176 : index
      %get3A_635 = tpu.vector_load %arg6[%get3A_633, %get3A_634] {strides = array<i32>} : memref<8x200xi32, #tpu.memory_space<vmem>>, vector<16xi32>,
      %ne3A_636 = arith.constant 0 : i32
      %ne3A_637 = vector.broadcast %ne3A_636 : i32 to vector<16xi32>
      %ne3A_638 = arith.cmpi ne, %get3A_635, %ne3A_637 : vector<16xi32>
      %all_reduce_population_count3A_639 = tpu.all_reduce %ne3A_638 {dim = 0 : i64, kind = #tpu.reduction_kind<sum>} : vector<16xi1> -> vector<16xi32>
      %add3A_640 = arith.addi %add3A_631, %all_reduce_population_count3A_639 : vector<16xi32>
      %get3A_641 = arith.constant 4 : i32
      %get3A_642 = arith.index_cast %get3A_641 : i32 to index
      %get3A_643 = arith.constant 184 : index
      %get3A_644 = tpu.vector_load %arg6[%get3A_642, %get3A_643] {strides = array<i32>} : memref<8x200xi32, #tpu.memory_space<vmem>>, vector<16xi32>,
      %ne3A_645 = arith.constant 0 : i32
      %ne3A_646 = vector.broadcast %ne3A_645 : i32 to vector<16xi32>
      %ne3A_647 = arith.cmpi ne, %get3A_644, %ne3A_646 : vector<16xi32>
      %ge3A_648 = arith.constant 8 : i32
      %ge3A_649 = vector.broadcast %ge3A_648 : i32 to vector<16xi32>
      %ge3A_650 = arith.cmpi sge, %iota3A_529, %ge3A_649 : vector<16xi32>
      %and3A_651 = arith.andi %ne3A_647, %ge3A_650 : vector<16xi1>
      %all_reduce_population_count3A_652 = tpu.all_reduce %and3A_651 {dim = 0 : i64, kind = #tpu.reduction_kind<sum>} : vector<16xi1> -> vector<16xi32>
      %add3A_653 = arith.addi %add3A_640, %all_reduce_population_count3A_652 : vector<16xi32>
      %slice3A_654 = vector.extract_strided_slice %add3A_653 {offsets = [0], sizes = [1], strides = [1]} : vector<16xi32> to vector<1xi32>
      %squeeze3A_655 = vector.extract %slice3A_654[0] : i32 from vector<1xi32>
      %ne3A_656 = arith.constant 200 : i32
      %ne3A_657 = arith.cmpi ne, %squeeze3A_655, %ne3A_656 : i32
      %convert_element_type3A_658 = arith.extui %ne3A_657 : i1 to i32
      %cond3A_659 = arith.constant 0 : i32
      %cond3A_660 = arith.cmpi ne, %convert_element_type3A_658, %cond3A_659 : i32
      scf.if %cond3A_660 {
        %iota3A_1209 = tpu.iota {dimensions = array<i32: 0>} : vector<16xi32>
        %lt3A = arith.constant 8 : i32
        %lt3A_1210 = vector.broadcast %lt3A : i32 to vector<16xi32>
        %lt3A_1211 = arith.cmpi slt, %iota3A_1209, %lt3A_1210 : vector<16xi32>
        %mul3A_1212 = arith.constant 0 : i32
        %mul3A_1213 = vector.broadcast %mul3A_1212 : i32 to vector<16xi32>
        %mul3A_1214 = arith.muli %iota3A_1209, %mul3A_1213 : vector<16xi32>
        %mul3A_1215 = arith.constant 0 : i32
        %mul3A_1216 = vector.broadcast %mul3A_1215 : i32 to vector<16xi32>
        %mul3A_1217 = arith.muli %iota3A_1209, %mul3A_1216 : vector<16xi32>
        %get3A_1218 = arith.constant 4 : i32
        %get3A_1219 = arith.index_cast %get3A_1218 : i32 to index
        %get3A_1220 = arith.constant 0 : index
        %get3A_1221 = tpu.vector_load %arg6[%get3A_1219, %get3A_1220] {strides = array<i32>} : memref<8x200xi32, #tpu.memory_space<vmem>>, vector<16xi32>,
        %ne3A_1222 = arith.constant 0 : i32
        %ne3A_1223 = vector.broadcast %ne3A_1222 : i32 to vector<16xi32>
        %ne3A_1224 = arith.cmpi ne, %get3A_1221, %ne3A_1223 : vector<16xi32>
        %jit3A = arith.constant 1 : i32
        %jit3A_1225 = arith.constant 0 : i32
        %broadcast_in_dim3A = vector.broadcast %jit3A : i32 to vector<16xi32>
        %broadcast_in_dim3A_1226 = vector.broadcast %jit3A_1225 : i32 to vector<16xi32>
        %select_n3A = arith.select %ne3A_1224, %broadcast_in_dim3A, %broadcast_in_dim3A_1226 : vector<16xi1>, vector<16xi32>
        %broadcast_in_dim3A_1227 = arith.constant true
        %broadcast_in_dim3A_1228 = vector.broadcast %broadcast_in_dim3A_1227 : i1 to vector<16xi1>
        %masked_cumsum3A = tpu.scan <sum>, %select_n3A masked %broadcast_in_dim3A_1228 : vector<16xi32>, vector<16xi1> -> vector<16xi32>
        %add3A_1229 = arith.addi %masked_cumsum3A, %mul3A_1214 : vector<16xi32>
        %jit3A_1230 = arith.constant 0 : i32
        %broadcast_in_dim3A_1231 = vector.broadcast %jit3A_1230 : i32 to vector<16xi32>
        %select_n3A_1232 = arith.select %ne3A_1224, %add3A_1229, %broadcast_in_dim3A_1231 : vector<16xi1>, vector<16xi32>
        %swap3A = arith.constant 800 : index
        %swap3A_1233 = tpu.vector_load %arg7[%swap3A] {strides = array<i32>} : memref<1600xi32, #tpu.memory_space<vmem>>, vector<16xi32>,
        tpu.vector_store %arg7[%swap3A], %select_n3A_1232 {strides = array<i32>} : memref<1600xi32, #tpu.memory_space<vmem>>, vector<16xi32>,
        %all_reduce_population_count3A_1234 = tpu.all_reduce %ne3A_1224 {dim = 0 : i64, kind = #tpu.reduction_kind<sum>} : vector<16xi1> -> vector<16xi32>
        %add3A_1235 = arith.addi %mul3A_1214, %all_reduce_population_count3A_1234 : vector<16xi32>
        %get3A_1236 = arith.constant 4 : i32
        %get3A_1237 = arith.index_cast %get3A_1236 : i32 to index
        %get3A_1238 = arith.constant 16 : index
        %get3A_1239 = tpu.vector_load %arg6[%get3A_1237, %get3A_1238] {strides = array<i32>} : memref<8x200xi32, #tpu.memory_space<vmem>>, vector<16xi32>,
        %ne3A_1240 = arith.constant 0 : i32
        %ne3A_1241 = vector.broadcast %ne3A_1240 : i32 to vector<16xi32>
        %ne3A_1242 = arith.cmpi ne, %get3A_1239, %ne3A_1241 : vector<16xi32>
        %jit3A_1243 = arith.constant 1 : i32
        %jit3A_1244 = arith.constant 0 : i32
        %broadcast_in_dim3A_1245 = vector.broadcast %jit3A_1243 : i32 to vector<16xi32>
        %broadcast_in_dim3A_1246 = vector.broadcast %jit3A_1244 : i32 to vector<16xi32>
        %select_n3A_1247 = arith.select %ne3A_1242, %broadcast_in_dim3A_1245, %broadcast_in_dim3A_1246 : vector<16xi1>, vector<16xi32>
        %broadcast_in_dim3A_1248 = arith.constant true
        %broadcast_in_dim3A_1249 = vector.broadcast %broadcast_in_dim3A_1248 : i1 to vector<16xi1>
        %masked_cumsum3A_1250 = tpu.scan <sum>, %select_n3A_1247 masked %broadcast_in_dim3A_1249 : vector<16xi32>, vector<16xi1> -> vector<16xi32>
        %add3A_1251 = arith.addi %masked_cumsum3A_1250, %add3A_1235 : vector<16xi32>
        %jit3A_1252 = arith.constant 0 : i32
        %broadcast_in_dim3A_1253 = vector.broadcast %jit3A_1252 : i32 to vector<16xi32>
        %select_n3A_1254 = arith.select %ne3A_1242, %add3A_1251, %broadcast_in_dim3A_1253 : vector<16xi1>, vector<16xi32>
        %swap3A_1255 = arith.constant 816 : index
        %swap3A_1256 = tpu.vector_load %arg7[%swap3A_1255] {strides = array<i32>} : memref<1600xi32, #tpu.memory_space<vmem>>, vector<16xi32>,
        tpu.vector_store %arg7[%swap3A_1255], %select_n3A_1254 {strides = array<i32>} : memref<1600xi32, #tpu.memory_space<vmem>>, vector<16xi32>,
        %all_reduce_population_count3A_1257 = tpu.all_reduce %ne3A_1242 {dim = 0 : i64, kind = #tpu.reduction_kind<sum>} : vector<16xi1> -> vector<16xi32>
        %add3A_1258 = arith.addi %add3A_1235, %all_reduce_population_count3A_1257 : vector<16xi32>
        %get3A_1259 = arith.constant 4 : i32
        %get3A_1260 = arith.index_cast %get3A_1259 : i32 to index
        %get3A_1261 = arith.constant 32 : index
        %get3A_1262 = tpu.vector_load %arg6[%get3A_1260, %get3A_1261] {strides = array<i32>} : memref<8x200xi32, #tpu.memory_space<vmem>>, vector<16xi32>,
        %ne3A_1263 = arith.constant 0 : i32
        %ne3A_1264 = vector.broadcast %ne3A_1263 : i32 to vector<16xi32>
        %ne3A_1265 = arith.cmpi ne, %get3A_1262, %ne3A_1264 : vector<16xi32>
        %jit3A_1266 = arith.constant 1 : i32
        %jit3A_1267 = arith.constant 0 : i32
        %broadcast_in_dim3A_1268 = vector.broadcast %jit3A_1266 : i32 to vector<16xi32>
        %broadcast_in_dim3A_1269 = vector.broadcast %jit3A_1267 : i32 to vector<16xi32>
        %select_n3A_1270 = arith.select %ne3A_1265, %broadcast_in_dim3A_1268, %broadcast_in_dim3A_1269 : vector<16xi1>, vector<16xi32>
        %broadcast_in_dim3A_1271 = arith.constant true
        %broadcast_in_dim3A_1272 = vector.broadcast %broadcast_in_dim3A_1271 : i1 to vector<16xi1>
        %masked_cumsum3A_1273 = tpu.scan <sum>, %select_n3A_1270 masked %broadcast_in_dim3A_1272 : vector<16xi32>, vector<16xi1> -> vector<16xi32>
        %add3A_1274 = arith.addi %masked_cumsum3A_1273, %add3A_1258 : vector<16xi32>
        %jit3A_1275 = arith.constant 0 : i32
        %broadcast_in_dim3A_1276 = vector.broadcast %jit3A_1275 : i32 to vector<16xi32>
        %select_n3A_1277 = arith.select %ne3A_1265, %add3A_1274, %broadcast_in_dim3A_1276 : vector<16xi1>, vector<16xi32>
        %swap3A_1278 = arith.constant 832 : index
        %swap3A_1279 = tpu.vector_load %arg7[%swap3A_1278] {strides = array<i32>} : memref<1600xi32, #tpu.memory_space<vmem>>, vector<16xi32>,
        tpu.vector_store %arg7[%swap3A_1278], %select_n3A_1277 {strides = array<i32>} : memref<1600xi32, #tpu.memory_space<vmem>>, vector<16xi32>,
        %all_reduce_population_count3A_1280 = tpu.all_reduce %ne3A_1265 {dim = 0 : i64, kind = #tpu.reduction_kind<sum>} : vector<16xi1> -> vector<16xi32>
        %add3A_1281 = arith.addi %add3A_1258, %all_reduce_population_count3A_1280 : vector<16xi32>
        %get3A_1282 = arith.constant 4 : i32
        %get3A_1283 = arith.index_cast %get3A_1282 : i32 to index
        %get3A_1284 = arith.constant 48 : index
        %get3A_1285 = tpu.vector_load %arg6[%get3A_1283, %get3A_1284] {strides = array<i32>} : memref<8x200xi32, #tpu.memory_space<vmem>>, vector<16xi32>,
        %ne3A_1286 = arith.constant 0 : i32
        %ne3A_1287 = vector.broadcast %ne3A_1286 : i32 to vector<16xi32>
        %ne3A_1288 = arith.cmpi ne, %get3A_1285, %ne3A_1287 : vector<16xi32>
        %jit3A_1289 = arith.constant 1 : i32
        %jit3A_1290 = arith.constant 0 : i32
        %broadcast_in_dim3A_1291 = vector.broadcast %jit3A_1289 : i32 to vector<16xi32>
        %broadcast_in_dim3A_1292 = vector.broadcast %jit3A_1290 : i32 to vector<16xi32>
        %select_n3A_1293 = arith.select %ne3A_1288, %broadcast_in_dim3A_1291, %broadcast_in_dim3A_1292 : vector<16xi1>, vector<16xi32>
        %broadcast_in_dim3A_1294 = arith.constant true
        %broadcast_in_dim3A_1295 = vector.broadcast %broadcast_in_dim3A_1294 : i1 to vector<16xi1>
        %masked_cumsum3A_1296 = tpu.scan <sum>, %select_n3A_1293 masked %broadcast_in_dim3A_1295 : vector<16xi32>, vector<16xi1> -> vector<16xi32>
        %add3A_1297 = arith.addi %masked_cumsum3A_1296, %add3A_1281 : vector<16xi32>
        %jit3A_1298 = arith.constant 0 : i32
        %broadcast_in_dim3A_1299 = vector.broadcast %jit3A_1298 : i32 to vector<16xi32>
        %select_n3A_1300 = arith.select %ne3A_1288, %add3A_1297, %broadcast_in_dim3A_1299 : vector<16xi1>, vector<16xi32>
        %swap3A_1301 = arith.constant 848 : index
        %swap3A_1302 = tpu.vector_load %arg7[%swap3A_1301] {strides = array<i32>} : memref<1600xi32, #tpu.memory_space<vmem>>, vector<16xi32>,
        tpu.vector_store %arg7[%swap3A_1301], %select_n3A_1300 {strides = array<i32>} : memref<1600xi32, #tpu.memory_space<vmem>>, vector<16xi32>,
        %all_reduce_population_count3A_1303 = tpu.all_reduce %ne3A_1288 {dim = 0 : i64, kind = #tpu.reduction_kind<sum>} : vector<16xi1> -> vector<16xi32>
        %add3A_1304 = arith.addi %add3A_1281, %all_reduce_population_count3A_1303 : vector<16xi32>
        %get3A_1305 = arith.constant 4 : i32
        %get3A_1306 = arith.index_cast %get3A_1305 : i32 to index
        %get3A_1307 = arith.constant 64 : index
        %get3A_1308 = tpu.vector_load %arg6[%get3A_1306, %get3A_1307] {strides = array<i32>} : memref<8x200xi32, #tpu.memory_space<vmem>>, vector<16xi32>,
        %ne3A_1309 = arith.constant 0 : i32
        %ne3A_1310 = vector.broadcast %ne3A_1309 : i32 to vector<16xi32>
        %ne3A_1311 = arith.cmpi ne, %get3A_1308, %ne3A_1310 : vector<16xi32>
        %jit3A_1312 = arith.constant 1 : i32
        %jit3A_1313 = arith.constant 0 : i32
        %broadcast_in_dim3A_1314 = vector.broadcast %jit3A_1312 : i32 to vector<16xi32>
        %broadcast_in_dim3A_1315 = vector.broadcast %jit3A_1313 : i32 to vector<16xi32>
        %select_n3A_1316 = arith.select %ne3A_1311, %broadcast_in_dim3A_1314, %broadcast_in_dim3A_1315 : vector<16xi1>, vector<16xi32>
        %broadcast_in_dim3A_1317 = arith.constant true
        %broadcast_in_dim3A_1318 = vector.broadcast %broadcast_in_dim3A_1317 : i1 to vector<16xi1>
        %masked_cumsum3A_1319 = tpu.scan <sum>, %select_n3A_1316 masked %broadcast_in_dim3A_1318 : vector<16xi32>, vector<16xi1> -> vector<16xi32>
        %add3A_1320 = arith.addi %masked_cumsum3A_1319, %add3A_1304 : vector<16xi32>
        %jit3A_1321 = arith.constant 0 : i32
        %broadcast_in_dim3A_1322 = vector.broadcast %jit3A_1321 : i32 to vector<16xi32>
        %select_n3A_1323 = arith.select %ne3A_1311, %add3A_1320, %broadcast_in_dim3A_1322 : vector<16xi1>, vector<16xi32>
        %swap3A_1324 = arith.constant 864 : index
        %swap3A_1325 = tpu.vector_load %arg7[%swap3A_1324] {strides = array<i32>} : memref<1600xi32, #tpu.memory_space<vmem>>, vector<16xi32>,
        tpu.vector_store %arg7[%swap3A_1324], %select_n3A_1323 {strides = array<i32>} : memref<1600xi32, #tpu.memory_space<vmem>>, vector<16xi32>,
        %all_reduce_population_count3A_1326 = tpu.all_reduce %ne3A_1311 {dim = 0 : i64, kind = #tpu.reduction_kind<sum>} : vector<16xi1> -> vector<16xi32>
        %add3A_1327 = arith.addi %add3A_1304, %all_reduce_population_count3A_1326 : vector<16xi32>
        %get3A_1328 = arith.constant 4 : i32
        %get3A_1329 = arith.index_cast %get3A_1328 : i32 to index
        %get3A_1330 = arith.constant 80 : index
        %get3A_1331 = tpu.vector_load %arg6[%get3A_1329, %get3A_1330] {strides = array<i32>} : memref<8x200xi32, #tpu.memory_space<vmem>>, vector<16xi32>,
        %ne3A_1332 = arith.constant 0 : i32
        %ne3A_1333 = vector.broadcast %ne3A_1332 : i32 to vector<16xi32>
        %ne3A_1334 = arith.cmpi ne, %get3A_1331, %ne3A_1333 : vector<16xi32>
        %jit3A_1335 = arith.constant 1 : i32
        %jit3A_1336 = arith.constant 0 : i32
        %broadcast_in_dim3A_1337 = vector.broadcast %jit3A_1335 : i32 to vector<16xi32>
        %broadcast_in_dim3A_1338 = vector.broadcast %jit3A_1336 : i32 to vector<16xi32>
        %select_n3A_1339 = arith.select %ne3A_1334, %broadcast_in_dim3A_1337, %broadcast_in_dim3A_1338 : vector<16xi1>, vector<16xi32>
        %broadcast_in_dim3A_1340 = arith.constant true
        %broadcast_in_dim3A_1341 = vector.broadcast %broadcast_in_dim3A_1340 : i1 to vector<16xi1>
        %masked_cumsum3A_1342 = tpu.scan <sum>, %select_n3A_1339 masked %broadcast_in_dim3A_1341 : vector<16xi32>, vector<16xi1> -> vector<16xi32>
        %add3A_1343 = arith.addi %masked_cumsum3A_1342, %add3A_1327 : vector<16xi32>
        %jit3A_1344 = arith.constant 0 : i32
        %broadcast_in_dim3A_1345 = vector.broadcast %jit3A_1344 : i32 to vector<16xi32>
        %select_n3A_1346 = arith.select %ne3A_1334, %add3A_1343, %broadcast_in_dim3A_1345 : vector<16xi1>, vector<16xi32>
        %swap3A_1347 = arith.constant 880 : index
        %swap3A_1348 = tpu.vector_load %arg7[%swap3A_1347] {strides = array<i32>} : memref<1600xi32, #tpu.memory_space<vmem>>, vector<16xi32>,
        tpu.vector_store %arg7[%swap3A_1347], %select_n3A_1346 {strides = array<i32>} : memref<1600xi32, #tpu.memory_space<vmem>>, vector<16xi32>,
        %all_reduce_population_count3A_1349 = tpu.all_reduce %ne3A_1334 {dim = 0 : i64, kind = #tpu.reduction_kind<sum>} : vector<16xi1> -> vector<16xi32>
        %add3A_1350 = arith.addi %add3A_1327, %all_reduce_population_count3A_1349 : vector<16xi32>
        %get3A_1351 = arith.constant 4 : i32
        %get3A_1352 = arith.index_cast %get3A_1351 : i32 to index
        %get3A_1353 = arith.constant 96 : index
        %get3A_1354 = tpu.vector_load %arg6[%get3A_1352, %get3A_1353] {strides = array<i32>} : memref<8x200xi32, #tpu.memory_space<vmem>>, vector<16xi32>,
        %ne3A_1355 = arith.constant 0 : i32
        %ne3A_1356 = vector.broadcast %ne3A_1355 : i32 to vector<16xi32>
        %ne3A_1357 = arith.cmpi ne, %get3A_1354, %ne3A_1356 : vector<16xi32>
        %jit3A_1358 = arith.constant 1 : i32
        %jit3A_1359 = arith.constant 0 : i32
        %broadcast_in_dim3A_1360 = vector.broadcast %jit3A_1358 : i32 to vector<16xi32>
        %broadcast_in_dim3A_1361 = vector.broadcast %jit3A_1359 : i32 to vector<16xi32>
        %select_n3A_1362 = arith.select %ne3A_1357, %broadcast_in_dim3A_1360, %broadcast_in_dim3A_1361 : vector<16xi1>, vector<16xi32>
        %broadcast_in_dim3A_1363 = arith.constant true
        %broadcast_in_dim3A_1364 = vector.broadcast %broadcast_in_dim3A_1363 : i1 to vector<16xi1>
        %masked_cumsum3A_1365 = tpu.scan <sum>, %select_n3A_1362 masked %broadcast_in_dim3A_1364 : vector<16xi32>, vector<16xi1> -> vector<16xi32>
        %add3A_1366 = arith.addi %masked_cumsum3A_1365, %add3A_1350 : vector<16xi32>
        %jit3A_1367 = arith.constant 0 : i32
        %broadcast_in_dim3A_1368 = vector.broadcast %jit3A_1367 : i32 to vector<16xi32>
        %select_n3A_1369 = arith.select %ne3A_1357, %add3A_1366, %broadcast_in_dim3A_1368 : vector<16xi1>, vector<16xi32>
        %swap3A_1370 = arith.constant 896 : index
        %swap3A_1371 = tpu.vector_load %arg7[%swap3A_1370] {strides = array<i32>} : memref<1600xi32, #tpu.memory_space<vmem>>, vector<16xi32>,
        tpu.vector_store %arg7[%swap3A_1370], %select_n3A_1369 {strides = array<i32>} : memref<1600xi32, #tpu.memory_space<vmem>>, vector<16xi32>,
        %all_reduce_population_count3A_1372 = tpu.all_reduce %ne3A_1357 {dim = 0 : i64, kind = #tpu.reduction_kind<sum>} : vector<16xi1> -> vector<16xi32>
        %add3A_1373 = arith.addi %add3A_1350, %all_reduce_population_count3A_1372 : vector<16xi32>
        %get3A_1374 = arith.constant 4 : i32
        %get3A_1375 = arith.index_cast %get3A_1374 : i32 to index
        %get3A_1376 = arith.constant 112 : index
        %get3A_1377 = tpu.vector_load %arg6[%get3A_1375, %get3A_1376] {strides = array<i32>} : memref<8x200xi32, #tpu.memory_space<vmem>>, vector<16xi32>,
        %ne3A_1378 = arith.constant 0 : i32
        %ne3A_1379 = vector.broadcast %ne3A_1378 : i32 to vector<16xi32>
        %ne3A_1380 = arith.cmpi ne, %get3A_1377, %ne3A_1379 : vector<16xi32>
        %jit3A_1381 = arith.constant 1 : i32
        %jit3A_1382 = arith.constant 0 : i32
        %broadcast_in_dim3A_1383 = vector.broadcast %jit3A_1381 : i32 to vector<16xi32>
        %broadcast_in_dim3A_1384 = vector.broadcast %jit3A_1382 : i32 to vector<16xi32>
        %select_n3A_1385 = arith.select %ne3A_1380, %broadcast_in_dim3A_1383, %broadcast_in_dim3A_1384 : vector<16xi1>, vector<16xi32>
        %broadcast_in_dim3A_1386 = arith.constant true
        %broadcast_in_dim3A_1387 = vector.broadcast %broadcast_in_dim3A_1386 : i1 to vector<16xi1>
        %masked_cumsum3A_1388 = tpu.scan <sum>, %select_n3A_1385 masked %broadcast_in_dim3A_1387 : vector<16xi32>, vector<16xi1> -> vector<16xi32>
        %add3A_1389 = arith.addi %masked_cumsum3A_1388, %add3A_1373 : vector<16xi32>
        %jit3A_1390 = arith.constant 0 : i32
        %broadcast_in_dim3A_1391 = vector.broadcast %jit3A_1390 : i32 to vector<16xi32>
        %select_n3A_1392 = arith.select %ne3A_1380, %add3A_1389, %broadcast_in_dim3A_1391 : vector<16xi1>, vector<16xi32>
        %swap3A_1393 = arith.constant 912 : index
        %swap3A_1394 = tpu.vector_load %arg7[%swap3A_1393] {strides = array<i32>} : memref<1600xi32, #tpu.memory_space<vmem>>, vector<16xi32>,
        tpu.vector_store %arg7[%swap3A_1393], %select_n3A_1392 {strides = array<i32>} : memref<1600xi32, #tpu.memory_space<vmem>>, vector<16xi32>,
        %all_reduce_population_count3A_1395 = tpu.all_reduce %ne3A_1380 {dim = 0 : i64, kind = #tpu.reduction_kind<sum>} : vector<16xi1> -> vector<16xi32>
        %add3A_1396 = arith.addi %add3A_1373, %all_reduce_population_count3A_1395 : vector<16xi32>
        %get3A_1397 = arith.constant 4 : i32
        %get3A_1398 = arith.index_cast %get3A_1397 : i32 to index
        %get3A_1399 = arith.constant 128 : index
        %get3A_1400 = tpu.vector_load %arg6[%get3A_1398, %get3A_1399] {strides = array<i32>} : memref<8x200xi32, #tpu.memory_space<vmem>>, vector<16xi32>,
        %ne3A_1401 = arith.constant 0 : i32
        %ne3A_1402 = vector.broadcast %ne3A_1401 : i32 to vector<16xi32>
        %ne3A_1403 = arith.cmpi ne, %get3A_1400, %ne3A_1402 : vector<16xi32>
        %jit3A_1404 = arith.constant 1 : i32
        %jit3A_1405 = arith.constant 0 : i32
        %broadcast_in_dim3A_1406 = vector.broadcast %jit3A_1404 : i32 to vector<16xi32>
        %broadcast_in_dim3A_1407 = vector.broadcast %jit3A_1405 : i32 to vector<16xi32>
        %select_n3A_1408 = arith.select %ne3A_1403, %broadcast_in_dim3A_1406, %broadcast_in_dim3A_1407 : vector<16xi1>, vector<16xi32>
        %broadcast_in_dim3A_1409 = arith.constant true
        %broadcast_in_dim3A_1410 = vector.broadcast %broadcast_in_dim3A_1409 : i1 to vector<16xi1>
        %masked_cumsum3A_1411 = tpu.scan <sum>, %select_n3A_1408 masked %broadcast_in_dim3A_1410 : vector<16xi32>, vector<16xi1> -> vector<16xi32>
        %add3A_1412 = arith.addi %masked_cumsum3A_1411, %add3A_1396 : vector<16xi32>
        %jit3A_1413 = arith.constant 0 : i32
        %broadcast_in_dim3A_1414 = vector.broadcast %jit3A_1413 : i32 to vector<16xi32>
        %select_n3A_1415 = arith.select %ne3A_1403, %add3A_1412, %broadcast_in_dim3A_1414 : vector<16xi1>, vector<16xi32>
        %swap3A_1416 = arith.constant 928 : index
        %swap3A_1417 = tpu.vector_load %arg7[%swap3A_1416] {strides = array<i32>} : memref<1600xi32, #tpu.memory_space<vmem>>, vector<16xi32>,
        tpu.vector_store %arg7[%swap3A_1416], %select_n3A_1415 {strides = array<i32>} : memref<1600xi32, #tpu.memory_space<vmem>>, vector<16xi32>,
        %all_reduce_population_count3A_1418 = tpu.all_reduce %ne3A_1403 {dim = 0 : i64, kind = #tpu.reduction_kind<sum>} : vector<16xi1> -> vector<16xi32>
        %add3A_1419 = arith.addi %add3A_1396, %all_reduce_population_count3A_1418 : vector<16xi32>
        %get3A_1420 = arith.constant 4 : i32
        %get3A_1421 = arith.index_cast %get3A_1420 : i32 to index
        %get3A_1422 = arith.constant 144 : index
        %get3A_1423 = tpu.vector_load %arg6[%get3A_1421, %get3A_1422] {strides = array<i32>} : memref<8x200xi32, #tpu.memory_space<vmem>>, vector<16xi32>,
        %ne3A_1424 = arith.constant 0 : i32
        %ne3A_1425 = vector.broadcast %ne3A_1424 : i32 to vector<16xi32>
        %ne3A_1426 = arith.cmpi ne, %get3A_1423, %ne3A_1425 : vector<16xi32>
        %jit3A_1427 = arith.constant 1 : i32
        %jit3A_1428 = arith.constant 0 : i32
        %broadcast_in_dim3A_1429 = vector.broadcast %jit3A_1427 : i32 to vector<16xi32>
        %broadcast_in_dim3A_1430 = vector.broadcast %jit3A_1428 : i32 to vector<16xi32>
        %select_n3A_1431 = arith.select %ne3A_1426, %broadcast_in_dim3A_1429, %broadcast_in_dim3A_1430 : vector<16xi1>, vector<16xi32>
        %broadcast_in_dim3A_1432 = arith.constant true
        %broadcast_in_dim3A_1433 = vector.broadcast %broadcast_in_dim3A_1432 : i1 to vector<16xi1>
        %masked_cumsum3A_1434 = tpu.scan <sum>, %select_n3A_1431 masked %broadcast_in_dim3A_1433 : vector<16xi32>, vector<16xi1> -> vector<16xi32>
        %add3A_1435 = arith.addi %masked_cumsum3A_1434, %add3A_1419 : vector<16xi32>
        %jit3A_1436 = arith.constant 0 : i32
        %broadcast_in_dim3A_1437 = vector.broadcast %jit3A_1436 : i32 to vector<16xi32>
        %select_n3A_1438 = arith.select %ne3A_1426, %add3A_1435, %broadcast_in_dim3A_1437 : vector<16xi1>, vector<16xi32>
        %swap3A_1439 = arith.constant 944 : index
        %swap3A_1440 = tpu.vector_load %arg7[%swap3A_1439] {strides = array<i32>} : memref<1600xi32, #tpu.memory_space<vmem>>, vector<16xi32>,
        tpu.vector_store %arg7[%swap3A_1439], %select_n3A_1438 {strides = array<i32>} : memref<1600xi32, #tpu.memory_space<vmem>>, vector<16xi32>,
        %all_reduce_population_count3A_1441 = tpu.all_reduce %ne3A_1426 {dim = 0 : i64, kind = #tpu.reduction_kind<sum>} : vector<16xi1> -> vector<16xi32>
        %add3A_1442 = arith.addi %add3A_1419, %all_reduce_population_count3A_1441 : vector<16xi32>
        %get3A_1443 = arith.constant 4 : i32
        %get3A_1444 = arith.index_cast %get3A_1443 : i32 to index
        %get3A_1445 = arith.constant 160 : index
        %get3A_1446 = tpu.vector_load %arg6[%get3A_1444, %get3A_1445] {strides = array<i32>} : memref<8x200xi32, #tpu.memory_space<vmem>>, vector<16xi32>,
        %ne3A_1447 = arith.constant 0 : i32
        %ne3A_1448 = vector.broadcast %ne3A_1447 : i32 to vector<16xi32>
        %ne3A_1449 = arith.cmpi ne, %get3A_1446, %ne3A_1448 : vector<16xi32>
        %jit3A_1450 = arith.constant 1 : i32
        %jit3A_1451 = arith.constant 0 : i32
        %broadcast_in_dim3A_1452 = vector.broadcast %jit3A_1450 : i32 to vector<16xi32>
        %broadcast_in_dim3A_1453 = vector.broadcast %jit3A_1451 : i32 to vector<16xi32>
        %select_n3A_1454 = arith.select %ne3A_1449, %broadcast_in_dim3A_1452, %broadcast_in_dim3A_1453 : vector<16xi1>, vector<16xi32>
        %broadcast_in_dim3A_1455 = arith.constant true
        %broadcast_in_dim3A_1456 = vector.broadcast %broadcast_in_dim3A_1455 : i1 to vector<16xi1>
        %masked_cumsum3A_1457 = tpu.scan <sum>, %select_n3A_1454 masked %broadcast_in_dim3A_1456 : vector<16xi32>, vector<16xi1> -> vector<16xi32>
        %add3A_1458 = arith.addi %masked_cumsum3A_1457, %add3A_1442 : vector<16xi32>
        %jit3A_1459 = arith.constant 0 : i32
        %broadcast_in_dim3A_1460 = vector.broadcast %jit3A_1459 : i32 to vector<16xi32>
        %select_n3A_1461 = arith.select %ne3A_1449, %add3A_1458, %broadcast_in_dim3A_1460 : vector<16xi1>, vector<16xi32>
        %swap3A_1462 = arith.constant 960 : index
        %swap3A_1463 = tpu.vector_load %arg7[%swap3A_1462] {strides = array<i32>} : memref<1600xi32, #tpu.memory_space<vmem>>, vector<16xi32>,
        tpu.vector_store %arg7[%swap3A_1462], %select_n3A_1461 {strides = array<i32>} : memref<1600xi32, #tpu.memory_space<vmem>>, vector<16xi32>,
        %all_reduce_population_count3A_1464 = tpu.all_reduce %ne3A_1449 {dim = 0 : i64, kind = #tpu.reduction_kind<sum>} : vector<16xi1> -> vector<16xi32>
        %add3A_1465 = arith.addi %add3A_1442, %all_reduce_population_count3A_1464 : vector<16xi32>
        %get3A_1466 = arith.constant 4 : i32
        %get3A_1467 = arith.index_cast %get3A_1466 : i32 to index
        %get3A_1468 = arith.constant 176 : index
        %get3A_1469 = tpu.vector_load %arg6[%get3A_1467, %get3A_1468] {strides = array<i32>} : memref<8x200xi32, #tpu.memory_space<vmem>>, vector<16xi32>,
        %ne3A_1470 = arith.constant 0 : i32
        %ne3A_1471 = vector.broadcast %ne3A_1470 : i32 to vector<16xi32>
        %ne3A_1472 = arith.cmpi ne, %get3A_1469, %ne3A_1471 : vector<16xi32>
        %jit3A_1473 = arith.constant 1 : i32
        %jit3A_1474 = arith.constant 0 : i32
        %broadcast_in_dim3A_1475 = vector.broadcast %jit3A_1473 : i32 to vector<16xi32>
        %broadcast_in_dim3A_1476 = vector.broadcast %jit3A_1474 : i32 to vector<16xi32>
        %select_n3A_1477 = arith.select %ne3A_1472, %broadcast_in_dim3A_1475, %broadcast_in_dim3A_1476 : vector<16xi1>, vector<16xi32>
        %broadcast_in_dim3A_1478 = arith.constant true
        %broadcast_in_dim3A_1479 = vector.broadcast %broadcast_in_dim3A_1478 : i1 to vector<16xi1>
        %masked_cumsum3A_1480 = tpu.scan <sum>, %select_n3A_1477 masked %broadcast_in_dim3A_1479 : vector<16xi32>, vector<16xi1> -> vector<16xi32>
        %add3A_1481 = arith.addi %masked_cumsum3A_1480, %add3A_1465 : vector<16xi32>
        %jit3A_1482 = arith.constant 0 : i32
        %broadcast_in_dim3A_1483 = vector.broadcast %jit3A_1482 : i32 to vector<16xi32>
        %select_n3A_1484 = arith.select %ne3A_1472, %add3A_1481, %broadcast_in_dim3A_1483 : vector<16xi1>, vector<16xi32>
        %swap3A_1485 = arith.constant 976 : index
        %swap3A_1486 = tpu.vector_load %arg7[%swap3A_1485] {strides = array<i32>} : memref<1600xi32, #tpu.memory_space<vmem>>, vector<16xi32>,
        tpu.vector_store %arg7[%swap3A_1485], %select_n3A_1484 {strides = array<i32>} : memref<1600xi32, #tpu.memory_space<vmem>>, vector<16xi32>,
        %and3A_1487 = arith.andi %ne3A_1472, %lt3A_1211 : vector<16xi1>
        %all_reduce_population_count3A_1488 = tpu.all_reduce %and3A_1487 {dim = 0 : i64, kind = #tpu.reduction_kind<sum>} : vector<16xi1> -> vector<16xi32>
        %add3A_1489 = arith.addi %add3A_1465, %all_reduce_population_count3A_1488 : vector<16xi32>
        %all_reduce_population_count3A_1490 = tpu.all_reduce %ne3A_1472 {dim = 0 : i64, kind = #tpu.reduction_kind<sum>} : vector<16xi1> -> vector<16xi32>
        %add3A_1491 = arith.addi %add3A_1465, %all_reduce_population_count3A_1490 : vector<16xi32>
        %get3A_1492 = arith.constant 4 : i32
        %get3A_1493 = arith.index_cast %get3A_1492 : i32 to index
        %get3A_1494 = arith.constant 184 : index
        %get3A_1495 = tpu.vector_load %arg6[%get3A_1493, %get3A_1494] {strides = array<i32>} : memref<8x200xi32, #tpu.memory_space<vmem>>, vector<16xi32>,
        %ne3A_1496 = arith.constant 0 : i32
        %ne3A_1497 = vector.broadcast %ne3A_1496 : i32 to vector<16xi32>
        %ne3A_1498 = arith.cmpi ne, %get3A_1495, %ne3A_1497 : vector<16xi32>
        %jit3A_1499 = arith.constant 1 : i32
        %jit3A_1500 = arith.constant 0 : i32
        %broadcast_in_dim3A_1501 = vector.broadcast %jit3A_1499 : i32 to vector<16xi32>
        %broadcast_in_dim3A_1502 = vector.broadcast %jit3A_1500 : i32 to vector<16xi32>
        %select_n3A_1503 = arith.select %ne3A_1498, %broadcast_in_dim3A_1501, %broadcast_in_dim3A_1502 : vector<16xi1>, vector<16xi32>
        %broadcast_in_dim3A_1504 = arith.constant true
        %broadcast_in_dim3A_1505 = vector.broadcast %broadcast_in_dim3A_1504 : i1 to vector<16xi1>
        %masked_cumsum3A_1506 = tpu.scan <sum>, %select_n3A_1503 masked %broadcast_in_dim3A_1505 : vector<16xi32>, vector<16xi1> -> vector<16xi32>
        %add3A_1507 = arith.addi %masked_cumsum3A_1506, %add3A_1489 : vector<16xi32>
        %jit3A_1508 = arith.constant 0 : i32
        %broadcast_in_dim3A_1509 = vector.broadcast %jit3A_1508 : i32 to vector<16xi32>
        %select_n3A_1510 = arith.select %ne3A_1498, %add3A_1507, %broadcast_in_dim3A_1509 : vector<16xi1>, vector<16xi32>
        %swap3A_1511 = arith.constant 984 : index
        %swap3A_1512 = tpu.vector_load %arg7[%swap3A_1511] {strides = array<i32>} : memref<1600xi32, #tpu.memory_space<vmem>>, vector<16xi32>,
        tpu.vector_store %arg7[%swap3A_1511], %select_n3A_1510 {strides = array<i32>} : memref<1600xi32, #tpu.memory_space<vmem>>, vector<16xi32>,
      } else {
      }
      %iota3A_661 = tpu.iota {dimensions = array<i32: 0>} : vector<16xi32>
      %mul3A_662 = arith.constant 0 : i32
      %mul3A_663 = vector.broadcast %mul3A_662 : i32 to vector<16xi32>
      %mul3A_664 = arith.muli %iota3A_661, %mul3A_663 : vector<16xi32>
      %get3A_665 = arith.constant 5 : i32
      %get3A_666 = arith.index_cast %get3A_665 : i32 to index
      %get3A_667 = arith.constant 0 : index
      %get3A_668 = tpu.vector_load %arg6[%get3A_666, %get3A_667] {strides = array<i32>} : memref<8x200xi32, #tpu.memory_space<vmem>>, vector<16xi32>,
      %ne3A_669 = arith.constant 0 : i32
      %ne3A_670 = vector.broadcast %ne3A_669 : i32 to vector<16xi32>
      %ne3A_671 = arith.cmpi ne, %get3A_668, %ne3A_670 : vector<16xi32>
      %all_reduce_population_count3A_672 = tpu.all_reduce %ne3A_671 {dim = 0 : i64, kind = #tpu.reduction_kind<sum>} : vector<16xi1> -> vector<16xi32>
      %add3A_673 = arith.addi %mul3A_664, %all_reduce_population_count3A_672 : vector<16xi32>
      %get3A_674 = arith.constant 5 : i32
      %get3A_675 = arith.index_cast %get3A_674 : i32 to index
      %get3A_676 = arith.constant 16 : index
      %get3A_677 = tpu.vector_load %arg6[%get3A_675, %get3A_676] {strides = array<i32>} : memref<8x200xi32, #tpu.memory_space<vmem>>, vector<16xi32>,
      %ne3A_678 = arith.constant 0 : i32
      %ne3A_679 = vector.broadcast %ne3A_678 : i32 to vector<16xi32>
      %ne3A_680 = arith.cmpi ne, %get3A_677, %ne3A_679 : vector<16xi32>
      %all_reduce_population_count3A_681 = tpu.all_reduce %ne3A_680 {dim = 0 : i64, kind = #tpu.reduction_kind<sum>} : vector<16xi1> -> vector<16xi32>
      %add3A_682 = arith.addi %add3A_673, %all_reduce_population_count3A_681 : vector<16xi32>
      %get3A_683 = arith.constant 5 : i32
      %get3A_684 = arith.index_cast %get3A_683 : i32 to index
      %get3A_685 = arith.constant 32 : index
      %get3A_686 = tpu.vector_load %arg6[%get3A_684, %get3A_685] {strides = array<i32>} : memref<8x200xi32, #tpu.memory_space<vmem>>, vector<16xi32>,
      %ne3A_687 = arith.constant 0 : i32
      %ne3A_688 = vector.broadcast %ne3A_687 : i32 to vector<16xi32>
      %ne3A_689 = arith.cmpi ne, %get3A_686, %ne3A_688 : vector<16xi32>
      %all_reduce_population_count3A_690 = tpu.all_reduce %ne3A_689 {dim = 0 : i64, kind = #tpu.reduction_kind<sum>} : vector<16xi1> -> vector<16xi32>
      %add3A_691 = arith.addi %add3A_682, %all_reduce_population_count3A_690 : vector<16xi32>
      %get3A_692 = arith.constant 5 : i32
      %get3A_693 = arith.index_cast %get3A_692 : i32 to index
      %get3A_694 = arith.constant 48 : index
      %get3A_695 = tpu.vector_load %arg6[%get3A_693, %get3A_694] {strides = array<i32>} : memref<8x200xi32, #tpu.memory_space<vmem>>, vector<16xi32>,
      %ne3A_696 = arith.constant 0 : i32
      %ne3A_697 = vector.broadcast %ne3A_696 : i32 to vector<16xi32>
      %ne3A_698 = arith.cmpi ne, %get3A_695, %ne3A_697 : vector<16xi32>
      %all_reduce_population_count3A_699 = tpu.all_reduce %ne3A_698 {dim = 0 : i64, kind = #tpu.reduction_kind<sum>} : vector<16xi1> -> vector<16xi32>
      %add3A_700 = arith.addi %add3A_691, %all_reduce_population_count3A_699 : vector<16xi32>
      %get3A_701 = arith.constant 5 : i32
      %get3A_702 = arith.index_cast %get3A_701 : i32 to index
      %get3A_703 = arith.constant 64 : index
      %get3A_704 = tpu.vector_load %arg6[%get3A_702, %get3A_703] {strides = array<i32>} : memref<8x200xi32, #tpu.memory_space<vmem>>, vector<16xi32>,
      %ne3A_705 = arith.constant 0 : i32
      %ne3A_706 = vector.broadcast %ne3A_705 : i32 to vector<16xi32>
      %ne3A_707 = arith.cmpi ne, %get3A_704, %ne3A_706 : vector<16xi32>
      %all_reduce_population_count3A_708 = tpu.all_reduce %ne3A_707 {dim = 0 : i64, kind = #tpu.reduction_kind<sum>} : vector<16xi1> -> vector<16xi32>
      %add3A_709 = arith.addi %add3A_700, %all_reduce_population_count3A_708 : vector<16xi32>
      %get3A_710 = arith.constant 5 : i32
      %get3A_711 = arith.index_cast %get3A_710 : i32 to index
      %get3A_712 = arith.constant 80 : index
      %get3A_713 = tpu.vector_load %arg6[%get3A_711, %get3A_712] {strides = array<i32>} : memref<8x200xi32, #tpu.memory_space<vmem>>, vector<16xi32>,
      %ne3A_714 = arith.constant 0 : i32
      %ne3A_715 = vector.broadcast %ne3A_714 : i32 to vector<16xi32>
      %ne3A_716 = arith.cmpi ne, %get3A_713, %ne3A_715 : vector<16xi32>
      %all_reduce_population_count3A_717 = tpu.all_reduce %ne3A_716 {dim = 0 : i64, kind = #tpu.reduction_kind<sum>} : vector<16xi1> -> vector<16xi32>
      %add3A_718 = arith.addi %add3A_709, %all_reduce_population_count3A_717 : vector<16xi32>
      %get3A_719 = arith.constant 5 : i32
      %get3A_720 = arith.index_cast %get3A_719 : i32 to index
      %get3A_721 = arith.constant 96 : index
      %get3A_722 = tpu.vector_load %arg6[%get3A_720, %get3A_721] {strides = array<i32>} : memref<8x200xi32, #tpu.memory_space<vmem>>, vector<16xi32>,
      %ne3A_723 = arith.constant 0 : i32
      %ne3A_724 = vector.broadcast %ne3A_723 : i32 to vector<16xi32>
      %ne3A_725 = arith.cmpi ne, %get3A_722, %ne3A_724 : vector<16xi32>
      %all_reduce_population_count3A_726 = tpu.all_reduce %ne3A_725 {dim = 0 : i64, kind = #tpu.reduction_kind<sum>} : vector<16xi1> -> vector<16xi32>
      %add3A_727 = arith.addi %add3A_718, %all_reduce_population_count3A_726 : vector<16xi32>
      %get3A_728 = arith.constant 5 : i32
      %get3A_729 = arith.index_cast %get3A_728 : i32 to index
      %get3A_730 = arith.constant 112 : index
      %get3A_731 = tpu.vector_load %arg6[%get3A_729, %get3A_730] {strides = array<i32>} : memref<8x200xi32, #tpu.memory_space<vmem>>, vector<16xi32>,
      %ne3A_732 = arith.constant 0 : i32
      %ne3A_733 = vector.broadcast %ne3A_732 : i32 to vector<16xi32>
      %ne3A_734 = arith.cmpi ne, %get3A_731, %ne3A_733 : vector<16xi32>
      %all_reduce_population_count3A_735 = tpu.all_reduce %ne3A_734 {dim = 0 : i64, kind = #tpu.reduction_kind<sum>} : vector<16xi1> -> vector<16xi32>
      %add3A_736 = arith.addi %add3A_727, %all_reduce_population_count3A_735 : vector<16xi32>
      %get3A_737 = arith.constant 5 : i32
      %get3A_738 = arith.index_cast %get3A_737 : i32 to index
      %get3A_739 = arith.constant 128 : index
      %get3A_740 = tpu.vector_load %arg6[%get3A_738, %get3A_739] {strides = array<i32>} : memref<8x200xi32, #tpu.memory_space<vmem>>, vector<16xi32>,
      %ne3A_741 = arith.constant 0 : i32
      %ne3A_742 = vector.broadcast %ne3A_741 : i32 to vector<16xi32>
      %ne3A_743 = arith.cmpi ne, %get3A_740, %ne3A_742 : vector<16xi32>
      %all_reduce_population_count3A_744 = tpu.all_reduce %ne3A_743 {dim = 0 : i64, kind = #tpu.reduction_kind<sum>} : vector<16xi1> -> vector<16xi32>
      %add3A_745 = arith.addi %add3A_736, %all_reduce_population_count3A_744 : vector<16xi32>
      %get3A_746 = arith.constant 5 : i32
      %get3A_747 = arith.index_cast %get3A_746 : i32 to index
      %get3A_748 = arith.constant 144 : index
      %get3A_749 = tpu.vector_load %arg6[%get3A_747, %get3A_748] {strides = array<i32>} : memref<8x200xi32, #tpu.memory_space<vmem>>, vector<16xi32>,
      %ne3A_750 = arith.constant 0 : i32
      %ne3A_751 = vector.broadcast %ne3A_750 : i32 to vector<16xi32>
      %ne3A_752 = arith.cmpi ne, %get3A_749, %ne3A_751 : vector<16xi32>
      %all_reduce_population_count3A_753 = tpu.all_reduce %ne3A_752 {dim = 0 : i64, kind = #tpu.reduction_kind<sum>} : vector<16xi1> -> vector<16xi32>
      %add3A_754 = arith.addi %add3A_745, %all_reduce_population_count3A_753 : vector<16xi32>
      %get3A_755 = arith.constant 5 : i32
      %get3A_756 = arith.index_cast %get3A_755 : i32 to index
      %get3A_757 = arith.constant 160 : index
      %get3A_758 = tpu.vector_load %arg6[%get3A_756, %get3A_757] {strides = array<i32>} : memref<8x200xi32, #tpu.memory_space<vmem>>, vector<16xi32>,
      %ne3A_759 = arith.constant 0 : i32
      %ne3A_760 = vector.broadcast %ne3A_759 : i32 to vector<16xi32>
      %ne3A_761 = arith.cmpi ne, %get3A_758, %ne3A_760 : vector<16xi32>
      %all_reduce_population_count3A_762 = tpu.all_reduce %ne3A_761 {dim = 0 : i64, kind = #tpu.reduction_kind<sum>} : vector<16xi1> -> vector<16xi32>
      %add3A_763 = arith.addi %add3A_754, %all_reduce_population_count3A_762 : vector<16xi32>
      %get3A_764 = arith.constant 5 : i32
      %get3A_765 = arith.index_cast %get3A_764 : i32 to index
      %get3A_766 = arith.constant 176 : index
      %get3A_767 = tpu.vector_load %arg6[%get3A_765, %get3A_766] {strides = array<i32>} : memref<8x200xi32, #tpu.memory_space<vmem>>, vector<16xi32>,
      %ne3A_768 = arith.constant 0 : i32
      %ne3A_769 = vector.broadcast %ne3A_768 : i32 to vector<16xi32>
      %ne3A_770 = arith.cmpi ne, %get3A_767, %ne3A_769 : vector<16xi32>
      %all_reduce_population_count3A_771 = tpu.all_reduce %ne3A_770 {dim = 0 : i64, kind = #tpu.reduction_kind<sum>} : vector<16xi1> -> vector<16xi32>
      %add3A_772 = arith.addi %add3A_763, %all_reduce_population_count3A_771 : vector<16xi32>
      %get3A_773 = arith.constant 5 : i32
      %get3A_774 = arith.index_cast %get3A_773 : i32 to index
      %get3A_775 = arith.constant 184 : index
      %get3A_776 = tpu.vector_load %arg6[%get3A_774, %get3A_775] {strides = array<i32>} : memref<8x200xi32, #tpu.memory_space<vmem>>, vector<16xi32>,
      %ne3A_777 = arith.constant 0 : i32
      %ne3A_778 = vector.broadcast %ne3A_777 : i32 to vector<16xi32>
      %ne3A_779 = arith.cmpi ne, %get3A_776, %ne3A_778 : vector<16xi32>
      %ge3A_780 = arith.constant 8 : i32
      %ge3A_781 = vector.broadcast %ge3A_780 : i32 to vector<16xi32>
      %ge3A_782 = arith.cmpi sge, %iota3A_661, %ge3A_781 : vector<16xi32>
      %and3A_783 = arith.andi %ne3A_779, %ge3A_782 : vector<16xi1>
      %all_reduce_population_count3A_784 = tpu.all_reduce %and3A_783 {dim = 0 : i64, kind = #tpu.reduction_kind<sum>} : vector<16xi1> -> vector<16xi32>
      %add3A_785 = arith.addi %add3A_772, %all_reduce_population_count3A_784 : vector<16xi32>
      %slice3A_786 = vector.extract_strided_slice %add3A_785 {offsets = [0], sizes = [1], strides = [1]} : vector<16xi32> to vector<1xi32>
      %squeeze3A_787 = vector.extract %slice3A_786[0] : i32 from vector<1xi32>
      %ne3A_788 = arith.constant 200 : i32
      %ne3A_789 = arith.cmpi ne, %squeeze3A_787, %ne3A_788 : i32
      %convert_element_type3A_790 = arith.extui %ne3A_789 : i1 to i32
      %cond3A_791 = arith.constant 0 : i32
      %cond3A_792 = arith.cmpi ne, %convert_element_type3A_790, %cond3A_791 : i32
      scf.if %cond3A_792 {
        %iota3A_1209 = tpu.iota {dimensions = array<i32: 0>} : vector<16xi32>
        %lt3A = arith.constant 8 : i32
        %lt3A_1210 = vector.broadcast %lt3A : i32 to vector<16xi32>
        %lt3A_1211 = arith.cmpi slt, %iota3A_1209, %lt3A_1210 : vector<16xi32>
        %mul3A_1212 = arith.constant 0 : i32
        %mul3A_1213 = vector.broadcast %mul3A_1212 : i32 to vector<16xi32>
        %mul3A_1214 = arith.muli %iota3A_1209, %mul3A_1213 : vector<16xi32>
        %mul3A_1215 = arith.constant 0 : i32
        %mul3A_1216 = vector.broadcast %mul3A_1215 : i32 to vector<16xi32>
        %mul3A_1217 = arith.muli %iota3A_1209, %mul3A_1216 : vector<16xi32>
        %get3A_1218 = arith.constant 5 : i32
        %get3A_1219 = arith.index_cast %get3A_1218 : i32 to index
        %get3A_1220 = arith.constant 0 : index
        %get3A_1221 = tpu.vector_load %arg6[%get3A_1219, %get3A_1220] {strides = array<i32>} : memref<8x200xi32, #tpu.memory_space<vmem>>, vector<16xi32>,
        %ne3A_1222 = arith.constant 0 : i32
        %ne3A_1223 = vector.broadcast %ne3A_1222 : i32 to vector<16xi32>
        %ne3A_1224 = arith.cmpi ne, %get3A_1221, %ne3A_1223 : vector<16xi32>
        %jit3A = arith.constant 1 : i32
        %jit3A_1225 = arith.constant 0 : i32
        %broadcast_in_dim3A = vector.broadcast %jit3A : i32 to vector<16xi32>
        %broadcast_in_dim3A_1226 = vector.broadcast %jit3A_1225 : i32 to vector<16xi32>
        %select_n3A = arith.select %ne3A_1224, %broadcast_in_dim3A, %broadcast_in_dim3A_1226 : vector<16xi1>, vector<16xi32>
        %broadcast_in_dim3A_1227 = arith.constant true
        %broadcast_in_dim3A_1228 = vector.broadcast %broadcast_in_dim3A_1227 : i1 to vector<16xi1>
        %masked_cumsum3A = tpu.scan <sum>, %select_n3A masked %broadcast_in_dim3A_1228 : vector<16xi32>, vector<16xi1> -> vector<16xi32>
        %add3A_1229 = arith.addi %masked_cumsum3A, %mul3A_1214 : vector<16xi32>
        %jit3A_1230 = arith.constant 0 : i32
        %broadcast_in_dim3A_1231 = vector.broadcast %jit3A_1230 : i32 to vector<16xi32>
        %select_n3A_1232 = arith.select %ne3A_1224, %add3A_1229, %broadcast_in_dim3A_1231 : vector<16xi1>, vector<16xi32>
        %swap3A = arith.constant 1000 : index
        %swap3A_1233 = tpu.vector_load %arg7[%swap3A] {strides = array<i32>} : memref<1600xi32, #tpu.memory_space<vmem>>, vector<16xi32>,
        tpu.vector_store %arg7[%swap3A], %select_n3A_1232 {strides = array<i32>} : memref<1600xi32, #tpu.memory_space<vmem>>, vector<16xi32>,
        %all_reduce_population_count3A_1234 = tpu.all_reduce %ne3A_1224 {dim = 0 : i64, kind = #tpu.reduction_kind<sum>} : vector<16xi1> -> vector<16xi32>
        %add3A_1235 = arith.addi %mul3A_1214, %all_reduce_population_count3A_1234 : vector<16xi32>
        %get3A_1236 = arith.constant 5 : i32
        %get3A_1237 = arith.index_cast %get3A_1236 : i32 to index
        %get3A_1238 = arith.constant 16 : index
        %get3A_1239 = tpu.vector_load %arg6[%get3A_1237, %get3A_1238] {strides = array<i32>} : memref<8x200xi32, #tpu.memory_space<vmem>>, vector<16xi32>,
        %ne3A_1240 = arith.constant 0 : i32
        %ne3A_1241 = vector.broadcast %ne3A_1240 : i32 to vector<16xi32>
        %ne3A_1242 = arith.cmpi ne, %get3A_1239, %ne3A_1241 : vector<16xi32>
        %jit3A_1243 = arith.constant 1 : i32
        %jit3A_1244 = arith.constant 0 : i32
        %broadcast_in_dim3A_1245 = vector.broadcast %jit3A_1243 : i32 to vector<16xi32>
        %broadcast_in_dim3A_1246 = vector.broadcast %jit3A_1244 : i32 to vector<16xi32>
        %select_n3A_1247 = arith.select %ne3A_1242, %broadcast_in_dim3A_1245, %broadcast_in_dim3A_1246 : vector<16xi1>, vector<16xi32>
        %broadcast_in_dim3A_1248 = arith.constant true
        %broadcast_in_dim3A_1249 = vector.broadcast %broadcast_in_dim3A_1248 : i1 to vector<16xi1>
        %masked_cumsum3A_1250 = tpu.scan <sum>, %select_n3A_1247 masked %broadcast_in_dim3A_1249 : vector<16xi32>, vector<16xi1> -> vector<16xi32>
        %add3A_1251 = arith.addi %masked_cumsum3A_1250, %add3A_1235 : vector<16xi32>
        %jit3A_1252 = arith.constant 0 : i32
        %broadcast_in_dim3A_1253 = vector.broadcast %jit3A_1252 : i32 to vector<16xi32>
        %select_n3A_1254 = arith.select %ne3A_1242, %add3A_1251, %broadcast_in_dim3A_1253 : vector<16xi1>, vector<16xi32>
        %swap3A_1255 = arith.constant 1016 : index
        %swap3A_1256 = tpu.vector_load %arg7[%swap3A_1255] {strides = array<i32>} : memref<1600xi32, #tpu.memory_space<vmem>>, vector<16xi32>,
        tpu.vector_store %arg7[%swap3A_1255], %select_n3A_1254 {strides = array<i32>} : memref<1600xi32, #tpu.memory_space<vmem>>, vector<16xi32>,
        %all_reduce_population_count3A_1257 = tpu.all_reduce %ne3A_1242 {dim = 0 : i64, kind = #tpu.reduction_kind<sum>} : vector<16xi1> -> vector<16xi32>
        %add3A_1258 = arith.addi %add3A_1235, %all_reduce_population_count3A_1257 : vector<16xi32>
        %get3A_1259 = arith.constant 5 : i32
        %get3A_1260 = arith.index_cast %get3A_1259 : i32 to index
        %get3A_1261 = arith.constant 32 : index
        %get3A_1262 = tpu.vector_load %arg6[%get3A_1260, %get3A_1261] {strides = array<i32>} : memref<8x200xi32, #tpu.memory_space<vmem>>, vector<16xi32>,
        %ne3A_1263 = arith.constant 0 : i32
        %ne3A_1264 = vector.broadcast %ne3A_1263 : i32 to vector<16xi32>
        %ne3A_1265 = arith.cmpi ne, %get3A_1262, %ne3A_1264 : vector<16xi32>
        %jit3A_1266 = arith.constant 1 : i32
        %jit3A_1267 = arith.constant 0 : i32
        %broadcast_in_dim3A_1268 = vector.broadcast %jit3A_1266 : i32 to vector<16xi32>
        %broadcast_in_dim3A_1269 = vector.broadcast %jit3A_1267 : i32 to vector<16xi32>
        %select_n3A_1270 = arith.select %ne3A_1265, %broadcast_in_dim3A_1268, %broadcast_in_dim3A_1269 : vector<16xi1>, vector<16xi32>
        %broadcast_in_dim3A_1271 = arith.constant true
        %broadcast_in_dim3A_1272 = vector.broadcast %broadcast_in_dim3A_1271 : i1 to vector<16xi1>
        %masked_cumsum3A_1273 = tpu.scan <sum>, %select_n3A_1270 masked %broadcast_in_dim3A_1272 : vector<16xi32>, vector<16xi1> -> vector<16xi32>
        %add3A_1274 = arith.addi %masked_cumsum3A_1273, %add3A_1258 : vector<16xi32>
        %jit3A_1275 = arith.constant 0 : i32
        %broadcast_in_dim3A_1276 = vector.broadcast %jit3A_1275 : i32 to vector<16xi32>
        %select_n3A_1277 = arith.select %ne3A_1265, %add3A_1274, %broadcast_in_dim3A_1276 : vector<16xi1>, vector<16xi32>
        %swap3A_1278 = arith.constant 1032 : index
        %swap3A_1279 = tpu.vector_load %arg7[%swap3A_1278] {strides = array<i32>} : memref<1600xi32, #tpu.memory_space<vmem>>, vector<16xi32>,
        tpu.vector_store %arg7[%swap3A_1278], %select_n3A_1277 {strides = array<i32>} : memref<1600xi32, #tpu.memory_space<vmem>>, vector<16xi32>,
        %all_reduce_population_count3A_1280 = tpu.all_reduce %ne3A_1265 {dim = 0 : i64, kind = #tpu.reduction_kind<sum>} : vector<16xi1> -> vector<16xi32>
        %add3A_1281 = arith.addi %add3A_1258, %all_reduce_population_count3A_1280 : vector<16xi32>
        %get3A_1282 = arith.constant 5 : i32
        %get3A_1283 = arith.index_cast %get3A_1282 : i32 to index
        %get3A_1284 = arith.constant 48 : index
        %get3A_1285 = tpu.vector_load %arg6[%get3A_1283, %get3A_1284] {strides = array<i32>} : memref<8x200xi32, #tpu.memory_space<vmem>>, vector<16xi32>,
        %ne3A_1286 = arith.constant 0 : i32
        %ne3A_1287 = vector.broadcast %ne3A_1286 : i32 to vector<16xi32>
        %ne3A_1288 = arith.cmpi ne, %get3A_1285, %ne3A_1287 : vector<16xi32>
        %jit3A_1289 = arith.constant 1 : i32
        %jit3A_1290 = arith.constant 0 : i32
        %broadcast_in_dim3A_1291 = vector.broadcast %jit3A_1289 : i32 to vector<16xi32>
        %broadcast_in_dim3A_1292 = vector.broadcast %jit3A_1290 : i32 to vector<16xi32>
        %select_n3A_1293 = arith.select %ne3A_1288, %broadcast_in_dim3A_1291, %broadcast_in_dim3A_1292 : vector<16xi1>, vector<16xi32>
        %broadcast_in_dim3A_1294 = arith.constant true
        %broadcast_in_dim3A_1295 = vector.broadcast %broadcast_in_dim3A_1294 : i1 to vector<16xi1>
        %masked_cumsum3A_1296 = tpu.scan <sum>, %select_n3A_1293 masked %broadcast_in_dim3A_1295 : vector<16xi32>, vector<16xi1> -> vector<16xi32>
        %add3A_1297 = arith.addi %masked_cumsum3A_1296, %add3A_1281 : vector<16xi32>
        %jit3A_1298 = arith.constant 0 : i32
        %broadcast_in_dim3A_1299 = vector.broadcast %jit3A_1298 : i32 to vector<16xi32>
        %select_n3A_1300 = arith.select %ne3A_1288, %add3A_1297, %broadcast_in_dim3A_1299 : vector<16xi1>, vector<16xi32>
        %swap3A_1301 = arith.constant 1048 : index
        %swap3A_1302 = tpu.vector_load %arg7[%swap3A_1301] {strides = array<i32>} : memref<1600xi32, #tpu.memory_space<vmem>>, vector<16xi32>,
        tpu.vector_store %arg7[%swap3A_1301], %select_n3A_1300 {strides = array<i32>} : memref<1600xi32, #tpu.memory_space<vmem>>, vector<16xi32>,
        %all_reduce_population_count3A_1303 = tpu.all_reduce %ne3A_1288 {dim = 0 : i64, kind = #tpu.reduction_kind<sum>} : vector<16xi1> -> vector<16xi32>
        %add3A_1304 = arith.addi %add3A_1281, %all_reduce_population_count3A_1303 : vector<16xi32>
        %get3A_1305 = arith.constant 5 : i32
        %get3A_1306 = arith.index_cast %get3A_1305 : i32 to index
        %get3A_1307 = arith.constant 64 : index
        %get3A_1308 = tpu.vector_load %arg6[%get3A_1306, %get3A_1307] {strides = array<i32>} : memref<8x200xi32, #tpu.memory_space<vmem>>, vector<16xi32>,
        %ne3A_1309 = arith.constant 0 : i32
        %ne3A_1310 = vector.broadcast %ne3A_1309 : i32 to vector<16xi32>
        %ne3A_1311 = arith.cmpi ne, %get3A_1308, %ne3A_1310 : vector<16xi32>
        %jit3A_1312 = arith.constant 1 : i32
        %jit3A_1313 = arith.constant 0 : i32
        %broadcast_in_dim3A_1314 = vector.broadcast %jit3A_1312 : i32 to vector<16xi32>
        %broadcast_in_dim3A_1315 = vector.broadcast %jit3A_1313 : i32 to vector<16xi32>
        %select_n3A_1316 = arith.select %ne3A_1311, %broadcast_in_dim3A_1314, %broadcast_in_dim3A_1315 : vector<16xi1>, vector<16xi32>
        %broadcast_in_dim3A_1317 = arith.constant true
        %broadcast_in_dim3A_1318 = vector.broadcast %broadcast_in_dim3A_1317 : i1 to vector<16xi1>
        %masked_cumsum3A_1319 = tpu.scan <sum>, %select_n3A_1316 masked %broadcast_in_dim3A_1318 : vector<16xi32>, vector<16xi1> -> vector<16xi32>
        %add3A_1320 = arith.addi %masked_cumsum3A_1319, %add3A_1304 : vector<16xi32>
        %jit3A_1321 = arith.constant 0 : i32
        %broadcast_in_dim3A_1322 = vector.broadcast %jit3A_1321 : i32 to vector<16xi32>
        %select_n3A_1323 = arith.select %ne3A_1311, %add3A_1320, %broadcast_in_dim3A_1322 : vector<16xi1>, vector<16xi32>
        %swap3A_1324 = arith.constant 1064 : index
        %swap3A_1325 = tpu.vector_load %arg7[%swap3A_1324] {strides = array<i32>} : memref<1600xi32, #tpu.memory_space<vmem>>, vector<16xi32>,
        tpu.vector_store %arg7[%swap3A_1324], %select_n3A_1323 {strides = array<i32>} : memref<1600xi32, #tpu.memory_space<vmem>>, vector<16xi32>,
        %all_reduce_population_count3A_1326 = tpu.all_reduce %ne3A_1311 {dim = 0 : i64, kind = #tpu.reduction_kind<sum>} : vector<16xi1> -> vector<16xi32>
        %add3A_1327 = arith.addi %add3A_1304, %all_reduce_population_count3A_1326 : vector<16xi32>
        %get3A_1328 = arith.constant 5 : i32
        %get3A_1329 = arith.index_cast %get3A_1328 : i32 to index
        %get3A_1330 = arith.constant 80 : index
        %get3A_1331 = tpu.vector_load %arg6[%get3A_1329, %get3A_1330] {strides = array<i32>} : memref<8x200xi32, #tpu.memory_space<vmem>>, vector<16xi32>,
        %ne3A_1332 = arith.constant 0 : i32
        %ne3A_1333 = vector.broadcast %ne3A_1332 : i32 to vector<16xi32>
        %ne3A_1334 = arith.cmpi ne, %get3A_1331, %ne3A_1333 : vector<16xi32>
        %jit3A_1335 = arith.constant 1 : i32
        %jit3A_1336 = arith.constant 0 : i32
        %broadcast_in_dim3A_1337 = vector.broadcast %jit3A_1335 : i32 to vector<16xi32>
        %broadcast_in_dim3A_1338 = vector.broadcast %jit3A_1336 : i32 to vector<16xi32>
        %select_n3A_1339 = arith.select %ne3A_1334, %broadcast_in_dim3A_1337, %broadcast_in_dim3A_1338 : vector<16xi1>, vector<16xi32>
        %broadcast_in_dim3A_1340 = arith.constant true
        %broadcast_in_dim3A_1341 = vector.broadcast %broadcast_in_dim3A_1340 : i1 to vector<16xi1>
        %masked_cumsum3A_1342 = tpu.scan <sum>, %select_n3A_1339 masked %broadcast_in_dim3A_1341 : vector<16xi32>, vector<16xi1> -> vector<16xi32>
        %add3A_1343 = arith.addi %masked_cumsum3A_1342, %add3A_1327 : vector<16xi32>
        %jit3A_1344 = arith.constant 0 : i32
        %broadcast_in_dim3A_1345 = vector.broadcast %jit3A_1344 : i32 to vector<16xi32>
        %select_n3A_1346 = arith.select %ne3A_1334, %add3A_1343, %broadcast_in_dim3A_1345 : vector<16xi1>, vector<16xi32>
        %swap3A_1347 = arith.constant 1080 : index
        %swap3A_1348 = tpu.vector_load %arg7[%swap3A_1347] {strides = array<i32>} : memref<1600xi32, #tpu.memory_space<vmem>>, vector<16xi32>,
        tpu.vector_store %arg7[%swap3A_1347], %select_n3A_1346 {strides = array<i32>} : memref<1600xi32, #tpu.memory_space<vmem>>, vector<16xi32>,
        %all_reduce_population_count3A_1349 = tpu.all_reduce %ne3A_1334 {dim = 0 : i64, kind = #tpu.reduction_kind<sum>} : vector<16xi1> -> vector<16xi32>
        %add3A_1350 = arith.addi %add3A_1327, %all_reduce_population_count3A_1349 : vector<16xi32>
        %get3A_1351 = arith.constant 5 : i32
        %get3A_1352 = arith.index_cast %get3A_1351 : i32 to index
        %get3A_1353 = arith.constant 96 : index
        %get3A_1354 = tpu.vector_load %arg6[%get3A_1352, %get3A_1353] {strides = array<i32>} : memref<8x200xi32, #tpu.memory_space<vmem>>, vector<16xi32>,
        %ne3A_1355 = arith.constant 0 : i32
        %ne3A_1356 = vector.broadcast %ne3A_1355 : i32 to vector<16xi32>
        %ne3A_1357 = arith.cmpi ne, %get3A_1354, %ne3A_1356 : vector<16xi32>
        %jit3A_1358 = arith.constant 1 : i32
        %jit3A_1359 = arith.constant 0 : i32
        %broadcast_in_dim3A_1360 = vector.broadcast %jit3A_1358 : i32 to vector<16xi32>
        %broadcast_in_dim3A_1361 = vector.broadcast %jit3A_1359 : i32 to vector<16xi32>
        %select_n3A_1362 = arith.select %ne3A_1357, %broadcast_in_dim3A_1360, %broadcast_in_dim3A_1361 : vector<16xi1>, vector<16xi32>
        %broadcast_in_dim3A_1363 = arith.constant true
        %broadcast_in_dim3A_1364 = vector.broadcast %broadcast_in_dim3A_1363 : i1 to vector<16xi1>
        %masked_cumsum3A_1365 = tpu.scan <sum>, %select_n3A_1362 masked %broadcast_in_dim3A_1364 : vector<16xi32>, vector<16xi1> -> vector<16xi32>
        %add3A_1366 = arith.addi %masked_cumsum3A_1365, %add3A_1350 : vector<16xi32>
        %jit3A_1367 = arith.constant 0 : i32
        %broadcast_in_dim3A_1368 = vector.broadcast %jit3A_1367 : i32 to vector<16xi32>
        %select_n3A_1369 = arith.select %ne3A_1357, %add3A_1366, %broadcast_in_dim3A_1368 : vector<16xi1>, vector<16xi32>
        %swap3A_1370 = arith.constant 1096 : index
        %swap3A_1371 = tpu.vector_load %arg7[%swap3A_1370] {strides = array<i32>} : memref<1600xi32, #tpu.memory_space<vmem>>, vector<16xi32>,
        tpu.vector_store %arg7[%swap3A_1370], %select_n3A_1369 {strides = array<i32>} : memref<1600xi32, #tpu.memory_space<vmem>>, vector<16xi32>,
        %all_reduce_population_count3A_1372 = tpu.all_reduce %ne3A_1357 {dim = 0 : i64, kind = #tpu.reduction_kind<sum>} : vector<16xi1> -> vector<16xi32>
        %add3A_1373 = arith.addi %add3A_1350, %all_reduce_population_count3A_1372 : vector<16xi32>
        %get3A_1374 = arith.constant 5 : i32
        %get3A_1375 = arith.index_cast %get3A_1374 : i32 to index
        %get3A_1376 = arith.constant 112 : index
        %get3A_1377 = tpu.vector_load %arg6[%get3A_1375, %get3A_1376] {strides = array<i32>} : memref<8x200xi32, #tpu.memory_space<vmem>>, vector<16xi32>,
        %ne3A_1378 = arith.constant 0 : i32
        %ne3A_1379 = vector.broadcast %ne3A_1378 : i32 to vector<16xi32>
        %ne3A_1380 = arith.cmpi ne, %get3A_1377, %ne3A_1379 : vector<16xi32>
        %jit3A_1381 = arith.constant 1 : i32
        %jit3A_1382 = arith.constant 0 : i32
        %broadcast_in_dim3A_1383 = vector.broadcast %jit3A_1381 : i32 to vector<16xi32>
        %broadcast_in_dim3A_1384 = vector.broadcast %jit3A_1382 : i32 to vector<16xi32>
        %select_n3A_1385 = arith.select %ne3A_1380, %broadcast_in_dim3A_1383, %broadcast_in_dim3A_1384 : vector<16xi1>, vector<16xi32>
        %broadcast_in_dim3A_1386 = arith.constant true
        %broadcast_in_dim3A_1387 = vector.broadcast %broadcast_in_dim3A_1386 : i1 to vector<16xi1>
        %masked_cumsum3A_1388 = tpu.scan <sum>, %select_n3A_1385 masked %broadcast_in_dim3A_1387 : vector<16xi32>, vector<16xi1> -> vector<16xi32>
        %add3A_1389 = arith.addi %masked_cumsum3A_1388, %add3A_1373 : vector<16xi32>
        %jit3A_1390 = arith.constant 0 : i32
        %broadcast_in_dim3A_1391 = vector.broadcast %jit3A_1390 : i32 to vector<16xi32>
        %select_n3A_1392 = arith.select %ne3A_1380, %add3A_1389, %broadcast_in_dim3A_1391 : vector<16xi1>, vector<16xi32>
        %swap3A_1393 = arith.constant 1112 : index
        %swap3A_1394 = tpu.vector_load %arg7[%swap3A_1393] {strides = array<i32>} : memref<1600xi32, #tpu.memory_space<vmem>>, vector<16xi32>,
        tpu.vector_store %arg7[%swap3A_1393], %select_n3A_1392 {strides = array<i32>} : memref<1600xi32, #tpu.memory_space<vmem>>, vector<16xi32>,
        %all_reduce_population_count3A_1395 = tpu.all_reduce %ne3A_1380 {dim = 0 : i64, kind = #tpu.reduction_kind<sum>} : vector<16xi1> -> vector<16xi32>
        %add3A_1396 = arith.addi %add3A_1373, %all_reduce_population_count3A_1395 : vector<16xi32>
        %get3A_1397 = arith.constant 5 : i32
        %get3A_1398 = arith.index_cast %get3A_1397 : i32 to index
        %get3A_1399 = arith.constant 128 : index
        %get3A_1400 = tpu.vector_load %arg6[%get3A_1398, %get3A_1399] {strides = array<i32>} : memref<8x200xi32, #tpu.memory_space<vmem>>, vector<16xi32>,
        %ne3A_1401 = arith.constant 0 : i32
        %ne3A_1402 = vector.broadcast %ne3A_1401 : i32 to vector<16xi32>
        %ne3A_1403 = arith.cmpi ne, %get3A_1400, %ne3A_1402 : vector<16xi32>
        %jit3A_1404 = arith.constant 1 : i32
        %jit3A_1405 = arith.constant 0 : i32
        %broadcast_in_dim3A_1406 = vector.broadcast %jit3A_1404 : i32 to vector<16xi32>
        %broadcast_in_dim3A_1407 = vector.broadcast %jit3A_1405 : i32 to vector<16xi32>
        %select_n3A_1408 = arith.select %ne3A_1403, %broadcast_in_dim3A_1406, %broadcast_in_dim3A_1407 : vector<16xi1>, vector<16xi32>
        %broadcast_in_dim3A_1409 = arith.constant true
        %broadcast_in_dim3A_1410 = vector.broadcast %broadcast_in_dim3A_1409 : i1 to vector<16xi1>
        %masked_cumsum3A_1411 = tpu.scan <sum>, %select_n3A_1408 masked %broadcast_in_dim3A_1410 : vector<16xi32>, vector<16xi1> -> vector<16xi32>
        %add3A_1412 = arith.addi %masked_cumsum3A_1411, %add3A_1396 : vector<16xi32>
        %jit3A_1413 = arith.constant 0 : i32
        %broadcast_in_dim3A_1414 = vector.broadcast %jit3A_1413 : i32 to vector<16xi32>
        %select_n3A_1415 = arith.select %ne3A_1403, %add3A_1412, %broadcast_in_dim3A_1414 : vector<16xi1>, vector<16xi32>
        %swap3A_1416 = arith.constant 1128 : index
        %swap3A_1417 = tpu.vector_load %arg7[%swap3A_1416] {strides = array<i32>} : memref<1600xi32, #tpu.memory_space<vmem>>, vector<16xi32>,
        tpu.vector_store %arg7[%swap3A_1416], %select_n3A_1415 {strides = array<i32>} : memref<1600xi32, #tpu.memory_space<vmem>>, vector<16xi32>,
        %all_reduce_population_count3A_1418 = tpu.all_reduce %ne3A_1403 {dim = 0 : i64, kind = #tpu.reduction_kind<sum>} : vector<16xi1> -> vector<16xi32>
        %add3A_1419 = arith.addi %add3A_1396, %all_reduce_population_count3A_1418 : vector<16xi32>
        %get3A_1420 = arith.constant 5 : i32
        %get3A_1421 = arith.index_cast %get3A_1420 : i32 to index
        %get3A_1422 = arith.constant 144 : index
        %get3A_1423 = tpu.vector_load %arg6[%get3A_1421, %get3A_1422] {strides = array<i32>} : memref<8x200xi32, #tpu.memory_space<vmem>>, vector<16xi32>,
        %ne3A_1424 = arith.constant 0 : i32
        %ne3A_1425 = vector.broadcast %ne3A_1424 : i32 to vector<16xi32>
        %ne3A_1426 = arith.cmpi ne, %get3A_1423, %ne3A_1425 : vector<16xi32>
        %jit3A_1427 = arith.constant 1 : i32
        %jit3A_1428 = arith.constant 0 : i32
        %broadcast_in_dim3A_1429 = vector.broadcast %jit3A_1427 : i32 to vector<16xi32>
        %broadcast_in_dim3A_1430 = vector.broadcast %jit3A_1428 : i32 to vector<16xi32>
        %select_n3A_1431 = arith.select %ne3A_1426, %broadcast_in_dim3A_1429, %broadcast_in_dim3A_1430 : vector<16xi1>, vector<16xi32>
        %broadcast_in_dim3A_1432 = arith.constant true
        %broadcast_in_dim3A_1433 = vector.broadcast %broadcast_in_dim3A_1432 : i1 to vector<16xi1>
        %masked_cumsum3A_1434 = tpu.scan <sum>, %select_n3A_1431 masked %broadcast_in_dim3A_1433 : vector<16xi32>, vector<16xi1> -> vector<16xi32>
        %add3A_1435 = arith.addi %masked_cumsum3A_1434, %add3A_1419 : vector<16xi32>
        %jit3A_1436 = arith.constant 0 : i32
        %broadcast_in_dim3A_1437 = vector.broadcast %jit3A_1436 : i32 to vector<16xi32>
        %select_n3A_1438 = arith.select %ne3A_1426, %add3A_1435, %broadcast_in_dim3A_1437 : vector<16xi1>, vector<16xi32>
        %swap3A_1439 = arith.constant 1144 : index
        %swap3A_1440 = tpu.vector_load %arg7[%swap3A_1439] {strides = array<i32>} : memref<1600xi32, #tpu.memory_space<vmem>>, vector<16xi32>,
        tpu.vector_store %arg7[%swap3A_1439], %select_n3A_1438 {strides = array<i32>} : memref<1600xi32, #tpu.memory_space<vmem>>, vector<16xi32>,
        %all_reduce_population_count3A_1441 = tpu.all_reduce %ne3A_1426 {dim = 0 : i64, kind = #tpu.reduction_kind<sum>} : vector<16xi1> -> vector<16xi32>
        %add3A_1442 = arith.addi %add3A_1419, %all_reduce_population_count3A_1441 : vector<16xi32>
        %get3A_1443 = arith.constant 5 : i32
        %get3A_1444 = arith.index_cast %get3A_1443 : i32 to index
        %get3A_1445 = arith.constant 160 : index
        %get3A_1446 = tpu.vector_load %arg6[%get3A_1444, %get3A_1445] {strides = array<i32>} : memref<8x200xi32, #tpu.memory_space<vmem>>, vector<16xi32>,
        %ne3A_1447 = arith.constant 0 : i32
        %ne3A_1448 = vector.broadcast %ne3A_1447 : i32 to vector<16xi32>
        %ne3A_1449 = arith.cmpi ne, %get3A_1446, %ne3A_1448 : vector<16xi32>
        %jit3A_1450 = arith.constant 1 : i32
        %jit3A_1451 = arith.constant 0 : i32
        %broadcast_in_dim3A_1452 = vector.broadcast %jit3A_1450 : i32 to vector<16xi32>
        %broadcast_in_dim3A_1453 = vector.broadcast %jit3A_1451 : i32 to vector<16xi32>
        %select_n3A_1454 = arith.select %ne3A_1449, %broadcast_in_dim3A_1452, %broadcast_in_dim3A_1453 : vector<16xi1>, vector<16xi32>
        %broadcast_in_dim3A_1455 = arith.constant true
        %broadcast_in_dim3A_1456 = vector.broadcast %broadcast_in_dim3A_1455 : i1 to vector<16xi1>
        %masked_cumsum3A_1457 = tpu.scan <sum>, %select_n3A_1454 masked %broadcast_in_dim3A_1456 : vector<16xi32>, vector<16xi1> -> vector<16xi32>
        %add3A_1458 = arith.addi %masked_cumsum3A_1457, %add3A_1442 : vector<16xi32>
        %jit3A_1459 = arith.constant 0 : i32
        %broadcast_in_dim3A_1460 = vector.broadcast %jit3A_1459 : i32 to vector<16xi32>
        %select_n3A_1461 = arith.select %ne3A_1449, %add3A_1458, %broadcast_in_dim3A_1460 : vector<16xi1>, vector<16xi32>
        %swap3A_1462 = arith.constant 1160 : index
        %swap3A_1463 = tpu.vector_load %arg7[%swap3A_1462] {strides = array<i32>} : memref<1600xi32, #tpu.memory_space<vmem>>, vector<16xi32>,
        tpu.vector_store %arg7[%swap3A_1462], %select_n3A_1461 {strides = array<i32>} : memref<1600xi32, #tpu.memory_space<vmem>>, vector<16xi32>,
        %all_reduce_population_count3A_1464 = tpu.all_reduce %ne3A_1449 {dim = 0 : i64, kind = #tpu.reduction_kind<sum>} : vector<16xi1> -> vector<16xi32>
        %add3A_1465 = arith.addi %add3A_1442, %all_reduce_population_count3A_1464 : vector<16xi32>
        %get3A_1466 = arith.constant 5 : i32
        %get3A_1467 = arith.index_cast %get3A_1466 : i32 to index
        %get3A_1468 = arith.constant 176 : index
        %get3A_1469 = tpu.vector_load %arg6[%get3A_1467, %get3A_1468] {strides = array<i32>} : memref<8x200xi32, #tpu.memory_space<vmem>>, vector<16xi32>,
        %ne3A_1470 = arith.constant 0 : i32
        %ne3A_1471 = vector.broadcast %ne3A_1470 : i32 to vector<16xi32>
        %ne3A_1472 = arith.cmpi ne, %get3A_1469, %ne3A_1471 : vector<16xi32>
        %jit3A_1473 = arith.constant 1 : i32
        %jit3A_1474 = arith.constant 0 : i32
        %broadcast_in_dim3A_1475 = vector.broadcast %jit3A_1473 : i32 to vector<16xi32>
        %broadcast_in_dim3A_1476 = vector.broadcast %jit3A_1474 : i32 to vector<16xi32>
        %select_n3A_1477 = arith.select %ne3A_1472, %broadcast_in_dim3A_1475, %broadcast_in_dim3A_1476 : vector<16xi1>, vector<16xi32>
        %broadcast_in_dim3A_1478 = arith.constant true
        %broadcast_in_dim3A_1479 = vector.broadcast %broadcast_in_dim3A_1478 : i1 to vector<16xi1>
        %masked_cumsum3A_1480 = tpu.scan <sum>, %select_n3A_1477 masked %broadcast_in_dim3A_1479 : vector<16xi32>, vector<16xi1> -> vector<16xi32>
        %add3A_1481 = arith.addi %masked_cumsum3A_1480, %add3A_1465 : vector<16xi32>
        %jit3A_1482 = arith.constant 0 : i32
        %broadcast_in_dim3A_1483 = vector.broadcast %jit3A_1482 : i32 to vector<16xi32>
        %select_n3A_1484 = arith.select %ne3A_1472, %add3A_1481, %broadcast_in_dim3A_1483 : vector<16xi1>, vector<16xi32>
        %swap3A_1485 = arith.constant 1176 : index
        %swap3A_1486 = tpu.vector_load %arg7[%swap3A_1485] {strides = array<i32>} : memref<1600xi32, #tpu.memory_space<vmem>>, vector<16xi32>,
        tpu.vector_store %arg7[%swap3A_1485], %select_n3A_1484 {strides = array<i32>} : memref<1600xi32, #tpu.memory_space<vmem>>, vector<16xi32>,
        %and3A_1487 = arith.andi %ne3A_1472, %lt3A_1211 : vector<16xi1>
        %all_reduce_population_count3A_1488 = tpu.all_reduce %and3A_1487 {dim = 0 : i64, kind = #tpu.reduction_kind<sum>} : vector<16xi1> -> vector<16xi32>
        %add3A_1489 = arith.addi %add3A_1465, %all_reduce_population_count3A_1488 : vector<16xi32>
        %all_reduce_population_count3A_1490 = tpu.all_reduce %ne3A_1472 {dim = 0 : i64, kind = #tpu.reduction_kind<sum>} : vector<16xi1> -> vector<16xi32>
        %add3A_1491 = arith.addi %add3A_1465, %all_reduce_population_count3A_1490 : vector<16xi32>
        %get3A_1492 = arith.constant 5 : i32
        %get3A_1493 = arith.index_cast %get3A_1492 : i32 to index
        %get3A_1494 = arith.constant 184 : index
        %get3A_1495 = tpu.vector_load %arg6[%get3A_1493, %get3A_1494] {strides = array<i32>} : memref<8x200xi32, #tpu.memory_space<vmem>>, vector<16xi32>,
        %ne3A_1496 = arith.constant 0 : i32
        %ne3A_1497 = vector.broadcast %ne3A_1496 : i32 to vector<16xi32>
        %ne3A_1498 = arith.cmpi ne, %get3A_1495, %ne3A_1497 : vector<16xi32>
        %jit3A_1499 = arith.constant 1 : i32
        %jit3A_1500 = arith.constant 0 : i32
        %broadcast_in_dim3A_1501 = vector.broadcast %jit3A_1499 : i32 to vector<16xi32>
        %broadcast_in_dim3A_1502 = vector.broadcast %jit3A_1500 : i32 to vector<16xi32>
        %select_n3A_1503 = arith.select %ne3A_1498, %broadcast_in_dim3A_1501, %broadcast_in_dim3A_1502 : vector<16xi1>, vector<16xi32>
        %broadcast_in_dim3A_1504 = arith.constant true
        %broadcast_in_dim3A_1505 = vector.broadcast %broadcast_in_dim3A_1504 : i1 to vector<16xi1>
        %masked_cumsum3A_1506 = tpu.scan <sum>, %select_n3A_1503 masked %broadcast_in_dim3A_1505 : vector<16xi32>, vector<16xi1> -> vector<16xi32>
        %add3A_1507 = arith.addi %masked_cumsum3A_1506, %add3A_1489 : vector<16xi32>
        %jit3A_1508 = arith.constant 0 : i32
        %broadcast_in_dim3A_1509 = vector.broadcast %jit3A_1508 : i32 to vector<16xi32>
        %select_n3A_1510 = arith.select %ne3A_1498, %add3A_1507, %broadcast_in_dim3A_1509 : vector<16xi1>, vector<16xi32>
        %swap3A_1511 = arith.constant 1184 : index
        %swap3A_1512 = tpu.vector_load %arg7[%swap3A_1511] {strides = array<i32>} : memref<1600xi32, #tpu.memory_space<vmem>>, vector<16xi32>,
        tpu.vector_store %arg7[%swap3A_1511], %select_n3A_1510 {strides = array<i32>} : memref<1600xi32, #tpu.memory_space<vmem>>, vector<16xi32>,
      } else {
      }
      %iota3A_793 = tpu.iota {dimensions = array<i32: 0>} : vector<16xi32>
      %mul3A_794 = arith.constant 0 : i32
      %mul3A_795 = vector.broadcast %mul3A_794 : i32 to vector<16xi32>
      %mul3A_796 = arith.muli %iota3A_793, %mul3A_795 : vector<16xi32>
      %get3A_797 = arith.constant 6 : i32
      %get3A_798 = arith.index_cast %get3A_797 : i32 to index
      %get3A_799 = arith.constant 0 : index
      %get3A_800 = tpu.vector_load %arg6[%get3A_798, %get3A_799] {strides = array<i32>} : memref<8x200xi32, #tpu.memory_space<vmem>>, vector<16xi32>,
      %ne3A_801 = arith.constant 0 : i32
      %ne3A_802 = vector.broadcast %ne3A_801 : i32 to vector<16xi32>
      %ne3A_803 = arith.cmpi ne, %get3A_800, %ne3A_802 : vector<16xi32>
      %all_reduce_population_count3A_804 = tpu.all_reduce %ne3A_803 {dim = 0 : i64, kind = #tpu.reduction_kind<sum>} : vector<16xi1> -> vector<16xi32>
      %add3A_805 = arith.addi %mul3A_796, %all_reduce_population_count3A_804 : vector<16xi32>
      %get3A_806 = arith.constant 6 : i32
      %get3A_807 = arith.index_cast %get3A_806 : i32 to index
      %get3A_808 = arith.constant 16 : index
      %get3A_809 = tpu.vector_load %arg6[%get3A_807, %get3A_808] {strides = array<i32>} : memref<8x200xi32, #tpu.memory_space<vmem>>, vector<16xi32>,
      %ne3A_810 = arith.constant 0 : i32
      %ne3A_811 = vector.broadcast %ne3A_810 : i32 to vector<16xi32>
      %ne3A_812 = arith.cmpi ne, %get3A_809, %ne3A_811 : vector<16xi32>
      %all_reduce_population_count3A_813 = tpu.all_reduce %ne3A_812 {dim = 0 : i64, kind = #tpu.reduction_kind<sum>} : vector<16xi1> -> vector<16xi32>
      %add3A_814 = arith.addi %add3A_805, %all_reduce_population_count3A_813 : vector<16xi32>
      %get3A_815 = arith.constant 6 : i32
      %get3A_816 = arith.index_cast %get3A_815 : i32 to index
      %get3A_817 = arith.constant 32 : index
      %get3A_818 = tpu.vector_load %arg6[%get3A_816, %get3A_817] {strides = array<i32>} : memref<8x200xi32, #tpu.memory_space<vmem>>, vector<16xi32>,
      %ne3A_819 = arith.constant 0 : i32
      %ne3A_820 = vector.broadcast %ne3A_819 : i32 to vector<16xi32>
      %ne3A_821 = arith.cmpi ne, %get3A_818, %ne3A_820 : vector<16xi32>
      %all_reduce_population_count3A_822 = tpu.all_reduce %ne3A_821 {dim = 0 : i64, kind = #tpu.reduction_kind<sum>} : vector<16xi1> -> vector<16xi32>
      %add3A_823 = arith.addi %add3A_814, %all_reduce_population_count3A_822 : vector<16xi32>
      %get3A_824 = arith.constant 6 : i32
      %get3A_825 = arith.index_cast %get3A_824 : i32 to index
      %get3A_826 = arith.constant 48 : index
      %get3A_827 = tpu.vector_load %arg6[%get3A_825, %get3A_826] {strides = array<i32>} : memref<8x200xi32, #tpu.memory_space<vmem>>, vector<16xi32>,
      %ne3A_828 = arith.constant 0 : i32
      %ne3A_829 = vector.broadcast %ne3A_828 : i32 to vector<16xi32>
      %ne3A_830 = arith.cmpi ne, %get3A_827, %ne3A_829 : vector<16xi32>
      %all_reduce_population_count3A_831 = tpu.all_reduce %ne3A_830 {dim = 0 : i64, kind = #tpu.reduction_kind<sum>} : vector<16xi1> -> vector<16xi32>
      %add3A_832 = arith.addi %add3A_823, %all_reduce_population_count3A_831 : vector<16xi32>
      %get3A_833 = arith.constant 6 : i32
      %get3A_834 = arith.index_cast %get3A_833 : i32 to index
      %get3A_835 = arith.constant 64 : index
      %get3A_836 = tpu.vector_load %arg6[%get3A_834, %get3A_835] {strides = array<i32>} : memref<8x200xi32, #tpu.memory_space<vmem>>, vector<16xi32>,
      %ne3A_837 = arith.constant 0 : i32
      %ne3A_838 = vector.broadcast %ne3A_837 : i32 to vector<16xi32>
      %ne3A_839 = arith.cmpi ne, %get3A_836, %ne3A_838 : vector<16xi32>
      %all_reduce_population_count3A_840 = tpu.all_reduce %ne3A_839 {dim = 0 : i64, kind = #tpu.reduction_kind<sum>} : vector<16xi1> -> vector<16xi32>
      %add3A_841 = arith.addi %add3A_832, %all_reduce_population_count3A_840 : vector<16xi32>
      %get3A_842 = arith.constant 6 : i32
      %get3A_843 = arith.index_cast %get3A_842 : i32 to index
      %get3A_844 = arith.constant 80 : index
      %get3A_845 = tpu.vector_load %arg6[%get3A_843, %get3A_844] {strides = array<i32>} : memref<8x200xi32, #tpu.memory_space<vmem>>, vector<16xi32>,
      %ne3A_846 = arith.constant 0 : i32
      %ne3A_847 = vector.broadcast %ne3A_846 : i32 to vector<16xi32>
      %ne3A_848 = arith.cmpi ne, %get3A_845, %ne3A_847 : vector<16xi32>
      %all_reduce_population_count3A_849 = tpu.all_reduce %ne3A_848 {dim = 0 : i64, kind = #tpu.reduction_kind<sum>} : vector<16xi1> -> vector<16xi32>
      %add3A_850 = arith.addi %add3A_841, %all_reduce_population_count3A_849 : vector<16xi32>
      %get3A_851 = arith.constant 6 : i32
      %get3A_852 = arith.index_cast %get3A_851 : i32 to index
      %get3A_853 = arith.constant 96 : index
      %get3A_854 = tpu.vector_load %arg6[%get3A_852, %get3A_853] {strides = array<i32>} : memref<8x200xi32, #tpu.memory_space<vmem>>, vector<16xi32>,
      %ne3A_855 = arith.constant 0 : i32
      %ne3A_856 = vector.broadcast %ne3A_855 : i32 to vector<16xi32>
      %ne3A_857 = arith.cmpi ne, %get3A_854, %ne3A_856 : vector<16xi32>
      %all_reduce_population_count3A_858 = tpu.all_reduce %ne3A_857 {dim = 0 : i64, kind = #tpu.reduction_kind<sum>} : vector<16xi1> -> vector<16xi32>
      %add3A_859 = arith.addi %add3A_850, %all_reduce_population_count3A_858 : vector<16xi32>
      %get3A_860 = arith.constant 6 : i32
      %get3A_861 = arith.index_cast %get3A_860 : i32 to index
      %get3A_862 = arith.constant 112 : index
      %get3A_863 = tpu.vector_load %arg6[%get3A_861, %get3A_862] {strides = array<i32>} : memref<8x200xi32, #tpu.memory_space<vmem>>, vector<16xi32>,
      %ne3A_864 = arith.constant 0 : i32
      %ne3A_865 = vector.broadcast %ne3A_864 : i32 to vector<16xi32>
      %ne3A_866 = arith.cmpi ne, %get3A_863, %ne3A_865 : vector<16xi32>
      %all_reduce_population_count3A_867 = tpu.all_reduce %ne3A_866 {dim = 0 : i64, kind = #tpu.reduction_kind<sum>} : vector<16xi1> -> vector<16xi32>
      %add3A_868 = arith.addi %add3A_859, %all_reduce_population_count3A_867 : vector<16xi32>
      %get3A_869 = arith.constant 6 : i32
      %get3A_870 = arith.index_cast %get3A_869 : i32 to index
      %get3A_871 = arith.constant 128 : index
      %get3A_872 = tpu.vector_load %arg6[%get3A_870, %get3A_871] {strides = array<i32>} : memref<8x200xi32, #tpu.memory_space<vmem>>, vector<16xi32>,
      %ne3A_873 = arith.constant 0 : i32
      %ne3A_874 = vector.broadcast %ne3A_873 : i32 to vector<16xi32>
      %ne3A_875 = arith.cmpi ne, %get3A_872, %ne3A_874 : vector<16xi32>
      %all_reduce_population_count3A_876 = tpu.all_reduce %ne3A_875 {dim = 0 : i64, kind = #tpu.reduction_kind<sum>} : vector<16xi1> -> vector<16xi32>
      %add3A_877 = arith.addi %add3A_868, %all_reduce_population_count3A_876 : vector<16xi32>
      %get3A_878 = arith.constant 6 : i32
      %get3A_879 = arith.index_cast %get3A_878 : i32 to index
      %get3A_880 = arith.constant 144 : index
      %get3A_881 = tpu.vector_load %arg6[%get3A_879, %get3A_880] {strides = array<i32>} : memref<8x200xi32, #tpu.memory_space<vmem>>, vector<16xi32>,
      %ne3A_882 = arith.constant 0 : i32
      %ne3A_883 = vector.broadcast %ne3A_882 : i32 to vector<16xi32>
      %ne3A_884 = arith.cmpi ne, %get3A_881, %ne3A_883 : vector<16xi32>
      %all_reduce_population_count3A_885 = tpu.all_reduce %ne3A_884 {dim = 0 : i64, kind = #tpu.reduction_kind<sum>} : vector<16xi1> -> vector<16xi32>
      %add3A_886 = arith.addi %add3A_877, %all_reduce_population_count3A_885 : vector<16xi32>
      %get3A_887 = arith.constant 6 : i32
      %get3A_888 = arith.index_cast %get3A_887 : i32 to index
      %get3A_889 = arith.constant 160 : index
      %get3A_890 = tpu.vector_load %arg6[%get3A_888, %get3A_889] {strides = array<i32>} : memref<8x200xi32, #tpu.memory_space<vmem>>, vector<16xi32>,
      %ne3A_891 = arith.constant 0 : i32
      %ne3A_892 = vector.broadcast %ne3A_891 : i32 to vector<16xi32>
      %ne3A_893 = arith.cmpi ne, %get3A_890, %ne3A_892 : vector<16xi32>
      %all_reduce_population_count3A_894 = tpu.all_reduce %ne3A_893 {dim = 0 : i64, kind = #tpu.reduction_kind<sum>} : vector<16xi1> -> vector<16xi32>
      %add3A_895 = arith.addi %add3A_886, %all_reduce_population_count3A_894 : vector<16xi32>
      %get3A_896 = arith.constant 6 : i32
      %get3A_897 = arith.index_cast %get3A_896 : i32 to index
      %get3A_898 = arith.constant 176 : index
      %get3A_899 = tpu.vector_load %arg6[%get3A_897, %get3A_898] {strides = array<i32>} : memref<8x200xi32, #tpu.memory_space<vmem>>, vector<16xi32>,
      %ne3A_900 = arith.constant 0 : i32
      %ne3A_901 = vector.broadcast %ne3A_900 : i32 to vector<16xi32>
      %ne3A_902 = arith.cmpi ne, %get3A_899, %ne3A_901 : vector<16xi32>
      %all_reduce_population_count3A_903 = tpu.all_reduce %ne3A_902 {dim = 0 : i64, kind = #tpu.reduction_kind<sum>} : vector<16xi1> -> vector<16xi32>
      %add3A_904 = arith.addi %add3A_895, %all_reduce_population_count3A_903 : vector<16xi32>
      %get3A_905 = arith.constant 6 : i32
      %get3A_906 = arith.index_cast %get3A_905 : i32 to index
      %get3A_907 = arith.constant 184 : index
      %get3A_908 = tpu.vector_load %arg6[%get3A_906, %get3A_907] {strides = array<i32>} : memref<8x200xi32, #tpu.memory_space<vmem>>, vector<16xi32>,
      %ne3A_909 = arith.constant 0 : i32
      %ne3A_910 = vector.broadcast %ne3A_909 : i32 to vector<16xi32>
      %ne3A_911 = arith.cmpi ne, %get3A_908, %ne3A_910 : vector<16xi32>
      %ge3A_912 = arith.constant 8 : i32
      %ge3A_913 = vector.broadcast %ge3A_912 : i32 to vector<16xi32>
      %ge3A_914 = arith.cmpi sge, %iota3A_793, %ge3A_913 : vector<16xi32>
      %and3A_915 = arith.andi %ne3A_911, %ge3A_914 : vector<16xi1>
      %all_reduce_population_count3A_916 = tpu.all_reduce %and3A_915 {dim = 0 : i64, kind = #tpu.reduction_kind<sum>} : vector<16xi1> -> vector<16xi32>
      %add3A_917 = arith.addi %add3A_904, %all_reduce_population_count3A_916 : vector<16xi32>
      %slice3A_918 = vector.extract_strided_slice %add3A_917 {offsets = [0], sizes = [1], strides = [1]} : vector<16xi32> to vector<1xi32>
      %squeeze3A_919 = vector.extract %slice3A_918[0] : i32 from vector<1xi32>
      %ne3A_920 = arith.constant 200 : i32
      %ne3A_921 = arith.cmpi ne, %squeeze3A_919, %ne3A_920 : i32
      %convert_element_type3A_922 = arith.extui %ne3A_921 : i1 to i32
      %cond3A_923 = arith.constant 0 : i32
      %cond3A_924 = arith.cmpi ne, %convert_element_type3A_922, %cond3A_923 : i32
      scf.if %cond3A_924 {
        %iota3A_1209 = tpu.iota {dimensions = array<i32: 0>} : vector<16xi32>
        %lt3A = arith.constant 8 : i32
        %lt3A_1210 = vector.broadcast %lt3A : i32 to vector<16xi32>
        %lt3A_1211 = arith.cmpi slt, %iota3A_1209, %lt3A_1210 : vector<16xi32>
        %mul3A_1212 = arith.constant 0 : i32
        %mul3A_1213 = vector.broadcast %mul3A_1212 : i32 to vector<16xi32>
        %mul3A_1214 = arith.muli %iota3A_1209, %mul3A_1213 : vector<16xi32>
        %mul3A_1215 = arith.constant 0 : i32
        %mul3A_1216 = vector.broadcast %mul3A_1215 : i32 to vector<16xi32>
        %mul3A_1217 = arith.muli %iota3A_1209, %mul3A_1216 : vector<16xi32>
        %get3A_1218 = arith.constant 6 : i32
        %get3A_1219 = arith.index_cast %get3A_1218 : i32 to index
        %get3A_1220 = arith.constant 0 : index
        %get3A_1221 = tpu.vector_load %arg6[%get3A_1219, %get3A_1220] {strides = array<i32>} : memref<8x200xi32, #tpu.memory_space<vmem>>, vector<16xi32>,
        %ne3A_1222 = arith.constant 0 : i32
        %ne3A_1223 = vector.broadcast %ne3A_1222 : i32 to vector<16xi32>
        %ne3A_1224 = arith.cmpi ne, %get3A_1221, %ne3A_1223 : vector<16xi32>
        %jit3A = arith.constant 1 : i32
        %jit3A_1225 = arith.constant 0 : i32
        %broadcast_in_dim3A = vector.broadcast %jit3A : i32 to vector<16xi32>
        %broadcast_in_dim3A_1226 = vector.broadcast %jit3A_1225 : i32 to vector<16xi32>
        %select_n3A = arith.select %ne3A_1224, %broadcast_in_dim3A, %broadcast_in_dim3A_1226 : vector<16xi1>, vector<16xi32>
        %broadcast_in_dim3A_1227 = arith.constant true
        %broadcast_in_dim3A_1228 = vector.broadcast %broadcast_in_dim3A_1227 : i1 to vector<16xi1>
        %masked_cumsum3A = tpu.scan <sum>, %select_n3A masked %broadcast_in_dim3A_1228 : vector<16xi32>, vector<16xi1> -> vector<16xi32>
        %add3A_1229 = arith.addi %masked_cumsum3A, %mul3A_1214 : vector<16xi32>
        %jit3A_1230 = arith.constant 0 : i32
        %broadcast_in_dim3A_1231 = vector.broadcast %jit3A_1230 : i32 to vector<16xi32>
        %select_n3A_1232 = arith.select %ne3A_1224, %add3A_1229, %broadcast_in_dim3A_1231 : vector<16xi1>, vector<16xi32>
        %swap3A = arith.constant 1200 : index
        %swap3A_1233 = tpu.vector_load %arg7[%swap3A] {strides = array<i32>} : memref<1600xi32, #tpu.memory_space<vmem>>, vector<16xi32>,
        tpu.vector_store %arg7[%swap3A], %select_n3A_1232 {strides = array<i32>} : memref<1600xi32, #tpu.memory_space<vmem>>, vector<16xi32>,
        %all_reduce_population_count3A_1234 = tpu.all_reduce %ne3A_1224 {dim = 0 : i64, kind = #tpu.reduction_kind<sum>} : vector<16xi1> -> vector<16xi32>
        %add3A_1235 = arith.addi %mul3A_1214, %all_reduce_population_count3A_1234 : vector<16xi32>
        %get3A_1236 = arith.constant 6 : i32
        %get3A_1237 = arith.index_cast %get3A_1236 : i32 to index
        %get3A_1238 = arith.constant 16 : index
        %get3A_1239 = tpu.vector_load %arg6[%get3A_1237, %get3A_1238] {strides = array<i32>} : memref<8x200xi32, #tpu.memory_space<vmem>>, vector<16xi32>,
        %ne3A_1240 = arith.constant 0 : i32
        %ne3A_1241 = vector.broadcast %ne3A_1240 : i32 to vector<16xi32>
        %ne3A_1242 = arith.cmpi ne, %get3A_1239, %ne3A_1241 : vector<16xi32>
        %jit3A_1243 = arith.constant 1 : i32
        %jit3A_1244 = arith.constant 0 : i32
        %broadcast_in_dim3A_1245 = vector.broadcast %jit3A_1243 : i32 to vector<16xi32>
        %broadcast_in_dim3A_1246 = vector.broadcast %jit3A_1244 : i32 to vector<16xi32>
        %select_n3A_1247 = arith.select %ne3A_1242, %broadcast_in_dim3A_1245, %broadcast_in_dim3A_1246 : vector<16xi1>, vector<16xi32>
        %broadcast_in_dim3A_1248 = arith.constant true
        %broadcast_in_dim3A_1249 = vector.broadcast %broadcast_in_dim3A_1248 : i1 to vector<16xi1>
        %masked_cumsum3A_1250 = tpu.scan <sum>, %select_n3A_1247 masked %broadcast_in_dim3A_1249 : vector<16xi32>, vector<16xi1> -> vector<16xi32>
        %add3A_1251 = arith.addi %masked_cumsum3A_1250, %add3A_1235 : vector<16xi32>
        %jit3A_1252 = arith.constant 0 : i32
        %broadcast_in_dim3A_1253 = vector.broadcast %jit3A_1252 : i32 to vector<16xi32>
        %select_n3A_1254 = arith.select %ne3A_1242, %add3A_1251, %broadcast_in_dim3A_1253 : vector<16xi1>, vector<16xi32>
        %swap3A_1255 = arith.constant 1216 : index
        %swap3A_1256 = tpu.vector_load %arg7[%swap3A_1255] {strides = array<i32>} : memref<1600xi32, #tpu.memory_space<vmem>>, vector<16xi32>,
        tpu.vector_store %arg7[%swap3A_1255], %select_n3A_1254 {strides = array<i32>} : memref<1600xi32, #tpu.memory_space<vmem>>, vector<16xi32>,
        %all_reduce_population_count3A_1257 = tpu.all_reduce %ne3A_1242 {dim = 0 : i64, kind = #tpu.reduction_kind<sum>} : vector<16xi1> -> vector<16xi32>
        %add3A_1258 = arith.addi %add3A_1235, %all_reduce_population_count3A_1257 : vector<16xi32>
        %get3A_1259 = arith.constant 6 : i32
        %get3A_1260 = arith.index_cast %get3A_1259 : i32 to index
        %get3A_1261 = arith.constant 32 : index
        %get3A_1262 = tpu.vector_load %arg6[%get3A_1260, %get3A_1261] {strides = array<i32>} : memref<8x200xi32, #tpu.memory_space<vmem>>, vector<16xi32>,
        %ne3A_1263 = arith.constant 0 : i32
        %ne3A_1264 = vector.broadcast %ne3A_1263 : i32 to vector<16xi32>
        %ne3A_1265 = arith.cmpi ne, %get3A_1262, %ne3A_1264 : vector<16xi32>
        %jit3A_1266 = arith.constant 1 : i32
        %jit3A_1267 = arith.constant 0 : i32
        %broadcast_in_dim3A_1268 = vector.broadcast %jit3A_1266 : i32 to vector<16xi32>
        %broadcast_in_dim3A_1269 = vector.broadcast %jit3A_1267 : i32 to vector<16xi32>
        %select_n3A_1270 = arith.select %ne3A_1265, %broadcast_in_dim3A_1268, %broadcast_in_dim3A_1269 : vector<16xi1>, vector<16xi32>
        %broadcast_in_dim3A_1271 = arith.constant true
        %broadcast_in_dim3A_1272 = vector.broadcast %broadcast_in_dim3A_1271 : i1 to vector<16xi1>
        %masked_cumsum3A_1273 = tpu.scan <sum>, %select_n3A_1270 masked %broadcast_in_dim3A_1272 : vector<16xi32>, vector<16xi1> -> vector<16xi32>
        %add3A_1274 = arith.addi %masked_cumsum3A_1273, %add3A_1258 : vector<16xi32>
        %jit3A_1275 = arith.constant 0 : i32
        %broadcast_in_dim3A_1276 = vector.broadcast %jit3A_1275 : i32 to vector<16xi32>
        %select_n3A_1277 = arith.select %ne3A_1265, %add3A_1274, %broadcast_in_dim3A_1276 : vector<16xi1>, vector<16xi32>
        %swap3A_1278 = arith.constant 1232 : index
        %swap3A_1279 = tpu.vector_load %arg7[%swap3A_1278] {strides = array<i32>} : memref<1600xi32, #tpu.memory_space<vmem>>, vector<16xi32>,
        tpu.vector_store %arg7[%swap3A_1278], %select_n3A_1277 {strides = array<i32>} : memref<1600xi32, #tpu.memory_space<vmem>>, vector<16xi32>,
        %all_reduce_population_count3A_1280 = tpu.all_reduce %ne3A_1265 {dim = 0 : i64, kind = #tpu.reduction_kind<sum>} : vector<16xi1> -> vector<16xi32>
        %add3A_1281 = arith.addi %add3A_1258, %all_reduce_population_count3A_1280 : vector<16xi32>
        %get3A_1282 = arith.constant 6 : i32
        %get3A_1283 = arith.index_cast %get3A_1282 : i32 to index
        %get3A_1284 = arith.constant 48 : index
        %get3A_1285 = tpu.vector_load %arg6[%get3A_1283, %get3A_1284] {strides = array<i32>} : memref<8x200xi32, #tpu.memory_space<vmem>>, vector<16xi32>,
        %ne3A_1286 = arith.constant 0 : i32
        %ne3A_1287 = vector.broadcast %ne3A_1286 : i32 to vector<16xi32>
        %ne3A_1288 = arith.cmpi ne, %get3A_1285, %ne3A_1287 : vector<16xi32>
        %jit3A_1289 = arith.constant 1 : i32
        %jit3A_1290 = arith.constant 0 : i32
        %broadcast_in_dim3A_1291 = vector.broadcast %jit3A_1289 : i32 to vector<16xi32>
        %broadcast_in_dim3A_1292 = vector.broadcast %jit3A_1290 : i32 to vector<16xi32>
        %select_n3A_1293 = arith.select %ne3A_1288, %broadcast_in_dim3A_1291, %broadcast_in_dim3A_1292 : vector<16xi1>, vector<16xi32>
        %broadcast_in_dim3A_1294 = arith.constant true
        %broadcast_in_dim3A_1295 = vector.broadcast %broadcast_in_dim3A_1294 : i1 to vector<16xi1>
        %masked_cumsum3A_1296 = tpu.scan <sum>, %select_n3A_1293 masked %broadcast_in_dim3A_1295 : vector<16xi32>, vector<16xi1> -> vector<16xi32>
        %add3A_1297 = arith.addi %masked_cumsum3A_1296, %add3A_1281 : vector<16xi32>
        %jit3A_1298 = arith.constant 0 : i32
        %broadcast_in_dim3A_1299 = vector.broadcast %jit3A_1298 : i32 to vector<16xi32>
        %select_n3A_1300 = arith.select %ne3A_1288, %add3A_1297, %broadcast_in_dim3A_1299 : vector<16xi1>, vector<16xi32>
        %swap3A_1301 = arith.constant 1248 : index
        %swap3A_1302 = tpu.vector_load %arg7[%swap3A_1301] {strides = array<i32>} : memref<1600xi32, #tpu.memory_space<vmem>>, vector<16xi32>,
        tpu.vector_store %arg7[%swap3A_1301], %select_n3A_1300 {strides = array<i32>} : memref<1600xi32, #tpu.memory_space<vmem>>, vector<16xi32>,
        %all_reduce_population_count3A_1303 = tpu.all_reduce %ne3A_1288 {dim = 0 : i64, kind = #tpu.reduction_kind<sum>} : vector<16xi1> -> vector<16xi32>
        %add3A_1304 = arith.addi %add3A_1281, %all_reduce_population_count3A_1303 : vector<16xi32>
        %get3A_1305 = arith.constant 6 : i32
        %get3A_1306 = arith.index_cast %get3A_1305 : i32 to index
        %get3A_1307 = arith.constant 64 : index
        %get3A_1308 = tpu.vector_load %arg6[%get3A_1306, %get3A_1307] {strides = array<i32>} : memref<8x200xi32, #tpu.memory_space<vmem>>, vector<16xi32>,
        %ne3A_1309 = arith.constant 0 : i32
        %ne3A_1310 = vector.broadcast %ne3A_1309 : i32 to vector<16xi32>
        %ne3A_1311 = arith.cmpi ne, %get3A_1308, %ne3A_1310 : vector<16xi32>
        %jit3A_1312 = arith.constant 1 : i32
        %jit3A_1313 = arith.constant 0 : i32
        %broadcast_in_dim3A_1314 = vector.broadcast %jit3A_1312 : i32 to vector<16xi32>
        %broadcast_in_dim3A_1315 = vector.broadcast %jit3A_1313 : i32 to vector<16xi32>
        %select_n3A_1316 = arith.select %ne3A_1311, %broadcast_in_dim3A_1314, %broadcast_in_dim3A_1315 : vector<16xi1>, vector<16xi32>
        %broadcast_in_dim3A_1317 = arith.constant true
        %broadcast_in_dim3A_1318 = vector.broadcast %broadcast_in_dim3A_1317 : i1 to vector<16xi1>
        %masked_cumsum3A_1319 = tpu.scan <sum>, %select_n3A_1316 masked %broadcast_in_dim3A_1318 : vector<16xi32>, vector<16xi1> -> vector<16xi32>
        %add3A_1320 = arith.addi %masked_cumsum3A_1319, %add3A_1304 : vector<16xi32>
        %jit3A_1321 = arith.constant 0 : i32
        %broadcast_in_dim3A_1322 = vector.broadcast %jit3A_1321 : i32 to vector<16xi32>
        %select_n3A_1323 = arith.select %ne3A_1311, %add3A_1320, %broadcast_in_dim3A_1322 : vector<16xi1>, vector<16xi32>
        %swap3A_1324 = arith.constant 1264 : index
        %swap3A_1325 = tpu.vector_load %arg7[%swap3A_1324] {strides = array<i32>} : memref<1600xi32, #tpu.memory_space<vmem>>, vector<16xi32>,
        tpu.vector_store %arg7[%swap3A_1324], %select_n3A_1323 {strides = array<i32>} : memref<1600xi32, #tpu.memory_space<vmem>>, vector<16xi32>,
        %all_reduce_population_count3A_1326 = tpu.all_reduce %ne3A_1311 {dim = 0 : i64, kind = #tpu.reduction_kind<sum>} : vector<16xi1> -> vector<16xi32>
        %add3A_1327 = arith.addi %add3A_1304, %all_reduce_population_count3A_1326 : vector<16xi32>
        %get3A_1328 = arith.constant 6 : i32
        %get3A_1329 = arith.index_cast %get3A_1328 : i32 to index
        %get3A_1330 = arith.constant 80 : index
        %get3A_1331 = tpu.vector_load %arg6[%get3A_1329, %get3A_1330] {strides = array<i32>} : memref<8x200xi32, #tpu.memory_space<vmem>>, vector<16xi32>,
        %ne3A_1332 = arith.constant 0 : i32
        %ne3A_1333 = vector.broadcast %ne3A_1332 : i32 to vector<16xi32>
        %ne3A_1334 = arith.cmpi ne, %get3A_1331, %ne3A_1333 : vector<16xi32>
        %jit3A_1335 = arith.constant 1 : i32
        %jit3A_1336 = arith.constant 0 : i32
        %broadcast_in_dim3A_1337 = vector.broadcast %jit3A_1335 : i32 to vector<16xi32>
        %broadcast_in_dim3A_1338 = vector.broadcast %jit3A_1336 : i32 to vector<16xi32>
        %select_n3A_1339 = arith.select %ne3A_1334, %broadcast_in_dim3A_1337, %broadcast_in_dim3A_1338 : vector<16xi1>, vector<16xi32>
        %broadcast_in_dim3A_1340 = arith.constant true
        %broadcast_in_dim3A_1341 = vector.broadcast %broadcast_in_dim3A_1340 : i1 to vector<16xi1>
        %masked_cumsum3A_1342 = tpu.scan <sum>, %select_n3A_1339 masked %broadcast_in_dim3A_1341 : vector<16xi32>, vector<16xi1> -> vector<16xi32>
        %add3A_1343 = arith.addi %masked_cumsum3A_1342, %add3A_1327 : vector<16xi32>
        %jit3A_1344 = arith.constant 0 : i32
        %broadcast_in_dim3A_1345 = vector.broadcast %jit3A_1344 : i32 to vector<16xi32>
        %select_n3A_1346 = arith.select %ne3A_1334, %add3A_1343, %broadcast_in_dim3A_1345 : vector<16xi1>, vector<16xi32>
        %swap3A_1347 = arith.constant 1280 : index
        %swap3A_1348 = tpu.vector_load %arg7[%swap3A_1347] {strides = array<i32>} : memref<1600xi32, #tpu.memory_space<vmem>>, vector<16xi32>,
        tpu.vector_store %arg7[%swap3A_1347], %select_n3A_1346 {strides = array<i32>} : memref<1600xi32, #tpu.memory_space<vmem>>, vector<16xi32>,
        %all_reduce_population_count3A_1349 = tpu.all_reduce %ne3A_1334 {dim = 0 : i64, kind = #tpu.reduction_kind<sum>} : vector<16xi1> -> vector<16xi32>
        %add3A_1350 = arith.addi %add3A_1327, %all_reduce_population_count3A_1349 : vector<16xi32>
        %get3A_1351 = arith.constant 6 : i32
        %get3A_1352 = arith.index_cast %get3A_1351 : i32 to index
        %get3A_1353 = arith.constant 96 : index
        %get3A_1354 = tpu.vector_load %arg6[%get3A_1352, %get3A_1353] {strides = array<i32>} : memref<8x200xi32, #tpu.memory_space<vmem>>, vector<16xi32>,
        %ne3A_1355 = arith.constant 0 : i32
        %ne3A_1356 = vector.broadcast %ne3A_1355 : i32 to vector<16xi32>
        %ne3A_1357 = arith.cmpi ne, %get3A_1354, %ne3A_1356 : vector<16xi32>
        %jit3A_1358 = arith.constant 1 : i32
        %jit3A_1359 = arith.constant 0 : i32
        %broadcast_in_dim3A_1360 = vector.broadcast %jit3A_1358 : i32 to vector<16xi32>
        %broadcast_in_dim3A_1361 = vector.broadcast %jit3A_1359 : i32 to vector<16xi32>
        %select_n3A_1362 = arith.select %ne3A_1357, %broadcast_in_dim3A_1360, %broadcast_in_dim3A_1361 : vector<16xi1>, vector<16xi32>
        %broadcast_in_dim3A_1363 = arith.constant true
        %broadcast_in_dim3A_1364 = vector.broadcast %broadcast_in_dim3A_1363 : i1 to vector<16xi1>
        %masked_cumsum3A_1365 = tpu.scan <sum>, %select_n3A_1362 masked %broadcast_in_dim3A_1364 : vector<16xi32>, vector<16xi1> -> vector<16xi32>
        %add3A_1366 = arith.addi %masked_cumsum3A_1365, %add3A_1350 : vector<16xi32>
        %jit3A_1367 = arith.constant 0 : i32
        %broadcast_in_dim3A_1368 = vector.broadcast %jit3A_1367 : i32 to vector<16xi32>
        %select_n3A_1369 = arith.select %ne3A_1357, %add3A_1366, %broadcast_in_dim3A_1368 : vector<16xi1>, vector<16xi32>
        %swap3A_1370 = arith.constant 1296 : index
        %swap3A_1371 = tpu.vector_load %arg7[%swap3A_1370] {strides = array<i32>} : memref<1600xi32, #tpu.memory_space<vmem>>, vector<16xi32>,
        tpu.vector_store %arg7[%swap3A_1370], %select_n3A_1369 {strides = array<i32>} : memref<1600xi32, #tpu.memory_space<vmem>>, vector<16xi32>,
        %all_reduce_population_count3A_1372 = tpu.all_reduce %ne3A_1357 {dim = 0 : i64, kind = #tpu.reduction_kind<sum>} : vector<16xi1> -> vector<16xi32>
        %add3A_1373 = arith.addi %add3A_1350, %all_reduce_population_count3A_1372 : vector<16xi32>
        %get3A_1374 = arith.constant 6 : i32
        %get3A_1375 = arith.index_cast %get3A_1374 : i32 to index
        %get3A_1376 = arith.constant 112 : index
        %get3A_1377 = tpu.vector_load %arg6[%get3A_1375, %get3A_1376] {strides = array<i32>} : memref<8x200xi32, #tpu.memory_space<vmem>>, vector<16xi32>,
        %ne3A_1378 = arith.constant 0 : i32
        %ne3A_1379 = vector.broadcast %ne3A_1378 : i32 to vector<16xi32>
        %ne3A_1380 = arith.cmpi ne, %get3A_1377, %ne3A_1379 : vector<16xi32>
        %jit3A_1381 = arith.constant 1 : i32
        %jit3A_1382 = arith.constant 0 : i32
        %broadcast_in_dim3A_1383 = vector.broadcast %jit3A_1381 : i32 to vector<16xi32>
        %broadcast_in_dim3A_1384 = vector.broadcast %jit3A_1382 : i32 to vector<16xi32>
        %select_n3A_1385 = arith.select %ne3A_1380, %broadcast_in_dim3A_1383, %broadcast_in_dim3A_1384 : vector<16xi1>, vector<16xi32>
        %broadcast_in_dim3A_1386 = arith.constant true
        %broadcast_in_dim3A_1387 = vector.broadcast %broadcast_in_dim3A_1386 : i1 to vector<16xi1>
        %masked_cumsum3A_1388 = tpu.scan <sum>, %select_n3A_1385 masked %broadcast_in_dim3A_1387 : vector<16xi32>, vector<16xi1> -> vector<16xi32>
        %add3A_1389 = arith.addi %masked_cumsum3A_1388, %add3A_1373 : vector<16xi32>
        %jit3A_1390 = arith.constant 0 : i32
        %broadcast_in_dim3A_1391 = vector.broadcast %jit3A_1390 : i32 to vector<16xi32>
        %select_n3A_1392 = arith.select %ne3A_1380, %add3A_1389, %broadcast_in_dim3A_1391 : vector<16xi1>, vector<16xi32>
        %swap3A_1393 = arith.constant 1312 : index
        %swap3A_1394 = tpu.vector_load %arg7[%swap3A_1393] {strides = array<i32>} : memref<1600xi32, #tpu.memory_space<vmem>>, vector<16xi32>,
        tpu.vector_store %arg7[%swap3A_1393], %select_n3A_1392 {strides = array<i32>} : memref<1600xi32, #tpu.memory_space<vmem>>, vector<16xi32>,
        %all_reduce_population_count3A_1395 = tpu.all_reduce %ne3A_1380 {dim = 0 : i64, kind = #tpu.reduction_kind<sum>} : vector<16xi1> -> vector<16xi32>
        %add3A_1396 = arith.addi %add3A_1373, %all_reduce_population_count3A_1395 : vector<16xi32>
        %get3A_1397 = arith.constant 6 : i32
        %get3A_1398 = arith.index_cast %get3A_1397 : i32 to index
        %get3A_1399 = arith.constant 128 : index
        %get3A_1400 = tpu.vector_load %arg6[%get3A_1398, %get3A_1399] {strides = array<i32>} : memref<8x200xi32, #tpu.memory_space<vmem>>, vector<16xi32>,
        %ne3A_1401 = arith.constant 0 : i32
        %ne3A_1402 = vector.broadcast %ne3A_1401 : i32 to vector<16xi32>
        %ne3A_1403 = arith.cmpi ne, %get3A_1400, %ne3A_1402 : vector<16xi32>
        %jit3A_1404 = arith.constant 1 : i32
        %jit3A_1405 = arith.constant 0 : i32
        %broadcast_in_dim3A_1406 = vector.broadcast %jit3A_1404 : i32 to vector<16xi32>
        %broadcast_in_dim3A_1407 = vector.broadcast %jit3A_1405 : i32 to vector<16xi32>
        %select_n3A_1408 = arith.select %ne3A_1403, %broadcast_in_dim3A_1406, %broadcast_in_dim3A_1407 : vector<16xi1>, vector<16xi32>
        %broadcast_in_dim3A_1409 = arith.constant true
        %broadcast_in_dim3A_1410 = vector.broadcast %broadcast_in_dim3A_1409 : i1 to vector<16xi1>
        %masked_cumsum3A_1411 = tpu.scan <sum>, %select_n3A_1408 masked %broadcast_in_dim3A_1410 : vector<16xi32>, vector<16xi1> -> vector<16xi32>
        %add3A_1412 = arith.addi %masked_cumsum3A_1411, %add3A_1396 : vector<16xi32>
        %jit3A_1413 = arith.constant 0 : i32
        %broadcast_in_dim3A_1414 = vector.broadcast %jit3A_1413 : i32 to vector<16xi32>
        %select_n3A_1415 = arith.select %ne3A_1403, %add3A_1412, %broadcast_in_dim3A_1414 : vector<16xi1>, vector<16xi32>
        %swap3A_1416 = arith.constant 1328 : index
        %swap3A_1417 = tpu.vector_load %arg7[%swap3A_1416] {strides = array<i32>} : memref<1600xi32, #tpu.memory_space<vmem>>, vector<16xi32>,
        tpu.vector_store %arg7[%swap3A_1416], %select_n3A_1415 {strides = array<i32>} : memref<1600xi32, #tpu.memory_space<vmem>>, vector<16xi32>,
        %all_reduce_population_count3A_1418 = tpu.all_reduce %ne3A_1403 {dim = 0 : i64, kind = #tpu.reduction_kind<sum>} : vector<16xi1> -> vector<16xi32>
        %add3A_1419 = arith.addi %add3A_1396, %all_reduce_population_count3A_1418 : vector<16xi32>
        %get3A_1420 = arith.constant 6 : i32
        %get3A_1421 = arith.index_cast %get3A_1420 : i32 to index
        %get3A_1422 = arith.constant 144 : index
        %get3A_1423 = tpu.vector_load %arg6[%get3A_1421, %get3A_1422] {strides = array<i32>} : memref<8x200xi32, #tpu.memory_space<vmem>>, vector<16xi32>,
        %ne3A_1424 = arith.constant 0 : i32
        %ne3A_1425 = vector.broadcast %ne3A_1424 : i32 to vector<16xi32>
        %ne3A_1426 = arith.cmpi ne, %get3A_1423, %ne3A_1425 : vector<16xi32>
        %jit3A_1427 = arith.constant 1 : i32
        %jit3A_1428 = arith.constant 0 : i32
        %broadcast_in_dim3A_1429 = vector.broadcast %jit3A_1427 : i32 to vector<16xi32>
        %broadcast_in_dim3A_1430 = vector.broadcast %jit3A_1428 : i32 to vector<16xi32>
        %select_n3A_1431 = arith.select %ne3A_1426, %broadcast_in_dim3A_1429, %broadcast_in_dim3A_1430 : vector<16xi1>, vector<16xi32>
        %broadcast_in_dim3A_1432 = arith.constant true
        %broadcast_in_dim3A_1433 = vector.broadcast %broadcast_in_dim3A_1432 : i1 to vector<16xi1>
        %masked_cumsum3A_1434 = tpu.scan <sum>, %select_n3A_1431 masked %broadcast_in_dim3A_1433 : vector<16xi32>, vector<16xi1> -> vector<16xi32>
        %add3A_1435 = arith.addi %masked_cumsum3A_1434, %add3A_1419 : vector<16xi32>
        %jit3A_1436 = arith.constant 0 : i32
        %broadcast_in_dim3A_1437 = vector.broadcast %jit3A_1436 : i32 to vector<16xi32>
        %select_n3A_1438 = arith.select %ne3A_1426, %add3A_1435, %broadcast_in_dim3A_1437 : vector<16xi1>, vector<16xi32>
        %swap3A_1439 = arith.constant 1344 : index
        %swap3A_1440 = tpu.vector_load %arg7[%swap3A_1439] {strides = array<i32>} : memref<1600xi32, #tpu.memory_space<vmem>>, vector<16xi32>,
        tpu.vector_store %arg7[%swap3A_1439], %select_n3A_1438 {strides = array<i32>} : memref<1600xi32, #tpu.memory_space<vmem>>, vector<16xi32>,
        %all_reduce_population_count3A_1441 = tpu.all_reduce %ne3A_1426 {dim = 0 : i64, kind = #tpu.reduction_kind<sum>} : vector<16xi1> -> vector<16xi32>
        %add3A_1442 = arith.addi %add3A_1419, %all_reduce_population_count3A_1441 : vector<16xi32>
        %get3A_1443 = arith.constant 6 : i32
        %get3A_1444 = arith.index_cast %get3A_1443 : i32 to index
        %get3A_1445 = arith.constant 160 : index
        %get3A_1446 = tpu.vector_load %arg6[%get3A_1444, %get3A_1445] {strides = array<i32>} : memref<8x200xi32, #tpu.memory_space<vmem>>, vector<16xi32>,
        %ne3A_1447 = arith.constant 0 : i32
        %ne3A_1448 = vector.broadcast %ne3A_1447 : i32 to vector<16xi32>
        %ne3A_1449 = arith.cmpi ne, %get3A_1446, %ne3A_1448 : vector<16xi32>
        %jit3A_1450 = arith.constant 1 : i32
        %jit3A_1451 = arith.constant 0 : i32
        %broadcast_in_dim3A_1452 = vector.broadcast %jit3A_1450 : i32 to vector<16xi32>
        %broadcast_in_dim3A_1453 = vector.broadcast %jit3A_1451 : i32 to vector<16xi32>
        %select_n3A_1454 = arith.select %ne3A_1449, %broadcast_in_dim3A_1452, %broadcast_in_dim3A_1453 : vector<16xi1>, vector<16xi32>
        %broadcast_in_dim3A_1455 = arith.constant true
        %broadcast_in_dim3A_1456 = vector.broadcast %broadcast_in_dim3A_1455 : i1 to vector<16xi1>
        %masked_cumsum3A_1457 = tpu.scan <sum>, %select_n3A_1454 masked %broadcast_in_dim3A_1456 : vector<16xi32>, vector<16xi1> -> vector<16xi32>
        %add3A_1458 = arith.addi %masked_cumsum3A_1457, %add3A_1442 : vector<16xi32>
        %jit3A_1459 = arith.constant 0 : i32
        %broadcast_in_dim3A_1460 = vector.broadcast %jit3A_1459 : i32 to vector<16xi32>
        %select_n3A_1461 = arith.select %ne3A_1449, %add3A_1458, %broadcast_in_dim3A_1460 : vector<16xi1>, vector<16xi32>
        %swap3A_1462 = arith.constant 1360 : index
        %swap3A_1463 = tpu.vector_load %arg7[%swap3A_1462] {strides = array<i32>} : memref<1600xi32, #tpu.memory_space<vmem>>, vector<16xi32>,
        tpu.vector_store %arg7[%swap3A_1462], %select_n3A_1461 {strides = array<i32>} : memref<1600xi32, #tpu.memory_space<vmem>>, vector<16xi32>,
        %all_reduce_population_count3A_1464 = tpu.all_reduce %ne3A_1449 {dim = 0 : i64, kind = #tpu.reduction_kind<sum>} : vector<16xi1> -> vector<16xi32>
        %add3A_1465 = arith.addi %add3A_1442, %all_reduce_population_count3A_1464 : vector<16xi32>
        %get3A_1466 = arith.constant 6 : i32
        %get3A_1467 = arith.index_cast %get3A_1466 : i32 to index
        %get3A_1468 = arith.constant 176 : index
        %get3A_1469 = tpu.vector_load %arg6[%get3A_1467, %get3A_1468] {strides = array<i32>} : memref<8x200xi32, #tpu.memory_space<vmem>>, vector<16xi32>,
        %ne3A_1470 = arith.constant 0 : i32
        %ne3A_1471 = vector.broadcast %ne3A_1470 : i32 to vector<16xi32>
        %ne3A_1472 = arith.cmpi ne, %get3A_1469, %ne3A_1471 : vector<16xi32>
        %jit3A_1473 = arith.constant 1 : i32
        %jit3A_1474 = arith.constant 0 : i32
        %broadcast_in_dim3A_1475 = vector.broadcast %jit3A_1473 : i32 to vector<16xi32>
        %broadcast_in_dim3A_1476 = vector.broadcast %jit3A_1474 : i32 to vector<16xi32>
        %select_n3A_1477 = arith.select %ne3A_1472, %broadcast_in_dim3A_1475, %broadcast_in_dim3A_1476 : vector<16xi1>, vector<16xi32>
        %broadcast_in_dim3A_1478 = arith.constant true
        %broadcast_in_dim3A_1479 = vector.broadcast %broadcast_in_dim3A_1478 : i1 to vector<16xi1>
        %masked_cumsum3A_1480 = tpu.scan <sum>, %select_n3A_1477 masked %broadcast_in_dim3A_1479 : vector<16xi32>, vector<16xi1> -> vector<16xi32>
        %add3A_1481 = arith.addi %masked_cumsum3A_1480, %add3A_1465 : vector<16xi32>
        %jit3A_1482 = arith.constant 0 : i32
        %broadcast_in_dim3A_1483 = vector.broadcast %jit3A_1482 : i32 to vector<16xi32>
        %select_n3A_1484 = arith.select %ne3A_1472, %add3A_1481, %broadcast_in_dim3A_1483 : vector<16xi1>, vector<16xi32>
        %swap3A_1485 = arith.constant 1376 : index
        %swap3A_1486 = tpu.vector_load %arg7[%swap3A_1485] {strides = array<i32>} : memref<1600xi32, #tpu.memory_space<vmem>>, vector<16xi32>,
        tpu.vector_store %arg7[%swap3A_1485], %select_n3A_1484 {strides = array<i32>} : memref<1600xi32, #tpu.memory_space<vmem>>, vector<16xi32>,
        %and3A_1487 = arith.andi %ne3A_1472, %lt3A_1211 : vector<16xi1>
        %all_reduce_population_count3A_1488 = tpu.all_reduce %and3A_1487 {dim = 0 : i64, kind = #tpu.reduction_kind<sum>} : vector<16xi1> -> vector<16xi32>
        %add3A_1489 = arith.addi %add3A_1465, %all_reduce_population_count3A_1488 : vector<16xi32>
        %all_reduce_population_count3A_1490 = tpu.all_reduce %ne3A_1472 {dim = 0 : i64, kind = #tpu.reduction_kind<sum>} : vector<16xi1> -> vector<16xi32>
        %add3A_1491 = arith.addi %add3A_1465, %all_reduce_population_count3A_1490 : vector<16xi32>
        %get3A_1492 = arith.constant 6 : i32
        %get3A_1493 = arith.index_cast %get3A_1492 : i32 to index
        %get3A_1494 = arith.constant 184 : index
        %get3A_1495 = tpu.vector_load %arg6[%get3A_1493, %get3A_1494] {strides = array<i32>} : memref<8x200xi32, #tpu.memory_space<vmem>>, vector<16xi32>,
        %ne3A_1496 = arith.constant 0 : i32
        %ne3A_1497 = vector.broadcast %ne3A_1496 : i32 to vector<16xi32>
        %ne3A_1498 = arith.cmpi ne, %get3A_1495, %ne3A_1497 : vector<16xi32>
        %jit3A_1499 = arith.constant 1 : i32
        %jit3A_1500 = arith.constant 0 : i32
        %broadcast_in_dim3A_1501 = vector.broadcast %jit3A_1499 : i32 to vector<16xi32>
        %broadcast_in_dim3A_1502 = vector.broadcast %jit3A_1500 : i32 to vector<16xi32>
        %select_n3A_1503 = arith.select %ne3A_1498, %broadcast_in_dim3A_1501, %broadcast_in_dim3A_1502 : vector<16xi1>, vector<16xi32>
        %broadcast_in_dim3A_1504 = arith.constant true
        %broadcast_in_dim3A_1505 = vector.broadcast %broadcast_in_dim3A_1504 : i1 to vector<16xi1>
        %masked_cumsum3A_1506 = tpu.scan <sum>, %select_n3A_1503 masked %broadcast_in_dim3A_1505 : vector<16xi32>, vector<16xi1> -> vector<16xi32>
        %add3A_1507 = arith.addi %masked_cumsum3A_1506, %add3A_1489 : vector<16xi32>
        %jit3A_1508 = arith.constant 0 : i32
        %broadcast_in_dim3A_1509 = vector.broadcast %jit3A_1508 : i32 to vector<16xi32>
        %select_n3A_1510 = arith.select %ne3A_1498, %add3A_1507, %broadcast_in_dim3A_1509 : vector<16xi1>, vector<16xi32>
        %swap3A_1511 = arith.constant 1384 : index
        %swap3A_1512 = tpu.vector_load %arg7[%swap3A_1511] {strides = array<i32>} : memref<1600xi32, #tpu.memory_space<vmem>>, vector<16xi32>,
        tpu.vector_store %arg7[%swap3A_1511], %select_n3A_1510 {strides = array<i32>} : memref<1600xi32, #tpu.memory_space<vmem>>, vector<16xi32>,
      } else {
      }
      %iota3A_925 = tpu.iota {dimensions = array<i32: 0>} : vector<16xi32>
      %mul3A_926 = arith.constant 0 : i32
      %mul3A_927 = vector.broadcast %mul3A_926 : i32 to vector<16xi32>
      %mul3A_928 = arith.muli %iota3A_925, %mul3A_927 : vector<16xi32>
      %get3A_929 = arith.constant 7 : i32
      %get3A_930 = arith.index_cast %get3A_929 : i32 to index
      %get3A_931 = arith.constant 0 : index
      %get3A_932 = tpu.vector_load %arg6[%get3A_930, %get3A_931] {strides = array<i32>} : memref<8x200xi32, #tpu.memory_space<vmem>>, vector<16xi32>,
      %ne3A_933 = arith.constant 0 : i32
      %ne3A_934 = vector.broadcast %ne3A_933 : i32 to vector<16xi32>
      %ne3A_935 = arith.cmpi ne, %get3A_932, %ne3A_934 : vector<16xi32>
      %all_reduce_population_count3A_936 = tpu.all_reduce %ne3A_935 {dim = 0 : i64, kind = #tpu.reduction_kind<sum>} : vector<16xi1> -> vector<16xi32>
      %add3A_937 = arith.addi %mul3A_928, %all_reduce_population_count3A_936 : vector<16xi32>
      %get3A_938 = arith.constant 7 : i32
      %get3A_939 = arith.index_cast %get3A_938 : i32 to index
      %get3A_940 = arith.constant 16 : index
      %get3A_941 = tpu.vector_load %arg6[%get3A_939, %get3A_940] {strides = array<i32>} : memref<8x200xi32, #tpu.memory_space<vmem>>, vector<16xi32>,
      %ne3A_942 = arith.constant 0 : i32
      %ne3A_943 = vector.broadcast %ne3A_942 : i32 to vector<16xi32>
      %ne3A_944 = arith.cmpi ne, %get3A_941, %ne3A_943 : vector<16xi32>
      %all_reduce_population_count3A_945 = tpu.all_reduce %ne3A_944 {dim = 0 : i64, kind = #tpu.reduction_kind<sum>} : vector<16xi1> -> vector<16xi32>
      %add3A_946 = arith.addi %add3A_937, %all_reduce_population_count3A_945 : vector<16xi32>
      %get3A_947 = arith.constant 7 : i32
      %get3A_948 = arith.index_cast %get3A_947 : i32 to index
      %get3A_949 = arith.constant 32 : index
      %get3A_950 = tpu.vector_load %arg6[%get3A_948, %get3A_949] {strides = array<i32>} : memref<8x200xi32, #tpu.memory_space<vmem>>, vector<16xi32>,
      %ne3A_951 = arith.constant 0 : i32
      %ne3A_952 = vector.broadcast %ne3A_951 : i32 to vector<16xi32>
      %ne3A_953 = arith.cmpi ne, %get3A_950, %ne3A_952 : vector<16xi32>
      %all_reduce_population_count3A_954 = tpu.all_reduce %ne3A_953 {dim = 0 : i64, kind = #tpu.reduction_kind<sum>} : vector<16xi1> -> vector<16xi32>
      %add3A_955 = arith.addi %add3A_946, %all_reduce_population_count3A_954 : vector<16xi32>
      %get3A_956 = arith.constant 7 : i32
      %get3A_957 = arith.index_cast %get3A_956 : i32 to index
      %get3A_958 = arith.constant 48 : index
      %get3A_959 = tpu.vector_load %arg6[%get3A_957, %get3A_958] {strides = array<i32>} : memref<8x200xi32, #tpu.memory_space<vmem>>, vector<16xi32>,
      %ne3A_960 = arith.constant 0 : i32
      %ne3A_961 = vector.broadcast %ne3A_960 : i32 to vector<16xi32>
      %ne3A_962 = arith.cmpi ne, %get3A_959, %ne3A_961 : vector<16xi32>
      %all_reduce_population_count3A_963 = tpu.all_reduce %ne3A_962 {dim = 0 : i64, kind = #tpu.reduction_kind<sum>} : vector<16xi1> -> vector<16xi32>
      %add3A_964 = arith.addi %add3A_955, %all_reduce_population_count3A_963 : vector<16xi32>
      %get3A_965 = arith.constant 7 : i32
      %get3A_966 = arith.index_cast %get3A_965 : i32 to index
      %get3A_967 = arith.constant 64 : index
      %get3A_968 = tpu.vector_load %arg6[%get3A_966, %get3A_967] {strides = array<i32>} : memref<8x200xi32, #tpu.memory_space<vmem>>, vector<16xi32>,
      %ne3A_969 = arith.constant 0 : i32
      %ne3A_970 = vector.broadcast %ne3A_969 : i32 to vector<16xi32>
      %ne3A_971 = arith.cmpi ne, %get3A_968, %ne3A_970 : vector<16xi32>
      %all_reduce_population_count3A_972 = tpu.all_reduce %ne3A_971 {dim = 0 : i64, kind = #tpu.reduction_kind<sum>} : vector<16xi1> -> vector<16xi32>
      %add3A_973 = arith.addi %add3A_964, %all_reduce_population_count3A_972 : vector<16xi32>
      %get3A_974 = arith.constant 7 : i32
      %get3A_975 = arith.index_cast %get3A_974 : i32 to index
      %get3A_976 = arith.constant 80 : index
      %get3A_977 = tpu.vector_load %arg6[%get3A_975, %get3A_976] {strides = array<i32>} : memref<8x200xi32, #tpu.memory_space<vmem>>, vector<16xi32>,
      %ne3A_978 = arith.constant 0 : i32
      %ne3A_979 = vector.broadcast %ne3A_978 : i32 to vector<16xi32>
      %ne3A_980 = arith.cmpi ne, %get3A_977, %ne3A_979 : vector<16xi32>
      %all_reduce_population_count3A_981 = tpu.all_reduce %ne3A_980 {dim = 0 : i64, kind = #tpu.reduction_kind<sum>} : vector<16xi1> -> vector<16xi32>
      %add3A_982 = arith.addi %add3A_973, %all_reduce_population_count3A_981 : vector<16xi32>
      %get3A_983 = arith.constant 7 : i32
      %get3A_984 = arith.index_cast %get3A_983 : i32 to index
      %get3A_985 = arith.constant 96 : index
      %get3A_986 = tpu.vector_load %arg6[%get3A_984, %get3A_985] {strides = array<i32>} : memref<8x200xi32, #tpu.memory_space<vmem>>, vector<16xi32>,
      %ne3A_987 = arith.constant 0 : i32
      %ne3A_988 = vector.broadcast %ne3A_987 : i32 to vector<16xi32>
      %ne3A_989 = arith.cmpi ne, %get3A_986, %ne3A_988 : vector<16xi32>
      %all_reduce_population_count3A_990 = tpu.all_reduce %ne3A_989 {dim = 0 : i64, kind = #tpu.reduction_kind<sum>} : vector<16xi1> -> vector<16xi32>
      %add3A_991 = arith.addi %add3A_982, %all_reduce_population_count3A_990 : vector<16xi32>
      %get3A_992 = arith.constant 7 : i32
      %get3A_993 = arith.index_cast %get3A_992 : i32 to index
      %get3A_994 = arith.constant 112 : index
      %get3A_995 = tpu.vector_load %arg6[%get3A_993, %get3A_994] {strides = array<i32>} : memref<8x200xi32, #tpu.memory_space<vmem>>, vector<16xi32>,
      %ne3A_996 = arith.constant 0 : i32
      %ne3A_997 = vector.broadcast %ne3A_996 : i32 to vector<16xi32>
      %ne3A_998 = arith.cmpi ne, %get3A_995, %ne3A_997 : vector<16xi32>
      %all_reduce_population_count3A_999 = tpu.all_reduce %ne3A_998 {dim = 0 : i64, kind = #tpu.reduction_kind<sum>} : vector<16xi1> -> vector<16xi32>
      %add3A_1000 = arith.addi %add3A_991, %all_reduce_population_count3A_999 : vector<16xi32>
      %get3A_1001 = arith.constant 7 : i32
      %get3A_1002 = arith.index_cast %get3A_1001 : i32 to index
      %get3A_1003 = arith.constant 128 : index
      %get3A_1004 = tpu.vector_load %arg6[%get3A_1002, %get3A_1003] {strides = array<i32>} : memref<8x200xi32, #tpu.memory_space<vmem>>, vector<16xi32>,
      %ne3A_1005 = arith.constant 0 : i32
      %ne3A_1006 = vector.broadcast %ne3A_1005 : i32 to vector<16xi32>
      %ne3A_1007 = arith.cmpi ne, %get3A_1004, %ne3A_1006 : vector<16xi32>
      %all_reduce_population_count3A_1008 = tpu.all_reduce %ne3A_1007 {dim = 0 : i64, kind = #tpu.reduction_kind<sum>} : vector<16xi1> -> vector<16xi32>
      %add3A_1009 = arith.addi %add3A_1000, %all_reduce_population_count3A_1008 : vector<16xi32>
      %get3A_1010 = arith.constant 7 : i32
      %get3A_1011 = arith.index_cast %get3A_1010 : i32 to index
      %get3A_1012 = arith.constant 144 : index
      %get3A_1013 = tpu.vector_load %arg6[%get3A_1011, %get3A_1012] {strides = array<i32>} : memref<8x200xi32, #tpu.memory_space<vmem>>, vector<16xi32>,
      %ne3A_1014 = arith.constant 0 : i32
      %ne3A_1015 = vector.broadcast %ne3A_1014 : i32 to vector<16xi32>
      %ne3A_1016 = arith.cmpi ne, %get3A_1013, %ne3A_1015 : vector<16xi32>
      %all_reduce_population_count3A_1017 = tpu.all_reduce %ne3A_1016 {dim = 0 : i64, kind = #tpu.reduction_kind<sum>} : vector<16xi1> -> vector<16xi32>
      %add3A_1018 = arith.addi %add3A_1009, %all_reduce_population_count3A_1017 : vector<16xi32>
      %get3A_1019 = arith.constant 7 : i32
      %get3A_1020 = arith.index_cast %get3A_1019 : i32 to index
      %get3A_1021 = arith.constant 160 : index
      %get3A_1022 = tpu.vector_load %arg6[%get3A_1020, %get3A_1021] {strides = array<i32>} : memref<8x200xi32, #tpu.memory_space<vmem>>, vector<16xi32>,
      %ne3A_1023 = arith.constant 0 : i32
      %ne3A_1024 = vector.broadcast %ne3A_1023 : i32 to vector<16xi32>
      %ne3A_1025 = arith.cmpi ne, %get3A_1022, %ne3A_1024 : vector<16xi32>
      %all_reduce_population_count3A_1026 = tpu.all_reduce %ne3A_1025 {dim = 0 : i64, kind = #tpu.reduction_kind<sum>} : vector<16xi1> -> vector<16xi32>
      %add3A_1027 = arith.addi %add3A_1018, %all_reduce_population_count3A_1026 : vector<16xi32>
      %get3A_1028 = arith.constant 7 : i32
      %get3A_1029 = arith.index_cast %get3A_1028 : i32 to index
      %get3A_1030 = arith.constant 176 : index
      %get3A_1031 = tpu.vector_load %arg6[%get3A_1029, %get3A_1030] {strides = array<i32>} : memref<8x200xi32, #tpu.memory_space<vmem>>, vector<16xi32>,
      %ne3A_1032 = arith.constant 0 : i32
      %ne3A_1033 = vector.broadcast %ne3A_1032 : i32 to vector<16xi32>
      %ne3A_1034 = arith.cmpi ne, %get3A_1031, %ne3A_1033 : vector<16xi32>
      %all_reduce_population_count3A_1035 = tpu.all_reduce %ne3A_1034 {dim = 0 : i64, kind = #tpu.reduction_kind<sum>} : vector<16xi1> -> vector<16xi32>
      %add3A_1036 = arith.addi %add3A_1027, %all_reduce_population_count3A_1035 : vector<16xi32>
      %get3A_1037 = arith.constant 7 : i32
      %get3A_1038 = arith.index_cast %get3A_1037 : i32 to index
      %get3A_1039 = arith.constant 184 : index
      %get3A_1040 = tpu.vector_load %arg6[%get3A_1038, %get3A_1039] {strides = array<i32>} : memref<8x200xi32, #tpu.memory_space<vmem>>, vector<16xi32>,
      %ne3A_1041 = arith.constant 0 : i32
      %ne3A_1042 = vector.broadcast %ne3A_1041 : i32 to vector<16xi32>
      %ne3A_1043 = arith.cmpi ne, %get3A_1040, %ne3A_1042 : vector<16xi32>
      %ge3A_1044 = arith.constant 8 : i32
      %ge3A_1045 = vector.broadcast %ge3A_1044 : i32 to vector<16xi32>
      %ge3A_1046 = arith.cmpi sge, %iota3A_925, %ge3A_1045 : vector<16xi32>
      %and3A_1047 = arith.andi %ne3A_1043, %ge3A_1046 : vector<16xi1>
      %all_reduce_population_count3A_1048 = tpu.all_reduce %and3A_1047 {dim = 0 : i64, kind = #tpu.reduction_kind<sum>} : vector<16xi1> -> vector<16xi32>
      %add3A_1049 = arith.addi %add3A_1036, %all_reduce_population_count3A_1048 : vector<16xi32>
      %slice3A_1050 = vector.extract_strided_slice %add3A_1049 {offsets = [0], sizes = [1], strides = [1]} : vector<16xi32> to vector<1xi32>
      %squeeze3A_1051 = vector.extract %slice3A_1050[0] : i32 from vector<1xi32>
      %ne3A_1052 = arith.constant 200 : i32
      %ne3A_1053 = arith.cmpi ne, %squeeze3A_1051, %ne3A_1052 : i32
      %convert_element_type3A_1054 = arith.extui %ne3A_1053 : i1 to i32
      %cond3A_1055 = arith.constant 0 : i32
      %cond3A_1056 = arith.cmpi ne, %convert_element_type3A_1054, %cond3A_1055 : i32
      scf.if %cond3A_1056 {
        %iota3A_1209 = tpu.iota {dimensions = array<i32: 0>} : vector<16xi32>
        %lt3A = arith.constant 8 : i32
        %lt3A_1210 = vector.broadcast %lt3A : i32 to vector<16xi32>
        %lt3A_1211 = arith.cmpi slt, %iota3A_1209, %lt3A_1210 : vector<16xi32>
        %mul3A_1212 = arith.constant 0 : i32
        %mul3A_1213 = vector.broadcast %mul3A_1212 : i32 to vector<16xi32>
        %mul3A_1214 = arith.muli %iota3A_1209, %mul3A_1213 : vector<16xi32>
        %mul3A_1215 = arith.constant 0 : i32
        %mul3A_1216 = vector.broadcast %mul3A_1215 : i32 to vector<16xi32>
        %mul3A_1217 = arith.muli %iota3A_1209, %mul3A_1216 : vector<16xi32>
        %get3A_1218 = arith.constant 7 : i32
        %get3A_1219 = arith.index_cast %get3A_1218 : i32 to index
        %get3A_1220 = arith.constant 0 : index
        %get3A_1221 = tpu.vector_load %arg6[%get3A_1219, %get3A_1220] {strides = array<i32>} : memref<8x200xi32, #tpu.memory_space<vmem>>, vector<16xi32>,
        %ne3A_1222 = arith.constant 0 : i32
        %ne3A_1223 = vector.broadcast %ne3A_1222 : i32 to vector<16xi32>
        %ne3A_1224 = arith.cmpi ne, %get3A_1221, %ne3A_1223 : vector<16xi32>
        %jit3A = arith.constant 1 : i32
        %jit3A_1225 = arith.constant 0 : i32
        %broadcast_in_dim3A = vector.broadcast %jit3A : i32 to vector<16xi32>
        %broadcast_in_dim3A_1226 = vector.broadcast %jit3A_1225 : i32 to vector<16xi32>
        %select_n3A = arith.select %ne3A_1224, %broadcast_in_dim3A, %broadcast_in_dim3A_1226 : vector<16xi1>, vector<16xi32>
        %broadcast_in_dim3A_1227 = arith.constant true
        %broadcast_in_dim3A_1228 = vector.broadcast %broadcast_in_dim3A_1227 : i1 to vector<16xi1>
        %masked_cumsum3A = tpu.scan <sum>, %select_n3A masked %broadcast_in_dim3A_1228 : vector<16xi32>, vector<16xi1> -> vector<16xi32>
        %add3A_1229 = arith.addi %masked_cumsum3A, %mul3A_1214 : vector<16xi32>
        %jit3A_1230 = arith.constant 0 : i32
        %broadcast_in_dim3A_1231 = vector.broadcast %jit3A_1230 : i32 to vector<16xi32>
        %select_n3A_1232 = arith.select %ne3A_1224, %add3A_1229, %broadcast_in_dim3A_1231 : vector<16xi1>, vector<16xi32>
        %swap3A = arith.constant 1400 : index
        %swap3A_1233 = tpu.vector_load %arg7[%swap3A] {strides = array<i32>} : memref<1600xi32, #tpu.memory_space<vmem>>, vector<16xi32>,
        tpu.vector_store %arg7[%swap3A], %select_n3A_1232 {strides = array<i32>} : memref<1600xi32, #tpu.memory_space<vmem>>, vector<16xi32>,
        %all_reduce_population_count3A_1234 = tpu.all_reduce %ne3A_1224 {dim = 0 : i64, kind = #tpu.reduction_kind<sum>} : vector<16xi1> -> vector<16xi32>
        %add3A_1235 = arith.addi %mul3A_1214, %all_reduce_population_count3A_1234 : vector<16xi32>
        %get3A_1236 = arith.constant 7 : i32
        %get3A_1237 = arith.index_cast %get3A_1236 : i32 to index
        %get3A_1238 = arith.constant 16 : index
        %get3A_1239 = tpu.vector_load %arg6[%get3A_1237, %get3A_1238] {strides = array<i32>} : memref<8x200xi32, #tpu.memory_space<vmem>>, vector<16xi32>,
        %ne3A_1240 = arith.constant 0 : i32
        %ne3A_1241 = vector.broadcast %ne3A_1240 : i32 to vector<16xi32>
        %ne3A_1242 = arith.cmpi ne, %get3A_1239, %ne3A_1241 : vector<16xi32>
        %jit3A_1243 = arith.constant 1 : i32
        %jit3A_1244 = arith.constant 0 : i32
        %broadcast_in_dim3A_1245 = vector.broadcast %jit3A_1243 : i32 to vector<16xi32>
        %broadcast_in_dim3A_1246 = vector.broadcast %jit3A_1244 : i32 to vector<16xi32>
        %select_n3A_1247 = arith.select %ne3A_1242, %broadcast_in_dim3A_1245, %broadcast_in_dim3A_1246 : vector<16xi1>, vector<16xi32>
        %broadcast_in_dim3A_1248 = arith.constant true
        %broadcast_in_dim3A_1249 = vector.broadcast %broadcast_in_dim3A_1248 : i1 to vector<16xi1>
        %masked_cumsum3A_1250 = tpu.scan <sum>, %select_n3A_1247 masked %broadcast_in_dim3A_1249 : vector<16xi32>, vector<16xi1> -> vector<16xi32>
        %add3A_1251 = arith.addi %masked_cumsum3A_1250, %add3A_1235 : vector<16xi32>
        %jit3A_1252 = arith.constant 0 : i32
        %broadcast_in_dim3A_1253 = vector.broadcast %jit3A_1252 : i32 to vector<16xi32>
        %select_n3A_1254 = arith.select %ne3A_1242, %add3A_1251, %broadcast_in_dim3A_1253 : vector<16xi1>, vector<16xi32>
        %swap3A_1255 = arith.constant 1416 : index
        %swap3A_1256 = tpu.vector_load %arg7[%swap3A_1255] {strides = array<i32>} : memref<1600xi32, #tpu.memory_space<vmem>>, vector<16xi32>,
        tpu.vector_store %arg7[%swap3A_1255], %select_n3A_1254 {strides = array<i32>} : memref<1600xi32, #tpu.memory_space<vmem>>, vector<16xi32>,
        %all_reduce_population_count3A_1257 = tpu.all_reduce %ne3A_1242 {dim = 0 : i64, kind = #tpu.reduction_kind<sum>} : vector<16xi1> -> vector<16xi32>
        %add3A_1258 = arith.addi %add3A_1235, %all_reduce_population_count3A_1257 : vector<16xi32>
        %get3A_1259 = arith.constant 7 : i32
        %get3A_1260 = arith.index_cast %get3A_1259 : i32 to index
        %get3A_1261 = arith.constant 32 : index
        %get3A_1262 = tpu.vector_load %arg6[%get3A_1260, %get3A_1261] {strides = array<i32>} : memref<8x200xi32, #tpu.memory_space<vmem>>, vector<16xi32>,
        %ne3A_1263 = arith.constant 0 : i32
        %ne3A_1264 = vector.broadcast %ne3A_1263 : i32 to vector<16xi32>
        %ne3A_1265 = arith.cmpi ne, %get3A_1262, %ne3A_1264 : vector<16xi32>
        %jit3A_1266 = arith.constant 1 : i32
        %jit3A_1267 = arith.constant 0 : i32
        %broadcast_in_dim3A_1268 = vector.broadcast %jit3A_1266 : i32 to vector<16xi32>
        %broadcast_in_dim3A_1269 = vector.broadcast %jit3A_1267 : i32 to vector<16xi32>
        %select_n3A_1270 = arith.select %ne3A_1265, %broadcast_in_dim3A_1268, %broadcast_in_dim3A_1269 : vector<16xi1>, vector<16xi32>
        %broadcast_in_dim3A_1271 = arith.constant true
        %broadcast_in_dim3A_1272 = vector.broadcast %broadcast_in_dim3A_1271 : i1 to vector<16xi1>
        %masked_cumsum3A_1273 = tpu.scan <sum>, %select_n3A_1270 masked %broadcast_in_dim3A_1272 : vector<16xi32>, vector<16xi1> -> vector<16xi32>
        %add3A_1274 = arith.addi %masked_cumsum3A_1273, %add3A_1258 : vector<16xi32>
        %jit3A_1275 = arith.constant 0 : i32
        %broadcast_in_dim3A_1276 = vector.broadcast %jit3A_1275 : i32 to vector<16xi32>
        %select_n3A_1277 = arith.select %ne3A_1265, %add3A_1274, %broadcast_in_dim3A_1276 : vector<16xi1>, vector<16xi32>
        %swap3A_1278 = arith.constant 1432 : index
        %swap3A_1279 = tpu.vector_load %arg7[%swap3A_1278] {strides = array<i32>} : memref<1600xi32, #tpu.memory_space<vmem>>, vector<16xi32>,
        tpu.vector_store %arg7[%swap3A_1278], %select_n3A_1277 {strides = array<i32>} : memref<1600xi32, #tpu.memory_space<vmem>>, vector<16xi32>,
        %all_reduce_population_count3A_1280 = tpu.all_reduce %ne3A_1265 {dim = 0 : i64, kind = #tpu.reduction_kind<sum>} : vector<16xi1> -> vector<16xi32>
        %add3A_1281 = arith.addi %add3A_1258, %all_reduce_population_count3A_1280 : vector<16xi32>
        %get3A_1282 = arith.constant 7 : i32
        %get3A_1283 = arith.index_cast %get3A_1282 : i32 to index
        %get3A_1284 = arith.constant 48 : index
        %get3A_1285 = tpu.vector_load %arg6[%get3A_1283, %get3A_1284] {strides = array<i32>} : memref<8x200xi32, #tpu.memory_space<vmem>>, vector<16xi32>,
        %ne3A_1286 = arith.constant 0 : i32
        %ne3A_1287 = vector.broadcast %ne3A_1286 : i32 to vector<16xi32>
        %ne3A_1288 = arith.cmpi ne, %get3A_1285, %ne3A_1287 : vector<16xi32>
        %jit3A_1289 = arith.constant 1 : i32
        %jit3A_1290 = arith.constant 0 : i32
        %broadcast_in_dim3A_1291 = vector.broadcast %jit3A_1289 : i32 to vector<16xi32>
        %broadcast_in_dim3A_1292 = vector.broadcast %jit3A_1290 : i32 to vector<16xi32>
        %select_n3A_1293 = arith.select %ne3A_1288, %broadcast_in_dim3A_1291, %broadcast_in_dim3A_1292 : vector<16xi1>, vector<16xi32>
        %broadcast_in_dim3A_1294 = arith.constant true
        %broadcast_in_dim3A_1295 = vector.broadcast %broadcast_in_dim3A_1294 : i1 to vector<16xi1>
        %masked_cumsum3A_1296 = tpu.scan <sum>, %select_n3A_1293 masked %broadcast_in_dim3A_1295 : vector<16xi32>, vector<16xi1> -> vector<16xi32>
        %add3A_1297 = arith.addi %masked_cumsum3A_1296, %add3A_1281 : vector<16xi32>
        %jit3A_1298 = arith.constant 0 : i32
        %broadcast_in_dim3A_1299 = vector.broadcast %jit3A_1298 : i32 to vector<16xi32>
        %select_n3A_1300 = arith.select %ne3A_1288, %add3A_1297, %broadcast_in_dim3A_1299 : vector<16xi1>, vector<16xi32>
        %swap3A_1301 = arith.constant 1448 : index
        %swap3A_1302 = tpu.vector_load %arg7[%swap3A_1301] {strides = array<i32>} : memref<1600xi32, #tpu.memory_space<vmem>>, vector<16xi32>,
        tpu.vector_store %arg7[%swap3A_1301], %select_n3A_1300 {strides = array<i32>} : memref<1600xi32, #tpu.memory_space<vmem>>, vector<16xi32>,
        %all_reduce_population_count3A_1303 = tpu.all_reduce %ne3A_1288 {dim = 0 : i64, kind = #tpu.reduction_kind<sum>} : vector<16xi1> -> vector<16xi32>
        %add3A_1304 = arith.addi %add3A_1281, %all_reduce_population_count3A_1303 : vector<16xi32>
        %get3A_1305 = arith.constant 7 : i32
        %get3A_1306 = arith.index_cast %get3A_1305 : i32 to index
        %get3A_1307 = arith.constant 64 : index
        %get3A_1308 = tpu.vector_load %arg6[%get3A_1306, %get3A_1307] {strides = array<i32>} : memref<8x200xi32, #tpu.memory_space<vmem>>, vector<16xi32>,
        %ne3A_1309 = arith.constant 0 : i32
        %ne3A_1310 = vector.broadcast %ne3A_1309 : i32 to vector<16xi32>
        %ne3A_1311 = arith.cmpi ne, %get3A_1308, %ne3A_1310 : vector<16xi32>
        %jit3A_1312 = arith.constant 1 : i32
        %jit3A_1313 = arith.constant 0 : i32
        %broadcast_in_dim3A_1314 = vector.broadcast %jit3A_1312 : i32 to vector<16xi32>
        %broadcast_in_dim3A_1315 = vector.broadcast %jit3A_1313 : i32 to vector<16xi32>
        %select_n3A_1316 = arith.select %ne3A_1311, %broadcast_in_dim3A_1314, %broadcast_in_dim3A_1315 : vector<16xi1>, vector<16xi32>
        %broadcast_in_dim3A_1317 = arith.constant true
        %broadcast_in_dim3A_1318 = vector.broadcast %broadcast_in_dim3A_1317 : i1 to vector<16xi1>
        %masked_cumsum3A_1319 = tpu.scan <sum>, %select_n3A_1316 masked %broadcast_in_dim3A_1318 : vector<16xi32>, vector<16xi1> -> vector<16xi32>
        %add3A_1320 = arith.addi %masked_cumsum3A_1319, %add3A_1304 : vector<16xi32>
        %jit3A_1321 = arith.constant 0 : i32
        %broadcast_in_dim3A_1322 = vector.broadcast %jit3A_1321 : i32 to vector<16xi32>
        %select_n3A_1323 = arith.select %ne3A_1311, %add3A_1320, %broadcast_in_dim3A_1322 : vector<16xi1>, vector<16xi32>
        %swap3A_1324 = arith.constant 1464 : index
        %swap3A_1325 = tpu.vector_load %arg7[%swap3A_1324] {strides = array<i32>} : memref<1600xi32, #tpu.memory_space<vmem>>, vector<16xi32>,
        tpu.vector_store %arg7[%swap3A_1324], %select_n3A_1323 {strides = array<i32>} : memref<1600xi32, #tpu.memory_space<vmem>>, vector<16xi32>,
        %all_reduce_population_count3A_1326 = tpu.all_reduce %ne3A_1311 {dim = 0 : i64, kind = #tpu.reduction_kind<sum>} : vector<16xi1> -> vector<16xi32>
        %add3A_1327 = arith.addi %add3A_1304, %all_reduce_population_count3A_1326 : vector<16xi32>
        %get3A_1328 = arith.constant 7 : i32
        %get3A_1329 = arith.index_cast %get3A_1328 : i32 to index
        %get3A_1330 = arith.constant 80 : index
        %get3A_1331 = tpu.vector_load %arg6[%get3A_1329, %get3A_1330] {strides = array<i32>} : memref<8x200xi32, #tpu.memory_space<vmem>>, vector<16xi32>,
        %ne3A_1332 = arith.constant 0 : i32
        %ne3A_1333 = vector.broadcast %ne3A_1332 : i32 to vector<16xi32>
        %ne3A_1334 = arith.cmpi ne, %get3A_1331, %ne3A_1333 : vector<16xi32>
        %jit3A_1335 = arith.constant 1 : i32
        %jit3A_1336 = arith.constant 0 : i32
        %broadcast_in_dim3A_1337 = vector.broadcast %jit3A_1335 : i32 to vector<16xi32>
        %broadcast_in_dim3A_1338 = vector.broadcast %jit3A_1336 : i32 to vector<16xi32>
        %select_n3A_1339 = arith.select %ne3A_1334, %broadcast_in_dim3A_1337, %broadcast_in_dim3A_1338 : vector<16xi1>, vector<16xi32>
        %broadcast_in_dim3A_1340 = arith.constant true
        %broadcast_in_dim3A_1341 = vector.broadcast %broadcast_in_dim3A_1340 : i1 to vector<16xi1>
        %masked_cumsum3A_1342 = tpu.scan <sum>, %select_n3A_1339 masked %broadcast_in_dim3A_1341 : vector<16xi32>, vector<16xi1> -> vector<16xi32>
        %add3A_1343 = arith.addi %masked_cumsum3A_1342, %add3A_1327 : vector<16xi32>
        %jit3A_1344 = arith.constant 0 : i32
        %broadcast_in_dim3A_1345 = vector.broadcast %jit3A_1344 : i32 to vector<16xi32>
        %select_n3A_1346 = arith.select %ne3A_1334, %add3A_1343, %broadcast_in_dim3A_1345 : vector<16xi1>, vector<16xi32>
        %swap3A_1347 = arith.constant 1480 : index
        %swap3A_1348 = tpu.vector_load %arg7[%swap3A_1347] {strides = array<i32>} : memref<1600xi32, #tpu.memory_space<vmem>>, vector<16xi32>,
        tpu.vector_store %arg7[%swap3A_1347], %select_n3A_1346 {strides = array<i32>} : memref<1600xi32, #tpu.memory_space<vmem>>, vector<16xi32>,
        %all_reduce_population_count3A_1349 = tpu.all_reduce %ne3A_1334 {dim = 0 : i64, kind = #tpu.reduction_kind<sum>} : vector<16xi1> -> vector<16xi32>
        %add3A_1350 = arith.addi %add3A_1327, %all_reduce_population_count3A_1349 : vector<16xi32>
        %get3A_1351 = arith.constant 7 : i32
        %get3A_1352 = arith.index_cast %get3A_1351 : i32 to index
        %get3A_1353 = arith.constant 96 : index
        %get3A_1354 = tpu.vector_load %arg6[%get3A_1352, %get3A_1353] {strides = array<i32>} : memref<8x200xi32, #tpu.memory_space<vmem>>, vector<16xi32>,
        %ne3A_1355 = arith.constant 0 : i32
        %ne3A_1356 = vector.broadcast %ne3A_1355 : i32 to vector<16xi32>
        %ne3A_1357 = arith.cmpi ne, %get3A_1354, %ne3A_1356 : vector<16xi32>
        %jit3A_1358 = arith.constant 1 : i32
        %jit3A_1359 = arith.constant 0 : i32
        %broadcast_in_dim3A_1360 = vector.broadcast %jit3A_1358 : i32 to vector<16xi32>
        %broadcast_in_dim3A_1361 = vector.broadcast %jit3A_1359 : i32 to vector<16xi32>
        %select_n3A_1362 = arith.select %ne3A_1357, %broadcast_in_dim3A_1360, %broadcast_in_dim3A_1361 : vector<16xi1>, vector<16xi32>
        %broadcast_in_dim3A_1363 = arith.constant true
        %broadcast_in_dim3A_1364 = vector.broadcast %broadcast_in_dim3A_1363 : i1 to vector<16xi1>
        %masked_cumsum3A_1365 = tpu.scan <sum>, %select_n3A_1362 masked %broadcast_in_dim3A_1364 : vector<16xi32>, vector<16xi1> -> vector<16xi32>
        %add3A_1366 = arith.addi %masked_cumsum3A_1365, %add3A_1350 : vector<16xi32>
        %jit3A_1367 = arith.constant 0 : i32
        %broadcast_in_dim3A_1368 = vector.broadcast %jit3A_1367 : i32 to vector<16xi32>
        %select_n3A_1369 = arith.select %ne3A_1357, %add3A_1366, %broadcast_in_dim3A_1368 : vector<16xi1>, vector<16xi32>
        %swap3A_1370 = arith.constant 1496 : index
        %swap3A_1371 = tpu.vector_load %arg7[%swap3A_1370] {strides = array<i32>} : memref<1600xi32, #tpu.memory_space<vmem>>, vector<16xi32>,
        tpu.vector_store %arg7[%swap3A_1370], %select_n3A_1369 {strides = array<i32>} : memref<1600xi32, #tpu.memory_space<vmem>>, vector<16xi32>,
        %all_reduce_population_count3A_1372 = tpu.all_reduce %ne3A_1357 {dim = 0 : i64, kind = #tpu.reduction_kind<sum>} : vector<16xi1> -> vector<16xi32>
        %add3A_1373 = arith.addi %add3A_1350, %all_reduce_population_count3A_1372 : vector<16xi32>
        %get3A_1374 = arith.constant 7 : i32
        %get3A_1375 = arith.index_cast %get3A_1374 : i32 to index
        %get3A_1376 = arith.constant 112 : index
        %get3A_1377 = tpu.vector_load %arg6[%get3A_1375, %get3A_1376] {strides = array<i32>} : memref<8x200xi32, #tpu.memory_space<vmem>>, vector<16xi32>,
        %ne3A_1378 = arith.constant 0 : i32
        %ne3A_1379 = vector.broadcast %ne3A_1378 : i32 to vector<16xi32>
        %ne3A_1380 = arith.cmpi ne, %get3A_1377, %ne3A_1379 : vector<16xi32>
        %jit3A_1381 = arith.constant 1 : i32
        %jit3A_1382 = arith.constant 0 : i32
        %broadcast_in_dim3A_1383 = vector.broadcast %jit3A_1381 : i32 to vector<16xi32>
        %broadcast_in_dim3A_1384 = vector.broadcast %jit3A_1382 : i32 to vector<16xi32>
        %select_n3A_1385 = arith.select %ne3A_1380, %broadcast_in_dim3A_1383, %broadcast_in_dim3A_1384 : vector<16xi1>, vector<16xi32>
        %broadcast_in_dim3A_1386 = arith.constant true
        %broadcast_in_dim3A_1387 = vector.broadcast %broadcast_in_dim3A_1386 : i1 to vector<16xi1>
        %masked_cumsum3A_1388 = tpu.scan <sum>, %select_n3A_1385 masked %broadcast_in_dim3A_1387 : vector<16xi32>, vector<16xi1> -> vector<16xi32>
        %add3A_1389 = arith.addi %masked_cumsum3A_1388, %add3A_1373 : vector<16xi32>
        %jit3A_1390 = arith.constant 0 : i32
        %broadcast_in_dim3A_1391 = vector.broadcast %jit3A_1390 : i32 to vector<16xi32>
        %select_n3A_1392 = arith.select %ne3A_1380, %add3A_1389, %broadcast_in_dim3A_1391 : vector<16xi1>, vector<16xi32>
        %swap3A_1393 = arith.constant 1512 : index
        %swap3A_1394 = tpu.vector_load %arg7[%swap3A_1393] {strides = array<i32>} : memref<1600xi32, #tpu.memory_space<vmem>>, vector<16xi32>,
        tpu.vector_store %arg7[%swap3A_1393], %select_n3A_1392 {strides = array<i32>} : memref<1600xi32, #tpu.memory_space<vmem>>, vector<16xi32>,
        %all_reduce_population_count3A_1395 = tpu.all_reduce %ne3A_1380 {dim = 0 : i64, kind = #tpu.reduction_kind<sum>} : vector<16xi1> -> vector<16xi32>
        %add3A_1396 = arith.addi %add3A_1373, %all_reduce_population_count3A_1395 : vector<16xi32>
        %get3A_1397 = arith.constant 7 : i32
        %get3A_1398 = arith.index_cast %get3A_1397 : i32 to index
        %get3A_1399 = arith.constant 128 : index
        %get3A_1400 = tpu.vector_load %arg6[%get3A_1398, %get3A_1399] {strides = array<i32>} : memref<8x200xi32, #tpu.memory_space<vmem>>, vector<16xi32>,
        %ne3A_1401 = arith.constant 0 : i32
        %ne3A_1402 = vector.broadcast %ne3A_1401 : i32 to vector<16xi32>
        %ne3A_1403 = arith.cmpi ne, %get3A_1400, %ne3A_1402 : vector<16xi32>
        %jit3A_1404 = arith.constant 1 : i32
        %jit3A_1405 = arith.constant 0 : i32
        %broadcast_in_dim3A_1406 = vector.broadcast %jit3A_1404 : i32 to vector<16xi32>
        %broadcast_in_dim3A_1407 = vector.broadcast %jit3A_1405 : i32 to vector<16xi32>
        %select_n3A_1408 = arith.select %ne3A_1403, %broadcast_in_dim3A_1406, %broadcast_in_dim3A_1407 : vector<16xi1>, vector<16xi32>
        %broadcast_in_dim3A_1409 = arith.constant true
        %broadcast_in_dim3A_1410 = vector.broadcast %broadcast_in_dim3A_1409 : i1 to vector<16xi1>
        %masked_cumsum3A_1411 = tpu.scan <sum>, %select_n3A_1408 masked %broadcast_in_dim3A_1410 : vector<16xi32>, vector<16xi1> -> vector<16xi32>
        %add3A_1412 = arith.addi %masked_cumsum3A_1411, %add3A_1396 : vector<16xi32>
        %jit3A_1413 = arith.constant 0 : i32
        %broadcast_in_dim3A_1414 = vector.broadcast %jit3A_1413 : i32 to vector<16xi32>
        %select_n3A_1415 = arith.select %ne3A_1403, %add3A_1412, %broadcast_in_dim3A_1414 : vector<16xi1>, vector<16xi32>
        %swap3A_1416 = arith.constant 1528 : index
        %swap3A_1417 = tpu.vector_load %arg7[%swap3A_1416] {strides = array<i32>} : memref<1600xi32, #tpu.memory_space<vmem>>, vector<16xi32>,
        tpu.vector_store %arg7[%swap3A_1416], %select_n3A_1415 {strides = array<i32>} : memref<1600xi32, #tpu.memory_space<vmem>>, vector<16xi32>,
        %all_reduce_population_count3A_1418 = tpu.all_reduce %ne3A_1403 {dim = 0 : i64, kind = #tpu.reduction_kind<sum>} : vector<16xi1> -> vector<16xi32>
        %add3A_1419 = arith.addi %add3A_1396, %all_reduce_population_count3A_1418 : vector<16xi32>
        %get3A_1420 = arith.constant 7 : i32
        %get3A_1421 = arith.index_cast %get3A_1420 : i32 to index
        %get3A_1422 = arith.constant 144 : index
        %get3A_1423 = tpu.vector_load %arg6[%get3A_1421, %get3A_1422] {strides = array<i32>} : memref<8x200xi32, #tpu.memory_space<vmem>>, vector<16xi32>,
        %ne3A_1424 = arith.constant 0 : i32
        %ne3A_1425 = vector.broadcast %ne3A_1424 : i32 to vector<16xi32>
        %ne3A_1426 = arith.cmpi ne, %get3A_1423, %ne3A_1425 : vector<16xi32>
        %jit3A_1427 = arith.constant 1 : i32
        %jit3A_1428 = arith.constant 0 : i32
        %broadcast_in_dim3A_1429 = vector.broadcast %jit3A_1427 : i32 to vector<16xi32>
        %broadcast_in_dim3A_1430 = vector.broadcast %jit3A_1428 : i32 to vector<16xi32>
        %select_n3A_1431 = arith.select %ne3A_1426, %broadcast_in_dim3A_1429, %broadcast_in_dim3A_1430 : vector<16xi1>, vector<16xi32>
        %broadcast_in_dim3A_1432 = arith.constant true
        %broadcast_in_dim3A_1433 = vector.broadcast %broadcast_in_dim3A_1432 : i1 to vector<16xi1>
        %masked_cumsum3A_1434 = tpu.scan <sum>, %select_n3A_1431 masked %broadcast_in_dim3A_1433 : vector<16xi32>, vector<16xi1> -> vector<16xi32>
        %add3A_1435 = arith.addi %masked_cumsum3A_1434, %add3A_1419 : vector<16xi32>
        %jit3A_1436 = arith.constant 0 : i32
        %broadcast_in_dim3A_1437 = vector.broadcast %jit3A_1436 : i32 to vector<16xi32>
        %select_n3A_1438 = arith.select %ne3A_1426, %add3A_1435, %broadcast_in_dim3A_1437 : vector<16xi1>, vector<16xi32>
        %swap3A_1439 = arith.constant 1544 : index
        %swap3A_1440 = tpu.vector_load %arg7[%swap3A_1439] {strides = array<i32>} : memref<1600xi32, #tpu.memory_space<vmem>>, vector<16xi32>,
        tpu.vector_store %arg7[%swap3A_1439], %select_n3A_1438 {strides = array<i32>} : memref<1600xi32, #tpu.memory_space<vmem>>, vector<16xi32>,
        %all_reduce_population_count3A_1441 = tpu.all_reduce %ne3A_1426 {dim = 0 : i64, kind = #tpu.reduction_kind<sum>} : vector<16xi1> -> vector<16xi32>
        %add3A_1442 = arith.addi %add3A_1419, %all_reduce_population_count3A_1441 : vector<16xi32>
        %get3A_1443 = arith.constant 7 : i32
        %get3A_1444 = arith.index_cast %get3A_1443 : i32 to index
        %get3A_1445 = arith.constant 160 : index
        %get3A_1446 = tpu.vector_load %arg6[%get3A_1444, %get3A_1445] {strides = array<i32>} : memref<8x200xi32, #tpu.memory_space<vmem>>, vector<16xi32>,
        %ne3A_1447 = arith.constant 0 : i32
        %ne3A_1448 = vector.broadcast %ne3A_1447 : i32 to vector<16xi32>
        %ne3A_1449 = arith.cmpi ne, %get3A_1446, %ne3A_1448 : vector<16xi32>
        %jit3A_1450 = arith.constant 1 : i32
        %jit3A_1451 = arith.constant 0 : i32
        %broadcast_in_dim3A_1452 = vector.broadcast %jit3A_1450 : i32 to vector<16xi32>
        %broadcast_in_dim3A_1453 = vector.broadcast %jit3A_1451 : i32 to vector<16xi32>
        %select_n3A_1454 = arith.select %ne3A_1449, %broadcast_in_dim3A_1452, %broadcast_in_dim3A_1453 : vector<16xi1>, vector<16xi32>
        %broadcast_in_dim3A_1455 = arith.constant true
        %broadcast_in_dim3A_1456 = vector.broadcast %broadcast_in_dim3A_1455 : i1 to vector<16xi1>
        %masked_cumsum3A_1457 = tpu.scan <sum>, %select_n3A_1454 masked %broadcast_in_dim3A_1456 : vector<16xi32>, vector<16xi1> -> vector<16xi32>
        %add3A_1458 = arith.addi %masked_cumsum3A_1457, %add3A_1442 : vector<16xi32>
        %jit3A_1459 = arith.constant 0 : i32
        %broadcast_in_dim3A_1460 = vector.broadcast %jit3A_1459 : i32 to vector<16xi32>
        %select_n3A_1461 = arith.select %ne3A_1449, %add3A_1458, %broadcast_in_dim3A_1460 : vector<16xi1>, vector<16xi32>
        %swap3A_1462 = arith.constant 1560 : index
        %swap3A_1463 = tpu.vector_load %arg7[%swap3A_1462] {strides = array<i32>} : memref<1600xi32, #tpu.memory_space<vmem>>, vector<16xi32>,
        tpu.vector_store %arg7[%swap3A_1462], %select_n3A_1461 {strides = array<i32>} : memref<1600xi32, #tpu.memory_space<vmem>>, vector<16xi32>,
        %all_reduce_population_count3A_1464 = tpu.all_reduce %ne3A_1449 {dim = 0 : i64, kind = #tpu.reduction_kind<sum>} : vector<16xi1> -> vector<16xi32>
        %add3A_1465 = arith.addi %add3A_1442, %all_reduce_population_count3A_1464 : vector<16xi32>
        %get3A_1466 = arith.constant 7 : i32
        %get3A_1467 = arith.index_cast %get3A_1466 : i32 to index
        %get3A_1468 = arith.constant 176 : index
        %get3A_1469 = tpu.vector_load %arg6[%get3A_1467, %get3A_1468] {strides = array<i32>} : memref<8x200xi32, #tpu.memory_space<vmem>>, vector<16xi32>,
        %ne3A_1470 = arith.constant 0 : i32
        %ne3A_1471 = vector.broadcast %ne3A_1470 : i32 to vector<16xi32>
        %ne3A_1472 = arith.cmpi ne, %get3A_1469, %ne3A_1471 : vector<16xi32>
        %jit3A_1473 = arith.constant 1 : i32
        %jit3A_1474 = arith.constant 0 : i32
        %broadcast_in_dim3A_1475 = vector.broadcast %jit3A_1473 : i32 to vector<16xi32>
        %broadcast_in_dim3A_1476 = vector.broadcast %jit3A_1474 : i32 to vector<16xi32>
        %select_n3A_1477 = arith.select %ne3A_1472, %broadcast_in_dim3A_1475, %broadcast_in_dim3A_1476 : vector<16xi1>, vector<16xi32>
        %broadcast_in_dim3A_1478 = arith.constant true
        %broadcast_in_dim3A_1479 = vector.broadcast %broadcast_in_dim3A_1478 : i1 to vector<16xi1>
        %masked_cumsum3A_1480 = tpu.scan <sum>, %select_n3A_1477 masked %broadcast_in_dim3A_1479 : vector<16xi32>, vector<16xi1> -> vector<16xi32>
        %add3A_1481 = arith.addi %masked_cumsum3A_1480, %add3A_1465 : vector<16xi32>
        %jit3A_1482 = arith.constant 0 : i32
        %broadcast_in_dim3A_1483 = vector.broadcast %jit3A_1482 : i32 to vector<16xi32>
        %select_n3A_1484 = arith.select %ne3A_1472, %add3A_1481, %broadcast_in_dim3A_1483 : vector<16xi1>, vector<16xi32>
        %swap3A_1485 = arith.constant 1576 : index
        %swap3A_1486 = tpu.vector_load %arg7[%swap3A_1485] {strides = array<i32>} : memref<1600xi32, #tpu.memory_space<vmem>>, vector<16xi32>,
        tpu.vector_store %arg7[%swap3A_1485], %select_n3A_1484 {strides = array<i32>} : memref<1600xi32, #tpu.memory_space<vmem>>, vector<16xi32>,
        %and3A_1487 = arith.andi %ne3A_1472, %lt3A_1211 : vector<16xi1>
        %all_reduce_population_count3A_1488 = tpu.all_reduce %and3A_1487 {dim = 0 : i64, kind = #tpu.reduction_kind<sum>} : vector<16xi1> -> vector<16xi32>
        %add3A_1489 = arith.addi %add3A_1465, %all_reduce_population_count3A_1488 : vector<16xi32>
        %all_reduce_population_count3A_1490 = tpu.all_reduce %ne3A_1472 {dim = 0 : i64, kind = #tpu.reduction_kind<sum>} : vector<16xi1> -> vector<16xi32>
        %add3A_1491 = arith.addi %add3A_1465, %all_reduce_population_count3A_1490 : vector<16xi32>
        %get3A_1492 = arith.constant 7 : i32
        %get3A_1493 = arith.index_cast %get3A_1492 : i32 to index
        %get3A_1494 = arith.constant 184 : index
        %get3A_1495 = tpu.vector_load %arg6[%get3A_1493, %get3A_1494] {strides = array<i32>} : memref<8x200xi32, #tpu.memory_space<vmem>>, vector<16xi32>,
        %ne3A_1496 = arith.constant 0 : i32
        %ne3A_1497 = vector.broadcast %ne3A_1496 : i32 to vector<16xi32>
        %ne3A_1498 = arith.cmpi ne, %get3A_1495, %ne3A_1497 : vector<16xi32>
        %jit3A_1499 = arith.constant 1 : i32
        %jit3A_1500 = arith.constant 0 : i32
        %broadcast_in_dim3A_1501 = vector.broadcast %jit3A_1499 : i32 to vector<16xi32>
        %broadcast_in_dim3A_1502 = vector.broadcast %jit3A_1500 : i32 to vector<16xi32>
        %select_n3A_1503 = arith.select %ne3A_1498, %broadcast_in_dim3A_1501, %broadcast_in_dim3A_1502 : vector<16xi1>, vector<16xi32>
        %broadcast_in_dim3A_1504 = arith.constant true
        %broadcast_in_dim3A_1505 = vector.broadcast %broadcast_in_dim3A_1504 : i1 to vector<16xi1>
        %masked_cumsum3A_1506 = tpu.scan <sum>, %select_n3A_1503 masked %broadcast_in_dim3A_1505 : vector<16xi32>, vector<16xi1> -> vector<16xi32>
        %add3A_1507 = arith.addi %masked_cumsum3A_1506, %add3A_1489 : vector<16xi32>
        %jit3A_1508 = arith.constant 0 : i32
        %broadcast_in_dim3A_1509 = vector.broadcast %jit3A_1508 : i32 to vector<16xi32>
        %select_n3A_1510 = arith.select %ne3A_1498, %add3A_1507, %broadcast_in_dim3A_1509 : vector<16xi1>, vector<16xi32>
        %swap3A_1511 = arith.constant 1584 : index
        %swap3A_1512 = tpu.vector_load %arg7[%swap3A_1511] {strides = array<i32>} : memref<1600xi32, #tpu.memory_space<vmem>>, vector<16xi32>,
        tpu.vector_store %arg7[%swap3A_1511], %select_n3A_1510 {strides = array<i32>} : memref<1600xi32, #tpu.memory_space<vmem>>, vector<16xi32>,
      } else {
      }
      %convert_element_type3A_1057 = arith.extui %ne3A_131 : i1 to i32
      %cond3A_1058 = arith.constant 0 : i32
      %cond3A_1059 = arith.cmpi ne, %convert_element_type3A_1057, %cond3A_1058 : i32
      scf.if %cond3A_1059 {
        %dma_start3A = arith.constant 0 : i32
        %dma_start3A_1209 = arith.constant 0 : i32
        %dma_start3A_1210 = tpu.memref_slice %arg8[%dma_start3A, %dma_start3A_1209] : memref<1600x64xf32, #tpu.memory_space<vmem>> -> memref<104x64xf32, #tpu.memory_space<vmem>>
        %dma_start3A_1211 = arith.constant 0 : i32
        %dma_start3A_1212 = tpu.memref_slice %arg7[%dma_start3A_1211] : memref<1600xi32, #tpu.memory_space<vmem>> -> memref<104xi32, #tpu.memory_space<vmem>>
        %dma_start3A_1213 = arith.constant 0 : i32
        %dma_start3A_1214 = arith.constant 0 : i32
        %dma_start3A_1215 = tpu.memref_slice %arg3[%dma_start3A_1213, %dma_start3A_1214] : memref<201x64xf32, #tpu.memory_space<hbm>> -> memref<201x64xf32, #tpu.memory_space<hbm>>
        tpu.enqueue_indirect_dma source(%dma_start3A_1215 : memref<201x64xf32, #tpu.memory_space<hbm>>) target(%dma_start3A_1210 : memref<104x64xf32, #tpu.memory_space<vmem>>) offsets(%dma_start3A_1212 : memref<104xi32, #tpu.memory_space<vmem>>) semaphore(%arg9 : memref<!tpu.dma_semaphore, #tpu.memory_space<semaphore_mem>>)
        %dma_start3A_1216 = arith.constant 104 : i32
        %dma_start3A_1217 = arith.constant 0 : i32
        %dma_start3A_1218 = tpu.memref_slice %arg8[%dma_start3A_1216, %dma_start3A_1217] : memref<1600x64xf32, #tpu.memory_space<vmem>> -> memref<96x64xf32, #tpu.memory_space<vmem>>
        %dma_start3A_1219 = arith.constant 104 : i32
        %dma_start3A_1220 = tpu.memref_slice %arg7[%dma_start3A_1219] : memref<1600xi32, #tpu.memory_space<vmem>> -> memref<96xi32, #tpu.memory_space<vmem>>
        %dma_start3A_1221 = arith.constant 0 : i32
        %dma_start3A_1222 = arith.constant 0 : i32
        %dma_start3A_1223 = tpu.memref_slice %arg3[%dma_start3A_1221, %dma_start3A_1222] : memref<201x64xf32, #tpu.memory_space<hbm>> -> memref<201x64xf32, #tpu.memory_space<hbm>>
        tpu.enqueue_indirect_dma source(%dma_start3A_1223 : memref<201x64xf32, #tpu.memory_space<hbm>>) target(%dma_start3A_1218 : memref<96x64xf32, #tpu.memory_space<vmem>>) offsets(%dma_start3A_1220 : memref<96xi32, #tpu.memory_space<vmem>>) semaphore(%arg9 : memref<!tpu.dma_semaphore, #tpu.memory_space<semaphore_mem>>)
      } else {
      }
      %convert_element_type3A_1060 = arith.extui %ne3A_261 : i1 to i32
      %cond3A_1061 = arith.constant 0 : i32
      %cond3A_1062 = arith.cmpi ne, %convert_element_type3A_1060, %cond3A_1061 : i32
      scf.if %cond3A_1062 {
        %dma_start3A = arith.constant 200 : i32
        %dma_start3A_1209 = arith.constant 0 : i32
        %dma_start3A_1210 = tpu.memref_slice %arg8[%dma_start3A, %dma_start3A_1209] : memref<1600x64xf32, #tpu.memory_space<vmem>> -> memref<104x64xf32, #tpu.memory_space<vmem>>
        %dma_start3A_1211 = arith.constant 200 : i32
        %dma_start3A_1212 = tpu.memref_slice %arg7[%dma_start3A_1211] : memref<1600xi32, #tpu.memory_space<vmem>> -> memref<104xi32, #tpu.memory_space<vmem>>
        %dma_start3A_1213 = arith.constant 0 : i32
        %dma_start3A_1214 = arith.constant 0 : i32
        %dma_start3A_1215 = tpu.memref_slice %arg3[%dma_start3A_1213, %dma_start3A_1214] : memref<201x64xf32, #tpu.memory_space<hbm>> -> memref<201x64xf32, #tpu.memory_space<hbm>>
        tpu.enqueue_indirect_dma source(%dma_start3A_1215 : memref<201x64xf32, #tpu.memory_space<hbm>>) target(%dma_start3A_1210 : memref<104x64xf32, #tpu.memory_space<vmem>>) offsets(%dma_start3A_1212 : memref<104xi32, #tpu.memory_space<vmem>>) semaphore(%arg9 : memref<!tpu.dma_semaphore, #tpu.memory_space<semaphore_mem>>)
        %dma_start3A_1216 = arith.constant 304 : i32
        %dma_start3A_1217 = arith.constant 0 : i32
        %dma_start3A_1218 = tpu.memref_slice %arg8[%dma_start3A_1216, %dma_start3A_1217] : memref<1600x64xf32, #tpu.memory_space<vmem>> -> memref<96x64xf32, #tpu.memory_space<vmem>>
        %dma_start3A_1219 = arith.constant 304 : i32
        %dma_start3A_1220 = tpu.memref_slice %arg7[%dma_start3A_1219] : memref<1600xi32, #tpu.memory_space<vmem>> -> memref<96xi32, #tpu.memory_space<vmem>>
        %dma_start3A_1221 = arith.constant 0 : i32
        %dma_start3A_1222 = arith.constant 0 : i32
        %dma_start3A_1223 = tpu.memref_slice %arg3[%dma_start3A_1221, %dma_start3A_1222] : memref<201x64xf32, #tpu.memory_space<hbm>> -> memref<201x64xf32, #tpu.memory_space<hbm>>
        tpu.enqueue_indirect_dma source(%dma_start3A_1223 : memref<201x64xf32, #tpu.memory_space<hbm>>) target(%dma_start3A_1218 : memref<96x64xf32, #tpu.memory_space<vmem>>) offsets(%dma_start3A_1220 : memref<96xi32, #tpu.memory_space<vmem>>) semaphore(%arg9 : memref<!tpu.dma_semaphore, #tpu.memory_space<semaphore_mem>>)
      } else {
      }
      %convert_element_type3A_1063 = arith.extui %ne3A_393 : i1 to i32
      %cond3A_1064 = arith.constant 0 : i32
      %cond3A_1065 = arith.cmpi ne, %convert_element_type3A_1063, %cond3A_1064 : i32
      scf.if %cond3A_1065 {
        %dma_start3A = arith.constant 400 : i32
        %dma_start3A_1209 = arith.constant 0 : i32
        %dma_start3A_1210 = tpu.memref_slice %arg8[%dma_start3A, %dma_start3A_1209] : memref<1600x64xf32, #tpu.memory_space<vmem>> -> memref<104x64xf32, #tpu.memory_space<vmem>>
        %dma_start3A_1211 = arith.constant 400 : i32
        %dma_start3A_1212 = tpu.memref_slice %arg7[%dma_start3A_1211] : memref<1600xi32, #tpu.memory_space<vmem>> -> memref<104xi32, #tpu.memory_space<vmem>>
        %dma_start3A_1213 = arith.constant 0 : i32
        %dma_start3A_1214 = arith.constant 0 : i32
        %dma_start3A_1215 = tpu.memref_slice %arg3[%dma_start3A_1213, %dma_start3A_1214] : memref<201x64xf32, #tpu.memory_space<hbm>> -> memref<201x64xf32, #tpu.memory_space<hbm>>
        tpu.enqueue_indirect_dma source(%dma_start3A_1215 : memref<201x64xf32, #tpu.memory_space<hbm>>) target(%dma_start3A_1210 : memref<104x64xf32, #tpu.memory_space<vmem>>) offsets(%dma_start3A_1212 : memref<104xi32, #tpu.memory_space<vmem>>) semaphore(%arg9 : memref<!tpu.dma_semaphore, #tpu.memory_space<semaphore_mem>>)
        %dma_start3A_1216 = arith.constant 504 : i32
        %dma_start3A_1217 = arith.constant 0 : i32
        %dma_start3A_1218 = tpu.memref_slice %arg8[%dma_start3A_1216, %dma_start3A_1217] : memref<1600x64xf32, #tpu.memory_space<vmem>> -> memref<96x64xf32, #tpu.memory_space<vmem>>
        %dma_start3A_1219 = arith.constant 504 : i32
        %dma_start3A_1220 = tpu.memref_slice %arg7[%dma_start3A_1219] : memref<1600xi32, #tpu.memory_space<vmem>> -> memref<96xi32, #tpu.memory_space<vmem>>
        %dma_start3A_1221 = arith.constant 0 : i32
        %dma_start3A_1222 = arith.constant 0 : i32
        %dma_start3A_1223 = tpu.memref_slice %arg3[%dma_start3A_1221, %dma_start3A_1222] : memref<201x64xf32, #tpu.memory_space<hbm>> -> memref<201x64xf32, #tpu.memory_space<hbm>>
        tpu.enqueue_indirect_dma source(%dma_start3A_1223 : memref<201x64xf32, #tpu.memory_space<hbm>>) target(%dma_start3A_1218 : memref<96x64xf32, #tpu.memory_space<vmem>>) offsets(%dma_start3A_1220 : memref<96xi32, #tpu.memory_space<vmem>>) semaphore(%arg9 : memref<!tpu.dma_semaphore, #tpu.memory_space<semaphore_mem>>)
      } else {
      }
      %convert_element_type3A_1066 = arith.extui %ne3A_525 : i1 to i32
      %cond3A_1067 = arith.constant 0 : i32
      %cond3A_1068 = arith.cmpi ne, %convert_element_type3A_1066, %cond3A_1067 : i32
      scf.if %cond3A_1068 {
        %dma_start3A = arith.constant 600 : i32
        %dma_start3A_1209 = arith.constant 0 : i32
        %dma_start3A_1210 = tpu.memref_slice %arg8[%dma_start3A, %dma_start3A_1209] : memref<1600x64xf32, #tpu.memory_space<vmem>> -> memref<104x64xf32, #tpu.memory_space<vmem>>
        %dma_start3A_1211 = arith.constant 600 : i32
        %dma_start3A_1212 = tpu.memref_slice %arg7[%dma_start3A_1211] : memref<1600xi32, #tpu.memory_space<vmem>> -> memref<104xi32, #tpu.memory_space<vmem>>
        %dma_start3A_1213 = arith.constant 0 : i32
        %dma_start3A_1214 = arith.constant 0 : i32
        %dma_start3A_1215 = tpu.memref_slice %arg3[%dma_start3A_1213, %dma_start3A_1214] : memref<201x64xf32, #tpu.memory_space<hbm>> -> memref<201x64xf32, #tpu.memory_space<hbm>>
        tpu.enqueue_indirect_dma source(%dma_start3A_1215 : memref<201x64xf32, #tpu.memory_space<hbm>>) target(%dma_start3A_1210 : memref<104x64xf32, #tpu.memory_space<vmem>>) offsets(%dma_start3A_1212 : memref<104xi32, #tpu.memory_space<vmem>>) semaphore(%arg9 : memref<!tpu.dma_semaphore, #tpu.memory_space<semaphore_mem>>)
        %dma_start3A_1216 = arith.constant 704 : i32
        %dma_start3A_1217 = arith.constant 0 : i32
        %dma_start3A_1218 = tpu.memref_slice %arg8[%dma_start3A_1216, %dma_start3A_1217] : memref<1600x64xf32, #tpu.memory_space<vmem>> -> memref<96x64xf32, #tpu.memory_space<vmem>>
        %dma_start3A_1219 = arith.constant 704 : i32
        %dma_start3A_1220 = tpu.memref_slice %arg7[%dma_start3A_1219] : memref<1600xi32, #tpu.memory_space<vmem>> -> memref<96xi32, #tpu.memory_space<vmem>>
        %dma_start3A_1221 = arith.constant 0 : i32
        %dma_start3A_1222 = arith.constant 0 : i32
        %dma_start3A_1223 = tpu.memref_slice %arg3[%dma_start3A_1221, %dma_start3A_1222] : memref<201x64xf32, #tpu.memory_space<hbm>> -> memref<201x64xf32, #tpu.memory_space<hbm>>
        tpu.enqueue_indirect_dma source(%dma_start3A_1223 : memref<201x64xf32, #tpu.memory_space<hbm>>) target(%dma_start3A_1218 : memref<96x64xf32, #tpu.memory_space<vmem>>) offsets(%dma_start3A_1220 : memref<96xi32, #tpu.memory_space<vmem>>) semaphore(%arg9 : memref<!tpu.dma_semaphore, #tpu.memory_space<semaphore_mem>>)
      } else {
      }
      %convert_element_type3A_1069 = arith.extui %ne3A_657 : i1 to i32
      %cond3A_1070 = arith.constant 0 : i32
      %cond3A_1071 = arith.cmpi ne, %convert_element_type3A_1069, %cond3A_1070 : i32
      scf.if %cond3A_1071 {
        %dma_start3A = arith.constant 800 : i32
        %dma_start3A_1209 = arith.constant 0 : i32
        %dma_start3A_1210 = tpu.memref_slice %arg8[%dma_start3A, %dma_start3A_1209] : memref<1600x64xf32, #tpu.memory_space<vmem>> -> memref<104x64xf32, #tpu.memory_space<vmem>>
        %dma_start3A_1211 = arith.constant 800 : i32
        %dma_start3A_1212 = tpu.memref_slice %arg7[%dma_start3A_1211] : memref<1600xi32, #tpu.memory_space<vmem>> -> memref<104xi32, #tpu.memory_space<vmem>>
        %dma_start3A_1213 = arith.constant 0 : i32
        %dma_start3A_1214 = arith.constant 0 : i32
        %dma_start3A_1215 = tpu.memref_slice %arg3[%dma_start3A_1213, %dma_start3A_1214] : memref<201x64xf32, #tpu.memory_space<hbm>> -> memref<201x64xf32, #tpu.memory_space<hbm>>
        tpu.enqueue_indirect_dma source(%dma_start3A_1215 : memref<201x64xf32, #tpu.memory_space<hbm>>) target(%dma_start3A_1210 : memref<104x64xf32, #tpu.memory_space<vmem>>) offsets(%dma_start3A_1212 : memref<104xi32, #tpu.memory_space<vmem>>) semaphore(%arg9 : memref<!tpu.dma_semaphore, #tpu.memory_space<semaphore_mem>>)
        %dma_start3A_1216 = arith.constant 904 : i32
        %dma_start3A_1217 = arith.constant 0 : i32
        %dma_start3A_1218 = tpu.memref_slice %arg8[%dma_start3A_1216, %dma_start3A_1217] : memref<1600x64xf32, #tpu.memory_space<vmem>> -> memref<96x64xf32, #tpu.memory_space<vmem>>
        %dma_start3A_1219 = arith.constant 904 : i32
        %dma_start3A_1220 = tpu.memref_slice %arg7[%dma_start3A_1219] : memref<1600xi32, #tpu.memory_space<vmem>> -> memref<96xi32, #tpu.memory_space<vmem>>
        %dma_start3A_1221 = arith.constant 0 : i32
        %dma_start3A_1222 = arith.constant 0 : i32
        %dma_start3A_1223 = tpu.memref_slice %arg3[%dma_start3A_1221, %dma_start3A_1222] : memref<201x64xf32, #tpu.memory_space<hbm>> -> memref<201x64xf32, #tpu.memory_space<hbm>>
        tpu.enqueue_indirect_dma source(%dma_start3A_1223 : memref<201x64xf32, #tpu.memory_space<hbm>>) target(%dma_start3A_1218 : memref<96x64xf32, #tpu.memory_space<vmem>>) offsets(%dma_start3A_1220 : memref<96xi32, #tpu.memory_space<vmem>>) semaphore(%arg9 : memref<!tpu.dma_semaphore, #tpu.memory_space<semaphore_mem>>)
      } else {
      }
      %convert_element_type3A_1072 = arith.extui %ne3A_789 : i1 to i32
      %cond3A_1073 = arith.constant 0 : i32
      %cond3A_1074 = arith.cmpi ne, %convert_element_type3A_1072, %cond3A_1073 : i32
      scf.if %cond3A_1074 {
        %dma_start3A = arith.constant 1000 : i32
        %dma_start3A_1209 = arith.constant 0 : i32
        %dma_start3A_1210 = tpu.memref_slice %arg8[%dma_start3A, %dma_start3A_1209] : memref<1600x64xf32, #tpu.memory_space<vmem>> -> memref<104x64xf32, #tpu.memory_space<vmem>>
        %dma_start3A_1211 = arith.constant 1000 : i32
        %dma_start3A_1212 = tpu.memref_slice %arg7[%dma_start3A_1211] : memref<1600xi32, #tpu.memory_space<vmem>> -> memref<104xi32, #tpu.memory_space<vmem>>
        %dma_start3A_1213 = arith.constant 0 : i32
        %dma_start3A_1214 = arith.constant 0 : i32
        %dma_start3A_1215 = tpu.memref_slice %arg3[%dma_start3A_1213, %dma_start3A_1214] : memref<201x64xf32, #tpu.memory_space<hbm>> -> memref<201x64xf32, #tpu.memory_space<hbm>>
        tpu.enqueue_indirect_dma source(%dma_start3A_1215 : memref<201x64xf32, #tpu.memory_space<hbm>>) target(%dma_start3A_1210 : memref<104x64xf32, #tpu.memory_space<vmem>>) offsets(%dma_start3A_1212 : memref<104xi32, #tpu.memory_space<vmem>>) semaphore(%arg9 : memref<!tpu.dma_semaphore, #tpu.memory_space<semaphore_mem>>)
        %dma_start3A_1216 = arith.constant 1104 : i32
        %dma_start3A_1217 = arith.constant 0 : i32
        %dma_start3A_1218 = tpu.memref_slice %arg8[%dma_start3A_1216, %dma_start3A_1217] : memref<1600x64xf32, #tpu.memory_space<vmem>> -> memref<96x64xf32, #tpu.memory_space<vmem>>
        %dma_start3A_1219 = arith.constant 1104 : i32
        %dma_start3A_1220 = tpu.memref_slice %arg7[%dma_start3A_1219] : memref<1600xi32, #tpu.memory_space<vmem>> -> memref<96xi32, #tpu.memory_space<vmem>>
        %dma_start3A_1221 = arith.constant 0 : i32
        %dma_start3A_1222 = arith.constant 0 : i32
        %dma_start3A_1223 = tpu.memref_slice %arg3[%dma_start3A_1221, %dma_start3A_1222] : memref<201x64xf32, #tpu.memory_space<hbm>> -> memref<201x64xf32, #tpu.memory_space<hbm>>
        tpu.enqueue_indirect_dma source(%dma_start3A_1223 : memref<201x64xf32, #tpu.memory_space<hbm>>) target(%dma_start3A_1218 : memref<96x64xf32, #tpu.memory_space<vmem>>) offsets(%dma_start3A_1220 : memref<96xi32, #tpu.memory_space<vmem>>) semaphore(%arg9 : memref<!tpu.dma_semaphore, #tpu.memory_space<semaphore_mem>>)
      } else {
      }
      %convert_element_type3A_1075 = arith.extui %ne3A_921 : i1 to i32
      %cond3A_1076 = arith.constant 0 : i32
      %cond3A_1077 = arith.cmpi ne, %convert_element_type3A_1075, %cond3A_1076 : i32
      scf.if %cond3A_1077 {
        %dma_start3A = arith.constant 1200 : i32
        %dma_start3A_1209 = arith.constant 0 : i32
        %dma_start3A_1210 = tpu.memref_slice %arg8[%dma_start3A, %dma_start3A_1209] : memref<1600x64xf32, #tpu.memory_space<vmem>> -> memref<104x64xf32, #tpu.memory_space<vmem>>
        %dma_start3A_1211 = arith.constant 1200 : i32
        %dma_start3A_1212 = tpu.memref_slice %arg7[%dma_start3A_1211] : memref<1600xi32, #tpu.memory_space<vmem>> -> memref<104xi32, #tpu.memory_space<vmem>>
        %dma_start3A_1213 = arith.constant 0 : i32
        %dma_start3A_1214 = arith.constant 0 : i32
        %dma_start3A_1215 = tpu.memref_slice %arg3[%dma_start3A_1213, %dma_start3A_1214] : memref<201x64xf32, #tpu.memory_space<hbm>> -> memref<201x64xf32, #tpu.memory_space<hbm>>
        tpu.enqueue_indirect_dma source(%dma_start3A_1215 : memref<201x64xf32, #tpu.memory_space<hbm>>) target(%dma_start3A_1210 : memref<104x64xf32, #tpu.memory_space<vmem>>) offsets(%dma_start3A_1212 : memref<104xi32, #tpu.memory_space<vmem>>) semaphore(%arg9 : memref<!tpu.dma_semaphore, #tpu.memory_space<semaphore_mem>>)
        %dma_start3A_1216 = arith.constant 1304 : i32
        %dma_start3A_1217 = arith.constant 0 : i32
        %dma_start3A_1218 = tpu.memref_slice %arg8[%dma_start3A_1216, %dma_start3A_1217] : memref<1600x64xf32, #tpu.memory_space<vmem>> -> memref<96x64xf32, #tpu.memory_space<vmem>>
        %dma_start3A_1219 = arith.constant 1304 : i32
        %dma_start3A_1220 = tpu.memref_slice %arg7[%dma_start3A_1219] : memref<1600xi32, #tpu.memory_space<vmem>> -> memref<96xi32, #tpu.memory_space<vmem>>
        %dma_start3A_1221 = arith.constant 0 : i32
        %dma_start3A_1222 = arith.constant 0 : i32
        %dma_start3A_1223 = tpu.memref_slice %arg3[%dma_start3A_1221, %dma_start3A_1222] : memref<201x64xf32, #tpu.memory_space<hbm>> -> memref<201x64xf32, #tpu.memory_space<hbm>>
        tpu.enqueue_indirect_dma source(%dma_start3A_1223 : memref<201x64xf32, #tpu.memory_space<hbm>>) target(%dma_start3A_1218 : memref<96x64xf32, #tpu.memory_space<vmem>>) offsets(%dma_start3A_1220 : memref<96xi32, #tpu.memory_space<vmem>>) semaphore(%arg9 : memref<!tpu.dma_semaphore, #tpu.memory_space<semaphore_mem>>)
      } else {
      }
      %convert_element_type3A_1078 = arith.extui %ne3A_1053 : i1 to i32
      %cond3A_1079 = arith.constant 0 : i32
      %cond3A_1080 = arith.cmpi ne, %convert_element_type3A_1078, %cond3A_1079 : i32
      scf.if %cond3A_1080 {
        %dma_start3A = arith.constant 1400 : i32
        %dma_start3A_1209 = arith.constant 0 : i32
        %dma_start3A_1210 = tpu.memref_slice %arg8[%dma_start3A, %dma_start3A_1209] : memref<1600x64xf32, #tpu.memory_space<vmem>> -> memref<104x64xf32, #tpu.memory_space<vmem>>
        %dma_start3A_1211 = arith.constant 1400 : i32
        %dma_start3A_1212 = tpu.memref_slice %arg7[%dma_start3A_1211] : memref<1600xi32, #tpu.memory_space<vmem>> -> memref<104xi32, #tpu.memory_space<vmem>>
        %dma_start3A_1213 = arith.constant 0 : i32
        %dma_start3A_1214 = arith.constant 0 : i32
        %dma_start3A_1215 = tpu.memref_slice %arg3[%dma_start3A_1213, %dma_start3A_1214] : memref<201x64xf32, #tpu.memory_space<hbm>> -> memref<201x64xf32, #tpu.memory_space<hbm>>
        tpu.enqueue_indirect_dma source(%dma_start3A_1215 : memref<201x64xf32, #tpu.memory_space<hbm>>) target(%dma_start3A_1210 : memref<104x64xf32, #tpu.memory_space<vmem>>) offsets(%dma_start3A_1212 : memref<104xi32, #tpu.memory_space<vmem>>) semaphore(%arg9 : memref<!tpu.dma_semaphore, #tpu.memory_space<semaphore_mem>>)
        %dma_start3A_1216 = arith.constant 1504 : i32
        %dma_start3A_1217 = arith.constant 0 : i32
        %dma_start3A_1218 = tpu.memref_slice %arg8[%dma_start3A_1216, %dma_start3A_1217] : memref<1600x64xf32, #tpu.memory_space<vmem>> -> memref<96x64xf32, #tpu.memory_space<vmem>>
        %dma_start3A_1219 = arith.constant 1504 : i32
        %dma_start3A_1220 = tpu.memref_slice %arg7[%dma_start3A_1219] : memref<1600xi32, #tpu.memory_space<vmem>> -> memref<96xi32, #tpu.memory_space<vmem>>
        %dma_start3A_1221 = arith.constant 0 : i32
        %dma_start3A_1222 = arith.constant 0 : i32
        %dma_start3A_1223 = tpu.memref_slice %arg3[%dma_start3A_1221, %dma_start3A_1222] : memref<201x64xf32, #tpu.memory_space<hbm>> -> memref<201x64xf32, #tpu.memory_space<hbm>>
        tpu.enqueue_indirect_dma source(%dma_start3A_1223 : memref<201x64xf32, #tpu.memory_space<hbm>>) target(%dma_start3A_1218 : memref<96x64xf32, #tpu.memory_space<vmem>>) offsets(%dma_start3A_1220 : memref<96xi32, #tpu.memory_space<vmem>>) semaphore(%arg9 : memref<!tpu.dma_semaphore, #tpu.memory_space<semaphore_mem>>)
      } else {
      }
      %convert_element_type3A_1081 = arith.extui %ne3A_131 : i1 to i32
      %cond3A_1082 = arith.constant 0 : i32
      %cond3A_1083 = arith.cmpi ne, %convert_element_type3A_1081, %cond3A_1082 : i32
      scf.if %cond3A_1083 {
        %dma_wait3A = arith.constant 0 : i32
        %dma_wait3A_1209 = arith.constant 0 : i32
        %dma_wait3A_1210 = tpu.memref_slice %arg8[%dma_wait3A, %dma_wait3A_1209] : memref<1600x64xf32, #tpu.memory_space<vmem>> -> memref<104x64xf32, #tpu.memory_space<vmem>>
        %dma_wait3A_1211 = arith.constant 0 : i32
        %dma_wait3A_1212 = tpu.memref_slice %arg7[%dma_wait3A_1211] : memref<1600xi32, #tpu.memory_space<vmem>> -> memref<104xi32, #tpu.memory_space<vmem>>
        %dma_wait3A_1213 = arith.constant 0 : i32
        %dma_wait3A_1214 = arith.constant 0 : i32
        %dma_wait3A_1215 = tpu.memref_slice %arg3[%dma_wait3A_1213, %dma_wait3A_1214] : memref<201x64xf32, #tpu.memory_space<hbm>> -> memref<201x64xf32, #tpu.memory_space<hbm>>
        tpu.wait_indirect_dma semaphore(%arg9 : memref<!tpu.dma_semaphore, #tpu.memory_space<semaphore_mem>>) src(%dma_wait3A_1215 : memref<201x64xf32, #tpu.memory_space<hbm>>) dst(%dma_wait3A_1210 : memref<104x64xf32, #tpu.memory_space<vmem>>)
      } else {
      }
      %convert_element_type3A_1084 = arith.extui %ne3A_131 : i1 to i32
      %cond3A_1085 = arith.constant 0 : i32
      %cond3A_1086 = arith.cmpi ne, %convert_element_type3A_1084, %cond3A_1085 : i32
      scf.if %cond3A_1086 {
        %dma_wait3A = arith.constant 104 : i32
        %dma_wait3A_1209 = arith.constant 0 : i32
        %dma_wait3A_1210 = tpu.memref_slice %arg8[%dma_wait3A, %dma_wait3A_1209] : memref<1600x64xf32, #tpu.memory_space<vmem>> -> memref<96x64xf32, #tpu.memory_space<vmem>>
        %dma_wait3A_1211 = arith.constant 104 : i32
        %dma_wait3A_1212 = tpu.memref_slice %arg7[%dma_wait3A_1211] : memref<1600xi32, #tpu.memory_space<vmem>> -> memref<96xi32, #tpu.memory_space<vmem>>
        %dma_wait3A_1213 = arith.constant 0 : i32
        %dma_wait3A_1214 = arith.constant 0 : i32
        %dma_wait3A_1215 = tpu.memref_slice %arg3[%dma_wait3A_1213, %dma_wait3A_1214] : memref<201x64xf32, #tpu.memory_space<hbm>> -> memref<201x64xf32, #tpu.memory_space<hbm>>
        tpu.wait_indirect_dma semaphore(%arg9 : memref<!tpu.dma_semaphore, #tpu.memory_space<semaphore_mem>>) src(%dma_wait3A_1215 : memref<201x64xf32, #tpu.memory_space<hbm>>) dst(%dma_wait3A_1210 : memref<96x64xf32, #tpu.memory_space<vmem>>)
      } else {
      }
      %convert_element_type3A_1087 = arith.extui %ne3A_261 : i1 to i32
      %cond3A_1088 = arith.constant 0 : i32
      %cond3A_1089 = arith.cmpi ne, %convert_element_type3A_1087, %cond3A_1088 : i32
      scf.if %cond3A_1089 {
        %dma_wait3A = arith.constant 200 : i32
        %dma_wait3A_1209 = arith.constant 0 : i32
        %dma_wait3A_1210 = tpu.memref_slice %arg8[%dma_wait3A, %dma_wait3A_1209] : memref<1600x64xf32, #tpu.memory_space<vmem>> -> memref<104x64xf32, #tpu.memory_space<vmem>>
        %dma_wait3A_1211 = arith.constant 200 : i32
        %dma_wait3A_1212 = tpu.memref_slice %arg7[%dma_wait3A_1211] : memref<1600xi32, #tpu.memory_space<vmem>> -> memref<104xi32, #tpu.memory_space<vmem>>
        %dma_wait3A_1213 = arith.constant 0 : i32
        %dma_wait3A_1214 = arith.constant 0 : i32
        %dma_wait3A_1215 = tpu.memref_slice %arg3[%dma_wait3A_1213, %dma_wait3A_1214] : memref<201x64xf32, #tpu.memory_space<hbm>> -> memref<201x64xf32, #tpu.memory_space<hbm>>
        tpu.wait_indirect_dma semaphore(%arg9 : memref<!tpu.dma_semaphore, #tpu.memory_space<semaphore_mem>>) src(%dma_wait3A_1215 : memref<201x64xf32, #tpu.memory_space<hbm>>) dst(%dma_wait3A_1210 : memref<104x64xf32, #tpu.memory_space<vmem>>)
      } else {
      }
      %convert_element_type3A_1090 = arith.extui %ne3A_261 : i1 to i32
      %cond3A_1091 = arith.constant 0 : i32
      %cond3A_1092 = arith.cmpi ne, %convert_element_type3A_1090, %cond3A_1091 : i32
      scf.if %cond3A_1092 {
        %dma_wait3A = arith.constant 304 : i32
        %dma_wait3A_1209 = arith.constant 0 : i32
        %dma_wait3A_1210 = tpu.memref_slice %arg8[%dma_wait3A, %dma_wait3A_1209] : memref<1600x64xf32, #tpu.memory_space<vmem>> -> memref<96x64xf32, #tpu.memory_space<vmem>>
        %dma_wait3A_1211 = arith.constant 304 : i32
        %dma_wait3A_1212 = tpu.memref_slice %arg7[%dma_wait3A_1211] : memref<1600xi32, #tpu.memory_space<vmem>> -> memref<96xi32, #tpu.memory_space<vmem>>
        %dma_wait3A_1213 = arith.constant 0 : i32
        %dma_wait3A_1214 = arith.constant 0 : i32
        %dma_wait3A_1215 = tpu.memref_slice %arg3[%dma_wait3A_1213, %dma_wait3A_1214] : memref<201x64xf32, #tpu.memory_space<hbm>> -> memref<201x64xf32, #tpu.memory_space<hbm>>
        tpu.wait_indirect_dma semaphore(%arg9 : memref<!tpu.dma_semaphore, #tpu.memory_space<semaphore_mem>>) src(%dma_wait3A_1215 : memref<201x64xf32, #tpu.memory_space<hbm>>) dst(%dma_wait3A_1210 : memref<96x64xf32, #tpu.memory_space<vmem>>)
      } else {
      }
      %convert_element_type3A_1093 = arith.extui %ne3A_393 : i1 to i32
      %cond3A_1094 = arith.constant 0 : i32
      %cond3A_1095 = arith.cmpi ne, %convert_element_type3A_1093, %cond3A_1094 : i32
      scf.if %cond3A_1095 {
        %dma_wait3A = arith.constant 400 : i32
        %dma_wait3A_1209 = arith.constant 0 : i32
        %dma_wait3A_1210 = tpu.memref_slice %arg8[%dma_wait3A, %dma_wait3A_1209] : memref<1600x64xf32, #tpu.memory_space<vmem>> -> memref<104x64xf32, #tpu.memory_space<vmem>>
        %dma_wait3A_1211 = arith.constant 400 : i32
        %dma_wait3A_1212 = tpu.memref_slice %arg7[%dma_wait3A_1211] : memref<1600xi32, #tpu.memory_space<vmem>> -> memref<104xi32, #tpu.memory_space<vmem>>
        %dma_wait3A_1213 = arith.constant 0 : i32
        %dma_wait3A_1214 = arith.constant 0 : i32
        %dma_wait3A_1215 = tpu.memref_slice %arg3[%dma_wait3A_1213, %dma_wait3A_1214] : memref<201x64xf32, #tpu.memory_space<hbm>> -> memref<201x64xf32, #tpu.memory_space<hbm>>
        tpu.wait_indirect_dma semaphore(%arg9 : memref<!tpu.dma_semaphore, #tpu.memory_space<semaphore_mem>>) src(%dma_wait3A_1215 : memref<201x64xf32, #tpu.memory_space<hbm>>) dst(%dma_wait3A_1210 : memref<104x64xf32, #tpu.memory_space<vmem>>)
      } else {
      }
      %convert_element_type3A_1096 = arith.extui %ne3A_393 : i1 to i32
      %cond3A_1097 = arith.constant 0 : i32
      %cond3A_1098 = arith.cmpi ne, %convert_element_type3A_1096, %cond3A_1097 : i32
      scf.if %cond3A_1098 {
        %dma_wait3A = arith.constant 504 : i32
        %dma_wait3A_1209 = arith.constant 0 : i32
        %dma_wait3A_1210 = tpu.memref_slice %arg8[%dma_wait3A, %dma_wait3A_1209] : memref<1600x64xf32, #tpu.memory_space<vmem>> -> memref<96x64xf32, #tpu.memory_space<vmem>>
        %dma_wait3A_1211 = arith.constant 504 : i32
        %dma_wait3A_1212 = tpu.memref_slice %arg7[%dma_wait3A_1211] : memref<1600xi32, #tpu.memory_space<vmem>> -> memref<96xi32, #tpu.memory_space<vmem>>
        %dma_wait3A_1213 = arith.constant 0 : i32
        %dma_wait3A_1214 = arith.constant 0 : i32
        %dma_wait3A_1215 = tpu.memref_slice %arg3[%dma_wait3A_1213, %dma_wait3A_1214] : memref<201x64xf32, #tpu.memory_space<hbm>> -> memref<201x64xf32, #tpu.memory_space<hbm>>
        tpu.wait_indirect_dma semaphore(%arg9 : memref<!tpu.dma_semaphore, #tpu.memory_space<semaphore_mem>>) src(%dma_wait3A_1215 : memref<201x64xf32, #tpu.memory_space<hbm>>) dst(%dma_wait3A_1210 : memref<96x64xf32, #tpu.memory_space<vmem>>)
      } else {
      }
      %convert_element_type3A_1099 = arith.extui %ne3A_525 : i1 to i32
      %cond3A_1100 = arith.constant 0 : i32
      %cond3A_1101 = arith.cmpi ne, %convert_element_type3A_1099, %cond3A_1100 : i32
      scf.if %cond3A_1101 {
        %dma_wait3A = arith.constant 600 : i32
        %dma_wait3A_1209 = arith.constant 0 : i32
        %dma_wait3A_1210 = tpu.memref_slice %arg8[%dma_wait3A, %dma_wait3A_1209] : memref<1600x64xf32, #tpu.memory_space<vmem>> -> memref<104x64xf32, #tpu.memory_space<vmem>>
        %dma_wait3A_1211 = arith.constant 600 : i32
        %dma_wait3A_1212 = tpu.memref_slice %arg7[%dma_wait3A_1211] : memref<1600xi32, #tpu.memory_space<vmem>> -> memref<104xi32, #tpu.memory_space<vmem>>
        %dma_wait3A_1213 = arith.constant 0 : i32
        %dma_wait3A_1214 = arith.constant 0 : i32
        %dma_wait3A_1215 = tpu.memref_slice %arg3[%dma_wait3A_1213, %dma_wait3A_1214] : memref<201x64xf32, #tpu.memory_space<hbm>> -> memref<201x64xf32, #tpu.memory_space<hbm>>
        tpu.wait_indirect_dma semaphore(%arg9 : memref<!tpu.dma_semaphore, #tpu.memory_space<semaphore_mem>>) src(%dma_wait3A_1215 : memref<201x64xf32, #tpu.memory_space<hbm>>) dst(%dma_wait3A_1210 : memref<104x64xf32, #tpu.memory_space<vmem>>)
      } else {
      }
      %convert_element_type3A_1102 = arith.extui %ne3A_525 : i1 to i32
      %cond3A_1103 = arith.constant 0 : i32
      %cond3A_1104 = arith.cmpi ne, %convert_element_type3A_1102, %cond3A_1103 : i32
      scf.if %cond3A_1104 {
        %dma_wait3A = arith.constant 704 : i32
        %dma_wait3A_1209 = arith.constant 0 : i32
        %dma_wait3A_1210 = tpu.memref_slice %arg8[%dma_wait3A, %dma_wait3A_1209] : memref<1600x64xf32, #tpu.memory_space<vmem>> -> memref<96x64xf32, #tpu.memory_space<vmem>>
        %dma_wait3A_1211 = arith.constant 704 : i32
        %dma_wait3A_1212 = tpu.memref_slice %arg7[%dma_wait3A_1211] : memref<1600xi32, #tpu.memory_space<vmem>> -> memref<96xi32, #tpu.memory_space<vmem>>
        %dma_wait3A_1213 = arith.constant 0 : i32
        %dma_wait3A_1214 = arith.constant 0 : i32
        %dma_wait3A_1215 = tpu.memref_slice %arg3[%dma_wait3A_1213, %dma_wait3A_1214] : memref<201x64xf32, #tpu.memory_space<hbm>> -> memref<201x64xf32, #tpu.memory_space<hbm>>
        tpu.wait_indirect_dma semaphore(%arg9 : memref<!tpu.dma_semaphore, #tpu.memory_space<semaphore_mem>>) src(%dma_wait3A_1215 : memref<201x64xf32, #tpu.memory_space<hbm>>) dst(%dma_wait3A_1210 : memref<96x64xf32, #tpu.memory_space<vmem>>)
      } else {
      }
      %convert_element_type3A_1105 = arith.extui %ne3A_657 : i1 to i32
      %cond3A_1106 = arith.constant 0 : i32
      %cond3A_1107 = arith.cmpi ne, %convert_element_type3A_1105, %cond3A_1106 : i32
      scf.if %cond3A_1107 {
        %dma_wait3A = arith.constant 800 : i32
        %dma_wait3A_1209 = arith.constant 0 : i32
        %dma_wait3A_1210 = tpu.memref_slice %arg8[%dma_wait3A, %dma_wait3A_1209] : memref<1600x64xf32, #tpu.memory_space<vmem>> -> memref<104x64xf32, #tpu.memory_space<vmem>>
        %dma_wait3A_1211 = arith.constant 800 : i32
        %dma_wait3A_1212 = tpu.memref_slice %arg7[%dma_wait3A_1211] : memref<1600xi32, #tpu.memory_space<vmem>> -> memref<104xi32, #tpu.memory_space<vmem>>
        %dma_wait3A_1213 = arith.constant 0 : i32
        %dma_wait3A_1214 = arith.constant 0 : i32
        %dma_wait3A_1215 = tpu.memref_slice %arg3[%dma_wait3A_1213, %dma_wait3A_1214] : memref<201x64xf32, #tpu.memory_space<hbm>> -> memref<201x64xf32, #tpu.memory_space<hbm>>
        tpu.wait_indirect_dma semaphore(%arg9 : memref<!tpu.dma_semaphore, #tpu.memory_space<semaphore_mem>>) src(%dma_wait3A_1215 : memref<201x64xf32, #tpu.memory_space<hbm>>) dst(%dma_wait3A_1210 : memref<104x64xf32, #tpu.memory_space<vmem>>)
      } else {
      }
      %convert_element_type3A_1108 = arith.extui %ne3A_657 : i1 to i32
      %cond3A_1109 = arith.constant 0 : i32
      %cond3A_1110 = arith.cmpi ne, %convert_element_type3A_1108, %cond3A_1109 : i32
      scf.if %cond3A_1110 {
        %dma_wait3A = arith.constant 904 : i32
        %dma_wait3A_1209 = arith.constant 0 : i32
        %dma_wait3A_1210 = tpu.memref_slice %arg8[%dma_wait3A, %dma_wait3A_1209] : memref<1600x64xf32, #tpu.memory_space<vmem>> -> memref<96x64xf32, #tpu.memory_space<vmem>>
        %dma_wait3A_1211 = arith.constant 904 : i32
        %dma_wait3A_1212 = tpu.memref_slice %arg7[%dma_wait3A_1211] : memref<1600xi32, #tpu.memory_space<vmem>> -> memref<96xi32, #tpu.memory_space<vmem>>
        %dma_wait3A_1213 = arith.constant 0 : i32
        %dma_wait3A_1214 = arith.constant 0 : i32
        %dma_wait3A_1215 = tpu.memref_slice %arg3[%dma_wait3A_1213, %dma_wait3A_1214] : memref<201x64xf32, #tpu.memory_space<hbm>> -> memref<201x64xf32, #tpu.memory_space<hbm>>
        tpu.wait_indirect_dma semaphore(%arg9 : memref<!tpu.dma_semaphore, #tpu.memory_space<semaphore_mem>>) src(%dma_wait3A_1215 : memref<201x64xf32, #tpu.memory_space<hbm>>) dst(%dma_wait3A_1210 : memref<96x64xf32, #tpu.memory_space<vmem>>)
      } else {
      }
      %convert_element_type3A_1111 = arith.extui %ne3A_789 : i1 to i32
      %cond3A_1112 = arith.constant 0 : i32
      %cond3A_1113 = arith.cmpi ne, %convert_element_type3A_1111, %cond3A_1112 : i32
      scf.if %cond3A_1113 {
        %dma_wait3A = arith.constant 1000 : i32
        %dma_wait3A_1209 = arith.constant 0 : i32
        %dma_wait3A_1210 = tpu.memref_slice %arg8[%dma_wait3A, %dma_wait3A_1209] : memref<1600x64xf32, #tpu.memory_space<vmem>> -> memref<104x64xf32, #tpu.memory_space<vmem>>
        %dma_wait3A_1211 = arith.constant 1000 : i32
        %dma_wait3A_1212 = tpu.memref_slice %arg7[%dma_wait3A_1211] : memref<1600xi32, #tpu.memory_space<vmem>> -> memref<104xi32, #tpu.memory_space<vmem>>
        %dma_wait3A_1213 = arith.constant 0 : i32
        %dma_wait3A_1214 = arith.constant 0 : i32
        %dma_wait3A_1215 = tpu.memref_slice %arg3[%dma_wait3A_1213, %dma_wait3A_1214] : memref<201x64xf32, #tpu.memory_space<hbm>> -> memref<201x64xf32, #tpu.memory_space<hbm>>
        tpu.wait_indirect_dma semaphore(%arg9 : memref<!tpu.dma_semaphore, #tpu.memory_space<semaphore_mem>>) src(%dma_wait3A_1215 : memref<201x64xf32, #tpu.memory_space<hbm>>) dst(%dma_wait3A_1210 : memref<104x64xf32, #tpu.memory_space<vmem>>)
      } else {
      }
      %convert_element_type3A_1114 = arith.extui %ne3A_789 : i1 to i32
      %cond3A_1115 = arith.constant 0 : i32
      %cond3A_1116 = arith.cmpi ne, %convert_element_type3A_1114, %cond3A_1115 : i32
      scf.if %cond3A_1116 {
        %dma_wait3A = arith.constant 1104 : i32
        %dma_wait3A_1209 = arith.constant 0 : i32
        %dma_wait3A_1210 = tpu.memref_slice %arg8[%dma_wait3A, %dma_wait3A_1209] : memref<1600x64xf32, #tpu.memory_space<vmem>> -> memref<96x64xf32, #tpu.memory_space<vmem>>
        %dma_wait3A_1211 = arith.constant 1104 : i32
        %dma_wait3A_1212 = tpu.memref_slice %arg7[%dma_wait3A_1211] : memref<1600xi32, #tpu.memory_space<vmem>> -> memref<96xi32, #tpu.memory_space<vmem>>
        %dma_wait3A_1213 = arith.constant 0 : i32
        %dma_wait3A_1214 = arith.constant 0 : i32
        %dma_wait3A_1215 = tpu.memref_slice %arg3[%dma_wait3A_1213, %dma_wait3A_1214] : memref<201x64xf32, #tpu.memory_space<hbm>> -> memref<201x64xf32, #tpu.memory_space<hbm>>
        tpu.wait_indirect_dma semaphore(%arg9 : memref<!tpu.dma_semaphore, #tpu.memory_space<semaphore_mem>>) src(%dma_wait3A_1215 : memref<201x64xf32, #tpu.memory_space<hbm>>) dst(%dma_wait3A_1210 : memref<96x64xf32, #tpu.memory_space<vmem>>)
      } else {
      }
      %convert_element_type3A_1117 = arith.extui %ne3A_921 : i1 to i32
      %cond3A_1118 = arith.constant 0 : i32
      %cond3A_1119 = arith.cmpi ne, %convert_element_type3A_1117, %cond3A_1118 : i32
      scf.if %cond3A_1119 {
        %dma_wait3A = arith.constant 1200 : i32
        %dma_wait3A_1209 = arith.constant 0 : i32
        %dma_wait3A_1210 = tpu.memref_slice %arg8[%dma_wait3A, %dma_wait3A_1209] : memref<1600x64xf32, #tpu.memory_space<vmem>> -> memref<104x64xf32, #tpu.memory_space<vmem>>
        %dma_wait3A_1211 = arith.constant 1200 : i32
        %dma_wait3A_1212 = tpu.memref_slice %arg7[%dma_wait3A_1211] : memref<1600xi32, #tpu.memory_space<vmem>> -> memref<104xi32, #tpu.memory_space<vmem>>
        %dma_wait3A_1213 = arith.constant 0 : i32
        %dma_wait3A_1214 = arith.constant 0 : i32
        %dma_wait3A_1215 = tpu.memref_slice %arg3[%dma_wait3A_1213, %dma_wait3A_1214] : memref<201x64xf32, #tpu.memory_space<hbm>> -> memref<201x64xf32, #tpu.memory_space<hbm>>
        tpu.wait_indirect_dma semaphore(%arg9 : memref<!tpu.dma_semaphore, #tpu.memory_space<semaphore_mem>>) src(%dma_wait3A_1215 : memref<201x64xf32, #tpu.memory_space<hbm>>) dst(%dma_wait3A_1210 : memref<104x64xf32, #tpu.memory_space<vmem>>)
      } else {
      }
      %convert_element_type3A_1120 = arith.extui %ne3A_921 : i1 to i32
      %cond3A_1121 = arith.constant 0 : i32
      %cond3A_1122 = arith.cmpi ne, %convert_element_type3A_1120, %cond3A_1121 : i32
      scf.if %cond3A_1122 {
        %dma_wait3A = arith.constant 1304 : i32
        %dma_wait3A_1209 = arith.constant 0 : i32
        %dma_wait3A_1210 = tpu.memref_slice %arg8[%dma_wait3A, %dma_wait3A_1209] : memref<1600x64xf32, #tpu.memory_space<vmem>> -> memref<96x64xf32, #tpu.memory_space<vmem>>
        %dma_wait3A_1211 = arith.constant 1304 : i32
        %dma_wait3A_1212 = tpu.memref_slice %arg7[%dma_wait3A_1211] : memref<1600xi32, #tpu.memory_space<vmem>> -> memref<96xi32, #tpu.memory_space<vmem>>
        %dma_wait3A_1213 = arith.constant 0 : i32
        %dma_wait3A_1214 = arith.constant 0 : i32
        %dma_wait3A_1215 = tpu.memref_slice %arg3[%dma_wait3A_1213, %dma_wait3A_1214] : memref<201x64xf32, #tpu.memory_space<hbm>> -> memref<201x64xf32, #tpu.memory_space<hbm>>
        tpu.wait_indirect_dma semaphore(%arg9 : memref<!tpu.dma_semaphore, #tpu.memory_space<semaphore_mem>>) src(%dma_wait3A_1215 : memref<201x64xf32, #tpu.memory_space<hbm>>) dst(%dma_wait3A_1210 : memref<96x64xf32, #tpu.memory_space<vmem>>)
      } else {
      }
      %convert_element_type3A_1123 = arith.extui %ne3A_1053 : i1 to i32
      %cond3A_1124 = arith.constant 0 : i32
      %cond3A_1125 = arith.cmpi ne, %convert_element_type3A_1123, %cond3A_1124 : i32
      scf.if %cond3A_1125 {
        %dma_wait3A = arith.constant 1400 : i32
        %dma_wait3A_1209 = arith.constant 0 : i32
        %dma_wait3A_1210 = tpu.memref_slice %arg8[%dma_wait3A, %dma_wait3A_1209] : memref<1600x64xf32, #tpu.memory_space<vmem>> -> memref<104x64xf32, #tpu.memory_space<vmem>>
        %dma_wait3A_1211 = arith.constant 1400 : i32
        %dma_wait3A_1212 = tpu.memref_slice %arg7[%dma_wait3A_1211] : memref<1600xi32, #tpu.memory_space<vmem>> -> memref<104xi32, #tpu.memory_space<vmem>>
        %dma_wait3A_1213 = arith.constant 0 : i32
        %dma_wait3A_1214 = arith.constant 0 : i32
        %dma_wait3A_1215 = tpu.memref_slice %arg3[%dma_wait3A_1213, %dma_wait3A_1214] : memref<201x64xf32, #tpu.memory_space<hbm>> -> memref<201x64xf32, #tpu.memory_space<hbm>>
        tpu.wait_indirect_dma semaphore(%arg9 : memref<!tpu.dma_semaphore, #tpu.memory_space<semaphore_mem>>) src(%dma_wait3A_1215 : memref<201x64xf32, #tpu.memory_space<hbm>>) dst(%dma_wait3A_1210 : memref<104x64xf32, #tpu.memory_space<vmem>>)
      } else {
      }
      %convert_element_type3A_1126 = arith.extui %ne3A_1053 : i1 to i32
      %cond3A_1127 = arith.constant 0 : i32
      %cond3A_1128 = arith.cmpi ne, %convert_element_type3A_1126, %cond3A_1127 : i32
      scf.if %cond3A_1128 {
        %dma_wait3A = arith.constant 1504 : i32
        %dma_wait3A_1209 = arith.constant 0 : i32
        %dma_wait3A_1210 = tpu.memref_slice %arg8[%dma_wait3A, %dma_wait3A_1209] : memref<1600x64xf32, #tpu.memory_space<vmem>> -> memref<96x64xf32, #tpu.memory_space<vmem>>
        %dma_wait3A_1211 = arith.constant 1504 : i32
        %dma_wait3A_1212 = tpu.memref_slice %arg7[%dma_wait3A_1211] : memref<1600xi32, #tpu.memory_space<vmem>> -> memref<96xi32, #tpu.memory_space<vmem>>
        %dma_wait3A_1213 = arith.constant 0 : i32
        %dma_wait3A_1214 = arith.constant 0 : i32
        %dma_wait3A_1215 = tpu.memref_slice %arg3[%dma_wait3A_1213, %dma_wait3A_1214] : memref<201x64xf32, #tpu.memory_space<hbm>> -> memref<201x64xf32, #tpu.memory_space<hbm>>
        tpu.wait_indirect_dma semaphore(%arg9 : memref<!tpu.dma_semaphore, #tpu.memory_space<semaphore_mem>>) src(%dma_wait3A_1215 : memref<201x64xf32, #tpu.memory_space<hbm>>) dst(%dma_wait3A_1210 : memref<96x64xf32, #tpu.memory_space<vmem>>)
      } else {
      }
      %add3A_1129 = arith.constant 0 : i32
      %add3A_1130 = arith.addi %add3A_10, %add3A_1129 : i32
      %mul3A_1131 = arith.constant 200 : i32
      %mul3A_1132 = arith.muli %add3A_1130, %mul3A_1131 : i32
      %convert_element_type3A_1133 = arith.extui %ne3A_131 : i1 to i32
      %cond3A_1134 = arith.constant 0 : i32
      %cond3A_1135 = arith.cmpi ne, %convert_element_type3A_1133, %cond3A_1134 : i32
      scf.if %cond3A_1135 {
        %dma_start3A = arith.constant 0 : i32
        %dma_start3A_1209 = arith.constant 0 : i32
        %dma_start3A_1210 = tpu.memref_slice %arg8[%dma_start3A, %dma_start3A_1209] : memref<1600x64xf32, #tpu.memory_space<vmem>> -> memref<200x64xf32, #tpu.memory_space<vmem>>
        %dma_start3A_1211 = arith.constant 0 : i32
        %dma_start3A_1212 = tpu.memref_slice %arg4[%mul3A_1132, %dma_start3A_1211] : memref<3276800x64xf32, #tpu.memory_space<hbm>> -> memref<200x64xf32, #tpu.memory_space<hbm>>
        %dma_start3A_1213 = arith.constant 0 : i32
        %dma_start3A_1214 = tpu.memref_slice %arg4[%mul3A_1132, %dma_start3A_1213] : memref<3276800x64xf32, #tpu.memory_space<hbm>> -> memref<200x64xf32, #tpu.memory_space<hbm>>
        %dma_start3A_1215 = arith.constant 0 : i32
        %dma_start3A_1216 = arith.constant 0 : i32
        %dma_start3A_1217 = tpu.memref_slice %arg8[%dma_start3A_1215, %dma_start3A_1216] : memref<1600x64xf32, #tpu.memory_space<vmem>> -> memref<200x64xf32, #tpu.memory_space<vmem>>
        tpu.enqueue_dma source(%dma_start3A_1217 : memref<200x64xf32, #tpu.memory_space<vmem>>) target(%dma_start3A_1214 : memref<200x64xf32, #tpu.memory_space<hbm>>) target_semaphore(%arg10 : memref<!tpu.dma_semaphore, #tpu.memory_space<semaphore_mem>>)
      } else {
      }
      %add3A_1136 = arith.constant 1 : i32
      %add3A_1137 = arith.addi %add3A_10, %add3A_1136 : i32
      %mul3A_1138 = arith.constant 200 : i32
      %mul3A_1139 = arith.muli %add3A_1137, %mul3A_1138 : i32
      %convert_element_type3A_1140 = arith.extui %ne3A_261 : i1 to i32
      %cond3A_1141 = arith.constant 0 : i32
      %cond3A_1142 = arith.cmpi ne, %convert_element_type3A_1140, %cond3A_1141 : i32
      scf.if %cond3A_1142 {
        %dma_start3A = arith.constant 200 : i32
        %dma_start3A_1209 = arith.constant 0 : i32
        %dma_start3A_1210 = tpu.memref_slice %arg8[%dma_start3A, %dma_start3A_1209] : memref<1600x64xf32, #tpu.memory_space<vmem>> -> memref<200x64xf32, #tpu.memory_space<vmem>>
        %dma_start3A_1211 = arith.constant 0 : i32
        %dma_start3A_1212 = tpu.memref_slice %arg4[%mul3A_1139, %dma_start3A_1211] : memref<3276800x64xf32, #tpu.memory_space<hbm>> -> memref<200x64xf32, #tpu.memory_space<hbm>>
        %dma_start3A_1213 = arith.constant 0 : i32
        %dma_start3A_1214 = tpu.memref_slice %arg4[%mul3A_1139, %dma_start3A_1213] : memref<3276800x64xf32, #tpu.memory_space<hbm>> -> memref<200x64xf32, #tpu.memory_space<hbm>>
        %dma_start3A_1215 = arith.constant 200 : i32
        %dma_start3A_1216 = arith.constant 0 : i32
        %dma_start3A_1217 = tpu.memref_slice %arg8[%dma_start3A_1215, %dma_start3A_1216] : memref<1600x64xf32, #tpu.memory_space<vmem>> -> memref<200x64xf32, #tpu.memory_space<vmem>>
        tpu.enqueue_dma source(%dma_start3A_1217 : memref<200x64xf32, #tpu.memory_space<vmem>>) target(%dma_start3A_1214 : memref<200x64xf32, #tpu.memory_space<hbm>>) target_semaphore(%arg10 : memref<!tpu.dma_semaphore, #tpu.memory_space<semaphore_mem>>)
      } else {
      }
      %add3A_1143 = arith.constant 2 : i32
      %add3A_1144 = arith.addi %add3A_10, %add3A_1143 : i32
      %mul3A_1145 = arith.constant 200 : i32
      %mul3A_1146 = arith.muli %add3A_1144, %mul3A_1145 : i32
      %convert_element_type3A_1147 = arith.extui %ne3A_393 : i1 to i32
      %cond3A_1148 = arith.constant 0 : i32
      %cond3A_1149 = arith.cmpi ne, %convert_element_type3A_1147, %cond3A_1148 : i32
      scf.if %cond3A_1149 {
        %dma_start3A = arith.constant 400 : i32
        %dma_start3A_1209 = arith.constant 0 : i32
        %dma_start3A_1210 = tpu.memref_slice %arg8[%dma_start3A, %dma_start3A_1209] : memref<1600x64xf32, #tpu.memory_space<vmem>> -> memref<200x64xf32, #tpu.memory_space<vmem>>
        %dma_start3A_1211 = arith.constant 0 : i32
        %dma_start3A_1212 = tpu.memref_slice %arg4[%mul3A_1146, %dma_start3A_1211] : memref<3276800x64xf32, #tpu.memory_space<hbm>> -> memref<200x64xf32, #tpu.memory_space<hbm>>
        %dma_start3A_1213 = arith.constant 0 : i32
        %dma_start3A_1214 = tpu.memref_slice %arg4[%mul3A_1146, %dma_start3A_1213] : memref<3276800x64xf32, #tpu.memory_space<hbm>> -> memref<200x64xf32, #tpu.memory_space<hbm>>
        %dma_start3A_1215 = arith.constant 400 : i32
        %dma_start3A_1216 = arith.constant 0 : i32
        %dma_start3A_1217 = tpu.memref_slice %arg8[%dma_start3A_1215, %dma_start3A_1216] : memref<1600x64xf32, #tpu.memory_space<vmem>> -> memref<200x64xf32, #tpu.memory_space<vmem>>
        tpu.enqueue_dma source(%dma_start3A_1217 : memref<200x64xf32, #tpu.memory_space<vmem>>) target(%dma_start3A_1214 : memref<200x64xf32, #tpu.memory_space<hbm>>) target_semaphore(%arg10 : memref<!tpu.dma_semaphore, #tpu.memory_space<semaphore_mem>>)
      } else {
      }
      %add3A_1150 = arith.constant 3 : i32
      %add3A_1151 = arith.addi %add3A_10, %add3A_1150 : i32
      %mul3A_1152 = arith.constant 200 : i32
      %mul3A_1153 = arith.muli %add3A_1151, %mul3A_1152 : i32
      %convert_element_type3A_1154 = arith.extui %ne3A_525 : i1 to i32
      %cond3A_1155 = arith.constant 0 : i32
      %cond3A_1156 = arith.cmpi ne, %convert_element_type3A_1154, %cond3A_1155 : i32
      scf.if %cond3A_1156 {
        %dma_start3A = arith.constant 600 : i32
        %dma_start3A_1209 = arith.constant 0 : i32
        %dma_start3A_1210 = tpu.memref_slice %arg8[%dma_start3A, %dma_start3A_1209] : memref<1600x64xf32, #tpu.memory_space<vmem>> -> memref<200x64xf32, #tpu.memory_space<vmem>>
        %dma_start3A_1211 = arith.constant 0 : i32
        %dma_start3A_1212 = tpu.memref_slice %arg4[%mul3A_1153, %dma_start3A_1211] : memref<3276800x64xf32, #tpu.memory_space<hbm>> -> memref<200x64xf32, #tpu.memory_space<hbm>>
        %dma_start3A_1213 = arith.constant 0 : i32
        %dma_start3A_1214 = tpu.memref_slice %arg4[%mul3A_1153, %dma_start3A_1213] : memref<3276800x64xf32, #tpu.memory_space<hbm>> -> memref<200x64xf32, #tpu.memory_space<hbm>>
        %dma_start3A_1215 = arith.constant 600 : i32
        %dma_start3A_1216 = arith.constant 0 : i32
        %dma_start3A_1217 = tpu.memref_slice %arg8[%dma_start3A_1215, %dma_start3A_1216] : memref<1600x64xf32, #tpu.memory_space<vmem>> -> memref<200x64xf32, #tpu.memory_space<vmem>>
        tpu.enqueue_dma source(%dma_start3A_1217 : memref<200x64xf32, #tpu.memory_space<vmem>>) target(%dma_start3A_1214 : memref<200x64xf32, #tpu.memory_space<hbm>>) target_semaphore(%arg10 : memref<!tpu.dma_semaphore, #tpu.memory_space<semaphore_mem>>)
      } else {
      }
      %add3A_1157 = arith.constant 4 : i32
      %add3A_1158 = arith.addi %add3A_10, %add3A_1157 : i32
      %mul3A_1159 = arith.constant 200 : i32
      %mul3A_1160 = arith.muli %add3A_1158, %mul3A_1159 : i32
      %convert_element_type3A_1161 = arith.extui %ne3A_657 : i1 to i32
      %cond3A_1162 = arith.constant 0 : i32
      %cond3A_1163 = arith.cmpi ne, %convert_element_type3A_1161, %cond3A_1162 : i32
      scf.if %cond3A_1163 {
        %dma_start3A = arith.constant 800 : i32
        %dma_start3A_1209 = arith.constant 0 : i32
        %dma_start3A_1210 = tpu.memref_slice %arg8[%dma_start3A, %dma_start3A_1209] : memref<1600x64xf32, #tpu.memory_space<vmem>> -> memref<200x64xf32, #tpu.memory_space<vmem>>
        %dma_start3A_1211 = arith.constant 0 : i32
        %dma_start3A_1212 = tpu.memref_slice %arg4[%mul3A_1160, %dma_start3A_1211] : memref<3276800x64xf32, #tpu.memory_space<hbm>> -> memref<200x64xf32, #tpu.memory_space<hbm>>
        %dma_start3A_1213 = arith.constant 0 : i32
        %dma_start3A_1214 = tpu.memref_slice %arg4[%mul3A_1160, %dma_start3A_1213] : memref<3276800x64xf32, #tpu.memory_space<hbm>> -> memref<200x64xf32, #tpu.memory_space<hbm>>
        %dma_start3A_1215 = arith.constant 800 : i32
        %dma_start3A_1216 = arith.constant 0 : i32
        %dma_start3A_1217 = tpu.memref_slice %arg8[%dma_start3A_1215, %dma_start3A_1216] : memref<1600x64xf32, #tpu.memory_space<vmem>> -> memref<200x64xf32, #tpu.memory_space<vmem>>
        tpu.enqueue_dma source(%dma_start3A_1217 : memref<200x64xf32, #tpu.memory_space<vmem>>) target(%dma_start3A_1214 : memref<200x64xf32, #tpu.memory_space<hbm>>) target_semaphore(%arg10 : memref<!tpu.dma_semaphore, #tpu.memory_space<semaphore_mem>>)
      } else {
      }
      %add3A_1164 = arith.constant 5 : i32
      %add3A_1165 = arith.addi %add3A_10, %add3A_1164 : i32
      %mul3A_1166 = arith.constant 200 : i32
      %mul3A_1167 = arith.muli %add3A_1165, %mul3A_1166 : i32
      %convert_element_type3A_1168 = arith.extui %ne3A_789 : i1 to i32
      %cond3A_1169 = arith.constant 0 : i32
      %cond3A_1170 = arith.cmpi ne, %convert_element_type3A_1168, %cond3A_1169 : i32
      scf.if %cond3A_1170 {
        %dma_start3A = arith.constant 1000 : i32
        %dma_start3A_1209 = arith.constant 0 : i32
        %dma_start3A_1210 = tpu.memref_slice %arg8[%dma_start3A, %dma_start3A_1209] : memref<1600x64xf32, #tpu.memory_space<vmem>> -> memref<200x64xf32, #tpu.memory_space<vmem>>
        %dma_start3A_1211 = arith.constant 0 : i32
        %dma_start3A_1212 = tpu.memref_slice %arg4[%mul3A_1167, %dma_start3A_1211] : memref<3276800x64xf32, #tpu.memory_space<hbm>> -> memref<200x64xf32, #tpu.memory_space<hbm>>
        %dma_start3A_1213 = arith.constant 0 : i32
        %dma_start3A_1214 = tpu.memref_slice %arg4[%mul3A_1167, %dma_start3A_1213] : memref<3276800x64xf32, #tpu.memory_space<hbm>> -> memref<200x64xf32, #tpu.memory_space<hbm>>
        %dma_start3A_1215 = arith.constant 1000 : i32
        %dma_start3A_1216 = arith.constant 0 : i32
        %dma_start3A_1217 = tpu.memref_slice %arg8[%dma_start3A_1215, %dma_start3A_1216] : memref<1600x64xf32, #tpu.memory_space<vmem>> -> memref<200x64xf32, #tpu.memory_space<vmem>>
        tpu.enqueue_dma source(%dma_start3A_1217 : memref<200x64xf32, #tpu.memory_space<vmem>>) target(%dma_start3A_1214 : memref<200x64xf32, #tpu.memory_space<hbm>>) target_semaphore(%arg10 : memref<!tpu.dma_semaphore, #tpu.memory_space<semaphore_mem>>)
      } else {
      }
      %add3A_1171 = arith.constant 6 : i32
      %add3A_1172 = arith.addi %add3A_10, %add3A_1171 : i32
      %mul3A_1173 = arith.constant 200 : i32
      %mul3A_1174 = arith.muli %add3A_1172, %mul3A_1173 : i32
      %convert_element_type3A_1175 = arith.extui %ne3A_921 : i1 to i32
      %cond3A_1176 = arith.constant 0 : i32
      %cond3A_1177 = arith.cmpi ne, %convert_element_type3A_1175, %cond3A_1176 : i32
      scf.if %cond3A_1177 {
        %dma_start3A = arith.constant 1200 : i32
        %dma_start3A_1209 = arith.constant 0 : i32
        %dma_start3A_1210 = tpu.memref_slice %arg8[%dma_start3A, %dma_start3A_1209] : memref<1600x64xf32, #tpu.memory_space<vmem>> -> memref<200x64xf32, #tpu.memory_space<vmem>>
        %dma_start3A_1211 = arith.constant 0 : i32
        %dma_start3A_1212 = tpu.memref_slice %arg4[%mul3A_1174, %dma_start3A_1211] : memref<3276800x64xf32, #tpu.memory_space<hbm>> -> memref<200x64xf32, #tpu.memory_space<hbm>>
        %dma_start3A_1213 = arith.constant 0 : i32
        %dma_start3A_1214 = tpu.memref_slice %arg4[%mul3A_1174, %dma_start3A_1213] : memref<3276800x64xf32, #tpu.memory_space<hbm>> -> memref<200x64xf32, #tpu.memory_space<hbm>>
        %dma_start3A_1215 = arith.constant 1200 : i32
        %dma_start3A_1216 = arith.constant 0 : i32
        %dma_start3A_1217 = tpu.memref_slice %arg8[%dma_start3A_1215, %dma_start3A_1216] : memref<1600x64xf32, #tpu.memory_space<vmem>> -> memref<200x64xf32, #tpu.memory_space<vmem>>
        tpu.enqueue_dma source(%dma_start3A_1217 : memref<200x64xf32, #tpu.memory_space<vmem>>) target(%dma_start3A_1214 : memref<200x64xf32, #tpu.memory_space<hbm>>) target_semaphore(%arg10 : memref<!tpu.dma_semaphore, #tpu.memory_space<semaphore_mem>>)
      } else {
      }
      %add3A_1178 = arith.constant 7 : i32
      %add3A_1179 = arith.addi %add3A_10, %add3A_1178 : i32
      %mul3A_1180 = arith.constant 200 : i32
      %mul3A_1181 = arith.muli %add3A_1179, %mul3A_1180 : i32
      %convert_element_type3A_1182 = arith.extui %ne3A_1053 : i1 to i32
      %cond3A_1183 = arith.constant 0 : i32
      %cond3A_1184 = arith.cmpi ne, %convert_element_type3A_1182, %cond3A_1183 : i32
      scf.if %cond3A_1184 {
        %dma_start3A = arith.constant 1400 : i32
        %dma_start3A_1209 = arith.constant 0 : i32
        %dma_start3A_1210 = tpu.memref_slice %arg8[%dma_start3A, %dma_start3A_1209] : memref<1600x64xf32, #tpu.memory_space<vmem>> -> memref<200x64xf32, #tpu.memory_space<vmem>>
        %dma_start3A_1211 = arith.constant 0 : i32
        %dma_start3A_1212 = tpu.memref_slice %arg4[%mul3A_1181, %dma_start3A_1211] : memref<3276800x64xf32, #tpu.memory_space<hbm>> -> memref<200x64xf32, #tpu.memory_space<hbm>>
        %dma_start3A_1213 = arith.constant 0 : i32
        %dma_start3A_1214 = tpu.memref_slice %arg4[%mul3A_1181, %dma_start3A_1213] : memref<3276800x64xf32, #tpu.memory_space<hbm>> -> memref<200x64xf32, #tpu.memory_space<hbm>>
        %dma_start3A_1215 = arith.constant 1400 : i32
        %dma_start3A_1216 = arith.constant 0 : i32
        %dma_start3A_1217 = tpu.memref_slice %arg8[%dma_start3A_1215, %dma_start3A_1216] : memref<1600x64xf32, #tpu.memory_space<vmem>> -> memref<200x64xf32, #tpu.memory_space<vmem>>
        tpu.enqueue_dma source(%dma_start3A_1217 : memref<200x64xf32, #tpu.memory_space<vmem>>) target(%dma_start3A_1214 : memref<200x64xf32, #tpu.memory_space<hbm>>) target_semaphore(%arg10 : memref<!tpu.dma_semaphore, #tpu.memory_space<semaphore_mem>>)
      } else {
      }
      %convert_element_type3A_1185 = arith.extui %ne3A_131 : i1 to i32
      %cond3A_1186 = arith.constant 0 : i32
      %cond3A_1187 = arith.cmpi ne, %convert_element_type3A_1185, %cond3A_1186 : i32
      scf.if %cond3A_1187 {
        %dma_wait3A = arith.constant 0 : i32
        %dma_wait3A_1209 = arith.constant 0 : i32
        %dma_wait3A_1210 = tpu.memref_slice %arg8[%dma_wait3A, %dma_wait3A_1209] : memref<1600x64xf32, #tpu.memory_space<vmem>> -> memref<200x64xf32, #tpu.memory_space<vmem>>
        %dma_wait3A_1211 = arith.constant 0 : i32
        %dma_wait3A_1212 = tpu.memref_slice %arg4[%mul3A_1132, %dma_wait3A_1211] : memref<3276800x64xf32, #tpu.memory_space<hbm>> -> memref<200x64xf32, #tpu.memory_space<hbm>>
        %dma_wait3A_1213 = arith.constant 0 : i32
        %dma_wait3A_1214 = tpu.memref_slice %arg4[%mul3A_1132, %dma_wait3A_1213] : memref<3276800x64xf32, #tpu.memory_space<hbm>> -> memref<200x64xf32, #tpu.memory_space<hbm>>
        %dma_wait3A_1215 = arith.constant 0 : i32
        %dma_wait3A_1216 = arith.constant 0 : i32
        %dma_wait3A_1217 = tpu.memref_slice %arg8[%dma_wait3A_1215, %dma_wait3A_1216] : memref<1600x64xf32, #tpu.memory_space<vmem>> -> memref<200x64xf32, #tpu.memory_space<vmem>>
        tpu.wait_dma2 semaphore(%arg10 : memref<!tpu.dma_semaphore, #tpu.memory_space<semaphore_mem>>) src(%dma_wait3A_1217 : memref<200x64xf32, #tpu.memory_space<vmem>>) dst(%dma_wait3A_1214 : memref<200x64xf32, #tpu.memory_space<hbm>>)
      } else {
      }
      %convert_element_type3A_1188 = arith.extui %ne3A_261 : i1 to i32
      %cond3A_1189 = arith.constant 0 : i32
      %cond3A_1190 = arith.cmpi ne, %convert_element_type3A_1188, %cond3A_1189 : i32
      scf.if %cond3A_1190 {
        %dma_wait3A = arith.constant 200 : i32
        %dma_wait3A_1209 = arith.constant 0 : i32
        %dma_wait3A_1210 = tpu.memref_slice %arg8[%dma_wait3A, %dma_wait3A_1209] : memref<1600x64xf32, #tpu.memory_space<vmem>> -> memref<200x64xf32, #tpu.memory_space<vmem>>
        %dma_wait3A_1211 = arith.constant 0 : i32
        %dma_wait3A_1212 = tpu.memref_slice %arg4[%mul3A_1139, %dma_wait3A_1211] : memref<3276800x64xf32, #tpu.memory_space<hbm>> -> memref<200x64xf32, #tpu.memory_space<hbm>>
        %dma_wait3A_1213 = arith.constant 0 : i32
        %dma_wait3A_1214 = tpu.memref_slice %arg4[%mul3A_1139, %dma_wait3A_1213] : memref<3276800x64xf32, #tpu.memory_space<hbm>> -> memref<200x64xf32, #tpu.memory_space<hbm>>
        %dma_wait3A_1215 = arith.constant 200 : i32
        %dma_wait3A_1216 = arith.constant 0 : i32
        %dma_wait3A_1217 = tpu.memref_slice %arg8[%dma_wait3A_1215, %dma_wait3A_1216] : memref<1600x64xf32, #tpu.memory_space<vmem>> -> memref<200x64xf32, #tpu.memory_space<vmem>>
        tpu.wait_dma2 semaphore(%arg10 : memref<!tpu.dma_semaphore, #tpu.memory_space<semaphore_mem>>) src(%dma_wait3A_1217 : memref<200x64xf32, #tpu.memory_space<vmem>>) dst(%dma_wait3A_1214 : memref<200x64xf32, #tpu.memory_space<hbm>>)
      } else {
      }
      %convert_element_type3A_1191 = arith.extui %ne3A_393 : i1 to i32
      %cond3A_1192 = arith.constant 0 : i32
      %cond3A_1193 = arith.cmpi ne, %convert_element_type3A_1191, %cond3A_1192 : i32
      scf.if %cond3A_1193 {
        %dma_wait3A = arith.constant 400 : i32
        %dma_wait3A_1209 = arith.constant 0 : i32
        %dma_wait3A_1210 = tpu.memref_slice %arg8[%dma_wait3A, %dma_wait3A_1209] : memref<1600x64xf32, #tpu.memory_space<vmem>> -> memref<200x64xf32, #tpu.memory_space<vmem>>
        %dma_wait3A_1211 = arith.constant 0 : i32
        %dma_wait3A_1212 = tpu.memref_slice %arg4[%mul3A_1146, %dma_wait3A_1211] : memref<3276800x64xf32, #tpu.memory_space<hbm>> -> memref<200x64xf32, #tpu.memory_space<hbm>>
        %dma_wait3A_1213 = arith.constant 0 : i32
        %dma_wait3A_1214 = tpu.memref_slice %arg4[%mul3A_1146, %dma_wait3A_1213] : memref<3276800x64xf32, #tpu.memory_space<hbm>> -> memref<200x64xf32, #tpu.memory_space<hbm>>
        %dma_wait3A_1215 = arith.constant 400 : i32
        %dma_wait3A_1216 = arith.constant 0 : i32
        %dma_wait3A_1217 = tpu.memref_slice %arg8[%dma_wait3A_1215, %dma_wait3A_1216] : memref<1600x64xf32, #tpu.memory_space<vmem>> -> memref<200x64xf32, #tpu.memory_space<vmem>>
        tpu.wait_dma2 semaphore(%arg10 : memref<!tpu.dma_semaphore, #tpu.memory_space<semaphore_mem>>) src(%dma_wait3A_1217 : memref<200x64xf32, #tpu.memory_space<vmem>>) dst(%dma_wait3A_1214 : memref<200x64xf32, #tpu.memory_space<hbm>>)
      } else {
      }
      %convert_element_type3A_1194 = arith.extui %ne3A_525 : i1 to i32
      %cond3A_1195 = arith.constant 0 : i32
      %cond3A_1196 = arith.cmpi ne, %convert_element_type3A_1194, %cond3A_1195 : i32
      scf.if %cond3A_1196 {
        %dma_wait3A = arith.constant 600 : i32
        %dma_wait3A_1209 = arith.constant 0 : i32
        %dma_wait3A_1210 = tpu.memref_slice %arg8[%dma_wait3A, %dma_wait3A_1209] : memref<1600x64xf32, #tpu.memory_space<vmem>> -> memref<200x64xf32, #tpu.memory_space<vmem>>
        %dma_wait3A_1211 = arith.constant 0 : i32
        %dma_wait3A_1212 = tpu.memref_slice %arg4[%mul3A_1153, %dma_wait3A_1211] : memref<3276800x64xf32, #tpu.memory_space<hbm>> -> memref<200x64xf32, #tpu.memory_space<hbm>>
        %dma_wait3A_1213 = arith.constant 0 : i32
        %dma_wait3A_1214 = tpu.memref_slice %arg4[%mul3A_1153, %dma_wait3A_1213] : memref<3276800x64xf32, #tpu.memory_space<hbm>> -> memref<200x64xf32, #tpu.memory_space<hbm>>
        %dma_wait3A_1215 = arith.constant 600 : i32
        %dma_wait3A_1216 = arith.constant 0 : i32
        %dma_wait3A_1217 = tpu.memref_slice %arg8[%dma_wait3A_1215, %dma_wait3A_1216] : memref<1600x64xf32, #tpu.memory_space<vmem>> -> memref<200x64xf32, #tpu.memory_space<vmem>>
        tpu.wait_dma2 semaphore(%arg10 : memref<!tpu.dma_semaphore, #tpu.memory_space<semaphore_mem>>) src(%dma_wait3A_1217 : memref<200x64xf32, #tpu.memory_space<vmem>>) dst(%dma_wait3A_1214 : memref<200x64xf32, #tpu.memory_space<hbm>>)
      } else {
      }
      %convert_element_type3A_1197 = arith.extui %ne3A_657 : i1 to i32
      %cond3A_1198 = arith.constant 0 : i32
      %cond3A_1199 = arith.cmpi ne, %convert_element_type3A_1197, %cond3A_1198 : i32
      scf.if %cond3A_1199 {
        %dma_wait3A = arith.constant 800 : i32
        %dma_wait3A_1209 = arith.constant 0 : i32
        %dma_wait3A_1210 = tpu.memref_slice %arg8[%dma_wait3A, %dma_wait3A_1209] : memref<1600x64xf32, #tpu.memory_space<vmem>> -> memref<200x64xf32, #tpu.memory_space<vmem>>
        %dma_wait3A_1211 = arith.constant 0 : i32
        %dma_wait3A_1212 = tpu.memref_slice %arg4[%mul3A_1160, %dma_wait3A_1211] : memref<3276800x64xf32, #tpu.memory_space<hbm>> -> memref<200x64xf32, #tpu.memory_space<hbm>>
        %dma_wait3A_1213 = arith.constant 0 : i32
        %dma_wait3A_1214 = tpu.memref_slice %arg4[%mul3A_1160, %dma_wait3A_1213] : memref<3276800x64xf32, #tpu.memory_space<hbm>> -> memref<200x64xf32, #tpu.memory_space<hbm>>
        %dma_wait3A_1215 = arith.constant 800 : i32
        %dma_wait3A_1216 = arith.constant 0 : i32
        %dma_wait3A_1217 = tpu.memref_slice %arg8[%dma_wait3A_1215, %dma_wait3A_1216] : memref<1600x64xf32, #tpu.memory_space<vmem>> -> memref<200x64xf32, #tpu.memory_space<vmem>>
        tpu.wait_dma2 semaphore(%arg10 : memref<!tpu.dma_semaphore, #tpu.memory_space<semaphore_mem>>) src(%dma_wait3A_1217 : memref<200x64xf32, #tpu.memory_space<vmem>>) dst(%dma_wait3A_1214 : memref<200x64xf32, #tpu.memory_space<hbm>>)
      } else {
      }
      %convert_element_type3A_1200 = arith.extui %ne3A_789 : i1 to i32
      %cond3A_1201 = arith.constant 0 : i32
      %cond3A_1202 = arith.cmpi ne, %convert_element_type3A_1200, %cond3A_1201 : i32
      scf.if %cond3A_1202 {
        %dma_wait3A = arith.constant 1000 : i32
        %dma_wait3A_1209 = arith.constant 0 : i32
        %dma_wait3A_1210 = tpu.memref_slice %arg8[%dma_wait3A, %dma_wait3A_1209] : memref<1600x64xf32, #tpu.memory_space<vmem>> -> memref<200x64xf32, #tpu.memory_space<vmem>>
        %dma_wait3A_1211 = arith.constant 0 : i32
        %dma_wait3A_1212 = tpu.memref_slice %arg4[%mul3A_1167, %dma_wait3A_1211] : memref<3276800x64xf32, #tpu.memory_space<hbm>> -> memref<200x64xf32, #tpu.memory_space<hbm>>
        %dma_wait3A_1213 = arith.constant 0 : i32
        %dma_wait3A_1214 = tpu.memref_slice %arg4[%mul3A_1167, %dma_wait3A_1213] : memref<3276800x64xf32, #tpu.memory_space<hbm>> -> memref<200x64xf32, #tpu.memory_space<hbm>>
        %dma_wait3A_1215 = arith.constant 1000 : i32
        %dma_wait3A_1216 = arith.constant 0 : i32
        %dma_wait3A_1217 = tpu.memref_slice %arg8[%dma_wait3A_1215, %dma_wait3A_1216] : memref<1600x64xf32, #tpu.memory_space<vmem>> -> memref<200x64xf32, #tpu.memory_space<vmem>>
        tpu.wait_dma2 semaphore(%arg10 : memref<!tpu.dma_semaphore, #tpu.memory_space<semaphore_mem>>) src(%dma_wait3A_1217 : memref<200x64xf32, #tpu.memory_space<vmem>>) dst(%dma_wait3A_1214 : memref<200x64xf32, #tpu.memory_space<hbm>>)
      } else {
      }
      %convert_element_type3A_1203 = arith.extui %ne3A_921 : i1 to i32
      %cond3A_1204 = arith.constant 0 : i32
      %cond3A_1205 = arith.cmpi ne, %convert_element_type3A_1203, %cond3A_1204 : i32
      scf.if %cond3A_1205 {
        %dma_wait3A = arith.constant 1200 : i32
        %dma_wait3A_1209 = arith.constant 0 : i32
        %dma_wait3A_1210 = tpu.memref_slice %arg8[%dma_wait3A, %dma_wait3A_1209] : memref<1600x64xf32, #tpu.memory_space<vmem>> -> memref<200x64xf32, #tpu.memory_space<vmem>>
        %dma_wait3A_1211 = arith.constant 0 : i32
        %dma_wait3A_1212 = tpu.memref_slice %arg4[%mul3A_1174, %dma_wait3A_1211] : memref<3276800x64xf32, #tpu.memory_space<hbm>> -> memref<200x64xf32, #tpu.memory_space<hbm>>
        %dma_wait3A_1213 = arith.constant 0 : i32
        %dma_wait3A_1214 = tpu.memref_slice %arg4[%mul3A_1174, %dma_wait3A_1213] : memref<3276800x64xf32, #tpu.memory_space<hbm>> -> memref<200x64xf32, #tpu.memory_space<hbm>>
        %dma_wait3A_1215 = arith.constant 1200 : i32
        %dma_wait3A_1216 = arith.constant 0 : i32
        %dma_wait3A_1217 = tpu.memref_slice %arg8[%dma_wait3A_1215, %dma_wait3A_1216] : memref<1600x64xf32, #tpu.memory_space<vmem>> -> memref<200x64xf32, #tpu.memory_space<vmem>>
        tpu.wait_dma2 semaphore(%arg10 : memref<!tpu.dma_semaphore, #tpu.memory_space<semaphore_mem>>) src(%dma_wait3A_1217 : memref<200x64xf32, #tpu.memory_space<vmem>>) dst(%dma_wait3A_1214 : memref<200x64xf32, #tpu.memory_space<hbm>>)
      } else {
      }
      %convert_element_type3A_1206 = arith.extui %ne3A_1053 : i1 to i32
      %cond3A_1207 = arith.constant 0 : i32
      %cond3A_1208 = arith.cmpi ne, %convert_element_type3A_1206, %cond3A_1207 : i32
      scf.if %cond3A_1208 {
        %dma_wait3A = arith.constant 1400 : i32
        %dma_wait3A_1209 = arith.constant 0 : i32
        %dma_wait3A_1210 = tpu.memref_slice %arg8[%dma_wait3A, %dma_wait3A_1209] : memref<1600x64xf32, #tpu.memory_space<vmem>> -> memref<200x64xf32, #tpu.memory_space<vmem>>
        %dma_wait3A_1211 = arith.constant 0 : i32
        %dma_wait3A_1212 = tpu.memref_slice %arg4[%mul3A_1181, %dma_wait3A_1211] : memref<3276800x64xf32, #tpu.memory_space<hbm>> -> memref<200x64xf32, #tpu.memory_space<hbm>>
        %dma_wait3A_1213 = arith.constant 0 : i32
        %dma_wait3A_1214 = tpu.memref_slice %arg4[%mul3A_1181, %dma_wait3A_1213] : memref<3276800x64xf32, #tpu.memory_space<hbm>> -> memref<200x64xf32, #tpu.memory_space<hbm>>
        %dma_wait3A_1215 = arith.constant 1400 : i32
        %dma_wait3A_1216 = arith.constant 0 : i32
        %dma_wait3A_1217 = tpu.memref_slice %arg8[%dma_wait3A_1215, %dma_wait3A_1216] : memref<1600x64xf32, #tpu.memory_space<vmem>> -> memref<200x64xf32, #tpu.memory_space<vmem>>
        tpu.wait_dma2 semaphore(%arg10 : memref<!tpu.dma_semaphore, #tpu.memory_space<semaphore_mem>>) src(%dma_wait3A_1217 : memref<200x64xf32, #tpu.memory_space<vmem>>) dst(%dma_wait3A_1214 : memref<200x64xf32, #tpu.memory_space<hbm>>)
      } else {
      }
    }
    %scan3A_6 = arith.constant 64 : i32
    return
  }
}

module attributes {stable_mosaic.version = 14 : i64} {
  func.func @_bcast_body(%arg0: i32, %arg1: memref<200x64xf32, #tpu.memory_space<vmem>>, %arg2: memref<12800x64xf32, #tpu.memory_space<vmem>>) attributes {dimension_semantics = [#tpu.dimension_semantics<arbitrary>], iteration_bounds = array<i64: 256>, scalar_prefetch = 0 : i64, scratch_operands = 0 : i64, tpu.core_type = #tpu.core_type<tc>, window_params = [{pipeline_mode = #tpu.pipeline_mode<synchronous>, transform_indices = @transform_0, window_bounds = array<i64: 200, 64>}, {transform_indices = @transform_1, window_bounds = array<i64: 12800, 64>}]} {
    %get3A = arith.constant 0 : index
    %get3A_0 = arith.constant 0 : index
    %get3A_1 = vector.load %arg1[%get3A, %get3A_0] : memref<200x64xf32, #tpu.memory_space<vmem>>, vector<200x64xf32>
    %broadcast_in_dim3A = vector.shape_cast %get3A_1 : vector<200x64xf32> to vector<1x200x64xf32>
    %broadcast_in_dim3A_2 = vector.shape_cast %broadcast_in_dim3A : vector<1x200x64xf32> to vector<1x200x64xf32>
    %broadcast_in_dim3A_3 = vector.broadcast %broadcast_in_dim3A_2 : vector<1x200x64xf32> to vector<64x200x64xf32>
    %reshape3A = vector.shape_cast %broadcast_in_dim3A_3 : vector<64x200x64xf32> to vector<12800x64xf32>
    %swap3A = arith.constant 0 : index
    %swap3A_4 = arith.constant 0 : index
    %swap3A_5 = vector.load %arg2[%swap3A, %swap3A_4] : memref<12800x64xf32, #tpu.memory_space<vmem>>, vector<12800x64xf32>
    tpu.vector_store %arg2[%swap3A, %swap3A_4], %reshape3A {strides = array<i32>} : memref<12800x64xf32, #tpu.memory_space<vmem>>, vector<12800x64xf32>,
    return
  }
  func.func @transform_0(%arg0: i32) -> (i32, i32) {
    %c0_i32 = arith.constant 0 : i32
    %c0_i32_0 = arith.constant 0 : i32
    %c0_i32_1 = arith.constant 0 : i32
    return %c0_i32, %c0_i32_0 : i32, i32
  }
  func.func @transform_1(%arg0: i32) -> (i32, i32) {
    %c0_i32 = arith.constant 0 : i32
    %c0_i32_0 = arith.constant 0 : i32
    return %arg0, %c0_i32 : i32, i32
  }
}

</mosaic_0001>

<sc_bundles>
// kernel: _sc_kernel.3.cloned.1.call-start
scs
__scs_entry_jumppad:
0x0: {  	(pc) =	sbr.rel $0x88, $3  }
0x1: {  	(tag) =	ssettag $0x0;
	lr =	simm.s32 $0x1  }
0x2: {  	[smem:$0x3F9F] =	sst lr;
	_ =	strace $0xD0000000  }
0x3: {  	_ = 	snop  }
0x4: {  	_ = 	snop  }
0x5: {  	_ = 	snop  }
0x6: {  	_ = 	snop  }
0x7: {  	_ = 	snop  }
__scs_overlays_trampoline_lowered:
0x8: {  	[smem:$0x3FAE] =	sst s0  }
0x9: {  	[smem:$0x3FAF] =	sst s1  }
0xa: {  	[smem:$0x3FB0] =	sst s2  }
0xb: {  	[smem:$0x3FB1] =	sst s3  }
0xc: {  	[smem:$0x3FB2] =	sst s4  }
0xd: {  	[smem:$0x3FB3] =	sst s5  }
0xe: {  	[smem:$0x3FB4] =	sst s6  }
0xf: {  	[smem:$0x3FB5] =	sst s7  }
0x10: {  	[smem:$0x3FB6] =	sst s8  }
0x11: {  	[smem:$0x3FB7] =	sst s9;
	s0 =	simm.s32 @!p0 $0x0  }
0x12: {  	s1 =	sld [smem:$0x3F9D];
	s0 =	simm.s32 @p0 $0x1  }
0x13: {  	[smem:$0x3FB8] =	sst s0;
	s0 =	simm.s32 @!p1 $0x0  }
0x14: {  	s2 =	sld [smem:$0x3F9C];
	s0 =	simm.s32 @p1 $0x1  }
0x15: {  	[smem:$0x3FB9] =	sst s0;
	s0 =	simm.s32 @!p2 $0x0  }
0x16: {  	s3 =	sld [smem:$0x3FDB];
	s0 =	simm.s32 @p2 $0x1  }
0x17: {  	s4 =	simm.s32 $0x1BF5;
	[smem:$0x3FBB] =	sst s0  }
0x18: {  	s0 =	sld [smem:$0x3F9E];
	_ =	swait.ge [sflag:s4], $0x0  }
0x19: {  	s7 =	sld [smem:$0x3F9F]  }
0x1a: {  	s8 =	sadd.s32 $0xFFFFE003, lr  }
0x1b: {  	s9 =	sadd.s32 $0xFFFFFEF7, lr;
	s5 =	simm.s32 $0xFFFFFFFF;
	p2 =	slt.u32 s8, $0xFFFFF086  }
0x1c: {  	p1 =	slt.u32 s9, $0xF7A;
	s5 =	simm.s32 @!p2 $0x0  }
0x1d: {  	s5 =	simm.s32 @p1 $0x1;
	p0 =	seq.s32 s7, s2  }
0x1e: {  	s7 =	smul.u32 @!p0 $0xF7A, s2;
	p2 =	seq.s32 @!p0 s5, $0x0  }
0x1f: {  	s9 =	smul.u32 $0xF7A, s1;
	s8 =	simm.s32 @!p0 $0x1BF5;
	p2 =	por !p2, p0  }
0x20: {  	[sflag:s8] =	ssyncset.s32 @!p0 $0xFFFFF086;
	s6 =	sadd.s32 @!p0 s3, s7;
	s7 =	simm.s32 @!p0 $0x108  }
0x21: {  	s3 =	sadd.s32 s3, s9;
	s6 =	sadd.s32 @!p0 $0x88, s6;
	s7 =	simm.s32 @p2 $0x1082  }
0x22: {  	[simem:s7], [sflag:s8] =	dma.local @!p0 [hbm:s6], $0xF7A  }
0x23: {  	s9 =	sor.u32 $0xD0000000, s2;
	s6 =	simm.s32 $0x108;
	_ =	swait.ge @!p0 [sflag:s8], $0x0  }
0x24: {  	s3 =	sadd.s32 $0x88, s3;
	s6 =	simm.s32 @!p1 $0x1082;
	[sflag:s4] =	ssyncset.s32 $0xFFFFF086  }
0x25: {  	[simem:s6], [sflag:s4] =	dma.local [hbm:s3], $0xF7A  }
0x26: {  	[smem:$0x3F9F] =	sst s1;
	(tag) =	ssettag s2;
	_ =	strace s9  }
0x27: {  	s1 =	sld [smem:$0x3FAF]  }
0x28: {  	s2 =	sld [smem:$0x3FB0]  }
0x29: {  	s4 =	sld [smem:$0x3FB2]  }
0x2a: {  	p0 =	seq.s32 s5, $0x0;
	s5 =	sld [smem:$0x3FB3]  }
0x2b: {  	s6 =	sld [smem:$0x3FB4]  }
0x2c: {  	s7 =	sld [smem:$0x3FB5]  }
0x2d: {  	s3 =	simm.s32 $0x108;
	s8 =	sld [smem:$0x3FB6]  }
0x2e: {  	s3 =	simm.s32 @!p0 $0x1082;
	s9 =	sld [smem:$0x3FB7]  }
0x2f: {  	lr =	sadd.s32 s0, s3;
	s0 =	sld [smem:$0x3FAE]  }
0x30: {  	s3 =	sld [smem:$0x3FB1]  }
0x31: {  	[smem:$0x3FBA] =	sst s10  }
0x32: {  	s10 =	sld [smem:$0x3FB8];
	_ =	sdelay $0x3  }
0x33: {  	p0 =	seq.s32 s10, $0x1;
	s10 =	sld [smem:$0x3FBA];
	_ =	sdelay $0x3  }
0x34: {  	[smem:$0x3FBA] =	sst s10  }
0x35: {  	s10 =	sld [smem:$0x3FB9];
	_ =	sdelay $0x3  }
0x36: {  	p1 =	seq.s32 s10, $0x1;
	s10 =	sld [smem:$0x3FBA];
	_ =	sdelay $0x3  }
0x37: {  	[smem:$0x3FBA] =	sst s10  }
0x38: {  	s10 =	sld [smem:$0x3FBB]  }
0x39: {  	_ = 	snop;
	(pc) =	sbr.ind lr, $3  }
0x3a: {  	_ = 	snop  }
0x3b: {  	_ = 	snop  }
0x3c: {  	p2 =	seq.s32 s10, $0x1;
	s10 =	sld [smem:$0x3FBA]  }
0x3d: {  	_ =	shalt  }
0x3e: {  	_ =	shalt  }
0x3f: {  	_ =	shalt  }
0x40: {  	_ =	shalt  }
0x41: {  	_ =	shalt  }
0x42: {  	_ =	shalt  }
0x43: {  	_ =	shalt  }
0x44: {  	_ =	shalt  }
0x45: {  	_ =	shalt  }
0x46: {  	_ =	shalt  }
0x47: {  	_ =	shalt  }
0x48: {  	_ =	shalt  }
0x49: {  	_ =	shalt  }
0x4a: {  	_ =	shalt  }
0x4b: {  	_ =	shalt  }
0x4c: {  	_ =	shalt  }
0x4d: {  	_ =	shalt  }
0x4e: {  	_ =	shalt  }
0x4f: {  	_ =	shalt  }
0x50: {  	_ =	shalt  }
0x51: {  	_ =	shalt  }
0x52: {  	_ =	shalt  }
0x53: {  	_ =	shalt  }
0x54: {  	_ =	shalt  }
0x55: {  	_ =	shalt  }
0x56: {  	_ =	shalt  }
0x57: {  	_ =	shalt  }
0x58: {  	_ =	shalt  }
0x59: {  	_ =	shalt  }
0x5a: {  	_ =	shalt  }
0x5b: {  	_ =	shalt  }
0x5c: {  	_ =	shalt  }
0x5d: {  	_ =	shalt  }
0x5e: {  	_ =	shalt  }
0x5f: {  	_ =	shalt  }
0x60: {  	_ =	shalt  }
0x61: {  	_ =	shalt  }
0x62: {  	_ =	shalt  }
0x63: {  	_ =	shalt  }
0x64: {  	_ =	shalt  }
0x65: {  	_ =	shalt  }
0x66: {  	_ =	shalt  }
0x67: {  	_ =	shalt  }
0x68: {  	_ =	shalt  }
0x69: {  	_ =	shalt  }
0x6a: {  	_ =	shalt  }
0x6b: {  	_ =	shalt  }
0x6c: {  	_ =	shalt  }
0x6d: {  	_ =	shalt  }
0x6e: {  	_ =	shalt  }
0x6f: {  	_ =	shalt  }
0x70: {  	_ =	shalt  }
0x71: {  	_ =	shalt  }
0x72: {  	_ =	shalt  }
0x73: {  	_ =	shalt  }
0x74: {  	_ =	shalt  }
0x75: {  	_ =	shalt  }
0x76: {  	_ =	shalt  }
0x77: {  	_ =	shalt  }
0x78: {  	_ =	shalt  }
0x79: {  	_ =	shalt  }
0x7a: {  	_ =	shalt  }
0x7b: {  	_ =	shalt  }
0x7c: {  	_ =	shalt  }
0x7d: {  	_ =	shalt  }
0x7e: {  	_ =	shalt  }
0x7f: {  	_ =	shalt  }
0x80: {  	_ =	shalt  }
0x81: {  	_ =	shalt  }
0x82: {  	_ =	shalt  }
0x83: {  	_ =	shalt  }
0x84: {  	_ =	shalt  }
0x85: {  	_ =	shalt  }
0x86: {  	_ =	shalt  }
0x87: {  	_ =	shalt  }
.Lfunc_end0:
.L_simem_size_0:
called_computation.1_lowered:
.L_overlay_start_0:
0x88: {  	s2 =	sld [smem:$0x3FD9]  }
0x89: {  	s3 =	sld [smem:$0x3FFE];
	_ =	sdelay $0x1  }
0x8a: {  	s1 =	srdreg.scid  }
0x8b: {  	s0 =	sand.u32 $0x1, s1  }
0x8c: {  	s17 =	sshll.u32 s0, $0xA;
	s2 =	sadd.s32 s3, s2  }
0x8d: {  	s2 =	sadd.s32 s2, s17  }
0x8e: {  	[smem:$0x3FC6] =	sst s2  }
0x8f: {  	_ = 	snop  }
0x90: {  	s2 =	sld [smem:$0x3FD0];
	(tm) =	ssettm $0x1  }
0x91: {  	s18 =	sld [smem:$0x3FFB];
	_ =	sdelay $0x3  }
0x92: {  	_ =	strace s18  }
0x93: {  	s3 =	sld [smem:$0x3FFC];
	_ =	sdelay $0x3  }
0x94: {  	_ =	strace s3  }
0x95: {  	s3 =	sld [smem:$0x3FFD];
	_ =	sdelay $0x3  }
0x96: {  	_ =	strace s3  }
0x97: {  	_ =	strace $0x8FFFFFFF  }
0x98: {  	s19 =	sld [smem:$0x3FDB];
	_ =	sdelay $0x1  }
0x99: {  	s4 =	simm.s32 $_scs_section_size  }
0x9a: {  	s5 =	simm.s32 $_size__tile_overlayer_lowered;
	s6 =	simm.s32 $_tile_overlayer_lowered  }
0x9b: {  	s22 =	simm.s32 $0x1BFF;
	s21 =	sshll.u32 s6, $0x1;
	s3 =	sadd.s32 s4, s19  }
0x9c: {  	s7 =	simm.s32 $0x0;
	s20 =	sshll.u32 s5, $0x1;
	s5 =	sadd.s32 s21, s3  }
0x9d: {  	[timem:s7], [sflag:s22] =	dma.local [hbm:s5], s20  }
0x9e: {  	_ =	swait.ge [sflag:s22], s20  }
0x9f: {  	s4 =	ssub.s32 $0x0, s20;
	[sflag:s22] =	ssyncset.done $0x0  }
0xa0: {  	[sflag:s22] =	ssyncadd.s32 s4;
	_ =	sdelay $0x1  }
0xa1: {  	s23 =	simm.s32 $0x1B8B  }
0xa2: {  	_ =	swait.ge [sflag:s23], $0x1  }
0xa3: {  	[sflag:s23] =	ssyncset.done $0x0  }
0xa4: {  	s25 =	simm.s32 $0x1B8E;
	s24 =	sld [smem:$0x3FFE];
	[sflag:s23] =	ssyncadd.s32 $0xFFFFFFFF  }
0xa5: {  	s26 =	simm.s32 $execute0_lowered;
	[smem:$0x3FD2] =	sst s25  }
0xa6: {  	s5 =	sshll.u32 s26, $0x1;
	_ =	strace $0x80000046;
	[dreg:$0x1] =	wrdreg $0xFFFFFFFF  }
0xa7: {  	s28 =	simm.s32 $_size_execute0_lowered;
	s3 =	sadd.s32 s3, s5;
	[dreg:$0x0] =	wrdreg $0x0  }
0xa8: {  	s5 =	sshll.u32 s28, $0x1;
	[dreg:$0x2] =	wrdreg s3  }
0xa9: {  	[dreg:$0x3] =	wrdreg s5  }
0xaa: {  	[dreg:$0x4] =	wrdreg $0xC0  }
0xab: {  	_ =	task [dreg:s7], $0x5FFFF  }
0xac: {  	[dreg:$0x1] =	wrdreg $0xFFFFFFFF  }
0xad: {  	[dreg:$0x0] =	wrdreg $0x60  }
0xae: {  	[dreg:$0x2] =	wrdreg s24  }
0xaf: {  	[dreg:$0x3] =	wrdreg s2  }
0xb0: {  	[dreg:$0x4] =	wrdreg $0x9  }
0xb1: {  	_ =	task.clear_ibuf [dreg:s7], $0x5FFFF;
	_ =	strace $0x90000046  }
0xb2: {  	s29 =	simm.s32 $0x9;
	_ =	strace $0x80000048  }
0xb3: {  	_ =	swait.ge [sflag:s29], $0x1  }
0xb4: {  	[sflag:s29] =	ssyncadd.s32 $0xFFFFFFFF  }
0xb5: {  	_ =	strace $0x90000048  }
0xb6: {  	_ =	sfence  }
0xb7: {  	s30 =	sld [smem:$0x0];
	_ =	sdelay $0x2  }
0xb8: {  	s31 =	sshll.u32 s1, $0xD;
	s1 =	sshrl.u32 s1, $0x2  }
0xb9: {  	s3 =	sand.u32 $0x4000, s31;
	s1 =	sadd.s32 s1, s30  }
0xba: {  	s0 =	sor.u32 s3, s0;
	s1 =	sshll.u32 s1, $0x11  }
0xbb: {  	s0 =	sor.u32 s1, s0  }
0xbc: {  	s0 =	sadd.s32 $0x8F2B, s0  }
0xbd: {  	[sflag:s0] =	ssyncadd.remote.s32 $0x1  }
0xbe: {  	_ =	sfence.sel $0xFFFF  }
0xbf: {  	[dreg:$0x0] =	wrdreg $0xFFFFFFFF;
	(pc) =	sbr.abs _section_cstart, $3  }
0xc0: {  	[dreg:$0x1] =	wrdreg $0xFFFFFFFF  }
0xc1: {  	_ =	task.clear_ibuf [dreg:s7], $0x2FFFF;
	_ =	strace $0x9FFFFFFF  }
0xc2: {  	(tm) =	ssettm $0x7FFFFFFF  }
0xc3: {  	_ =	shalt  }
tec
execute0_lowered:
.L_overlay_start_1:
0x0: {  	(tag) =	ssettag $0x1  }
0x1: {  	s3 =	rddreg [dreg:$0x0];
	s1 =	stileid.u32  }
0x2: {  	s13 =	rddreg [dreg:$0x1];
	s4 =	smul.u32 $0x6400, s1  }
0x3: {  	s5 =	srdreg.scid;
	s28 =	smul.u32 $0xC80000, s1  }
0x4: {  	s2 =	simm.s32 $0x0;
	s11 =	sand.u32 $0x1, s5;
	s16 =	smul.u32 $0x190000, s1  }
0x5: {  	[smem:$0x7FF] =	sst s2;
	s6 =	smul.u32 $0x640000, s11  }
0x6: {  	s0 =	rddreg [dreg:$0x2];
	_ =	strace $0x80000047;
	s15 =	smul.u32 $0x3200, s11  }
0x7: {  	s7 =	ssub.s32 $0x2, s11;
	s31 =	smul.u32 $0xC8000, s11;
	s10 =	sadd.s32 s4, s3  }
0x8: {  	s29 =	sshrl.u32 s7, $0x1;
	s3 =	sadd.s32 $0xA00, s3;
	s12 =	sadd.s32 s6, s28  }
0x9: {  	s4 =	ssub.s32 s7, s29;
	s15 =	sadd.s32 s15, s10;
	s5 =	sor.u32 $0x15E00, s12  }
0xa: {  	s4 =	smax.u32 s4, $0x1;
	s6 =	sor.u32 $0x12C00, s12;
	s30 =	sor.u32 $0xFA00, s12  }
0xb: {  	s8 =	sor.u32 $0xC800, s12;
	s9 =	sor.u32 $0x9600, s12;
	s14 =	sor.u32 $0x6400, s12  }
0xc: {  	s12 =	sor.u32 $0x3200, s12;
	s5 =	sshrl.u32 s5, $0x3;
	s6 =	sshrl.u32 s6, $0x3  }
0xd: {  	s7 =	sshrl.u32 s30, $0x3;
	s8 =	sshrl.u32 s8, $0x3;
	s9 =	sshrl.u32 s9, $0x3  }
.Ltmp0:
0xe: {  	s14 =	sshrl.u32 s14, $0x3;
	s12 =	sshrl.u32 s12, $0x3;
	(pc) =	sbr.rel .LBB2_1-.Ltmp0, $4  }
0xf: {  	s5 =	sadd.s32 s5, s13;
	s6 =	sadd.s32 s6, s13;
	s7 =	sadd.s32 s7, s13  }
0x10: {  	s8 =	sadd.s32 s8, s13;
	s9 =	sadd.s32 s9, s13;
	s10 =	sadd.s32 s14, s13  }
0x11: {  	s11 =	sadd.s32 s12, s13;
	s12 =	sadd.s32 $0x1200, s15;
	s13 =	sadd.s32 s16, s13  }
0x12: {  	vm0 =	vcmask $0x3F20;
	v0 =	vimm.s32 $0x0;
	vm1 =	vmmov $0xff;
	s14 =	simm.s32 $0x3;
	s15 =	simm.s32 $0x0;
	s13 =	sadd.s32 s31, s13  }
.LBB2_19:
0x13: {  	s15 =	sadd.s32 $0x1, s15  }
0x14: {  	p0 =	sne.s32 s15, s4  }
.Ltmp1:
0x15: {  	_ = 	snop;
	(pc) =	sbr.rel @!p0 .LBB2_20-.Ltmp1, $1  }
0x16: {  	_ =	sdelay $0x3  }
.LBB2_1:
.Ltmp2:
0x17: {  	(pc) =	sbr.rel .LBB2_2-.Ltmp2, $2  }
0x18: {  	_ =	sdelay $0x2  }
0x19: {  	s16 =	smov.u32 s12;
	s17 =	simm.s32 $0x0  }
.LBB2_18:
0x1a: {  	s18 =	sld [smem:$0x7FD]  }
0x1b: {  	s22 =	sld [smem:$0x7FC]  }
0x1c: {  	s23 =	sld [smem:$0x7FB]  }
0x1d: {  	s24 =	sld [smem:$0x7FA]  }
0x1e: {  	s25 =	sld [smem:$0x7F9]  }
0x1f: {  	s26 =	sld [smem:$0x7F8]  }
0x20: {  	s28 =	sld [smem:$0x7F7]  }
0x21: {  	s29 =	sld [smem:$0x7F6]  }
0x22: {  	s30 =	sld [smem:$0x7FD]  }
0x23: {  	p0 =	seq.s32 s18, $0x1;
	p3 =	seq.s32 s23, $0x1;
	p4 =	seq.s32 s24, $0x1  }
0x24: {  	p5 =	seq.s32 s25, $0x1;
	p6 =	seq.s32 s26, $0x1;
	p2 =	seq.s32 s28, $0x1  }
0x25: {  	s19 =	simm.s32 @!p0 $0x68;
	s20 =	simm.s32 @!p0 $0x640;
	s18 =	simm.s32 @!p0 $0xC80  }
0x26: {  	[tilespmem:s18], [sflag:$0x1] =	stream.indirect.gather @!p0 [hbm4b:s3+s19], $0x40, s20, s19, $0xb8;
	[tilespmem:$0x19C80] =	vst v63  }
0x27: {  	s21 =	simm.s32 @!p0 $0x2680;
	s19 =	simm.s32 @!p0 $0x60;
	s20 =	simm.s32 @!p0 $0x6A8  }
0x28: {  	[tilespmem:s21], [sflag:$0x1] =	stream.indirect.gather @!p0 [hbm4b:s3+s19], $0x40, s20, s19, $0xb8;
	[tilespmem:$0x19C80] =	vst v63  }
0x29: {  	p1 =	seq.s32 s29, $0x1;
	s23 =	simm.s32 @!p3 $0x8A80;
	p0 =	seq.s32 s22, $0x1  }
0x2a: {  	s20 =	simm.s32 @!p0 $0x68;
	s21 =	simm.s32 @!p0 $0x708;
	s19 =	simm.s32 @!p0 $0x3E80  }
0x2b: {  	[tilespmem:s19], [sflag:$0x1] =	stream.indirect.gather @!p0 [hbm4b:s3+s20], $0x40, s21, s20, $0xb8;
	[tilespmem:$0x19C80] =	vst v63  }
0x2c: {  	s22 =	simm.s32 @!p0 $0x5880;
	s20 =	simm.s32 @!p0 $0x60;
	s21 =	simm.s32 @!p0 $0x770  }
0x2d: {  	[tilespmem:s22], [sflag:$0x1] =	stream.indirect.gather @!p0 [hbm4b:s3+s20], $0x40, s21, s20, $0xb8;
	[tilespmem:$0x19C80] =	vst v63  }
0x2e: {  	s21 =	simm.s32 @!p3 $0x68;
	s22 =	simm.s32 @!p3 $0x7D0;
	s20 =	simm.s32 @!p3 $0x7080  }
0x2f: {  	[tilespmem:s20], [sflag:$0x1] =	stream.indirect.gather @!p3 [hbm4b:s3+s21], $0x40, s22, s21, $0xb8;
	[tilespmem:$0x19C80] =	vst v63  }
0x30: {  	s24 =	simm.s32 @!p4 $0xBC80;
	s21 =	simm.s32 @!p3 $0x60;
	s22 =	simm.s32 @!p3 $0x838  }
0x31: {  	[tilespmem:s23], [sflag:$0x1] =	stream.indirect.gather @!p3 [hbm4b:s3+s21], $0x40, s22, s21, $0xb8;
	[tilespmem:$0x19C80] =	vst v63  }
0x32: {  	s22 =	simm.s32 @!p4 $0x68;
	s23 =	simm.s32 @!p4 $0x898;
	s21 =	simm.s32 @!p4 $0xA280  }
0x33: {  	[tilespmem:s21], [sflag:$0x1] =	stream.indirect.gather @!p4 [hbm4b:s3+s22], $0x40, s23, s22, $0xb8;
	[tilespmem:$0x19C80] =	vst v63  }
0x34: {  	s25 =	simm.s32 @!p5 $0xEE80;
	s22 =	simm.s32 @!p4 $0x60;
	s23 =	simm.s32 @!p4 $0x900  }
0x35: {  	[tilespmem:s24], [sflag:$0x1] =	stream.indirect.gather @!p4 [hbm4b:s3+s22], $0x40, s23, s22, $0xb8;
	[tilespmem:$0x19C80] =	vst v63  }
0x36: {  	s23 =	simm.s32 @!p5 $0x68;
	s24 =	simm.s32 @!p5 $0x960;
	s22 =	simm.s32 @!p5 $0xD480  }
0x37: {  	[tilespmem:s22], [sflag:$0x1] =	stream.indirect.gather @!p5 [hbm4b:s3+s23], $0x40, s24, s23, $0xb8;
	[tilespmem:$0x19C80] =	vst v63  }
0x38: {  	s26 =	simm.s32 @!p6 $0x12080;
	s23 =	simm.s32 @!p5 $0x60;
	s24 =	simm.s32 @!p5 $0x9C8  }
0x39: {  	[tilespmem:s25], [sflag:$0x1] =	stream.indirect.gather @!p5 [hbm4b:s3+s23], $0x40, s24, s23, $0xb8;
	[tilespmem:$0x19C80] =	vst v63  }
0x3a: {  	s24 =	simm.s32 @!p6 $0x68;
	s25 =	simm.s32 @!p6 $0xA28;
	s23 =	simm.s32 @!p6 $0x10680  }
0x3b: {  	[tilespmem:s23], [sflag:$0x1] =	stream.indirect.gather @!p6 [hbm4b:s3+s24], $0x40, s25, s24, $0xb8;
	[tilespmem:$0x19C80] =	vst v63  }
0x3c: {  	s28 =	simm.s32 @!p2 $0x15280;
	s24 =	simm.s32 @!p6 $0x60;
	s25 =	simm.s32 @!p6 $0xA90  }
0x3d: {  	[tilespmem:s26], [sflag:$0x1] =	stream.indirect.gather @!p6 [hbm4b:s3+s24], $0x40, s25, s24, $0xb8;
	[tilespmem:$0x19C80] =	vst v63  }
0x3e: {  	s25 =	simm.s32 @!p2 $0x68;
	s26 =	simm.s32 @!p2 $0xAF0;
	s24 =	simm.s32 @!p2 $0x13880  }
0x3f: {  	[tilespmem:s24], [sflag:$0x1] =	stream.indirect.gather @!p2 [hbm4b:s3+s25], $0x40, s26, s25, $0xb8;
	[tilespmem:$0x19C80] =	vst v63  }
0x40: {  	s29 =	simm.s32 @!p1 $0x18480;
	s25 =	simm.s32 @!p2 $0x60;
	s26 =	simm.s32 @!p2 $0xB58  }
0x41: {  	[tilespmem:s28], [sflag:$0x1] =	stream.indirect.gather @!p2 [hbm4b:s3+s25], $0x40, s26, s25, $0xb8;
	[tilespmem:$0x19C80] =	vst v63  }
0x42: {  	s26 =	simm.s32 @!p1 $0x68;
	s28 =	simm.s32 @!p1 $0xBB8;
	s25 =	simm.s32 @!p1 $0x16A80  }
0x43: {  	[tilespmem:s25], [sflag:$0x1] =	stream.indirect.gather @!p1 [hbm4b:s3+s26], $0x40, s28, s26, $0xb8;
	[tilespmem:$0x19C80] =	vst v63  }
0x44: {  	p0 =	seq.s32 s30, $0x1;
	s26 =	simm.s32 @!p1 $0x60;
	s28 =	simm.s32 @!p1 $0xC20  }
0x45: {  	[tilespmem:s29], [sflag:$0x1] =	stream.indirect.gather @!p1 [hbm4b:s3+s26], $0x40, s28, s26, $0xb8;
	[tilespmem:$0x19C80] =	vst v63  }
0x46: {  	s26 =	simm.s32 @!p0 $0x1  }
0x47: {  	_ =	swait.ge @!p0 [sflag:s26], $0x1A00  }
0x48: {  	[sflag:s26] =	ssyncset.done @!p0 $0x0  }
0x49: {  	[sflag:s26] =	ssyncadd.s32 @!p0 $0xFFFFE600  }
0x4a: {  	_ =	swait.ge @!p0 [sflag:s26], $0x1800  }
0x4b: {  	s31 =	sld [smem:$0x7FC];
	_ =	sdelay $0x1  }
0x4c: {  	[sflag:s26] =	ssyncset.done @!p0 $0x0  }
0x4d: {  	[sflag:s26] =	ssyncadd.s32 @!p0 $0xFFFFE800;
	p0 =	seq.s32 s31, $0x1  }
0x4e: {  	s26 =	simm.s32 @!p0 $0x1  }
0x4f: {  	_ =	swait.ge @!p0 [sflag:s26], $0x1A00  }
0x50: {  	[sflag:s26] =	ssyncset.done @!p0 $0x0  }
0x51: {  	[sflag:s26] =	ssyncadd.s32 @!p0 $0xFFFFE600  }
0x52: {  	_ =	swait.ge @!p0 [sflag:s26], $0x1800  }
0x53: {  	[sflag:s26] =	ssyncset.done @!p0 $0x0  }
0x54: {  	[sflag:s26] =	ssyncadd.s32 @!p0 $0xFFFFE800;
	s26 =	simm.s32 @!p3 $0x1  }
0x55: {  	_ =	swait.ge @!p3 [sflag:s26], $0x1A00  }
0x56: {  	[sflag:s26] =	ssyncset.done @!p3 $0x0  }
0x57: {  	[sflag:s26] =	ssyncadd.s32 @!p3 $0xFFFFE600  }
0x58: {  	_ =	swait.ge @!p3 [sflag:s26], $0x1800  }
0x59: {  	[sflag:s26] =	ssyncset.done @!p3 $0x0  }
0x5a: {  	[sflag:s26] =	ssyncadd.s32 @!p3 $0xFFFFE800;
	s26 =	simm.s32 @!p4 $0x1  }
0x5b: {  	_ =	swait.ge @!p4 [sflag:s26], $0x1A00  }
0x5c: {  	[sflag:s26] =	ssyncset.done @!p4 $0x0  }
0x5d: {  	[sflag:s26] =	ssyncadd.s32 @!p4 $0xFFFFE600  }
0x5e: {  	_ =	swait.ge @!p4 [sflag:s26], $0x1800  }
0x5f: {  	[sflag:s26] =	ssyncset.done @!p4 $0x0  }
0x60: {  	[sflag:s26] =	ssyncadd.s32 @!p4 $0xFFFFE800;
	s26 =	simm.s32 @!p5 $0x1  }
0x61: {  	_ =	swait.ge @!p5 [sflag:s26], $0x1A00  }
0x62: {  	[sflag:s26] =	ssyncset.done @!p5 $0x0  }
0x63: {  	[sflag:s26] =	ssyncadd.s32 @!p5 $0xFFFFE600  }
0x64: {  	_ =	swait.ge @!p5 [sflag:s26], $0x1800  }
0x65: {  	[sflag:s26] =	ssyncset.done @!p5 $0x0  }
0x66: {  	[sflag:s26] =	ssyncadd.s32 @!p5 $0xFFFFE800;
	s26 =	simm.s32 @!p6 $0x1  }
0x67: {  	_ =	swait.ge @!p6 [sflag:s26], $0x1A00  }
0x68: {  	[sflag:s26] =	ssyncset.done @!p6 $0x0  }
0x69: {  	[sflag:s26] =	ssyncadd.s32 @!p6 $0xFFFFE600  }
0x6a: {  	_ =	swait.ge @!p6 [sflag:s26], $0x1800  }
0x6b: {  	[sflag:s26] =	ssyncset.done @!p6 $0x0  }
0x6c: {  	[sflag:s26] =	ssyncadd.s32 @!p6 $0xFFFFE800;
	s26 =	simm.s32 @!p2 $0x1  }
0x6d: {  	_ =	swait.ge @!p2 [sflag:s26], $0x1A00  }
0x6e: {  	[sflag:s26] =	ssyncset.done @!p2 $0x0  }
0x6f: {  	[sflag:s26] =	ssyncadd.s32 @!p2 $0xFFFFE600  }
0x70: {  	_ =	swait.ge @!p2 [sflag:s26], $0x1800  }
0x71: {  	[sflag:s26] =	ssyncset.done @!p2 $0x0  }
0x72: {  	[sflag:s26] =	ssyncadd.s32 @!p2 $0xFFFFE800;
	s26 =	simm.s32 @!p1 $0x1  }
0x73: {  	_ =	swait.ge @!p1 [sflag:s26], $0x1A00  }
0x74: {  	[sflag:s26] =	ssyncset.done @!p1 $0x0  }
0x75: {  	[sflag:s26] =	ssyncadd.s32 @!p1 $0xFFFFE600  }
0x76: {  	_ =	swait.ge @!p1 [sflag:s26], $0x1800  }
0x77: {  	s28 =	sld [smem:$0x7FD];
	_ =	sdelay $0x2  }
0x78: {  	[sflag:s26] =	ssyncset.done @!p1 $0x0;
	s29 =	sld [smem:$0x7FC];
	p0 =	seq.s32 s28, $0x1  }
0x79: {  	[sflag:s26] =	ssyncadd.s32 @!p1 $0xFFFFE800;
	s26 =	sadd.s32 @!p0 s17, s13;
	s28 =	simm.s32 @!p0 $0x0  }
0x7a: {  	[hbm4b:s26+s28] =	stream.linear.scatter @!p0 [tilespmem:s18], [sflag:$0x2], $0x3200, $0x38;
	[tilespmem:$0x19C80] =	vst v63  }
0x7b: {  	p0 =	seq.s32 s29, $0x1  }
0x7c: {  	s18 =	sadd.s32 @!p0 s17, s11;
	s26 =	simm.s32 @!p0 $0x0  }
0x7d: {  	[hbm4b:s18+s26] =	stream.linear.scatter @!p0 [tilespmem:s19], [sflag:$0x2], $0x3200, $0x38;
	[tilespmem:$0x19C80] =	vst v63  }
0x7e: {  	s18 =	sadd.s32 @!p3 s17, s10;
	s19 =	simm.s32 @!p3 $0x0  }
0x7f: {  	[hbm4b:s18+s19] =	stream.linear.scatter @!p3 [tilespmem:s20], [sflag:$0x2], $0x3200, $0x38;
	[tilespmem:$0x19C80] =	vst v63  }
0x80: {  	s18 =	sadd.s32 @!p4 s17, s9;
	s19 =	simm.s32 @!p4 $0x0  }
0x81: {  	[hbm4b:s18+s19] =	stream.linear.scatter @!p4 [tilespmem:s21], [sflag:$0x2], $0x3200, $0x38;
	[tilespmem:$0x19C80] =	vst v63  }
0x82: {  	s18 =	sadd.s32 @!p5 s17, s8;
	s19 =	simm.s32 @!p5 $0x0  }
0x83: {  	[hbm4b:s18+s19] =	stream.linear.scatter @!p5 [tilespmem:s22], [sflag:$0x2], $0x3200, $0x38;
	[tilespmem:$0x19C80] =	vst v63  }
0x84: {  	s30 =	sld [smem:$0x7FD];
	s18 =	sadd.s32 @!p6 s17, s7;
	s19 =	simm.s32 @!p6 $0x0  }
0x85: {  	[hbm4b:s18+s19] =	stream.linear.scatter @!p6 [tilespmem:s23], [sflag:$0x2], $0x3200, $0x38;
	[tilespmem:$0x19C80] =	vst v63  }
0x86: {  	s18 =	sadd.s32 @!p2 s17, s6;
	s19 =	simm.s32 @!p2 $0x0  }
0x87: {  	[hbm4b:s18+s19] =	stream.linear.scatter @!p2 [tilespmem:s24], [sflag:$0x2], $0x3200, $0x38;
	[tilespmem:$0x19C80] =	vst v63  }
0x88: {  	p0 =	seq.s32 s30, $0x1;
	s18 =	sadd.s32 @!p1 s17, s5;
	s19 =	simm.s32 @!p1 $0x0  }
0x89: {  	[hbm4b:s18+s19] =	stream.linear.scatter @!p1 [tilespmem:s25], [sflag:$0x2], $0x3200, $0x38;
	[tilespmem:$0x19C80] =	vst v63  }
0x8a: {  	s18 =	simm.s32 @!p0 $0x2  }
0x8b: {  	_ =	swait.ge @!p0 [sflag:s18], $0x3200  }
0x8c: {  	s31 =	sld [smem:$0x7FC];
	_ =	sdelay $0x1  }
0x8d: {  	[sflag:s18] =	ssyncset.done @!p0 $0x0  }
0x8e: {  	[sflag:s18] =	ssyncadd.s32 @!p0 $0xFFFFCE00;
	p0 =	seq.s32 s31, $0x1  }
0x8f: {  	s18 =	simm.s32 @!p0 $0x2  }
0x90: {  	_ =	swait.ge @!p0 [sflag:s18], $0x3200  }
0x91: {  	[sflag:s18] =	ssyncset.done @!p0 $0x0  }
0x92: {  	[sflag:s18] =	ssyncadd.s32 @!p0 $0xFFFFCE00;
	s18 =	simm.s32 @!p3 $0x2  }
0x93: {  	_ =	swait.ge @!p3 [sflag:s18], $0x3200  }
0x94: {  	[sflag:s18] =	ssyncset.done @!p3 $0x0  }
0x95: {  	[sflag:s18] =	ssyncadd.s32 @!p3 $0xFFFFCE00;
	s18 =	simm.s32 @!p4 $0x2  }
0x96: {  	_ =	swait.ge @!p4 [sflag:s18], $0x3200  }
0x97: {  	[sflag:s18] =	ssyncset.done @!p4 $0x0  }
0x98: {  	[sflag:s18] =	ssyncadd.s32 @!p4 $0xFFFFCE00;
	s18 =	simm.s32 @!p5 $0x2  }
0x99: {  	_ =	swait.ge @!p5 [sflag:s18], $0x3200  }
0x9a: {  	[sflag:s18] =	ssyncset.done @!p5 $0x0  }
0x9b: {  	[sflag:s18] =	ssyncadd.s32 @!p5 $0xFFFFCE00;
	s18 =	simm.s32 @!p6 $0x2  }
0x9c: {  	_ =	swait.ge @!p6 [sflag:s18], $0x3200  }
0x9d: {  	[sflag:s18] =	ssyncset.done @!p6 $0x0  }
0x9e: {  	s17 =	sadd.s32 $0x3200, s17;
	[sflag:s18] =	ssyncadd.s32 @!p6 $0xFFFFCE00;
	s18 =	simm.s32 @!p2 $0x2  }
0x9f: {  	p0 =	sne.s32 s17, $0xC8000;
	_ =	swait.ge @!p2 [sflag:s18], $0x3200  }
.Ltmp3:
0xa0: {  	[sflag:s18] =	ssyncset.done @!p2 $0x0;
	(pc) =	sbr.rel @!p0 .LBB2_19-.Ltmp3, $4  }
0xa1: {  	[sflag:s18] =	ssyncadd.s32 @!p2 $0xFFFFCE00;
	s18 =	simm.s32 @!p1 $0x2  }
0xa2: {  	_ =	swait.ge @!p1 [sflag:s18], $0x3200  }
0xa3: {  	[sflag:s18] =	ssyncset.done @!p1 $0x0  }
0xa4: {  	s16 =	sadd.s32 $0xC8, s16;
	[sflag:s18] =	ssyncadd.s32 @!p1 $0xFFFFCE00  }
.LBB2_2:
0xa5: {  	[tilespmem:s2], [sflag:$0x3] =	stream.linear.gather [hbm4b:s16+s2], $0x640, $0x38;
	[tilespmem:$0x19C80] =	vst v63  }
0xa6: {  	_ =	swait.ge [sflag:s14], $0x640  }
0xa7: {  	[sflag:s14] =	ssyncset.done $0x0  }
0xa8: {  	[sflag:s14] =	ssyncadd.s32 $0xFFFFF9C0  }
0xa9: {  	v1 =	vld [tilespmem:$0x0]  }
0xaa: {  	v2 =	vld [tilespmem:$0x10]  }
0xab: {  	v3 =	vld [tilespmem:$0x20]  }
0xac: {  	v4 =	vld [tilespmem:$0x30]  }
0xad: {  	v5 =	vld [tilespmem:$0x40]  }
0xae: {  	v6 =	vld [tilespmem:$0x50]  }
0xaf: {  	vm2 =	vne.s32 v1, $0x0;
	vm3 =	vne.s32 v2, $0x0;
	v2 =	vld [tilespmem:$0x60]  }
0xb0: {  	v1 =	vmpcnt.ones.xlane vm2;
	v7 =	vmpcnt.ones.xlane vm3;
	vm3 =	vne.s32 v3, $0x0;
	v3 =	vld [tilespmem:$0x70]  }
0xb1: {  	v55 =	vld [tilespmem:$0x80];
	v8 =	vmpcnt.ones.xlane vm3;
	vm3 =	vne.s32 v4, $0x0  }
0xb2: {  	v56 =	vld [tilespmem:$0x90];
	v7 =	vadd.s32 v1, v7;
	v9 =	vmpcnt.ones.xlane vm3;
	vm3 =	vne.s32 v5, $0x0  }
0xb3: {  	v58 =	vld [tilespmem:$0xA0];
	v7 =	vadd.s32 v8, v7;
	v57 =	vmpcnt.ones.xlane vm3;
	vm3 =	vne.s32 v6, $0x0  }
0xb4: {  	v7 =	vadd.s32 v9, v7;
	v59 =	vmpcnt.ones.xlane vm3;
	vm3 =	vne.s32 v2, $0x0;
	v2 =	vld [tilespmem:$0xB0]  }
0xb5: {  	v7 =	vadd.s32 v57, v7;
	v60 =	vmpcnt.ones.xlane vm3;
	vm3 =	vne.s32 v3, $0x0;
	v3 =	vld [tilespmem:$0xB8]  }
0xb6: {  	vm4 =	vne.s32 v55, $0x0;
	v7 =	vadd.s32 v59, v7;
	v61 =	vmpcnt.ones.xlane vm3  }
0xb7: {  	v62 =	vmpcnt.ones.xlane vm4;
	v7 =	vadd.s32 v60, v7  }
0xb8: {  	vm3 =	vne.s32 v56, $0x0;
	v4 =	vadd.s32 v61, v7  }
0xb9: {  	vm14 =	vne.s32 v58, $0x0;
	v5 =	vmpcnt.ones.xlane vm3;
	v4 =	vadd.s32 v62, v4  }
0xba: {  	vm3 =	vne.s32 v2, $0x0;
	v2 =	vmpcnt.ones.xlane vm14;
	vm15 =	vne.s32 v3, $0x0  }
0xbb: {  	v3 =	vmpcnt.ones.xlane vm3;
	v4 =	vadd.s32 v5, v4;
	vm3 =	vmand vm15, vm0  }
0xbc: {  	v2 =	vadd.s32 v2, v4;
	v63 =	vmpcnt.ones.xlane vm3  }
0xbd: {  	v2 =	vadd.s32 v3, v2  }
0xbe: {  	v2 =	vadd.s32 v63, v2  }
0xbf: {  	(v2sf) =	vpush v2, $0x0;
	_ =	sdelay $0xe  }
0xc0: {  	s18 =	spop (v2sf)  }
0xc1: {  	p0 =	seq.s32 s18, $0xC8  }
.Ltmp4:
0xc2: {  	_ = 	snop;
	(pc) =	sbr.rel @p0 .LBB2_4-.Ltmp4, $4  }
0xc3: {  	_ = 	snop  }
0xc4: {  	s18 =	simm.s32 @!p0 $0x0  }
0xc5: {  	s18 =	simm.s32 @p0 $0x1  }
0xc6: {  	[smem:$0x7FD] =	sst s18  }
0xc7: {  	v2 =	vld [tilespmem:$0x10]  }
0xc8: {  	v3 =	vld [tilespmem:$0x20]  }
0xc9: {  	v4 =	vld [tilespmem:$0x30]  }
0xca: {  	v33 =	vld [tilespmem:$0x50]  }
0xcb: {  	v35 =	vld [tilespmem:$0x60]  }
0xcc: {  	v5 =	vsel vm2, $0x1, v0;
	v37 =	vld [tilespmem:$0x80];
	vm5 =	vne.s32 v2, $0x0  }
0xcd: {  	(xrf0) =	vadd.scan.msk.s32 $0xffff, v5;
	vm7 =	vne.s32 v3, $0x0;
	v3 =	vld [tilespmem:$0x40];
	v2 =	vsel vm5, $0x1, v0  }
0xce: {  	v40 =	vld [tilespmem:$0x90];
	(xrf0) =	vadd.scan.msk.s32 $0xffff, v2;
	v2 =	vsel vm7, $0x1, v0  }
0xcf: {  	v41 =	vld [tilespmem:$0xA0];
	vm3 =	vne.s32 v4, $0x0;
	(xrf0) =	vadd.scan.msk.s32 $0xffff, v2  }
0xd0: {  	v11 =	vld [tilespmem:$0xB8];
	v2 =	vsel vm3, $0x1, v0  }
0xd1: {  	(xrf0) =	vadd.scan.msk.s32 $0xffff, v2  }
0xd2: {  	vm6 =	vne.s32 v33, $0x0;
	vm8 =	vne.s32 v35, $0x0;
	vm4 =	vne.s32 v3, $0x0  }
0xd3: {  	v7 =	vld [tilespmem:$0x70];
	vm12 =	vne.s32 v37, $0x0;
	vm13 =	vne.s32 v40, $0x0;
	v2, _, _ =	vpop (xrf0);
	v34 =	vsel vm4, $0x1, v0  }
0xd4: {  	vm14 =	vne.s32 v41, $0x0;
	v36 =	vsel vm6, $0x1, v0;
	v3 =	vmpcnt.ones.xlane vm5;
	v6, _, _ =	vpop (xrf0);
	(xrf0) =	vadd.scan.msk.s32 $0xffff, v34  }
0xd5: {  	vm15 =	vne.s32 v11, $0x0;
	v9 =	vmpcnt.ones.xlane vm7;
	v10 =	vmpcnt.ones.xlane vm3;
	v8, _, _ =	vpop (xrf0);
	(xrf0) =	vadd.scan.msk.s32 $0xffff, v36  }
0xd6: {  	v5 =	vsel vm8, $0x1, v0;
	v45 =	vsel vm12, $0x1, v0;
	v3 =	vadd.s32 v1, v3  }
0xd7: {  	v2 =	vnsel vm2, $0x0, v2;
	v38 =	vadd.s32 v3, v8;
	v3 =	vadd.s32 v3, v9;
	v39, _, _ =	vpop (xrf0)  }
0xd8: {  	v44 =	vld [tilespmem:$0xB0];
	vm2 =	vne.s32 v7, $0x0;
	v8 =	vadd.s32 v3, v39;
	v3 =	vadd.s32 v3, v10  }
0xd9: {  	[tilespmem:$0x640] =	vst v2;
	v2 =	vmpcnt.ones.xlane vm4;
	v43 =	vsel vm2, $0x1, v0;
	(xrf0) =	vadd.scan.msk.s32 $0xffff, v5  }
0xda: {  	v46 =	vmpcnt.ones.xlane vm6;
	v48 =	vsel vm13, $0x1, v0;
	v49 =	vmpcnt.ones.xlane vm8;
	v42, _, _ =	vpop (xrf0);
	(xrf0) =	vadd.scan.msk.s32 $0xffff, v43  }
0xdb: {  	v1 =	vadd.s32 v1, v6;
	v2 =	vadd.s32 v3, v2;
	v10 =	vadd.s32 v3, v42;
	v3, _, _ =	vpop (xrf0);
	(xrf0) =	vadd.scan.msk.s32 $0xffff, v45  }
0xdc: {  	v50 =	vsel vm14, $0x1, v0;
	v55 =	vsel vm15, $0x1, v0;
	v1 =	vnsel vm5, $0x0, v1  }
0xdd: {  	v56 =	vmpcnt.ones.xlane vm12;
	[tilespmem:$0x650] =	vst v1;
	v1 =	vnsel vm3, $0x0, v8;
	vm3 =	vne.s32 v44, $0x0  }
0xde: {  	v52 =	vmpcnt.ones.xlane vm2;
	v6 =	vnsel vm7, $0x0, v38;
	v53 =	vsel vm3, $0x1, v0;
	(xrf0) =	vadd.scan.msk.s32 $0xffff, v48  }
0xdf: {  	[tilespmem:$0x670] =	vst v1;
	v3 =	vadd.s32 v2, v3;
	v2 =	vadd.s32 v2, v46;
	v51, _, _ =	vpop (xrf0);
	(xrf0) =	vadd.scan.msk.s32 $0xffff, v50  }
0xe0: {  	v3 =	vnsel vm6, $0x0, v3;
	v4 =	vadd.s32 v2, v51;
	v2 =	vadd.s32 v2, v49;
	v54, _, _ =	vpop (xrf0);
	(xrf0) =	vadd.scan.msk.s32 $0xffff, v53  }
0xe1: {  	v5 =	vadd.s32 v2, v52;
	[tilespmem:$0x690] =	vst v3;
	v3 =	vmpcnt.ones.xlane vm13;
	v1, _, _ =	vpop (xrf0);
	(xrf0) =	vadd.scan.msk.s32 $0xffff, v55  }
0xe2: {  	v59 =	vmpcnt.ones.xlane vm14;
	[tilespmem:$0x660] =	vst v6;
	v47 =	vnsel vm4, $0x0, v10;
	v58 =	vadd.s32 v5, v56  }
0xe3: {  	[tilespmem:$0x680] =	vst v47;
	v4 =	vnsel vm8, $0x0, v4;
	v3 =	vadd.s32 v58, v3;
	v2 =	vadd.s32 v2, v54  }
0xe4: {  	[tilespmem:$0x6A0] =	vst v4;
	v1 =	vadd.s32 v5, v1;
	v2 =	vnsel vm2, $0x0, v2;
	v57, _, _ =	vpop (xrf0);
	vm2 =	vmand vm3, vm1  }
0xe5: {  	v1 =	vnsel vm12, $0x0, v1;
	v60, _, _ =	vpop (xrf0);
	v61 =	vmpcnt.ones.xlane vm2;
	[tilespmem:$0x6B0] =	vst v2;
	v2 =	vadd.s32 v58, v57  }
0xe6: {  	v2 =	vnsel vm13, $0x0, v2;
	[tilespmem:$0x6C0] =	vst v1;
	v1 =	vadd.s32 v3, v60;
	v3 =	vadd.s32 v3, v59;
	v62, _, _ =	vpop (xrf0)  }
0xe7: {  	v1 =	vnsel vm14, $0x0, v1;
	[tilespmem:$0x6D0] =	vst v2;
	v2 =	vadd.s32 v3, v62;
	v3 =	vadd.s32 v3, v61;
	v63, _, _ =	vpop (xrf0)  }
0xe8: {  	[tilespmem:$0x6E0] =	vst v1;
	v2 =	vnsel vm3, $0x0, v2;
	v1 =	vadd.s32 v63, v3  }
0xe9: {  	[tilespmem:$0x6F0] =	vst v2;
	v1 =	vnsel vm15, $0x0, v1  }
0xea: {  	[tilespmem:$0x6F8] =	vst v1  }
.LBB2_4:
0xeb: {  	v1 =	vld [tilespmem:$0xC8]  }
0xec: {  	v2 =	vld [tilespmem:$0xD8]  }
0xed: {  	v3 =	vld [tilespmem:$0xE8]  }
0xee: {  	v4 =	vld [tilespmem:$0xF8]  }
0xef: {  	v5 =	vld [tilespmem:$0x108]  }
0xf0: {  	v6 =	vld [tilespmem:$0x118]  }
0xf1: {  	vm2 =	vne.s32 v1, $0x0;
	vm3 =	vne.s32 v2, $0x0;
	v2 =	vld [tilespmem:$0x128]  }
0xf2: {  	v1 =	vmpcnt.ones.xlane vm2;
	v7 =	vmpcnt.ones.xlane vm3;
	vm3 =	vne.s32 v3, $0x0;
	v3 =	vld [tilespmem:$0x138]  }
0xf3: {  	v55 =	vld [tilespmem:$0x148];
	v8 =	vmpcnt.ones.xlane vm3;
	vm3 =	vne.s32 v4, $0x0  }
0xf4: {  	v56 =	vld [tilespmem:$0x158];
	v7 =	vadd.s32 v1, v7;
	v9 =	vmpcnt.ones.xlane vm3;
	vm3 =	vne.s32 v5, $0x0  }
0xf5: {  	v58 =	vld [tilespmem:$0x168];
	v7 =	vadd.s32 v8, v7;
	v57 =	vmpcnt.ones.xlane vm3;
	vm3 =	vne.s32 v6, $0x0  }
0xf6: {  	v7 =	vadd.s32 v9, v7;
	v59 =	vmpcnt.ones.xlane vm3;
	vm3 =	vne.s32 v2, $0x0;
	v2 =	vld [tilespmem:$0x178]  }
0xf7: {  	v7 =	vadd.s32 v57, v7;
	v60 =	vmpcnt.ones.xlane vm3;
	vm3 =	vne.s32 v3, $0x0;
	v3 =	vld [tilespmem:$0x180]  }
0xf8: {  	vm4 =	vne.s32 v55, $0x0;
	v7 =	vadd.s32 v59, v7;
	v61 =	vmpcnt.ones.xlane vm3  }
0xf9: {  	v62 =	vmpcnt.ones.xlane vm4;
	v7 =	vadd.s32 v60, v7  }
0xfa: {  	vm3 =	vne.s32 v56, $0x0;
	v4 =	vadd.s32 v61, v7  }
0xfb: {  	vm14 =	vne.s32 v58, $0x0;
	v5 =	vmpcnt.ones.xlane vm3;
	v4 =	vadd.s32 v62, v4  }
0xfc: {  	vm3 =	vne.s32 v2, $0x0;
	v2 =	vmpcnt.ones.xlane vm14;
	vm15 =	vne.s32 v3, $0x0  }
0xfd: {  	v3 =	vmpcnt.ones.xlane vm3;
	v4 =	vadd.s32 v5, v4;
	vm3 =	vmand vm15, vm0  }
0xfe: {  	v2 =	vadd.s32 v2, v4;
	v63 =	vmpcnt.ones.xlane vm3  }
0xff: {  	v2 =	vadd.s32 v3, v2  }
0x100: {  	v2 =	vadd.s32 v63, v2  }
0x101: {  	(v2sf) =	vpush v2, $0x0;
	_ =	sdelay $0xe  }
0x102: {  	s18 =	spop (v2sf)  }
0x103: {  	p0 =	seq.s32 s18, $0xC8  }
.Ltmp5:
0x104: {  	_ = 	snop;
	(pc) =	sbr.rel @p0 .LBB2_6-.Ltmp5, $4  }
0x105: {  	_ = 	snop  }
0x106: {  	s18 =	simm.s32 @!p0 $0x0  }
0x107: {  	s18 =	simm.s32 @p0 $0x1  }
0x108: {  	[smem:$0x7FC] =	sst s18  }
0x109: {  	v2 =	vld [tilespmem:$0xD8]  }
0x10a: {  	v3 =	vld [tilespmem:$0xE8]  }
0x10b: {  	v4 =	vld [tilespmem:$0xF8]  }
0x10c: {  	v33 =	vld [tilespmem:$0x118]  }
0x10d: {  	v35 =	vld [tilespmem:$0x128]  }
0x10e: {  	v5 =	vsel vm2, $0x1, v0;
	v37 =	vld [tilespmem:$0x148];
	vm5 =	vne.s32 v2, $0x0  }
0x10f: {  	(xrf0) =	vadd.scan.msk.s32 $0xffff, v5;
	vm7 =	vne.s32 v3, $0x0;
	v3 =	vld [tilespmem:$0x108];
	v2 =	vsel vm5, $0x1, v0  }
0x110: {  	v40 =	vld [tilespmem:$0x158];
	(xrf0) =	vadd.scan.msk.s32 $0xffff, v2;
	v2 =	vsel vm7, $0x1, v0  }
0x111: {  	v41 =	vld [tilespmem:$0x168];
	vm3 =	vne.s32 v4, $0x0;
	(xrf0) =	vadd.scan.msk.s32 $0xffff, v2  }
0x112: {  	v11 =	vld [tilespmem:$0x180];
	v2 =	vsel vm3, $0x1, v0  }
0x113: {  	(xrf0) =	vadd.scan.msk.s32 $0xffff, v2  }
0x114: {  	vm6 =	vne.s32 v33, $0x0;
	vm8 =	vne.s32 v35, $0x0;
	vm4 =	vne.s32 v3, $0x0  }
0x115: {  	v7 =	vld [tilespmem:$0x138];
	vm12 =	vne.s32 v37, $0x0;
	vm13 =	vne.s32 v40, $0x0;
	v2, _, _ =	vpop (xrf0);
	v34 =	vsel vm4, $0x1, v0  }
0x116: {  	vm14 =	vne.s32 v41, $0x0;
	v36 =	vsel vm6, $0x1, v0;
	v3 =	vmpcnt.ones.xlane vm5;
	v6, _, _ =	vpop (xrf0);
	(xrf0) =	vadd.scan.msk.s32 $0xffff, v34  }
0x117: {  	vm15 =	vne.s32 v11, $0x0;
	v9 =	vmpcnt.ones.xlane vm7;
	v10 =	vmpcnt.ones.xlane vm3;
	v8, _, _ =	vpop (xrf0);
	(xrf0) =	vadd.scan.msk.s32 $0xffff, v36  }
0x118: {  	v5 =	vsel vm8, $0x1, v0;
	v45 =	vsel vm12, $0x1, v0;
	v3 =	vadd.s32 v1, v3  }
0x119: {  	v2 =	vnsel vm2, $0x0, v2;
	v38 =	vadd.s32 v3, v8;
	v3 =	vadd.s32 v3, v9;
	v39, _, _ =	vpop (xrf0)  }
0x11a: {  	v44 =	vld [tilespmem:$0x178];
	vm2 =	vne.s32 v7, $0x0;
	v8 =	vadd.s32 v3, v39;
	v3 =	vadd.s32 v3, v10  }
0x11b: {  	[tilespmem:$0x708] =	vst v2;
	v2 =	vmpcnt.ones.xlane vm4;
	v43 =	vsel vm2, $0x1, v0;
	(xrf0) =	vadd.scan.msk.s32 $0xffff, v5  }
0x11c: {  	v46 =	vmpcnt.ones.xlane vm6;
	v48 =	vsel vm13, $0x1, v0;
	v49 =	vmpcnt.ones.xlane vm8;
	v42, _, _ =	vpop (xrf0);
	(xrf0) =	vadd.scan.msk.s32 $0xffff, v43  }
0x11d: {  	v1 =	vadd.s32 v1, v6;
	v2 =	vadd.s32 v3, v2;
	v10 =	vadd.s32 v3, v42;
	v3, _, _ =	vpop (xrf0);
	(xrf0) =	vadd.scan.msk.s32 $0xffff, v45  }
0x11e: {  	v50 =	vsel vm14, $0x1, v0;
	v55 =	vsel vm15, $0x1, v0;
	v1 =	vnsel vm5, $0x0, v1  }
0x11f: {  	v56 =	vmpcnt.ones.xlane vm12;
	[tilespmem:$0x718] =	vst v1;
	v1 =	vnsel vm3, $0x0, v8;
	vm3 =	vne.s32 v44, $0x0  }
0x120: {  	v52 =	vmpcnt.ones.xlane vm2;
	v6 =	vnsel vm7, $0x0, v38;
	v53 =	vsel vm3, $0x1, v0;
	(xrf0) =	vadd.scan.msk.s32 $0xffff, v48  }
0x121: {  	[tilespmem:$0x738] =	vst v1;
	v3 =	vadd.s32 v2, v3;
	v2 =	vadd.s32 v2, v46;
	v51, _, _ =	vpop (xrf0);
	(xrf0) =	vadd.scan.msk.s32 $0xffff, v50  }
0x122: {  	v3 =	vnsel vm6, $0x0, v3;
	v4 =	vadd.s32 v2, v51;
	v2 =	vadd.s32 v2, v49;
	v54, _, _ =	vpop (xrf0);
	(xrf0) =	vadd.scan.msk.s32 $0xffff, v53  }
0x123: {  	v5 =	vadd.s32 v2, v52;
	[tilespmem:$0x758] =	vst v3;
	v3 =	vmpcnt.ones.xlane vm13;
	v1, _, _ =	vpop (xrf0);
	(xrf0) =	vadd.scan.msk.s32 $0xffff, v55  }
0x124: {  	v59 =	vmpcnt.ones.xlane vm14;
	[tilespmem:$0x728] =	vst v6;
	v47 =	vnsel vm4, $0x0, v10;
	v58 =	vadd.s32 v5, v56  }
0x125: {  	[tilespmem:$0x748] =	vst v47;
	v4 =	vnsel vm8, $0x0, v4;
	v3 =	vadd.s32 v58, v3;
	v2 =	vadd.s32 v2, v54  }
0x126: {  	[tilespmem:$0x768] =	vst v4;
	v1 =	vadd.s32 v5, v1;
	v2 =	vnsel vm2, $0x0, v2;
	v57, _, _ =	vpop (xrf0);
	vm2 =	vmand vm3, vm1  }
0x127: {  	v1 =	vnsel vm12, $0x0, v1;
	v60, _, _ =	vpop (xrf0);
	v61 =	vmpcnt.ones.xlane vm2;
	[tilespmem:$0x778] =	vst v2;
	v2 =	vadd.s32 v58, v57  }
0x128: {  	v2 =	vnsel vm13, $0x0, v2;
	[tilespmem:$0x788] =	vst v1;
	v1 =	vadd.s32 v3, v60;
	v3 =	vadd.s32 v3, v59;
	v62, _, _ =	vpop (xrf0)  }
0x129: {  	v1 =	vnsel vm14, $0x0, v1;
	[tilespmem:$0x798] =	vst v2;
	v2 =	vadd.s32 v3, v62;
	v3 =	vadd.s32 v3, v61;
	v63, _, _ =	vpop (xrf0)  }
0x12a: {  	[tilespmem:$0x7A8] =	vst v1;
	v2 =	vnsel vm3, $0x0, v2;
	v1 =	vadd.s32 v63, v3  }
0x12b: {  	[tilespmem:$0x7B8] =	vst v2;
	v1 =	vnsel vm15, $0x0, v1  }
0x12c: {  	[tilespmem:$0x7C0] =	vst v1  }
.LBB2_6:
0x12d: {  	v1 =	vld [tilespmem:$0x190]  }
0x12e: {  	v2 =	vld [tilespmem:$0x1A0]  }
0x12f: {  	v3 =	vld [tilespmem:$0x1B0]  }
0x130: {  	v4 =	vld [tilespmem:$0x1C0]  }
0x131: {  	v5 =	vld [tilespmem:$0x1D0]  }
0x132: {  	v6 =	vld [tilespmem:$0x1E0]  }
0x133: {  	vm2 =	vne.s32 v1, $0x0;
	vm3 =	vne.s32 v2, $0x0;
	v2 =	vld [tilespmem:$0x1F0]  }
0x134: {  	v1 =	vmpcnt.ones.xlane vm2;
	v7 =	vmpcnt.ones.xlane vm3;
	vm3 =	vne.s32 v3, $0x0;
	v3 =	vld [tilespmem:$0x200]  }
0x135: {  	v55 =	vld [tilespmem:$0x210];
	v8 =	vmpcnt.ones.xlane vm3;
	vm3 =	vne.s32 v4, $0x0  }
0x136: {  	v56 =	vld [tilespmem:$0x220];
	v7 =	vadd.s32 v1, v7;
	v9 =	vmpcnt.ones.xlane vm3;
	vm3 =	vne.s32 v5, $0x0  }
0x137: {  	v58 =	vld [tilespmem:$0x230];
	v7 =	vadd.s32 v8, v7;
	v57 =	vmpcnt.ones.xlane vm3;
	vm3 =	vne.s32 v6, $0x0  }
0x138: {  	v7 =	vadd.s32 v9, v7;
	v59 =	vmpcnt.ones.xlane vm3;
	vm3 =	vne.s32 v2, $0x0;
	v2 =	vld [tilespmem:$0x240]  }
0x139: {  	v7 =	vadd.s32 v57, v7;
	v60 =	vmpcnt.ones.xlane vm3;
	vm3 =	vne.s32 v3, $0x0;
	v3 =	vld [tilespmem:$0x248]  }
0x13a: {  	vm4 =	vne.s32 v55, $0x0;
	v7 =	vadd.s32 v59, v7;
	v61 =	vmpcnt.ones.xlane vm3  }
0x13b: {  	v62 =	vmpcnt.ones.xlane vm4;
	v7 =	vadd.s32 v60, v7  }
0x13c: {  	vm3 =	vne.s32 v56, $0x0;
	v4 =	vadd.s32 v61, v7  }
0x13d: {  	vm14 =	vne.s32 v58, $0x0;
	v5 =	vmpcnt.ones.xlane vm3;
	v4 =	vadd.s32 v62, v4  }
0x13e: {  	vm3 =	vne.s32 v2, $0x0;
	v2 =	vmpcnt.ones.xlane vm14;
	vm15 =	vne.s32 v3, $0x0  }
0x13f: {  	v3 =	vmpcnt.ones.xlane vm3;
	v4 =	vadd.s32 v5, v4;
	vm3 =	vmand vm15, vm0  }
0x140: {  	v2 =	vadd.s32 v2, v4;
	v63 =	vmpcnt.ones.xlane vm3  }
0x141: {  	v2 =	vadd.s32 v3, v2  }
0x142: {  	v2 =	vadd.s32 v63, v2  }
0x143: {  	(v2sf) =	vpush v2, $0x0;
	_ =	sdelay $0xe  }
0x144: {  	s18 =	spop (v2sf)  }
0x145: {  	p0 =	seq.s32 s18, $0xC8  }
.Ltmp6:
0x146: {  	_ = 	snop;
	(pc) =	sbr.rel @p0 .LBB2_8-.Ltmp6, $4  }
0x147: {  	_ = 	snop  }
0x148: {  	s18 =	simm.s32 @!p0 $0x0  }
0x149: {  	s18 =	simm.s32 @p0 $0x1  }
0x14a: {  	[smem:$0x7FB] =	sst s18  }
0x14b: {  	v2 =	vld [tilespmem:$0x1A0]  }
0x14c: {  	v3 =	vld [tilespmem:$0x1B0]  }
0x14d: {  	v4 =	vld [tilespmem:$0x1C0]  }
0x14e: {  	v33 =	vld [tilespmem:$0x1E0]  }
0x14f: {  	v35 =	vld [tilespmem:$0x1F0]  }
0x150: {  	v5 =	vsel vm2, $0x1, v0;
	v37 =	vld [tilespmem:$0x210];
	vm5 =	vne.s32 v2, $0x0  }
0x151: {  	(xrf0) =	vadd.scan.msk.s32 $0xffff, v5;
	vm7 =	vne.s32 v3, $0x0;
	v3 =	vld [tilespmem:$0x1D0];
	v2 =	vsel vm5, $0x1, v0  }
0x152: {  	v40 =	vld [tilespmem:$0x220];
	(xrf0) =	vadd.scan.msk.s32 $0xffff, v2;
	v2 =	vsel vm7, $0x1, v0  }
0x153: {  	v41 =	vld [tilespmem:$0x230];
	vm3 =	vne.s32 v4, $0x0;
	(xrf0) =	vadd.scan.msk.s32 $0xffff, v2  }
0x154: {  	v11 =	vld [tilespmem:$0x248];
	v2 =	vsel vm3, $0x1, v0  }
0x155: {  	(xrf0) =	vadd.scan.msk.s32 $0xffff, v2  }
0x156: {  	vm6 =	vne.s32 v33, $0x0;
	vm8 =	vne.s32 v35, $0x0;
	vm4 =	vne.s32 v3, $0x0  }
0x157: {  	v7 =	vld [tilespmem:$0x200];
	vm12 =	vne.s32 v37, $0x0;
	vm13 =	vne.s32 v40, $0x0;
	v2, _, _ =	vpop (xrf0);
	v34 =	vsel vm4, $0x1, v0  }
0x158: {  	vm14 =	vne.s32 v41, $0x0;
	v36 =	vsel vm6, $0x1, v0;
	v3 =	vmpcnt.ones.xlane vm5;
	v6, _, _ =	vpop (xrf0);
	(xrf0) =	vadd.scan.msk.s32 $0xffff, v34  }
0x159: {  	vm15 =	vne.s32 v11, $0x0;
	v9 =	vmpcnt.ones.xlane vm7;
	v10 =	vmpcnt.ones.xlane vm3;
	v8, _, _ =	vpop (xrf0);
	(xrf0) =	vadd.scan.msk.s32 $0xffff, v36  }
0x15a: {  	v5 =	vsel vm8, $0x1, v0;
	v45 =	vsel vm12, $0x1, v0;
	v3 =	vadd.s32 v1, v3  }
0x15b: {  	v2 =	vnsel vm2, $0x0, v2;
	v38 =	vadd.s32 v3, v8;
	v3 =	vadd.s32 v3, v9;
	v39, _, _ =	vpop (xrf0)  }
0x15c: {  	v44 =	vld [tilespmem:$0x240];
	vm2 =	vne.s32 v7, $0x0;
	v8 =	vadd.s32 v3, v39;
	v3 =	vadd.s32 v3, v10  }
0x15d: {  	[tilespmem:$0x7D0] =	vst v2;
	v2 =	vmpcnt.ones.xlane vm4;
	v43 =	vsel vm2, $0x1, v0;
	(xrf0) =	vadd.scan.msk.s32 $0xffff, v5  }
0x15e: {  	v46 =	vmpcnt.ones.xlane vm6;
	v48 =	vsel vm13, $0x1, v0;
	v49 =	vmpcnt.ones.xlane vm8;
	v42, _, _ =	vpop (xrf0);
	(xrf0) =	vadd.scan.msk.s32 $0xffff, v43  }
0x15f: {  	v1 =	vadd.s32 v1, v6;
	v2 =	vadd.s32 v3, v2;
	v10 =	vadd.s32 v3, v42;
	v3, _, _ =	vpop (xrf0);
	(xrf0) =	vadd.scan.msk.s32 $0xffff, v45  }
0x160: {  	v50 =	vsel vm14, $0x1, v0;
	v55 =	vsel vm15, $0x1, v0;
	v1 =	vnsel vm5, $0x0, v1  }
0x161: {  	v56 =	vmpcnt.ones.xlane vm12;
	[tilespmem:$0x7E0] =	vst v1;
	v1 =	vnsel vm3, $0x0, v8;
	vm3 =	vne.s32 v44, $0x0  }
0x162: {  	v52 =	vmpcnt.ones.xlane vm2;
	v6 =	vnsel vm7, $0x0, v38;
	v53 =	vsel vm3, $0x1, v0;
	(xrf0) =	vadd.scan.msk.s32 $0xffff, v48  }
0x163: {  	[tilespmem:$0x800] =	vst v1;
	v3 =	vadd.s32 v2, v3;
	v2 =	vadd.s32 v2, v46;
	v51, _, _ =	vpop (xrf0);
	(xrf0) =	vadd.scan.msk.s32 $0xffff, v50  }
0x164: {  	v3 =	vnsel vm6, $0x0, v3;
	v4 =	vadd.s32 v2, v51;
	v2 =	vadd.s32 v2, v49;
	v54, _, _ =	vpop (xrf0);
	(xrf0) =	vadd.scan.msk.s32 $0xffff, v53  }
0x165: {  	v5 =	vadd.s32 v2, v52;
	[tilespmem:$0x820] =	vst v3;
	v3 =	vmpcnt.ones.xlane vm13;
	v1, _, _ =	vpop (xrf0);
	(xrf0) =	vadd.scan.msk.s32 $0xffff, v55  }
0x166: {  	v59 =	vmpcnt.ones.xlane vm14;
	[tilespmem:$0x7F0] =	vst v6;
	v47 =	vnsel vm4, $0x0, v10;
	v58 =	vadd.s32 v5, v56  }
0x167: {  	[tilespmem:$0x810] =	vst v47;
	v4 =	vnsel vm8, $0x0, v4;
	v3 =	vadd.s32 v58, v3;
	v2 =	vadd.s32 v2, v54  }
0x168: {  	[tilespmem:$0x830] =	vst v4;
	v1 =	vadd.s32 v5, v1;
	v2 =	vnsel vm2, $0x0, v2;
	v57, _, _ =	vpop (xrf0);
	vm2 =	vmand vm3, vm1  }
0x169: {  	v1 =	vnsel vm12, $0x0, v1;
	v60, _, _ =	vpop (xrf0);
	v61 =	vmpcnt.ones.xlane vm2;
	[tilespmem:$0x840] =	vst v2;
	v2 =	vadd.s32 v58, v57  }
0x16a: {  	v2 =	vnsel vm13, $0x0, v2;
	[tilespmem:$0x850] =	vst v1;
	v1 =	vadd.s32 v3, v60;
	v3 =	vadd.s32 v3, v59;
	v62, _, _ =	vpop (xrf0)  }
0x16b: {  	v1 =	vnsel vm14, $0x0, v1;
	[tilespmem:$0x860] =	vst v2;
	v2 =	vadd.s32 v3, v62;
	v3 =	vadd.s32 v3, v61;
	v63, _, _ =	vpop (xrf0)  }
0x16c: {  	[tilespmem:$0x870] =	vst v1;
	v2 =	vnsel vm3, $0x0, v2;
	v1 =	vadd.s32 v63, v3  }
0x16d: {  	[tilespmem:$0x880] =	vst v2;
	v1 =	vnsel vm15, $0x0, v1  }
0x16e: {  	[tilespmem:$0x888] =	vst v1  }
.LBB2_8:
0x16f: {  	v1 =	vld [tilespmem:$0x258]  }
0x170: {  	v2 =	vld [tilespmem:$0x268]  }
0x171: {  	v3 =	vld [tilespmem:$0x278]  }
0x172: {  	v4 =	vld [tilespmem:$0x288]  }
0x173: {  	v5 =	vld [tilespmem:$0x298]  }
0x174: {  	v6 =	vld [tilespmem:$0x2A8]  }
0x175: {  	vm2 =	vne.s32 v1, $0x0;
	vm3 =	vne.s32 v2, $0x0;
	v2 =	vld [tilespmem:$0x2B8]  }
0x176: {  	v1 =	vmpcnt.ones.xlane vm2;
	v7 =	vmpcnt.ones.xlane vm3;
	vm3 =	vne.s32 v3, $0x0;
	v3 =	vld [tilespmem:$0x2C8]  }
0x177: {  	v55 =	vld [tilespmem:$0x2D8];
	v8 =	vmpcnt.ones.xlane vm3;
	vm3 =	vne.s32 v4, $0x0  }
0x178: {  	v56 =	vld [tilespmem:$0x2E8];
	v7 =	vadd.s32 v1, v7;
	v9 =	vmpcnt.ones.xlane vm3;
	vm3 =	vne.s32 v5, $0x0  }
0x179: {  	v58 =	vld [tilespmem:$0x2F8];
	v7 =	vadd.s32 v8, v7;
	v57 =	vmpcnt.ones.xlane vm3;
	vm3 =	vne.s32 v6, $0x0  }
0x17a: {  	v7 =	vadd.s32 v9, v7;
	v59 =	vmpcnt.ones.xlane vm3;
	vm3 =	vne.s32 v2, $0x0;
	v2 =	vld [tilespmem:$0x308]  }
0x17b: {  	v7 =	vadd.s32 v57, v7;
	v60 =	vmpcnt.ones.xlane vm3;
	vm3 =	vne.s32 v3, $0x0;
	v3 =	vld [tilespmem:$0x310]  }
0x17c: {  	vm4 =	vne.s32 v55, $0x0;
	v7 =	vadd.s32 v59, v7;
	v61 =	vmpcnt.ones.xlane vm3  }
0x17d: {  	v62 =	vmpcnt.ones.xlane vm4;
	v7 =	vadd.s32 v60, v7  }
0x17e: {  	vm3 =	vne.s32 v56, $0x0;
	v4 =	vadd.s32 v61, v7  }
0x17f: {  	vm14 =	vne.s32 v58, $0x0;
	v5 =	vmpcnt.ones.xlane vm3;
	v4 =	vadd.s32 v62, v4  }
0x180: {  	vm3 =	vne.s32 v2, $0x0;
	v2 =	vmpcnt.ones.xlane vm14;
	vm15 =	vne.s32 v3, $0x0  }
0x181: {  	v3 =	vmpcnt.ones.xlane vm3;
	v4 =	vadd.s32 v5, v4;
	vm3 =	vmand vm15, vm0  }
0x182: {  	v2 =	vadd.s32 v2, v4;
	v63 =	vmpcnt.ones.xlane vm3  }
0x183: {  	v2 =	vadd.s32 v3, v2  }
0x184: {  	v2 =	vadd.s32 v63, v2  }
0x185: {  	(v2sf) =	vpush v2, $0x0;
	_ =	sdelay $0xe  }
0x186: {  	s18 =	spop (v2sf)  }
0x187: {  	p0 =	seq.s32 s18, $0xC8  }
.Ltmp7:
0x188: {  	_ = 	snop;
	(pc) =	sbr.rel @p0 .LBB2_10-.Ltmp7, $4  }
0x189: {  	_ = 	snop  }
0x18a: {  	s18 =	simm.s32 @!p0 $0x0  }
0x18b: {  	s18 =	simm.s32 @p0 $0x1  }
0x18c: {  	[smem:$0x7FA] =	sst s18  }
0x18d: {  	v2 =	vld [tilespmem:$0x268]  }
0x18e: {  	v3 =	vld [tilespmem:$0x278]  }
0x18f: {  	v4 =	vld [tilespmem:$0x288]  }
0x190: {  	v33 =	vld [tilespmem:$0x2A8]  }
0x191: {  	v35 =	vld [tilespmem:$0x2B8]  }
0x192: {  	v5 =	vsel vm2, $0x1, v0;
	v37 =	vld [tilespmem:$0x2D8];
	vm5 =	vne.s32 v2, $0x0  }
0x193: {  	(xrf0) =	vadd.scan.msk.s32 $0xffff, v5;
	vm7 =	vne.s32 v3, $0x0;
	v3 =	vld [tilespmem:$0x298];
	v2 =	vsel vm5, $0x1, v0  }
0x194: {  	v40 =	vld [tilespmem:$0x2E8];
	(xrf0) =	vadd.scan.msk.s32 $0xffff, v2;
	v2 =	vsel vm7, $0x1, v0  }
0x195: {  	v41 =	vld [tilespmem:$0x2F8];
	vm3 =	vne.s32 v4, $0x0;
	(xrf0) =	vadd.scan.msk.s32 $0xffff, v2  }
0x196: {  	v11 =	vld [tilespmem:$0x310];
	v2 =	vsel vm3, $0x1, v0  }
0x197: {  	(xrf0) =	vadd.scan.msk.s32 $0xffff, v2  }
0x198: {  	vm6 =	vne.s32 v33, $0x0;
	vm8 =	vne.s32 v35, $0x0;
	vm4 =	vne.s32 v3, $0x0  }
0x199: {  	v7 =	vld [tilespmem:$0x2C8];
	vm12 =	vne.s32 v37, $0x0;
	vm13 =	vne.s32 v40, $0x0;
	v2, _, _ =	vpop (xrf0);
	v34 =	vsel vm4, $0x1, v0  }
0x19a: {  	vm14 =	vne.s32 v41, $0x0;
	v36 =	vsel vm6, $0x1, v0;
	v3 =	vmpcnt.ones.xlane vm5;
	v6, _, _ =	vpop (xrf0);
	(xrf0) =	vadd.scan.msk.s32 $0xffff, v34  }
0x19b: {  	vm15 =	vne.s32 v11, $0x0;
	v9 =	vmpcnt.ones.xlane vm7;
	v10 =	vmpcnt.ones.xlane vm3;
	v8, _, _ =	vpop (xrf0);
	(xrf0) =	vadd.scan.msk.s32 $0xffff, v36  }
0x19c: {  	v5 =	vsel vm8, $0x1, v0;
	v45 =	vsel vm12, $0x1, v0;
	v3 =	vadd.s32 v1, v3  }
0x19d: {  	v2 =	vnsel vm2, $0x0, v2;
	v38 =	vadd.s32 v3, v8;
	v3 =	vadd.s32 v3, v9;
	v39, _, _ =	vpop (xrf0)  }
0x19e: {  	v44 =	vld [tilespmem:$0x308];
	vm2 =	vne.s32 v7, $0x0;
	v8 =	vadd.s32 v3, v39;
	v3 =	vadd.s32 v3, v10  }
0x19f: {  	[tilespmem:$0x898] =	vst v2;
	v2 =	vmpcnt.ones.xlane vm4;
	v43 =	vsel vm2, $0x1, v0;
	(xrf0) =	vadd.scan.msk.s32 $0xffff, v5  }
0x1a0: {  	v46 =	vmpcnt.ones.xlane vm6;
	v48 =	vsel vm13, $0x1, v0;
	v49 =	vmpcnt.ones.xlane vm8;
	v42, _, _ =	vpop (xrf0);
	(xrf0) =	vadd.scan.msk.s32 $0xffff, v43  }
0x1a1: {  	v1 =	vadd.s32 v1, v6;
	v2 =	vadd.s32 v3, v2;
	v10 =	vadd.s32 v3, v42;
	v3, _, _ =	vpop (xrf0);
	(xrf0) =	vadd.scan.msk.s32 $0xffff, v45  }
0x1a2: {  	v50 =	vsel vm14, $0x1, v0;
	v55 =	vsel vm15, $0x1, v0;
	v1 =	vnsel vm5, $0x0, v1  }
0x1a3: {  	v56 =	vmpcnt.ones.xlane vm12;
	[tilespmem:$0x8A8] =	vst v1;
	v1 =	vnsel vm3, $0x0, v8;
	vm3 =	vne.s32 v44, $0x0  }
0x1a4: {  	v52 =	vmpcnt.ones.xlane vm2;
	v6 =	vnsel vm7, $0x0, v38;
	v53 =	vsel vm3, $0x1, v0;
	(xrf0) =	vadd.scan.msk.s32 $0xffff, v48  }
0x1a5: {  	[tilespmem:$0x8C8] =	vst v1;
	v3 =	vadd.s32 v2, v3;
	v2 =	vadd.s32 v2, v46;
	v51, _, _ =	vpop (xrf0);
	(xrf0) =	vadd.scan.msk.s32 $0xffff, v50  }
0x1a6: {  	v3 =	vnsel vm6, $0x0, v3;
	v4 =	vadd.s32 v2, v51;
	v2 =	vadd.s32 v2, v49;
	v54, _, _ =	vpop (xrf0);
	(xrf0) =	vadd.scan.msk.s32 $0xffff, v53  }
0x1a7: {  	v5 =	vadd.s32 v2, v52;
	[tilespmem:$0x8E8] =	vst v3;
	v3 =	vmpcnt.ones.xlane vm13;
	v1, _, _ =	vpop (xrf0);
	(xrf0) =	vadd.scan.msk.s32 $0xffff, v55  }
0x1a8: {  	v59 =	vmpcnt.ones.xlane vm14;
	[tilespmem:$0x8B8] =	vst v6;
	v47 =	vnsel vm4, $0x0, v10;
	v58 =	vadd.s32 v5, v56  }
0x1a9: {  	[tilespmem:$0x8D8] =	vst v47;
	v4 =	vnsel vm8, $0x0, v4;
	v3 =	vadd.s32 v58, v3;
	v2 =	vadd.s32 v2, v54  }
0x1aa: {  	[tilespmem:$0x8F8] =	vst v4;
	v1 =	vadd.s32 v5, v1;
	v2 =	vnsel vm2, $0x0, v2;
	v57, _, _ =	vpop (xrf0);
	vm2 =	vmand vm3, vm1  }
0x1ab: {  	v1 =	vnsel vm12, $0x0, v1;
	v60, _, _ =	vpop (xrf0);
	v61 =	vmpcnt.ones.xlane vm2;
	[tilespmem:$0x908] =	vst v2;
	v2 =	vadd.s32 v58, v57  }
0x1ac: {  	v2 =	vnsel vm13, $0x0, v2;
	[tilespmem:$0x918] =	vst v1;
	v1 =	vadd.s32 v3, v60;
	v3 =	vadd.s32 v3, v59;
	v62, _, _ =	vpop (xrf0)  }
0x1ad: {  	v1 =	vnsel vm14, $0x0, v1;
	[tilespmem:$0x928] =	vst v2;
	v2 =	vadd.s32 v3, v62;
	v3 =	vadd.s32 v3, v61;
	v63, _, _ =	vpop (xrf0)  }
0x1ae: {  	[tilespmem:$0x938] =	vst v1;
	v2 =	vnsel vm3, $0x0, v2;
	v1 =	vadd.s32 v63, v3  }
0x1af: {  	[tilespmem:$0x948] =	vst v2;
	v1 =	vnsel vm15, $0x0, v1  }
0x1b0: {  	[tilespmem:$0x950] =	vst v1  }
.LBB2_10:
0x1b1: {  	v1 =	vld [tilespmem:$0x320]  }
0x1b2: {  	v2 =	vld [tilespmem:$0x330]  }
0x1b3: {  	v3 =	vld [tilespmem:$0x340]  }
0x1b4: {  	v4 =	vld [tilespmem:$0x350]  }
0x1b5: {  	v5 =	vld [tilespmem:$0x360]  }
0x1b6: {  	v6 =	vld [tilespmem:$0x370]  }
0x1b7: {  	vm2 =	vne.s32 v1, $0x0;
	vm3 =	vne.s32 v2, $0x0;
	v2 =	vld [tilespmem:$0x380]  }
0x1b8: {  	v1 =	vmpcnt.ones.xlane vm2;
	v7 =	vmpcnt.ones.xlane vm3;
	vm3 =	vne.s32 v3, $0x0;
	v3 =	vld [tilespmem:$0x390]  }
0x1b9: {  	v55 =	vld [tilespmem:$0x3A0];
	v8 =	vmpcnt.ones.xlane vm3;
	vm3 =	vne.s32 v4, $0x0  }
0x1ba: {  	v56 =	vld [tilespmem:$0x3B0];
	v7 =	vadd.s32 v1, v7;
	v9 =	vmpcnt.ones.xlane vm3;
	vm3 =	vne.s32 v5, $0x0  }
0x1bb: {  	v58 =	vld [tilespmem:$0x3C0];
	v7 =	vadd.s32 v8, v7;
	v57 =	vmpcnt.ones.xlane vm3;
	vm3 =	vne.s32 v6, $0x0  }
0x1bc: {  	v7 =	vadd.s32 v9, v7;
	v59 =	vmpcnt.ones.xlane vm3;
	vm3 =	vne.s32 v2, $0x0;
	v2 =	vld [tilespmem:$0x3D0]  }
0x1bd: {  	v7 =	vadd.s32 v57, v7;
	v60 =	vmpcnt.ones.xlane vm3;
	vm3 =	vne.s32 v3, $0x0;
	v3 =	vld [tilespmem:$0x3D8]  }
0x1be: {  	vm4 =	vne.s32 v55, $0x0;
	v7 =	vadd.s32 v59, v7;
	v61 =	vmpcnt.ones.xlane vm3  }
0x1bf: {  	v62 =	vmpcnt.ones.xlane vm4;
	v7 =	vadd.s32 v60, v7  }
0x1c0: {  	vm3 =	vne.s32 v56, $0x0;
	v4 =	vadd.s32 v61, v7  }
0x1c1: {  	vm14 =	vne.s32 v58, $0x0;
	v5 =	vmpcnt.ones.xlane vm3;
	v4 =	vadd.s32 v62, v4  }
0x1c2: {  	vm3 =	vne.s32 v2, $0x0;
	v2 =	vmpcnt.ones.xlane vm14;
	vm15 =	vne.s32 v3, $0x0  }
0x1c3: {  	v3 =	vmpcnt.ones.xlane vm3;
	v4 =	vadd.s32 v5, v4;
	vm3 =	vmand vm15, vm0  }
0x1c4: {  	v2 =	vadd.s32 v2, v4;
	v63 =	vmpcnt.ones.xlane vm3  }
0x1c5: {  	v2 =	vadd.s32 v3, v2  }
0x1c6: {  	v2 =	vadd.s32 v63, v2  }
0x1c7: {  	(v2sf) =	vpush v2, $0x0;
	_ =	sdelay $0xe  }
0x1c8: {  	s18 =	spop (v2sf)  }
0x1c9: {  	p0 =	seq.s32 s18, $0xC8  }
.Ltmp8:
0x1ca: {  	_ = 	snop;
	(pc) =	sbr.rel @p0 .LBB2_12-.Ltmp8, $4  }
0x1cb: {  	_ = 	snop  }
0x1cc: {  	s18 =	simm.s32 @!p0 $0x0  }
0x1cd: {  	s18 =	simm.s32 @p0 $0x1  }
0x1ce: {  	[smem:$0x7F9] =	sst s18  }
0x1cf: {  	v2 =	vld [tilespmem:$0x330]  }
0x1d0: {  	v3 =	vld [tilespmem:$0x340]  }
0x1d1: {  	v4 =	vld [tilespmem:$0x350]  }
0x1d2: {  	v33 =	vld [tilespmem:$0x370]  }
0x1d3: {  	v35 =	vld [tilespmem:$0x380]  }
0x1d4: {  	v5 =	vsel vm2, $0x1, v0;
	v37 =	vld [tilespmem:$0x3A0];
	vm5 =	vne.s32 v2, $0x0  }
0x1d5: {  	(xrf0) =	vadd.scan.msk.s32 $0xffff, v5;
	vm7 =	vne.s32 v3, $0x0;
	v3 =	vld [tilespmem:$0x360];
	v2 =	vsel vm5, $0x1, v0  }
0x1d6: {  	v40 =	vld [tilespmem:$0x3B0];
	(xrf0) =	vadd.scan.msk.s32 $0xffff, v2;
	v2 =	vsel vm7, $0x1, v0  }
0x1d7: {  	v41 =	vld [tilespmem:$0x3C0];
	vm3 =	vne.s32 v4, $0x0;
	(xrf0) =	vadd.scan.msk.s32 $0xffff, v2  }
0x1d8: {  	v11 =	vld [tilespmem:$0x3D8];
	v2 =	vsel vm3, $0x1, v0  }
0x1d9: {  	(xrf0) =	vadd.scan.msk.s32 $0xffff, v2  }
0x1da: {  	vm6 =	vne.s32 v33, $0x0;
	vm8 =	vne.s32 v35, $0x0;
	vm4 =	vne.s32 v3, $0x0  }
0x1db: {  	v7 =	vld [tilespmem:$0x390];
	vm12 =	vne.s32 v37, $0x0;
	vm13 =	vne.s32 v40, $0x0;
	v2, _, _ =	vpop (xrf0);
	v34 =	vsel vm4, $0x1, v0  }
0x1dc: {  	vm14 =	vne.s32 v41, $0x0;
	v36 =	vsel vm6, $0x1, v0;
	v3 =	vmpcnt.ones.xlane vm5;
	v6, _, _ =	vpop (xrf0);
	(xrf0) =	vadd.scan.msk.s32 $0xffff, v34  }
0x1dd: {  	vm15 =	vne.s32 v11, $0x0;
	v9 =	vmpcnt.ones.xlane vm7;
	v10 =	vmpcnt.ones.xlane vm3;
	v8, _, _ =	vpop (xrf0);
	(xrf0) =	vadd.scan.msk.s32 $0xffff, v36  }
0x1de: {  	v5 =	vsel vm8, $0x1, v0;
	v45 =	vsel vm12, $0x1, v0;
	v3 =	vadd.s32 v1, v3  }
0x1df: {  	v2 =	vnsel vm2, $0x0, v2;
	v38 =	vadd.s32 v3, v8;
	v3 =	vadd.s32 v3, v9;
	v39, _, _ =	vpop (xrf0)  }
0x1e0: {  	v44 =	vld [tilespmem:$0x3D0];
	vm2 =	vne.s32 v7, $0x0;
	v8 =	vadd.s32 v3, v39;
	v3 =	vadd.s32 v3, v10  }
0x1e1: {  	[tilespmem:$0x960] =	vst v2;
	v2 =	vmpcnt.ones.xlane vm4;
	v43 =	vsel vm2, $0x1, v0;
	(xrf0) =	vadd.scan.msk.s32 $0xffff, v5  }
0x1e2: {  	v46 =	vmpcnt.ones.xlane vm6;
	v48 =	vsel vm13, $0x1, v0;
	v49 =	vmpcnt.ones.xlane vm8;
	v42, _, _ =	vpop (xrf0);
	(xrf0) =	vadd.scan.msk.s32 $0xffff, v43  }
0x1e3: {  	v1 =	vadd.s32 v1, v6;
	v2 =	vadd.s32 v3, v2;
	v10 =	vadd.s32 v3, v42;
	v3, _, _ =	vpop (xrf0);
	(xrf0) =	vadd.scan.msk.s32 $0xffff, v45  }
0x1e4: {  	v50 =	vsel vm14, $0x1, v0;
	v55 =	vsel vm15, $0x1, v0;
	v1 =	vnsel vm5, $0x0, v1  }
0x1e5: {  	v56 =	vmpcnt.ones.xlane vm12;
	[tilespmem:$0x970] =	vst v1;
	v1 =	vnsel vm3, $0x0, v8;
	vm3 =	vne.s32 v44, $0x0  }
0x1e6: {  	v52 =	vmpcnt.ones.xlane vm2;
	v6 =	vnsel vm7, $0x0, v38;
	v53 =	vsel vm3, $0x1, v0;
	(xrf0) =	vadd.scan.msk.s32 $0xffff, v48  }
0x1e7: {  	[tilespmem:$0x990] =	vst v1;
	v3 =	vadd.s32 v2, v3;
	v2 =	vadd.s32 v2, v46;
	v51, _, _ =	vpop (xrf0);
	(xrf0) =	vadd.scan.msk.s32 $0xffff, v50  }
0x1e8: {  	v3 =	vnsel vm6, $0x0, v3;
	v4 =	vadd.s32 v2, v51;
	v2 =	vadd.s32 v2, v49;
	v54, _, _ =	vpop (xrf0);
	(xrf0) =	vadd.scan.msk.s32 $0xffff, v53  }
0x1e9: {  	v5 =	vadd.s32 v2, v52;
	[tilespmem:$0x9B0] =	vst v3;
	v3 =	vmpcnt.ones.xlane vm13;
	v1, _, _ =	vpop (xrf0);
	(xrf0) =	vadd.scan.msk.s32 $0xffff, v55  }
0x1ea: {  	v59 =	vmpcnt.ones.xlane vm14;
	[tilespmem:$0x980] =	vst v6;
	v47 =	vnsel vm4, $0x0, v10;
	v58 =	vadd.s32 v5, v56  }
0x1eb: {  	[tilespmem:$0x9A0] =	vst v47;
	v4 =	vnsel vm8, $0x0, v4;
	v3 =	vadd.s32 v58, v3;
	v2 =	vadd.s32 v2, v54  }
0x1ec: {  	[tilespmem:$0x9C0] =	vst v4;
	v1 =	vadd.s32 v5, v1;
	v2 =	vnsel vm2, $0x0, v2;
	v57, _, _ =	vpop (xrf0);
	vm2 =	vmand vm3, vm1  }
0x1ed: {  	v1 =	vnsel vm12, $0x0, v1;
	v60, _, _ =	vpop (xrf0);
	v61 =	vmpcnt.ones.xlane vm2;
	[tilespmem:$0x9D0] =	vst v2;
	v2 =	vadd.s32 v58, v57  }
0x1ee: {  	v2 =	vnsel vm13, $0x0, v2;
	[tilespmem:$0x9E0] =	vst v1;
	v1 =	vadd.s32 v3, v60;
	v3 =	vadd.s32 v3, v59;
	v62, _, _ =	vpop (xrf0)  }
0x1ef: {  	v1 =	vnsel vm14, $0x0, v1;
	[tilespmem:$0x9F0] =	vst v2;
	v2 =	vadd.s32 v3, v62;
	v3 =	vadd.s32 v3, v61;
	v63, _, _ =	vpop (xrf0)  }
0x1f0: {  	[tilespmem:$0xA00] =	vst v1;
	v2 =	vnsel vm3, $0x0, v2;
	v1 =	vadd.s32 v63, v3  }
0x1f1: {  	[tilespmem:$0xA10] =	vst v2;
	v1 =	vnsel vm15, $0x0, v1  }
0x1f2: {  	[tilespmem:$0xA18] =	vst v1  }
.LBB2_12:
0x1f3: {  	v1 =	vld [tilespmem:$0x3E8]  }
0x1f4: {  	v2 =	vld [tilespmem:$0x3F8]  }
0x1f5: {  	v3 =	vld [tilespmem:$0x408]  }
0x1f6: {  	v4 =	vld [tilespmem:$0x418]  }
0x1f7: {  	v5 =	vld [tilespmem:$0x428]  }
0x1f8: {  	v6 =	vld [tilespmem:$0x438]  }
0x1f9: {  	vm2 =	vne.s32 v1, $0x0;
	vm3 =	vne.s32 v2, $0x0;
	v2 =	vld [tilespmem:$0x448]  }
0x1fa: {  	v1 =	vmpcnt.ones.xlane vm2;
	v7 =	vmpcnt.ones.xlane vm3;
	vm3 =	vne.s32 v3, $0x0;
	v3 =	vld [tilespmem:$0x458]  }
0x1fb: {  	v55 =	vld [tilespmem:$0x468];
	v8 =	vmpcnt.ones.xlane vm3;
	vm3 =	vne.s32 v4, $0x0  }
0x1fc: {  	v56 =	vld [tilespmem:$0x478];
	v7 =	vadd.s32 v1, v7;
	v9 =	vmpcnt.ones.xlane vm3;
	vm3 =	vne.s32 v5, $0x0  }
0x1fd: {  	v58 =	vld [tilespmem:$0x488];
	v7 =	vadd.s32 v8, v7;
	v57 =	vmpcnt.ones.xlane vm3;
	vm3 =	vne.s32 v6, $0x0  }
0x1fe: {  	v7 =	vadd.s32 v9, v7;
	v59 =	vmpcnt.ones.xlane vm3;
	vm3 =	vne.s32 v2, $0x0;
	v2 =	vld [tilespmem:$0x498]  }
0x1ff: {  	v7 =	vadd.s32 v57, v7;
	v60 =	vmpcnt.ones.xlane vm3;
	vm3 =	vne.s32 v3, $0x0;
	v3 =	vld [tilespmem:$0x4A0]  }
0x200: {  	vm4 =	vne.s32 v55, $0x0;
	v7 =	vadd.s32 v59, v7;
	v61 =	vmpcnt.ones.xlane vm3  }
0x201: {  	v62 =	vmpcnt.ones.xlane vm4;
	v7 =	vadd.s32 v60, v7  }
0x202: {  	vm3 =	vne.s32 v56, $0x0;
	v4 =	vadd.s32 v61, v7  }
0x203: {  	vm14 =	vne.s32 v58, $0x0;
	v5 =	vmpcnt.ones.xlane vm3;
	v4 =	vadd.s32 v62, v4  }
0x204: {  	vm3 =	vne.s32 v2, $0x0;
	v2 =	vmpcnt.ones.xlane vm14;
	vm15 =	vne.s32 v3, $0x0  }
0x205: {  	v3 =	vmpcnt.ones.xlane vm3;
	v4 =	vadd.s32 v5, v4;
	vm3 =	vmand vm15, vm0  }
0x206: {  	v2 =	vadd.s32 v2, v4;
	v63 =	vmpcnt.ones.xlane vm3  }
0x207: {  	v2 =	vadd.s32 v3, v2  }
0x208: {  	v2 =	vadd.s32 v63, v2  }
0x209: {  	(v2sf) =	vpush v2, $0x0;
	_ =	sdelay $0xe  }
0x20a: {  	s18 =	spop (v2sf)  }
0x20b: {  	p0 =	seq.s32 s18, $0xC8  }
.Ltmp9:
0x20c: {  	_ = 	snop;
	(pc) =	sbr.rel @p0 .LBB2_14-.Ltmp9, $4  }
0x20d: {  	_ = 	snop  }
0x20e: {  	s18 =	simm.s32 @!p0 $0x0  }
0x20f: {  	s18 =	simm.s32 @p0 $0x1  }
0x210: {  	[smem:$0x7F8] =	sst s18  }
0x211: {  	v2 =	vld [tilespmem:$0x3F8]  }
0x212: {  	v3 =	vld [tilespmem:$0x408]  }
0x213: {  	v4 =	vld [tilespmem:$0x418]  }
0x214: {  	v33 =	vld [tilespmem:$0x438]  }
0x215: {  	v35 =	vld [tilespmem:$0x448]  }
0x216: {  	v5 =	vsel vm2, $0x1, v0;
	v37 =	vld [tilespmem:$0x468];
	vm5 =	vne.s32 v2, $0x0  }
0x217: {  	(xrf0) =	vadd.scan.msk.s32 $0xffff, v5;
	vm7 =	vne.s32 v3, $0x0;
	v3 =	vld [tilespmem:$0x428];
	v2 =	vsel vm5, $0x1, v0  }
0x218: {  	v40 =	vld [tilespmem:$0x478];
	(xrf0) =	vadd.scan.msk.s32 $0xffff, v2;
	v2 =	vsel vm7, $0x1, v0  }
0x219: {  	v41 =	vld [tilespmem:$0x488];
	vm3 =	vne.s32 v4, $0x0;
	(xrf0) =	vadd.scan.msk.s32 $0xffff, v2  }
0x21a: {  	v11 =	vld [tilespmem:$0x4A0];
	v2 =	vsel vm3, $0x1, v0  }
0x21b: {  	(xrf0) =	vadd.scan.msk.s32 $0xffff, v2  }
0x21c: {  	vm6 =	vne.s32 v33, $0x0;
	vm8 =	vne.s32 v35, $0x0;
	vm4 =	vne.s32 v3, $0x0  }
0x21d: {  	v7 =	vld [tilespmem:$0x458];
	vm12 =	vne.s32 v37, $0x0;
	vm13 =	vne.s32 v40, $0x0;
	v2, _, _ =	vpop (xrf0);
	v34 =	vsel vm4, $0x1, v0  }
0x21e: {  	vm14 =	vne.s32 v41, $0x0;
	v36 =	vsel vm6, $0x1, v0;
	v3 =	vmpcnt.ones.xlane vm5;
	v6, _, _ =	vpop (xrf0);
	(xrf0) =	vadd.scan.msk.s32 $0xffff, v34  }
0x21f: {  	vm15 =	vne.s32 v11, $0x0;
	v9 =	vmpcnt.ones.xlane vm7;
	v10 =	vmpcnt.ones.xlane vm3;
	v8, _, _ =	vpop (xrf0);
	(xrf0) =	vadd.scan.msk.s32 $0xffff, v36  }
0x220: {  	v5 =	vsel vm8, $0x1, v0;
	v45 =	vsel vm12, $0x1, v0;
	v3 =	vadd.s32 v1, v3  }
0x221: {  	v2 =	vnsel vm2, $0x0, v2;
	v38 =	vadd.s32 v3, v8;
	v3 =	vadd.s32 v3, v9;
	v39, _, _ =	vpop (xrf0)  }
0x222: {  	v44 =	vld [tilespmem:$0x498];
	vm2 =	vne.s32 v7, $0x0;
	v8 =	vadd.s32 v3, v39;
	v3 =	vadd.s32 v3, v10  }
0x223: {  	[tilespmem:$0xA28] =	vst v2;
	v2 =	vmpcnt.ones.xlane vm4;
	v43 =	vsel vm2, $0x1, v0;
	(xrf0) =	vadd.scan.msk.s32 $0xffff, v5  }
0x224: {  	v46 =	vmpcnt.ones.xlane vm6;
	v48 =	vsel vm13, $0x1, v0;
	v49 =	vmpcnt.ones.xlane vm8;
	v42, _, _ =	vpop (xrf0);
	(xrf0) =	vadd.scan.msk.s32 $0xffff, v43  }
0x225: {  	v1 =	vadd.s32 v1, v6;
	v2 =	vadd.s32 v3, v2;
	v10 =	vadd.s32 v3, v42;
	v3, _, _ =	vpop (xrf0);
	(xrf0) =	vadd.scan.msk.s32 $0xffff, v45  }
0x226: {  	v50 =	vsel vm14, $0x1, v0;
	v55 =	vsel vm15, $0x1, v0;
	v1 =	vnsel vm5, $0x0, v1  }
0x227: {  	v56 =	vmpcnt.ones.xlane vm12;
	[tilespmem:$0xA38] =	vst v1;
	v1 =	vnsel vm3, $0x0, v8;
	vm3 =	vne.s32 v44, $0x0  }
0x228: {  	v52 =	vmpcnt.ones.xlane vm2;
	v6 =	vnsel vm7, $0x0, v38;
	v53 =	vsel vm3, $0x1, v0;
	(xrf0) =	vadd.scan.msk.s32 $0xffff, v48  }
0x229: {  	[tilespmem:$0xA58] =	vst v1;
	v3 =	vadd.s32 v2, v3;
	v2 =	vadd.s32 v2, v46;
	v51, _, _ =	vpop (xrf0);
	(xrf0) =	vadd.scan.msk.s32 $0xffff, v50  }
0x22a: {  	v3 =	vnsel vm6, $0x0, v3;
	v4 =	vadd.s32 v2, v51;
	v2 =	vadd.s32 v2, v49;
	v54, _, _ =	vpop (xrf0);
	(xrf0) =	vadd.scan.msk.s32 $0xffff, v53  }
0x22b: {  	v5 =	vadd.s32 v2, v52;
	[tilespmem:$0xA78] =	vst v3;
	v3 =	vmpcnt.ones.xlane vm13;
	v1, _, _ =	vpop (xrf0);
	(xrf0) =	vadd.scan.msk.s32 $0xffff, v55  }
0x22c: {  	v59 =	vmpcnt.ones.xlane vm14;
	[tilespmem:$0xA48] =	vst v6;
	v47 =	vnsel vm4, $0x0, v10;
	v58 =	vadd.s32 v5, v56  }
0x22d: {  	[tilespmem:$0xA68] =	vst v47;
	v4 =	vnsel vm8, $0x0, v4;
	v3 =	vadd.s32 v58, v3;
	v2 =	vadd.s32 v2, v54  }
0x22e: {  	[tilespmem:$0xA88] =	vst v4;
	v1 =	vadd.s32 v5, v1;
	v2 =	vnsel vm2, $0x0, v2;
	v57, _, _ =	vpop (xrf0);
	vm2 =	vmand vm3, vm1  }
0x22f: {  	v1 =	vnsel vm12, $0x0, v1;
	v60, _, _ =	vpop (xrf0);
	v61 =	vmpcnt.ones.xlane vm2;
	[tilespmem:$0xA98] =	vst v2;
	v2 =	vadd.s32 v58, v57  }
0x230: {  	v2 =	vnsel vm13, $0x0, v2;
	[tilespmem:$0xAA8] =	vst v1;
	v1 =	vadd.s32 v3, v60;
	v3 =	vadd.s32 v3, v59;
	v62, _, _ =	vpop (xrf0)  }
0x231: {  	v1 =	vnsel vm14, $0x0, v1;
	[tilespmem:$0xAB8] =	vst v2;
	v2 =	vadd.s32 v3, v62;
	v3 =	vadd.s32 v3, v61;
	v63, _, _ =	vpop (xrf0)  }
0x232: {  	[tilespmem:$0xAC8] =	vst v1;
	v2 =	vnsel vm3, $0x0, v2;
	v1 =	vadd.s32 v63, v3  }
0x233: {  	[tilespmem:$0xAD8] =	vst v2;
	v1 =	vnsel vm15, $0x0, v1  }
0x234: {  	[tilespmem:$0xAE0] =	vst v1  }
.LBB2_14:
0x235: {  	v1 =	vld [tilespmem:$0x4B0]  }
0x236: {  	v2 =	vld [tilespmem:$0x4C0]  }
0x237: {  	v3 =	vld [tilespmem:$0x4D0]  }
0x238: {  	v4 =	vld [tilespmem:$0x4E0]  }
0x239: {  	v5 =	vld [tilespmem:$0x4F0]  }
0x23a: {  	v6 =	vld [tilespmem:$0x500]  }
0x23b: {  	vm2 =	vne.s32 v1, $0x0;
	vm3 =	vne.s32 v2, $0x0;
	v2 =	vld [tilespmem:$0x510]  }
0x23c: {  	v1 =	vmpcnt.ones.xlane vm2;
	v7 =	vmpcnt.ones.xlane vm3;
	vm3 =	vne.s32 v3, $0x0;
	v3 =	vld [tilespmem:$0x520]  }
0x23d: {  	v55 =	vld [tilespmem:$0x530];
	v8 =	vmpcnt.ones.xlane vm3;
	vm3 =	vne.s32 v4, $0x0  }
0x23e: {  	v56 =	vld [tilespmem:$0x540];
	v7 =	vadd.s32 v1, v7;
	v9 =	vmpcnt.ones.xlane vm3;
	vm3 =	vne.s32 v5, $0x0  }
0x23f: {  	v58 =	vld [tilespmem:$0x550];
	v7 =	vadd.s32 v8, v7;
	v57 =	vmpcnt.ones.xlane vm3;
	vm3 =	vne.s32 v6, $0x0  }
0x240: {  	v7 =	vadd.s32 v9, v7;
	v59 =	vmpcnt.ones.xlane vm3;
	vm3 =	vne.s32 v2, $0x0;
	v2 =	vld [tilespmem:$0x560]  }
0x241: {  	v7 =	vadd.s32 v57, v7;
	v60 =	vmpcnt.ones.xlane vm3;
	vm3 =	vne.s32 v3, $0x0;
	v3 =	vld [tilespmem:$0x568]  }
0x242: {  	vm4 =	vne.s32 v55, $0x0;
	v7 =	vadd.s32 v59, v7;
	v61 =	vmpcnt.ones.xlane vm3  }
0x243: {  	v62 =	vmpcnt.ones.xlane vm4;
	v7 =	vadd.s32 v60, v7  }
0x244: {  	vm3 =	vne.s32 v56, $0x0;
	v4 =	vadd.s32 v61, v7  }
0x245: {  	vm14 =	vne.s32 v58, $0x0;
	v5 =	vmpcnt.ones.xlane vm3;
	v4 =	vadd.s32 v62, v4  }
0x246: {  	vm3 =	vne.s32 v2, $0x0;
	v2 =	vmpcnt.ones.xlane vm14;
	vm15 =	vne.s32 v3, $0x0  }
0x247: {  	v3 =	vmpcnt.ones.xlane vm3;
	v4 =	vadd.s32 v5, v4;
	vm3 =	vmand vm15, vm0  }
0x248: {  	v2 =	vadd.s32 v2, v4;
	v63 =	vmpcnt.ones.xlane vm3  }
0x249: {  	v2 =	vadd.s32 v3, v2  }
0x24a: {  	v2 =	vadd.s32 v63, v2  }
0x24b: {  	(v2sf) =	vpush v2, $0x0;
	_ =	sdelay $0xe  }
0x24c: {  	s18 =	spop (v2sf)  }
0x24d: {  	p0 =	seq.s32 s18, $0xC8  }
.Ltmp10:
0x24e: {  	_ = 	snop;
	(pc) =	sbr.rel @p0 .LBB2_16-.Ltmp10, $4  }
0x24f: {  	_ = 	snop  }
0x250: {  	s18 =	simm.s32 @!p0 $0x0  }
0x251: {  	s18 =	simm.s32 @p0 $0x1  }
0x252: {  	[smem:$0x7F7] =	sst s18  }
0x253: {  	v2 =	vld [tilespmem:$0x4C0]  }
0x254: {  	v3 =	vld [tilespmem:$0x4D0]  }
0x255: {  	v4 =	vld [tilespmem:$0x4E0]  }
0x256: {  	v33 =	vld [tilespmem:$0x500]  }
0x257: {  	v35 =	vld [tilespmem:$0x510]  }
0x258: {  	v5 =	vsel vm2, $0x1, v0;
	v37 =	vld [tilespmem:$0x530];
	vm5 =	vne.s32 v2, $0x0  }
0x259: {  	(xrf0) =	vadd.scan.msk.s32 $0xffff, v5;
	vm7 =	vne.s32 v3, $0x0;
	v3 =	vld [tilespmem:$0x4F0];
	v2 =	vsel vm5, $0x1, v0  }
0x25a: {  	v40 =	vld [tilespmem:$0x540];
	(xrf0) =	vadd.scan.msk.s32 $0xffff, v2;
	v2 =	vsel vm7, $0x1, v0  }
0x25b: {  	v41 =	vld [tilespmem:$0x550];
	vm3 =	vne.s32 v4, $0x0;
	(xrf0) =	vadd.scan.msk.s32 $0xffff, v2  }
0x25c: {  	v11 =	vld [tilespmem:$0x568];
	v2 =	vsel vm3, $0x1, v0  }
0x25d: {  	(xrf0) =	vadd.scan.msk.s32 $0xffff, v2  }
0x25e: {  	vm6 =	vne.s32 v33, $0x0;
	vm8 =	vne.s32 v35, $0x0;
	vm4 =	vne.s32 v3, $0x0  }
0x25f: {  	v7 =	vld [tilespmem:$0x520];
	vm12 =	vne.s32 v37, $0x0;
	vm13 =	vne.s32 v40, $0x0;
	v2, _, _ =	vpop (xrf0);
	v34 =	vsel vm4, $0x1, v0  }
0x260: {  	vm14 =	vne.s32 v41, $0x0;
	v36 =	vsel vm6, $0x1, v0;
	v3 =	vmpcnt.ones.xlane vm5;
	v6, _, _ =	vpop (xrf0);
	(xrf0) =	vadd.scan.msk.s32 $0xffff, v34  }
0x261: {  	vm15 =	vne.s32 v11, $0x0;
	v9 =	vmpcnt.ones.xlane vm7;
	v10 =	vmpcnt.ones.xlane vm3;
	v8, _, _ =	vpop (xrf0);
	(xrf0) =	vadd.scan.msk.s32 $0xffff, v36  }
0x262: {  	v5 =	vsel vm8, $0x1, v0;
	v45 =	vsel vm12, $0x1, v0;
	v3 =	vadd.s32 v1, v3  }
0x263: {  	v2 =	vnsel vm2, $0x0, v2;
	v38 =	vadd.s32 v3, v8;
	v3 =	vadd.s32 v3, v9;
	v39, _, _ =	vpop (xrf0)  }
0x264: {  	v44 =	vld [tilespmem:$0x560];
	vm2 =	vne.s32 v7, $0x0;
	v8 =	vadd.s32 v3, v39;
	v3 =	vadd.s32 v3, v10  }
0x265: {  	[tilespmem:$0xAF0] =	vst v2;
	v2 =	vmpcnt.ones.xlane vm4;
	v43 =	vsel vm2, $0x1, v0;
	(xrf0) =	vadd.scan.msk.s32 $0xffff, v5  }
0x266: {  	v46 =	vmpcnt.ones.xlane vm6;
	v48 =	vsel vm13, $0x1, v0;
	v49 =	vmpcnt.ones.xlane vm8;
	v42, _, _ =	vpop (xrf0);
	(xrf0) =	vadd.scan.msk.s32 $0xffff, v43  }
0x267: {  	v1 =	vadd.s32 v1, v6;
	v2 =	vadd.s32 v3, v2;
	v10 =	vadd.s32 v3, v42;
	v3, _, _ =	vpop (xrf0);
	(xrf0) =	vadd.scan.msk.s32 $0xffff, v45  }
0x268: {  	v50 =	vsel vm14, $0x1, v0;
	v55 =	vsel vm15, $0x1, v0;
	v1 =	vnsel vm5, $0x0, v1  }
0x269: {  	v56 =	vmpcnt.ones.xlane vm12;
	[tilespmem:$0xB00] =	vst v1;
	v1 =	vnsel vm3, $0x0, v8;
	vm3 =	vne.s32 v44, $0x0  }
0x26a: {  	v52 =	vmpcnt.ones.xlane vm2;
	v6 =	vnsel vm7, $0x0, v38;
	v53 =	vsel vm3, $0x1, v0;
	(xrf0) =	vadd.scan.msk.s32 $0xffff, v48  }
0x26b: {  	[tilespmem:$0xB20] =	vst v1;
	v3 =	vadd.s32 v2, v3;
	v2 =	vadd.s32 v2, v46;
	v51, _, _ =	vpop (xrf0);
	(xrf0) =	vadd.scan.msk.s32 $0xffff, v50  }
0x26c: {  	v3 =	vnsel vm6, $0x0, v3;
	v4 =	vadd.s32 v2, v51;
	v2 =	vadd.s32 v2, v49;
	v54, _, _ =	vpop (xrf0);
	(xrf0) =	vadd.scan.msk.s32 $0xffff, v53  }
0x26d: {  	v5 =	vadd.s32 v2, v52;
	[tilespmem:$0xB40] =	vst v3;
	v3 =	vmpcnt.ones.xlane vm13;
	v1, _, _ =	vpop (xrf0);
	(xrf0) =	vadd.scan.msk.s32 $0xffff, v55  }
0x26e: {  	v59 =	vmpcnt.ones.xlane vm14;
	[tilespmem:$0xB10] =	vst v6;
	v47 =	vnsel vm4, $0x0, v10;
	v58 =	vadd.s32 v5, v56  }
0x26f: {  	[tilespmem:$0xB30] =	vst v47;
	v4 =	vnsel vm8, $0x0, v4;
	v3 =	vadd.s32 v58, v3;
	v2 =	vadd.s32 v2, v54  }
0x270: {  	[tilespmem:$0xB50] =	vst v4;
	v1 =	vadd.s32 v5, v1;
	v2 =	vnsel vm2, $0x0, v2;
	v57, _, _ =	vpop (xrf0);
	vm2 =	vmand vm3, vm1  }
0x271: {  	v1 =	vnsel vm12, $0x0, v1;
	v60, _, _ =	vpop (xrf0);
	v61 =	vmpcnt.ones.xlane vm2;
	[tilespmem:$0xB60] =	vst v2;
	v2 =	vadd.s32 v58, v57  }
0x272: {  	v2 =	vnsel vm13, $0x0, v2;
	[tilespmem:$0xB70] =	vst v1;
	v1 =	vadd.s32 v3, v60;
	v3 =	vadd.s32 v3, v59;
	v62, _, _ =	vpop (xrf0)  }
0x273: {  	v1 =	vnsel vm14, $0x0, v1;
	[tilespmem:$0xB80] =	vst v2;
	v2 =	vadd.s32 v3, v62;
	v3 =	vadd.s32 v3, v61;
	v63, _, _ =	vpop (xrf0)  }
0x274: {  	[tilespmem:$0xB90] =	vst v1;
	v2 =	vnsel vm3, $0x0, v2;
	v1 =	vadd.s32 v63, v3  }
0x275: {  	[tilespmem:$0xBA0] =	vst v2;
	v1 =	vnsel vm15, $0x0, v1  }
0x276: {  	[tilespmem:$0xBA8] =	vst v1  }
.LBB2_16:
0x277: {  	v1 =	vld [tilespmem:$0x578]  }
0x278: {  	v2 =	vld [tilespmem:$0x588]  }
0x279: {  	v3 =	vld [tilespmem:$0x598]  }
0x27a: {  	v4 =	vld [tilespmem:$0x5A8]  }
0x27b: {  	v5 =	vld [tilespmem:$0x5B8]  }
0x27c: {  	v6 =	vld [tilespmem:$0x5C8]  }
0x27d: {  	vm2 =	vne.s32 v1, $0x0;
	vm3 =	vne.s32 v2, $0x0;
	v2 =	vld [tilespmem:$0x5D8]  }
0x27e: {  	v1 =	vmpcnt.ones.xlane vm2;
	v7 =	vmpcnt.ones.xlane vm3;
	vm3 =	vne.s32 v3, $0x0;
	v3 =	vld [tilespmem:$0x5E8]  }
0x27f: {  	v55 =	vld [tilespmem:$0x5F8];
	v8 =	vmpcnt.ones.xlane vm3;
	vm3 =	vne.s32 v4, $0x0  }
0x280: {  	v56 =	vld [tilespmem:$0x608];
	v7 =	vadd.s32 v1, v7;
	v9 =	vmpcnt.ones.xlane vm3;
	vm3 =	vne.s32 v5, $0x0  }
0x281: {  	v58 =	vld [tilespmem:$0x618];
	v7 =	vadd.s32 v8, v7;
	v57 =	vmpcnt.ones.xlane vm3;
	vm3 =	vne.s32 v6, $0x0  }
0x282: {  	v7 =	vadd.s32 v9, v7;
	v59 =	vmpcnt.ones.xlane vm3;
	vm3 =	vne.s32 v2, $0x0;
	v2 =	vld [tilespmem:$0x628]  }
0x283: {  	v7 =	vadd.s32 v57, v7;
	v60 =	vmpcnt.ones.xlane vm3;
	vm3 =	vne.s32 v3, $0x0;
	v3 =	vld [tilespmem:$0x630]  }
0x284: {  	vm4 =	vne.s32 v55, $0x0;
	v7 =	vadd.s32 v59, v7;
	v61 =	vmpcnt.ones.xlane vm3  }
0x285: {  	v62 =	vmpcnt.ones.xlane vm4;
	v7 =	vadd.s32 v60, v7  }
0x286: {  	vm3 =	vne.s32 v56, $0x0;
	v4 =	vadd.s32 v61, v7  }
0x287: {  	vm14 =	vne.s32 v58, $0x0;
	v5 =	vmpcnt.ones.xlane vm3;
	v4 =	vadd.s32 v62, v4  }
0x288: {  	vm3 =	vne.s32 v2, $0x0;
	v2 =	vmpcnt.ones.xlane vm14;
	vm15 =	vne.s32 v3, $0x0  }
0x289: {  	v3 =	vmpcnt.ones.xlane vm3;
	v4 =	vadd.s32 v5, v4;
	vm3 =	vmand vm15, vm0  }
0x28a: {  	v2 =	vadd.s32 v2, v4;
	v63 =	vmpcnt.ones.xlane vm3  }
0x28b: {  	v2 =	vadd.s32 v3, v2  }
0x28c: {  	v2 =	vadd.s32 v63, v2  }
0x28d: {  	(v2sf) =	vpush v2, $0x0;
	_ =	sdelay $0xe  }
0x28e: {  	s18 =	spop (v2sf)  }
0x28f: {  	p0 =	seq.s32 s18, $0xC8  }
.Ltmp11:
0x290: {  	_ = 	snop;
	(pc) =	sbr.rel @p0 .LBB2_18-.Ltmp11, $4  }
0x291: {  	_ = 	snop  }
0x292: {  	s18 =	simm.s32 @!p0 $0x0  }
0x293: {  	s18 =	simm.s32 @p0 $0x1  }
0x294: {  	[smem:$0x7F6] =	sst s18  }
0x295: {  	v2 =	vld [tilespmem:$0x588]  }
0x296: {  	v3 =	vld [tilespmem:$0x598]  }
0x297: {  	v4 =	vld [tilespmem:$0x5A8]  }
0x298: {  	v33 =	vld [tilespmem:$0x5C8]  }
0x299: {  	v35 =	vld [tilespmem:$0x5D8]  }
0x29a: {  	v5 =	vsel vm2, $0x1, v0;
	v37 =	vld [tilespmem:$0x5F8];
	vm5 =	vne.s32 v2, $0x0  }
0x29b: {  	(xrf0) =	vadd.scan.msk.s32 $0xffff, v5;
	vm7 =	vne.s32 v3, $0x0;
	v3 =	vld [tilespmem:$0x5B8];
	v2 =	vsel vm5, $0x1, v0  }
0x29c: {  	v40 =	vld [tilespmem:$0x608];
	(xrf0) =	vadd.scan.msk.s32 $0xffff, v2;
	v2 =	vsel vm7, $0x1, v0  }
0x29d: {  	v41 =	vld [tilespmem:$0x618];
	vm3 =	vne.s32 v4, $0x0;
	(xrf0) =	vadd.scan.msk.s32 $0xffff, v2  }
0x29e: {  	v11 =	vld [tilespmem:$0x630];
	v2 =	vsel vm3, $0x1, v0  }
0x29f: {  	(xrf0) =	vadd.scan.msk.s32 $0xffff, v2  }
0x2a0: {  	vm6 =	vne.s32 v33, $0x0;
	vm8 =	vne.s32 v35, $0x0;
	vm4 =	vne.s32 v3, $0x0  }
0x2a1: {  	v7 =	vld [tilespmem:$0x5E8];
	vm12 =	vne.s32 v37, $0x0;
	vm13 =	vne.s32 v40, $0x0;
	v2, _, _ =	vpop (xrf0);
	v34 =	vsel vm4, $0x1, v0  }
0x2a2: {  	vm14 =	vne.s32 v41, $0x0;
	v36 =	vsel vm6, $0x1, v0;
	v3 =	vmpcnt.ones.xlane vm5;
	v6, _, _ =	vpop (xrf0);
	(xrf0) =	vadd.scan.msk.s32 $0xffff, v34  }
0x2a3: {  	vm15 =	vne.s32 v11, $0x0;
	v9 =	vmpcnt.ones.xlane vm7;
	v10 =	vmpcnt.ones.xlane vm3;
	v8, _, _ =	vpop (xrf0);
	(xrf0) =	vadd.scan.msk.s32 $0xffff, v36  }
0x2a4: {  	v5 =	vsel vm8, $0x1, v0;
	v45 =	vsel vm12, $0x1, v0;
	v3 =	vadd.s32 v1, v3  }
0x2a5: {  	v2 =	vnsel vm2, $0x0, v2;
	v38 =	vadd.s32 v3, v8;
	v3 =	vadd.s32 v3, v9;
	v39, _, _ =	vpop (xrf0)  }
0x2a6: {  	v44 =	vld [tilespmem:$0x628];
	vm2 =	vne.s32 v7, $0x0;
	v8 =	vadd.s32 v3, v39;
	v3 =	vadd.s32 v3, v10  }
0x2a7: {  	[tilespmem:$0xBB8] =	vst v2;
	v2 =	vmpcnt.ones.xlane vm4;
	v43 =	vsel vm2, $0x1, v0;
	(xrf0) =	vadd.scan.msk.s32 $0xffff, v5  }
0x2a8: {  	v46 =	vmpcnt.ones.xlane vm6;
	v48 =	vsel vm13, $0x1, v0;
	v49 =	vmpcnt.ones.xlane vm8;
	v42, _, _ =	vpop (xrf0);
	(xrf0) =	vadd.scan.msk.s32 $0xffff, v43  }
0x2a9: {  	v1 =	vadd.s32 v1, v6;
	v2 =	vadd.s32 v3, v2;
	v10 =	vadd.s32 v3, v42;
	v3, _, _ =	vpop (xrf0);
	(xrf0) =	vadd.scan.msk.s32 $0xffff, v45  }
0x2aa: {  	v50 =	vsel vm14, $0x1, v0;
	v55 =	vsel vm15, $0x1, v0;
	v1 =	vnsel vm5, $0x0, v1  }
0x2ab: {  	v56 =	vmpcnt.ones.xlane vm12;
	[tilespmem:$0xBC8] =	vst v1;
	v1 =	vnsel vm3, $0x0, v8;
	vm3 =	vne.s32 v44, $0x0  }
0x2ac: {  	v52 =	vmpcnt.ones.xlane vm2;
	v6 =	vnsel vm7, $0x0, v38;
	v53 =	vsel vm3, $0x1, v0;
	(xrf0) =	vadd.scan.msk.s32 $0xffff, v48  }
0x2ad: {  	[tilespmem:$0xBE8] =	vst v1;
	v3 =	vadd.s32 v2, v3;
	v2 =	vadd.s32 v2, v46;
	v51, _, _ =	vpop (xrf0);
	(xrf0) =	vadd.scan.msk.s32 $0xffff, v50  }
0x2ae: {  	v3 =	vnsel vm6, $0x0, v3;
	v4 =	vadd.s32 v2, v51;
	v2 =	vadd.s32 v2, v49;
	v54, _, _ =	vpop (xrf0);
	(xrf0) =	vadd.scan.msk.s32 $0xffff, v53  }
0x2af: {  	v5 =	vadd.s32 v2, v52;
	[tilespmem:$0xC08] =	vst v3;
	v3 =	vmpcnt.ones.xlane vm13;
	v1, _, _ =	vpop (xrf0);
	(xrf0) =	vadd.scan.msk.s32 $0xffff, v55  }
0x2b0: {  	v59 =	vmpcnt.ones.xlane vm14;
	[tilespmem:$0xBD8] =	vst v6;
	v47 =	vnsel vm4, $0x0, v10;
	v58 =	vadd.s32 v5, v56  }
0x2b1: {  	[tilespmem:$0xBF8] =	vst v47;
	v4 =	vnsel vm8, $0x0, v4;
	v3 =	vadd.s32 v58, v3;
	v2 =	vadd.s32 v2, v54  }
0x2b2: {  	[tilespmem:$0xC18] =	vst v4;
	v1 =	vadd.s32 v5, v1;
	v2 =	vnsel vm2, $0x0, v2;
	v57, _, _ =	vpop (xrf0);
	vm2 =	vmand vm3, vm1  }
0x2b3: {  	v1 =	vnsel vm12, $0x0, v1;
	v60, _, _ =	vpop (xrf0);
	v61 =	vmpcnt.ones.xlane vm2;
	[tilespmem:$0xC28] =	vst v2;
	v2 =	vadd.s32 v58, v57  }
.Ltmp12:
0x2b4: {  	v2 =	vnsel vm13, $0x0, v2;
	[tilespmem:$0xC38] =	vst v1;
	v1 =	vadd.s32 v3, v60;
	v3 =	vadd.s32 v3, v59;
	v62, _, _ =	vpop (xrf0);
	(pc) =	sbr.rel .LBB2_18-.Ltmp12, $4  }
0x2b5: {  	v1 =	vnsel vm14, $0x0, v1;
	[tilespmem:$0xC48] =	vst v2;
	v2 =	vadd.s32 v3, v62;
	v3 =	vadd.s32 v3, v61;
	v63, _, _ =	vpop (xrf0)  }
0x2b6: {  	[tilespmem:$0xC58] =	vst v1;
	v2 =	vnsel vm3, $0x0, v2;
	v1 =	vadd.s32 v63, v3  }
0x2b7: {  	[tilespmem:$0xC68] =	vst v2;
	v1 =	vnsel vm15, $0x0, v1  }
0x2b8: {  	[tilespmem:$0xC70] =	vst v1  }
.LBB2_20:
0x2b9: {  	_ =	sfence.sel $0x180000  }
0x2ba: {  	[bflag:$0x0] =	sbarrier.arrive $0xFFFF  }
0x2bb: {  	p0 =	sne.s32 s1, $0x0;
	_ =	strace $0x90000047  }
0x2bc: {  	s0 =	sadd.s32 @!p0 $0x100000, s0;
	[bflag:$0x2] =	sbarrier.arrive $0xFFFF  }
0x2bd: {  	[sflag:s0] =	ssyncadd.tile.s32 @!p0 $0x1;
	_ =	shalt  }
.Lfunc_end2:
_tile_overlayer_lowered:
.L_overlay_start_2:
0x2be: {  	(tag) =	ssettag $0x2  }
0x2bf: {  	s0 =	rddreg [dreg:$0x0];
	s2 =	stileid.u32  }
0x2c0: {  	s1 =	rddreg [dreg:$0x1];
	p0 =	sne.s32 s2, $0x0  }
0x2c1: {  	s3 =	rddreg [dreg:$0x2];
	[bflag:$0x3] =	sbarrier.arrive $0xFFFF;
	s2 =	simm.s32 @!p0 $0x1C03  }
0x2c2: {  	[timem:s3], [sflag:s2] =	dma.local @!p0 [hbm:s0], s1  }
0x2c3: {  	s0 =	simm.s32 @!p0 $0x3  }
0x2c4: {  	_ =	swait.ge @!p0 [sflag:s0], s1  }
0x2c5: {  	s1 =	ssub.s32 @!p0 $0x0, s1;
	[sflag:s0] =	ssyncset.done @!p0 $0x0  }
0x2c6: {  	[sflag:s0] =	ssyncadd.s32 @!p0 s1  }
0x2c7: {  	[bflag:$0x3] =	sbarrier.arrive $0xFFFF  }
0x2c8: {  	_ =	shalt  }

// kernel: sparse-core-data-format-call.cloned.1.call-start
scs
called_computation_lowered:
.L_overlay_start_0:
0x0: {  	s2 =	sld [smem:$0x3FD9]  }
0x1: {  	s3 =	sld [smem:$0x3FFE];
	_ =	sdelay $0x1  }
0x2: {  	s1 =	srdreg.scid  }
0x3: {  	s0 =	sand.u32 $0x1, s1  }
0x4: {  	s18 =	sshll.u32 s0, $0xA;
	s2 =	sadd.s32 s3, s2  }
0x5: {  	s2 =	sadd.s32 s2, s18  }
0x6: {  	[smem:$0x3FC6] =	sst s2  }
0x7: {  	_ = 	snop  }
0x8: {  	s2 =	sld [smem:$0x3FD0];
	(tm) =	ssettm $0x1  }
0x9: {  	s19 =	sld [smem:$0x3FFB];
	_ =	sdelay $0x3  }
0xa: {  	_ =	strace s19  }
0xb: {  	s3 =	sld [smem:$0x3FFC];
	_ =	sdelay $0x3  }
0xc: {  	_ =	strace s3  }
0xd: {  	s3 =	sld [smem:$0x3FFD];
	_ =	sdelay $0x3  }
0xe: {  	_ =	strace s3  }
0xf: {  	_ =	strace $0x8FFFFFFF  }
0x10: {  	s20 =	sld [smem:$0x3FDB];
	_ =	sdelay $0x1  }
0x11: {  	s4 =	simm.s32 $_scs_section_size  }
0x12: {  	s5 =	simm.s32 $_size__tile_overlayer_lowered;
	s6 =	simm.s32 $_tile_overlayer_lowered  }
0x13: {  	s23 =	simm.s32 $0x1BFF;
	s22 =	sshll.u32 s6, $0x1;
	s3 =	sadd.s32 s4, s20  }
0x14: {  	s7 =	simm.s32 $0x0;
	s21 =	sshll.u32 s5, $0x1;
	s5 =	sadd.s32 s22, s3  }
0x15: {  	[timem:s7], [sflag:s23] =	dma.local [hbm:s5], s21  }
0x16: {  	_ =	swait.ge [sflag:s23], s21  }
0x17: {  	s4 =	ssub.s32 $0x0, s21;
	[sflag:s23] =	ssyncset.done $0x0  }
0x18: {  	[sflag:s23] =	ssyncadd.s32 s4;
	_ =	sdelay $0x1  }
0x19: {  	s24 =	simm.s32 $0x1B8B  }
0x1a: {  	_ =	swait.ge [sflag:s24], $0x1  }
0x1b: {  	[sflag:s24] =	ssyncset.done $0x0  }
0x1c: {  	s26 =	simm.s32 $0x1B8E;
	s25 =	sld [smem:$0x3FFE];
	[sflag:s24] =	ssyncadd.s32 $0xFFFFFFFF  }
0x1d: {  	s27 =	simm.s32 $execute0_lowered;
	[smem:$0x3FD2] =	sst s26  }
0x1e: {  	s5 =	sshll.u32 s27, $0x1;
	_ =	strace $0x80000049;
	[dreg:$0x1] =	wrdreg $0xFFFFFFFF  }
0x1f: {  	s28 =	simm.s32 $_size_execute0_lowered;
	s3 =	sadd.s32 s3, s5;
	[dreg:$0x0] =	wrdreg $0x0  }
0x20: {  	s5 =	sshll.u32 s28, $0x1;
	[dreg:$0x2] =	wrdreg s3  }
0x21: {  	[dreg:$0x3] =	wrdreg s5  }
0x22: {  	[dreg:$0x4] =	wrdreg $0xC0  }
0x23: {  	_ =	task [dreg:s7], $0x5FFFF  }
0x24: {  	[dreg:$0x1] =	wrdreg $0xFFFFFFFF  }
0x25: {  	[dreg:$0x0] =	wrdreg $0x60  }
0x26: {  	[dreg:$0x2] =	wrdreg s25  }
0x27: {  	[dreg:$0x3] =	wrdreg s2  }
0x28: {  	[dreg:$0x4] =	wrdreg $0x9  }
0x29: {  	_ =	task.clear_ibuf [dreg:s7], $0x5FFFF;
	_ =	strace $0x90000049  }
0x2a: {  	s29 =	simm.s32 $0x9;
	_ =	strace $0x8000004B  }
0x2b: {  	_ =	swait.ge [sflag:s29], $0x1  }
0x2c: {  	[sflag:s29] =	ssyncadd.s32 $0xFFFFFFFF  }
0x2d: {  	_ =	strace $0x9000004B  }
0x2e: {  	_ =	sfence  }
0x2f: {  	s30 =	sld [smem:$0x0];
	_ =	sdelay $0x2  }
0x30: {  	s31 =	sshll.u32 s1, $0xD;
	s1 =	sshrl.u32 s1, $0x2  }
0x31: {  	s3 =	sand.u32 $0x4000, s31;
	s1 =	sadd.s32 s1, s30  }
0x32: {  	s0 =	sor.u32 s3, s0;
	s1 =	sshll.u32 s1, $0x11  }
0x33: {  	s0 =	sor.u32 s1, s0  }
0x34: {  	s0 =	sadd.s32 $0x8F2B, s0  }
0x35: {  	[sflag:s0] =	ssyncadd.remote.s32 $0x1  }
0x36: {  	_ =	sfence.sel $0xFFFF  }
0x37: {  	[dreg:$0x0] =	wrdreg $0xFFFFFFFF;
	(pc) =	sbr.abs _section_cstart, $3  }
0x38: {  	[dreg:$0x1] =	wrdreg $0xFFFFFFFF  }
0x39: {  	_ =	task.clear_ibuf [dreg:s7], $0x2FFFF;
	_ =	strace $0x9FFFFFFF  }
0x3a: {  	(tm) =	ssettm $0x7FFFFFFF  }
0x3b: {  	_ =	shalt  }
tec
execute0_lowered:
.L_overlay_start_1:
0x0: {  	(tag) =	ssettag $0x1  }
0x1: {  	s0 =	srdreg.scid  }
0x2: {  	s1 =	sshll.u32 s0, $0x4  }
0x3: {  	s0 =	stileid.u32;
	s1 =	sand.u32 $0x10, s1  }
0x4: {  	s1 =	sor.u32 s0, s1  }
0x5: {  	s6 =	rddreg [dreg:$0x0];
	s4 =	simm.s32 $0x1;
	s2 =	sshll.u32 s1, $0x7  }
0x6: {  	s7 =	simm.s32 $0x2;
	s12 =	simm.s32 $0x0;
	s1 =	ssub.s32 $0x4000, s2  }
0x7: {  	s8 =	simm.s32 $0x20000;
	s13 =	simm.s32 $0x0;
	s3 =	sand.u32 $0xF80, s1  }
0x8: {  	s9 =	simm.s32 $0x0;
	s5 =	sshrl.u32 s1, $0xC;
	p0 =	sne.s32 s3, $0x0  }
.Ltmp0:
0x9: {  	s1 =	rddreg [dreg:$0x2];
	s4 =	simm.s32 @!p0 $0x0;
	(pc) =	sbr.rel .LBB1_1-.Ltmp0, $4  }
0xa: {  	s11 =	simm.s32 $0x0;
	s3 =	rddreg [dreg:$0x1];
	s5 =	sadd.s32 s4, s5  }
0xb: {  	_ =	strace $0x8000004A;
	s4 =	simm.s32 $0x1;
	s5 =	smul.u32 $0xC8, s5  }
0xc: {  	s6 =	sadd.s32 $0xA00, s6;
	s10 =	smov.u32 s2;
	[sflag:s4] =	ssyncpa.u1 $0x0  }
0xd: {  	p0 =	por $0x0, $0x0;
	[sflag:s7] =	ssyncpa.u1 $0x0;
	s7 =	sor.u32 $0x1, s5  }
.LBB1_4:
0xe: {  	s16 =	sshll.u32 s13, $0x3;
	s17 =	sand.u32 $0x78, s13  }
0xf: {  	s30 =	sand.u32 $0x1F800, s13;
	s12 =	sshll.u32 s12, $0x11;
	s16 =	sand.u32 $0x3C00, s16  }
0x10: {  	[tilespmem:s15+$0x810 ss:$0x81] =	vst.msk $0xffff, v2;
	s31 =	sand.u32 $0x7, s13;
	s16 =	sor.u32 s17, s16;
	s17 =	sadd.s32 s3, s30  }
0x11: {  	[tilespmem:s15+$0x1020 ss:$0x81] =	vst.msk $0xffff, v0;
	s13 =	sshll.u32 s31, $0x12;
	s12 =	sadd.s32 s12, s17;
	s16 =	sshrl.u32 s16, $0x3  }
0x12: {  	[tilespmem:s15+$0x0 ss:$0x81] =	vst.msk $0xffff, v1;
	s13 =	sor.u32 $0x400, s13;
	s12 =	sadd.s32 s16, s12  }
0x13: {  	[hbm4b:s12+s13] =	stream.strided.scatter [tilespmem:s14], [sflag:$0x2], $0x2000, s8, s13, $0x20;
	[tilespmem:$0x8080] =	vst v63  }
.LBB1_5:
0x14: {  	s14 =	sadd.s32 $0x1, s9  }
0x15: {  	s12 =	sadd.s32 $0x1000, s10;
	s16 =	smov.u32 s10;
	p2 =	sgt.s32 s14, $0xC7  }
0x16: {  	s16 =	smov.u32 @p2 s12  }
0x17: {  	s14 =	simm.s32 @p2 $0x0;
	p2 =	sgt.s32 s16, $0x3FFF  }
0x18: {  	s16 =	smov.u32 @p2 s2;
	p2 =	sne.s32 s11, s7  }
.Ltmp1:
0x19: {  	p1 =	slt.u32 s11, $0x2;
	(pc) =	sbr.rel @!p2 .LBB1_6-.Ltmp1, $4  }
0x1a: {  	s15 =	simm.s32 @!p1 $0x2  }
0x1b: {  	s13 =	smov.u32 s10;
	p0 =	por !p0, !p0;
	_ =	swait.ge @!p1 [sflag:s15], $0x2000  }
0x1c: {  	s12 =	smov.u32 s9;
	[sflag:s15] =	ssyncset.done @!p1 $0x0;
	s9 =	smov.u32 s14  }
0x1d: {  	s11 =	sadd.s32 $0x1, s11;
	[sflag:s15] =	ssyncadd.s32 @!p1 $0xFFFFE000;
	s10 =	smov.u32 s16  }
.LBB1_1:
0x1e: {  	p1 =	sge.u32 s11, s5  }
0x1f: {  	s14 =	sand.u32 @!p1 $0x1FFFFFF, s9  }
0x20: {  	s15 =	smulhi.u32 @!p1 $0x147AE15, s14;
	_ =	sdelay $0x1  }
0x21: {  	s15 =	smul.u32 @!p1 $0xC8, s15  }
0x22: {  	s16 =	sxor.u32 @!p1 $0xFFFFFFFF, s11;
	s17 =	smul.u32 @!p1 $0xC80, s10  }
0x23: {  	s31 =	sadd.s32 $0xFFFFFFFF, s11;
	s16 =	sshll.u32 @!p1 s16, $0xD;
	s14 =	ssub.s32 @!p1 s14, s15  }
0x24: {  	s15 =	sand.u32 @!p1 $0x2000, s16;
	s16 =	sadd.s32 @!p1 s6, s17;
	s14 =	sshll.u32 @!p1 s14, $0x4  }
0x25: {  	s17 =	simm.s32 @!p1 $0x6400;
	s14 =	sadd.s32 @!p1 s14, s16;
	s16 =	simm.s32 @!p1 $0x40  }
0x26: {  	[tilespmem:s15], [sflag:$0x1] =	stream.strided.gather @!p1 [hbm4b:s14+s16], $0x2000, s17, s16, $0x38;
	[tilespmem:$0x8080] =	vst v63  }
0x27: {  	p1 =	sge.u32 s31, s5  }
.Ltmp2:
0x28: {  	_ = 	snop;
	(pc) =	sbr.rel @p1 .LBB1_5-.Ltmp2, $1  }
0x29: {  	_ =	sdelay $0x3  }
0x2a: {  	s14 =	simm.s32 $0x1  }
0x2b: {  	_ =	swait.ge [sflag:s4], $0x2000;
	s14 =	simm.s32 @!p0 $0x0  }
0x2c: {  	[sflag:s4] =	ssyncset.done $0x0;
	s15 =	sshll.u32 s14, $0xD  }
0x2d: {  	[sflag:s4] =	ssyncadd.s32 $0xFFFFE000;
	s18 =	sor.u32 $0x20, s15  }
0x2e: {  	s14 =	smul.u32 $0x8100, s14;
	v3 =	vld [tilespmem:s18+$0x10]  }
0x2f: {  	s30 =	sand.u32 $0x1, s11;
	v2 =	vld [tilespmem:s18+$0xFFFFFFF0]  }
0x30: {  	s15 =	smul.u32 $0x8100, s30;
	s14 =	sshrl.u32 s14, $0x2;
	v0 =	vld [tilespmem:s18+$0x0]  }
0x31: {  	v1 =	vld [tilespmem:s18+$0xFFFFFFE0];
	s16 =	sor.u32 $0x4000, s14  }
0x32: {  	s31 =	sshrl.u32 s15, $0x2;
	s15 =	sadd.s32 $0x0, s16  }
0x33: {  	s17 =	simm.s32 $0x4;
	s18 =	sadd.s32 $0x40, s18;
	s14 =	sor.u32 $0x4000, s31;
	[tilespmem:s15+$0x1830 ss:$0x81] =	vst.msk $0xffff, v3  }
.LBB1_3:
0x34: {  	v3 =	vld [tilespmem:s18+$0x10];
	p1 =	sne.s32 s17, $0x1FC;
	[tilespmem:s15+$0x810 ss:$0x81] =	vst.msk $0xffff, v2;
	s19 =	smov.u32 s17;
	s17 =	sadd.s32 $0x4, s17  }
.Ltmp3:
0x35: {  	v2 =	vld [tilespmem:s18+$0xFFFFFFF0];
	[tilespmem:s15+$0x1020 ss:$0x81] =	vst.msk $0xffff, v0;
	(pc) =	sbr.rel @p1 .LBB1_3-.Ltmp3, $4  }
0x36: {  	v0 =	vld [tilespmem:s18+$0x0];
	[tilespmem:s15+$0x0 ss:$0x81] =	vst.msk $0xffff, v1  }
0x37: {  	s15 =	sshra.s32 s19, $0x2;
	v1 =	vld [tilespmem:s18+$0xFFFFFFE0]  }
0x38: {  	s15 =	sadd.s32 s15, s16  }
0x39: {  	s18 =	sadd.s32 $0x40, s18;
	[tilespmem:s15+$0x1830 ss:$0x81] =	vst.msk $0xffff, v3  }
.Ltmp4:
0x3a: {  	_ = 	snop;
	(pc) =	sbr.rel .LBB1_4-.Ltmp4, $1  }
0x3b: {  	_ =	sdelay $0x3  }
.LBB1_6:
0x3c: {  	_ =	sfence.sel $0x180000  }
0x3d: {  	s2 =	simm.s32 $0x1;
	[bflag:$0x0] =	sbarrier.arrive $0xFFFF  }
0x3e: {  	s31 =	simm.s32 $0x2;
	[sflag:s2] =	ssyncpa.u1 $0x1  }
0x3f: {  	[sflag:s31] =	ssyncpa.u1 $0x1  }
0x40: {  	p0 =	sne.s32 s0, $0x0;
	_ =	strace $0x9000004A  }
0x41: {  	s0 =	sadd.s32 @!p0 $0x100000, s1;
	[bflag:$0x2] =	sbarrier.arrive $0xFFFF  }
0x42: {  	[sflag:s0] =	ssyncadd.tile.s32 @!p0 $0x1;
	_ =	shalt  }
.Lfunc_end1:
_tile_overlayer_lowered:
.L_overlay_start_2:
0x43: {  	(tag) =	ssettag $0x2  }
0x44: {  	s0 =	rddreg [dreg:$0x0];
	s2 =	stileid.u32  }
0x45: {  	s1 =	rddreg [dreg:$0x1];
	p0 =	sne.s32 s2, $0x0  }
0x46: {  	s3 =	rddreg [dreg:$0x2];
	[bflag:$0x3] =	sbarrier.arrive $0xFFFF;
	s2 =	simm.s32 @!p0 $0x1C01  }
0x47: {  	[timem:s3], [sflag:s2] =	dma.local @!p0 [hbm:s0], s1  }
0x48: {  	s0 =	simm.s32 @!p0 $0x1  }
0x49: {  	_ =	swait.ge @!p0 [sflag:s0], s1  }
0x4a: {  	s1 =	ssub.s32 @!p0 $0x0, s1;
	[sflag:s0] =	ssyncset.done @!p0 $0x0  }
0x4b: {  	[sflag:s0] =	ssyncadd.s32 @!p0 s1  }
0x4c: {  	[bflag:$0x3] =	sbarrier.arrive $0xFFFF  }
0x4d: {  	_ =	shalt  }

</sc_bundles>
